<compile_context>
chip_gen: v7x
topology: tpu7x:2x2x1
jax: 0.10.2.dev20260603
libtpu: 0.0.44.dev20260713+nightly
codegen_flags: <defaults>
</compile_context>

<pallas_src>
import functools

import jax
import jax.numpy as jnp
from jax import lax
from jax.experimental import pallas as pl
from jax.experimental.pallas import tpu as pltpu
from jax.experimental.pallas import tpu_sc as plsc

N = 10000
E = 320000
H = 128
NG = 46
NB = 4
NI = 3
NGRAPH = 32
CUT = 10.0
VOCAB = 100

NC = 2
NS = 16
NW = NC * NS
EPW = E // NW
CE = 40
NCHUNK = EPW // CE
NP = 10240
NPT = NP // NS

F32 = jnp.float32


def ssp(x):
    return jax.nn.softplus(x) - jnp.log(2.0)



def _sc_dd_body(px_h, py_h, pz_h, row_h, col_h, dd_h,
                px_v, py_v, pz_v, row_v, col_v, dd_v):
    wid = lax.axis_index("s") * NC + lax.axis_index("c")
    base = wid * EPW
    pltpu.sync_copy(px_h, px_v)
    pltpu.sync_copy(py_h, py_v)
    pltpu.sync_copy(pz_h, pz_v)
    pltpu.sync_copy(row_h.at[pl.ds(base, EPW)], row_v)
    pltpu.sync_copy(col_h.at[pl.ds(base, EPW)], col_v)

    def step(j, c):
        sl = pl.ds(j * 16, 16)
        r16 = row_v[sl]
        c16 = col_v[sl]
        dx = plsc.load_gather(px_v, [r16]) - plsc.load_gather(px_v, [c16])
        dy = plsc.load_gather(py_v, [r16]) - plsc.load_gather(py_v, [c16])
        dz = plsc.load_gather(pz_v, [r16]) - plsc.load_gather(pz_v, [c16])
        dd_v[sl] = dx * dx + dy * dy + dz * dz
        return c

    lax.fori_loop(0, EPW // 16, step, 0)
    pltpu.sync_copy(dd_v, dd_h.at[pl.ds(base, EPW)])


def _sc_dd(px, py, pz, row, col):
    mesh = plsc.VectorSubcoreMesh(core_axis_name="c", subcore_axis_name="s")
    fn = pl.kernel(
        _sc_dd_body,
        out_type=jax.ShapeDtypeStruct((E,), F32),
        mesh=mesh,
        scratch_types=[
            pltpu.VMEM((N,), F32),
            pltpu.VMEM((N,), F32),
            pltpu.VMEM((N,), F32),
            pltpu.VMEM((EPW,), jnp.int32),
            pltpu.VMEM((EPW,), jnp.int32),
            pltpu.VMEM((EPW,), F32),
        ],
        compiler_params=pltpu.CompilerParams(needs_layout_passes=False),
    )
    return fn(px, py, pz, row, col)



NBUF = 3
NGROUP = (NCHUNK - 1) // NBUF
assert NGROUP * NBUF == NCHUNK - 1


def _sc_msg_body(hw_h, we_h, row2_h, col_h, zero_h, out_h,
                 col_v, aggs, gsem, wsem, rsem, ssem, *bufs):
    gath_b = bufs[0:NBUF]
    we_b = bufs[NBUF:2 * NBUF]
    row_b = bufs[2 * NBUF:3 * NBUF]
    cid = lax.axis_index("c")
    sid = lax.axis_index("s")
    wid = sid * NC + cid
    nsl = pl.ds(sid * NPT, NPT)
    pltpu.sync_copy(zero_h.at[nsl, :], aggs.at[nsl, :])
    pltpu.sync_copy(col_h.at[pl.ds(wid * EPW, EPW)], col_v)
    plsc.subcore_barrier()

    def fire(j, b):
        ebase = wid * EPW + j * CE
        pltpu.make_async_copy(hw_h.at[col_v.at[pl.ds(j * CE, CE)]],
                              gath_b[b], gsem.at[b]).start()
        pltpu.make_async_copy(we_h.at[pl.ds(ebase, CE), :], we_b[b],
                              wsem.at[b]).start()
        pltpu.make_async_copy(row2_h.at[wid, j], row_b[b],
                              rsem.at[b]).start()

    def wait_data(j, b):
        pltpu.make_async_copy(hw_h.at[col_v.at[pl.ds(j * CE, CE)]],
                              gath_b[b], gsem.at[b]).wait()
        pltpu.make_async_copy(we_h.at[pl.ds(wid * EPW + j * CE, CE), :],
                              we_b[b], wsem.at[b]).wait()

    def wait_row(j, b):
        pltpu.make_async_copy(row2_h.at[wid, j], row_b[b],
                              rsem.at[b]).wait()

    def scat_start(b):
        pltpu.make_async_copy(gath_b[b], aggs.at[row_b[b].at[0]],
                              ssem.at[b]).start(add=True)

    def scat_wait(b):
        pltpu.make_async_copy(gath_b[b], aggs.at[row_b[b].at[0]],
                              ssem.at[b]).wait()

    def section(j, b, wait_prev):
        wait_data(j, b)
        gb = gath_b[b]
        wb = we_b[b]

        def rowmul(r, c2):
            for k in range(H // 16):
                sl = pl.ds(k * 16, 16)
                gb[r, sl] = gb[r, sl] * wb[r, sl]
            return c2

        lax.fori_loop(0, CE, rowmul, 0)
        wait_row(j, b)
        if wait_prev is not None:
            wait_prev()
        scat_start(b)

    for b in range(NBUF):
        fire(b, b)

    def outer(j2, c):
        for b in range(NBUF):
            j = j2 * NBUF + b
            bp = (b + NBUF - 1) % NBUF
            if b == 0:
                wait_prev = lambda: pl.when(j2 >= 1)(lambda: scat_wait(bp))
            else:
                wait_prev = lambda: scat_wait(bp)
            section(j, b, wait_prev)
            cond = (j2 >= 1) if b == 0 else (
                (j2 < NGROUP - 1) if b == NBUF - 1 else None)

            def refill():
                fire(j + NBUF - 1, bp)

            if cond is None:
                refill()
            else:
                pl.when(cond)(refill)
        return c

    lax.fori_loop(0, NGROUP, outer, 0)
    tb = (NCHUNK - 1) % NBUF
    section(NCHUNK - 1, tb, lambda: scat_wait((tb + NBUF - 1) % NBUF))
    scat_wait(tb)
    plsc.subcore_barrier()
    pltpu.sync_copy(aggs.at[nsl, :], out_h.at[cid, nsl, :])


def _sc_msg(hw, we, row2, col, zeros):
    mesh = plsc.VectorSubcoreMesh(core_axis_name="c", subcore_axis_name="s")
    fn = pl.kernel(
        _sc_msg_body,
        out_type=jax.ShapeDtypeStruct((NC, NP, H), F32),
        mesh=mesh,
        scratch_types=(
            [
                pltpu.VMEM((EPW,), jnp.int32),
                pltpu.VMEM_SHARED((NP, H), F32),
                pltpu.SemaphoreType.DMA((NBUF,)),
                pltpu.SemaphoreType.DMA((NBUF,)),
                pltpu.SemaphoreType.DMA((NBUF,)),
                pltpu.SemaphoreType.DMA((NBUF,)),
            ]
            + [pltpu.VMEM((CE, H), F32) for _ in range(2 * NBUF)]
            + [pltpu.VMEM((1, CE), jnp.int32) for _ in range(NBUF)]
        ),
    )
    return fn(hw, we, row2, col, zeros)



TN = 1000


def _tc_embed_body(z_ref, emb_ref, wl1_ref, h_ref, hw_ref):
    zt = z_ref[0, 0, :]
    oh = (zt[:, None] == lax.broadcasted_iota(jnp.int32, (TN, VOCAB), 1)
          ).astype(F32)
    h = jnp.dot(oh, emb_ref[...], preferred_element_type=F32)
    h_ref[...] = h
    hw_ref[...] = jnp.dot(h, wl1_ref[...], preferred_element_type=F32)


def _tc_embed(z, emb, wl10):
    z3 = z.reshape(N // TN, 1, TN)
    return pl.pallas_call(
        _tc_embed_body,
        grid=(N // TN,),
        in_specs=[
            pl.BlockSpec((1, 1, TN), lambda i: (i, 0, 0)),
            pl.BlockSpec((VOCAB, H), lambda i: (0, 0)),
            pl.BlockSpec((H, H), lambda i: (0, 0)),
        ],
        out_specs=[
            pl.BlockSpec((TN, H), lambda i: (i, 0)),
            pl.BlockSpec((TN, H), lambda i: (i, 0)),
        ],
        out_shape=[
            jax.ShapeDtypeStruct((N, H), F32),
            jax.ShapeDtypeStruct((NP, H), F32),
        ],
    )(z3, emb, wl10)



TE = 2000


def _tc_filter_body(dd_ref, eat_ref, wf1a_ref, wf1g_ref, bf1_ref,
                    wf2_ref, bf2_ref, o_ref):
    dd = dd_ref[0, 0, :]
    ew = jnp.sqrt(dd + 1e-12)
    step = CUT / (NG - 1)
    coeff = -0.5 / (step * step)
    offs = lax.broadcasted_iota(jnp.int32, (TE, NG), 1).astype(F32) * step
    diff = ew[:, None] - offs
    g = jnp.exp(coeff * diff * diff)
    C = 0.5 * (jnp.cos(ew * (jnp.pi / CUT)) + 1.0)
    ea = eat_ref[0]
    t = (jnp.dot(ea, wf1a_ref[...], preferred_element_type=F32)
         + jnp.dot(g, wf1g_ref[...], preferred_element_type=F32)
         + bf1_ref[...])
    t = ssp(t)
    o_ref[...] = (jnp.dot(t, wf2_ref[...], preferred_element_type=F32)
                  + bf2_ref[...]) * C[:, None]


def _tc_filter(dd3, ea3, wf1a, wf1g, bf1, wf2, bf2):
    return pl.pallas_call(
        _tc_filter_body,
        grid=(E // TE,),
        in_specs=[
            pl.BlockSpec((1, 1, TE), lambda i: (i, 0, 0)),
            pl.BlockSpec((1, TE, NB), lambda i: (i, 0, 0)),
            pl.BlockSpec((NB, H), lambda i: (0, 0)),
            pl.BlockSpec((NG, H), lambda i: (0, 0)),
            pl.BlockSpec((1, H), lambda i: (0, 0)),
            pl.BlockSpec((H, H), lambda i: (0, 0)),
            pl.BlockSpec((1, H), lambda i: (0, 0)),
        ],
        out_specs=pl.BlockSpec((TE, H), lambda i: (i, 0)),
        out_shape=jax.ShapeDtypeStruct((E, H), F32),
    )(dd3, ea3, wf1a, wf1g, bf1, wf2, bf2)



def _tc_update_body(agg_ref, h_ref, wl2_ref, bl2_ref, wl1n_ref,
                    hn_ref, hwn_ref):
    agg = agg_ref[0] + agg_ref[1]
    hn = h_ref[...] + jnp.dot(ssp(agg), wl2_ref[...],
                              preferred_element_type=F32) + bl2_ref[...]
    hn_ref[...] = hn
    hwn_ref[...] = jnp.dot(hn, wl1n_ref[...], preferred_element_type=F32)


def _tc_update(agg2, h, wl2, bl2, wl1n):
    return pl.pallas_call(
        _tc_update_body,
        grid=(N // TN,),
        in_specs=[
            pl.BlockSpec((NC, TN, H), lambda i: (0, i, 0)),
            pl.BlockSpec((TN, H), lambda i: (i, 0)),
            pl.BlockSpec((H, H), lambda i: (0, 0)),
            pl.BlockSpec((1, H), lambda i: (0, 0)),
            pl.BlockSpec((H, H), lambda i: (0, 0)),
        ],
        out_specs=[
            pl.BlockSpec((TN, H), lambda i: (i, 0)),
            pl.BlockSpec((TN, H), lambda i: (i, 0)),
        ],
        out_shape=[
            jax.ShapeDtypeStruct((N, H), F32),
            jax.ShapeDtypeStruct((NP, H), F32),
        ],
    )(agg2, h, wl2, bl2.reshape(1, H), wl1n)



def _tc_final_body(agg_ref, h_ref, wl2_ref, bl2_ref, wr1_ref, br1_ref,
                   wr2_ref, br2_ref, batch_ref, out_ref):
    agg = agg_ref[0] + agg_ref[1]
    h3 = h_ref[...] + jnp.dot(ssp(agg), wl2_ref[...],
                              preferred_element_type=F32) + bl2_ref[...]
    u = ssp(jnp.dot(h3, wr1_ref[...], preferred_element_type=F32)
            + br1_ref[...])
    hq = jnp.dot(u, wr2_ref[...], preferred_element_type=F32) + br2_ref[...]
    bt = batch_ref[0, 0, :]
    oh = (bt[:, None] == lax.broadcasted_iota(jnp.int32, (TN, NGRAPH), 1)
          ).astype(F32)
    contrib = lax.dot_general(oh, hq, (((0,), (0,)), ((), ())),
                              preferred_element_type=F32)

    @pl.when(pl.program_id(0) == 0)
    def _():
        out_ref[...] = jnp.zeros_like(out_ref)

    out_ref[...] += contrib


def _tc_final(agg2, h, wl2, bl2, Wr1, br1, Wr2, br2, batch):
    wr2p = jnp.pad(Wr2, ((0, 0), (0, H - Wr2.shape[1])))
    b3 = batch.reshape(N // TN, 1, TN)
    out128 = pl.pallas_call(
        _tc_final_body,
        grid=(N // TN,),
        in_specs=[
            pl.BlockSpec((NC, TN, H), lambda i: (0, i, 0)),
            pl.BlockSpec((TN, H), lambda i: (i, 0)),
            pl.BlockSpec((H, H), lambda i: (0, 0)),
            pl.BlockSpec((1, H), lambda i: (0, 0)),
            pl.BlockSpec((H, H // 2), lambda i: (0, 0)),
            pl.BlockSpec((1, H // 2), lambda i: (0, 0)),
            pl.BlockSpec((H // 2, H), lambda i: (0, 0)),
            pl.BlockSpec((1, 1), lambda i: (0, 0)),
            pl.BlockSpec((1, 1, TN), lambda i: (i, 0, 0)),
        ],
        out_specs=pl.BlockSpec((NGRAPH, H), lambda i: (0, 0)),
        out_shape=jax.ShapeDtypeStruct((NGRAPH, H), F32),
    )(agg2, h, wl2, bl2.reshape(1, H), Wr1, br1.reshape(1, H // 2),
      wr2p, br2.reshape(1, 1), b3)
    return out128[:, :1]



def kernel(z, pos, batch, edge_index, edge_attr, emb, Wf1, bf1, Wf2, bf2,
           Wl1, Wl2, bl2, Wr1, br1, Wr2, br2):
    row = edge_index[0].astype(jnp.int32)
    col = edge_index[1].astype(jnp.int32)
    px = pos[:, 0]
    py = pos[:, 1]
    pz = pos[:, 2]

    row2 = row.reshape(NW, NCHUNK, 1, CE)

    dd = _sc_dd(px, py, pz, row, col)
    dd3 = dd.reshape(E // TE, 1, TE)
    ea3 = edge_attr.reshape(E // TE, TE, NB)
    wf1a = Wf1[:, :NB, :]
    wf1g = Wf1[:, NB:, :]

    def filt(i):
        return _tc_filter(dd3, ea3, wf1a[i], wf1g[i], bf1[i].reshape(1, H),
                          Wf2[i], bf2[i].reshape(1, H))

    h, hw = _tc_embed(z.astype(jnp.int32), emb, Wl1[0])
    zeros = jnp.zeros((NP, H), F32)
    we_cur = filt(0)
    for i in range(NI - 1):
        agg2 = _sc_msg(hw, we_cur, row2, col, zeros)
        we_cur = filt(i + 1)
        h, hw = _tc_update(agg2, h, Wl2[i], bl2[i], Wl1[i + 1])
    agg2 = _sc_msg(hw, we_cur, row2, col, zeros)
    return _tc_final(agg2, h, Wl2[NI - 1], bl2[NI - 1],
                     Wr1, br1, Wr2, br2, batch.astype(jnp.int32))

# --- scband reference (transcript-rebuilt; emitter-appended) ---
"""Pipeline reference for scband-base-crystal-model-18141941859043 (READ-ONLY COPY).

The authoritative reference and input builder live on the scoring server;
editing this copy changes nothing except your own understanding.
"""

import jax, jax.numpy as jnp
import numpy as np

N = 10000
E = 320000
H = 128
NG = 46  # num_gaussians - num_bond_features = 50 - 4
NB = 4
NI = 3
NGRAPH = 32
CUT = 10.0
VOCAB = 100


def ssp(x):
    # ShiftedSoftplus
    return jax.nn.softplus(x) - jnp.log(2.0)


def setup_inputs(seed: int = 0) -> dict:
    key = jax.random.key(seed)
    ks = jax.random.split(key, 20)
    z = jax.random.randint(ks[0], (N,), 0, VOCAB)
    pos = jax.random.normal(ks[1], (N, 3), dtype=jnp.float32) * 5.0
    batch = jnp.sort(jax.random.randint(ks[2], (N,), 0, NGRAPH))
    row = jax.random.randint(ks[3], (E,), 0, N)
    off = jax.random.randint(ks[4], (E,), 1, N)
    col = (row + off) % N  # avoid self-loops (zero distance)
    edge_index = jnp.stack([row, col], axis=0)
    edge_attr = jax.random.uniform(ks[5], (E, NB), dtype=jnp.float32)
    emb = jax.random.normal(ks[6], (VOCAB, H), dtype=jnp.float32) * 0.1
    Wf1 = jax.random.normal(ks[7], (NI, NG + NB, H), dtype=jnp.float32) * 0.05
    bf1 = jnp.zeros((NI, H), dtype=jnp.float32)
    Wf2 = jax.random.normal(ks[8], (NI, H, H), dtype=jnp.float32) * 0.05
    bf2 = jnp.zeros((NI, H), dtype=jnp.float32)
    Wl1 = jax.random.normal(ks[9], (NI, H, H), dtype=jnp.float32) * 0.05
    Wl2 = jax.random.normal(ks[10], (NI, H, H), dtype=jnp.float32) * 0.05
    bl2 = jnp.zeros((NI, H), dtype=jnp.float32)
    Wr1 = jax.random.normal(ks[11], (H, H // 2), dtype=jnp.float32) * 0.05
    br1 = jnp.zeros((H // 2,), dtype=jnp.float32)
    Wr2 = jax.random.normal(ks[12], (H // 2, 1), dtype=jnp.float32) * 0.05
    br2 = jnp.zeros((1,), dtype=jnp.float32)
    return {"z": z, "pos": pos, "batch": batch, "edge_index": edge_index,
            "edge_attr": edge_attr, "emb": emb, "Wf1": Wf1, "bf1": bf1,
            "Wf2": Wf2, "bf2": bf2, "Wl1": Wl1, "Wl2": Wl2, "bl2": bl2,
            "Wr1": Wr1, "br1": br1, "Wr2": Wr2, "br2": br2}


def reference(z, pos, batch, edge_index, edge_attr, emb, Wf1, bf1, Wf2, bf2,
              Wl1, Wl2, bl2, Wr1, br1, Wr2, br2):
    # simple_z=True: node features from embedding of atomic number
    h = jnp.take(emb, z, axis=0)
    row = edge_index[0]
    col = edge_index[1]
    # simple_edge=False and no edge_weight: compute from pos
    d = pos[row] - pos[col]
    edge_weight = jnp.sqrt(jnp.sum(d * d, axis=-1) + 1e-12)
    # GaussianSmearing(0, cutoff, num_gaussians - num_bond_features)
    offset = jnp.linspace(0.0, CUT, NG)
    coeff = -0.5 / (offset[1] - offset[0]) ** 2
    g = jnp.exp(coeff * (edge_weight[:, None] - offset[None, :]) ** 2)
    # concat user edge_attr with smeared distances -> num_gaussians total
    ea = jnp.concatenate([edge_attr, g], axis=1)
    # cosine cutoff envelope (SchNet-style CFConv filter)
    C = 0.5 * (jnp.cos(edge_weight * jnp.pi / CUT) + 1.0)
    for i in range(NI):
        We = (ssp(ea @ Wf1[i] + bf1[i]) @ Wf2[i] + bf2[i]) * C[:, None]
        m = (h @ Wl1[i])[col] * We
        agg = jax.ops.segment_sum(m, row, num_segments=N)
        h = h + ssp(agg) @ Wl2[i] + bl2[i]
    # ReadOutLayer: Linear -> ShiftedSoftplus -> Linear, then scatter add by batch
    hq = ssp(h @ Wr1 + br1) @ Wr2 + br2
    out = jax.ops.segment_sum(hq, batch, num_segments=NGRAPH)
    return out

if __name__ == "__main__":
    import jax
    _d = setup_inputs()
    print(jax.jit(kernel)(*tuple(_d.values())))

</pallas_src>

<mosaic_0001>
#map = affine_map<(d0, d1) -> (0, 0)>
#map1 = affine_map<(d0, d1) -> (0, 0, 0, 0)>
#map2 = affine_map<(d0, d1) -> (0)>
#map3 = affine_map<(d0, d1) -> (0, 0, 0)>
module attributes {stable_mosaic.version = 14 : i64} {
  func.func @_sc_msg_body(%arg0: i32, %arg1: i32, %arg2: memref<10240x128xf32, #tpu.memory_space<hbm>>, %arg3: memref<320000x128xf32, #tpu.memory_space<hbm>>, %arg4: memref<32x250x1x40xi32, #tpu.memory_space<hbm>>, %arg5: memref<320000xi32, #tpu.memory_space<hbm>>, %arg6: memref<10240x128xf32, #tpu.memory_space<hbm>>, %arg7: memref<2x10240x128xf32, #tpu.memory_space<hbm>>, %arg8: memref<10000xi32, #tpu.memory_space<vmem>>, %arg9: memref<10240x128xf32, #tpu.memory_space<vmem_shared>>, %arg10: memref<3x!tpu.dma_semaphore, #tpu.memory_space<semaphore_mem>>, %arg11: memref<3x!tpu.dma_semaphore, #tpu.memory_space<semaphore_mem>>, %arg12: memref<3x!tpu.dma_semaphore, #tpu.memory_space<semaphore_mem>>, %arg13: memref<3x!tpu.dma_semaphore, #tpu.memory_space<semaphore_mem>>, %arg14: memref<40x128xf32, #tpu.memory_space<vmem>>, %arg15: memref<40x128xf32, #tpu.memory_space<vmem>>, %arg16: memref<40x128xf32, #tpu.memory_space<vmem>>, %arg17: memref<40x128xf32, #tpu.memory_space<vmem>>, %arg18: memref<40x128xf32, #tpu.memory_space<vmem>>, %arg19: memref<40x128xf32, #tpu.memory_space<vmem>>, %arg20: memref<1x40xi32, #tpu.memory_space<vmem>>, %arg21: memref<1x40xi32, #tpu.memory_space<vmem>>, %arg22: memref<1x40xi32, #tpu.memory_space<vmem>>) attributes {dimension_semantics = [#tpu.dimension_semantics<core_parallel>, #tpu.dimension_semantics<subcore_parallel>], iteration_bounds = array<i64: 2, 16>, scalar_prefetch = 0 : i64, scratch_operands = 15 : i64, tpu.core_type = #tpu.core_type<sc_vector_subcore>, window_params = [{transform_indices = #map}, {transform_indices = #map}, {transform_indices = #map1}, {transform_indices = #map2}, {transform_indices = #map}, {transform_indices = #map3}]} {
    %mul3A = arith.constant 2 : i32
    %mul3A_0 = arith.muli %arg1, %mul3A : i32
    %add3A = arith.addi %mul3A_0, %arg0 : i32
    %mul3A_1 = arith.constant 640 : i32
    %mul3A_2 = arith.muli %arg1, %mul3A_1 : i32
    "tpu.region"() ({
      %run_scoped3A = tpu.sem_alloc : memref<!tpu.dma_semaphore, #tpu.memory_space<semaphore_mem>>
      %dma_start3A_169 = arith.constant 0 : i32
      %dma_start3A_170 = tpu.memref_slice %arg9[%mul3A_2, %dma_start3A_169] : memref<10240x128xf32, #tpu.memory_space<vmem_shared>> -> memref<640x128xf32, #tpu.memory_space<vmem_shared>>
      %dma_start3A_171 = arith.constant 0 : i32
      %dma_start3A_172 = tpu.memref_slice %arg6[%mul3A_2, %dma_start3A_171] : memref<10240x128xf32, #tpu.memory_space<hbm>> -> memref<640x128xf32, #tpu.memory_space<hbm>>
      tpu.enqueue_dma source(%dma_start3A_172 : memref<640x128xf32, #tpu.memory_space<hbm>>) target(%dma_start3A_170 : memref<640x128xf32, #tpu.memory_space<vmem_shared>>) target_semaphore(%run_scoped3A : memref<!tpu.dma_semaphore, #tpu.memory_space<semaphore_mem>>)
      %dma_wait3A_173 = arith.constant 0 : i32
      %dma_wait3A_174 = tpu.memref_slice %arg9[%mul3A_2, %dma_wait3A_173] : memref<10240x128xf32, #tpu.memory_space<vmem_shared>> -> memref<640x128xf32, #tpu.memory_space<vmem_shared>>
      %dma_wait3A_175 = arith.constant 0 : i32
      %dma_wait3A_176 = tpu.memref_slice %arg6[%mul3A_2, %dma_wait3A_175] : memref<10240x128xf32, #tpu.memory_space<hbm>> -> memref<640x128xf32, #tpu.memory_space<hbm>>
      tpu.wait_dma2 semaphore(%run_scoped3A : memref<!tpu.dma_semaphore, #tpu.memory_space<semaphore_mem>>) src(%dma_wait3A_176 : memref<640x128xf32, #tpu.memory_space<hbm>>) dst(%dma_wait3A_174 : memref<640x128xf32, #tpu.memory_space<vmem_shared>>)
      tpu.yield
    }) : () -> ()
    %mul3A_3 = arith.constant 10000 : i32
    %mul3A_4 = arith.muli %add3A, %mul3A_3 : i32
    "tpu.region"() ({
      %run_scoped3A = tpu.sem_alloc : memref<!tpu.dma_semaphore, #tpu.memory_space<semaphore_mem>>
      %dma_start3A_169 = tpu.memref_slice %arg5[%mul3A_4] : memref<320000xi32, #tpu.memory_space<hbm>> -> memref<10000xi32, #tpu.memory_space<hbm>>
      %dma_start3A_170 = tpu.memref_slice %arg5[%mul3A_4] : memref<320000xi32, #tpu.memory_space<hbm>> -> memref<10000xi32, #tpu.memory_space<hbm>>
      tpu.enqueue_dma source(%dma_start3A_170 : memref<10000xi32, #tpu.memory_space<hbm>>) target(%arg8 : memref<10000xi32, #tpu.memory_space<vmem>>) target_semaphore(%run_scoped3A : memref<!tpu.dma_semaphore, #tpu.memory_space<semaphore_mem>>)
      %dma_wait3A_171 = tpu.memref_slice %arg5[%mul3A_4] : memref<320000xi32, #tpu.memory_space<hbm>> -> memref<10000xi32, #tpu.memory_space<hbm>>
      %dma_wait3A_172 = tpu.memref_slice %arg5[%mul3A_4] : memref<320000xi32, #tpu.memory_space<hbm>> -> memref<10000xi32, #tpu.memory_space<hbm>>
      tpu.wait_dma2 semaphore(%run_scoped3A : memref<!tpu.dma_semaphore, #tpu.memory_space<semaphore_mem>>) src(%dma_wait3A_172 : memref<10000xi32, #tpu.memory_space<hbm>>) dst(%arg8 : memref<10000xi32, #tpu.memory_space<vmem>>)
      tpu.yield
    }) : () -> ()
    %barrier3A = arith.constant 0 : index
    tpu.barrier barrier_id(%barrier3A)
    %mul3A_5 = arith.constant 10000 : i32
    %mul3A_6 = arith.muli %add3A, %mul3A_5 : i32
    %add3A_7 = arith.constant 0 : i32
    %add3A_8 = arith.addi %mul3A_6, %add3A_7 : i32
    %dma_start3A = arith.constant 0 : i32
    %dma_start3A_9 = arith.constant 0 : i32
    %dma_start3A_10 = tpu.memref_slice %arg8[%dma_start3A_9] : memref<10000xi32, #tpu.memory_space<vmem>> -> memref<40xi32, #tpu.memory_space<vmem>>
    %dma_start3A_11 = arith.constant 0 : i32
    %dma_start3A_12 = arith.constant 0 : i32
    %dma_start3A_13 = tpu.memref_slice %arg2[%dma_start3A_11, %dma_start3A_12] : memref<10240x128xf32, #tpu.memory_space<hbm>> -> memref<10240x128xf32, #tpu.memory_space<hbm>>
    %dma_start3A_14 = tpu.memref_slice %arg10[%dma_start3A] : memref<3x!tpu.dma_semaphore, #tpu.memory_space<semaphore_mem>> -> memref<1x!tpu.dma_semaphore, #tpu.memory_space<semaphore_mem>>
    %dma_start3A_15 = tpu.memref_squeeze %dma_start3A_14 : memref<1x!tpu.dma_semaphore, #tpu.memory_space<semaphore_mem>> -> memref<!tpu.dma_semaphore, #tpu.memory_space<semaphore_mem>>
    tpu.enqueue_indirect_dma source(%dma_start3A_13 : memref<10240x128xf32, #tpu.memory_space<hbm>>) target(%arg14 : memref<40x128xf32, #tpu.memory_space<vmem>>) offsets(%dma_start3A_10 : memref<40xi32, #tpu.memory_space<vmem>>) semaphore(%dma_start3A_15 : memref<!tpu.dma_semaphore, #tpu.memory_space<semaphore_mem>>)
    %dma_start3A_16 = arith.constant 0 : i32
    %dma_start3A_17 = arith.constant 0 : i32
    %dma_start3A_18 = tpu.memref_slice %arg3[%add3A_8, %dma_start3A_17] : memref<320000x128xf32, #tpu.memory_space<hbm>> -> memref<40x128xf32, #tpu.memory_space<hbm>>
    %dma_start3A_19 = tpu.memref_slice %arg11[%dma_start3A_16] : memref<3x!tpu.dma_semaphore, #tpu.memory_space<semaphore_mem>> -> memref<1x!tpu.dma_semaphore, #tpu.memory_space<semaphore_mem>>
    %dma_start3A_20 = tpu.memref_squeeze %dma_start3A_19 : memref<1x!tpu.dma_semaphore, #tpu.memory_space<semaphore_mem>> -> memref<!tpu.dma_semaphore, #tpu.memory_space<semaphore_mem>>
    %dma_start3A_21 = arith.constant 0 : i32
    %dma_start3A_22 = tpu.memref_slice %arg3[%add3A_8, %dma_start3A_21] : memref<320000x128xf32, #tpu.memory_space<hbm>> -> memref<40x128xf32, #tpu.memory_space<hbm>>
    tpu.enqueue_dma source(%dma_start3A_22 : memref<40x128xf32, #tpu.memory_space<hbm>>) target(%arg17 : memref<40x128xf32, #tpu.memory_space<vmem>>) target_semaphore(%dma_start3A_20 : memref<!tpu.dma_semaphore, #tpu.memory_space<semaphore_mem>>)
    %dma_start3A_23 = arith.constant 0 : i32
    %dma_start3A_24 = arith.constant 0 : i32
    %dma_start3A_25 = arith.constant 0 : i32
    %dma_start3A_26 = arith.constant 0 : i32
    %dma_start3A_27 = tpu.memref_slice %arg4[%add3A, %dma_start3A_23, %dma_start3A_25, %dma_start3A_26] : memref<32x250x1x40xi32, #tpu.memory_space<hbm>> -> memref<1x1x1x40xi32, #tpu.memory_space<hbm>>
    %dma_start3A_28 = tpu.memref_squeeze %dma_start3A_27 : memref<1x1x1x40xi32, #tpu.memory_space<hbm>> -> memref<1x40xi32, #tpu.memory_space<hbm>>
    %dma_start3A_29 = tpu.memref_slice %arg12[%dma_start3A_24] : memref<3x!tpu.dma_semaphore, #tpu.memory_space<semaphore_mem>> -> memref<1x!tpu.dma_semaphore, #tpu.memory_space<semaphore_mem>>
    %dma_start3A_30 = tpu.memref_squeeze %dma_start3A_29 : memref<1x!tpu.dma_semaphore, #tpu.memory_space<semaphore_mem>> -> memref<!tpu.dma_semaphore, #tpu.memory_space<semaphore_mem>>
    %dma_start3A_31 = arith.constant 0 : i32
    %dma_start3A_32 = arith.constant 0 : i32
    %dma_start3A_33 = tpu.memref_slice %arg4[%add3A, %dma_start3A_23, %dma_start3A_31, %dma_start3A_32] : memref<32x250x1x40xi32, #tpu.memory_space<hbm>> -> memref<1x1x1x40xi32, #tpu.memory_space<hbm>>
    %dma_start3A_34 = tpu.memref_squeeze %dma_start3A_33 : memref<1x1x1x40xi32, #tpu.memory_space<hbm>> -> memref<1x40xi32, #tpu.memory_space<hbm>>
    tpu.enqueue_dma source(%dma_start3A_34 : memref<1x40xi32, #tpu.memory_space<hbm>>) target(%arg20 : memref<1x40xi32, #tpu.memory_space<vmem>>) target_semaphore(%dma_start3A_30 : memref<!tpu.dma_semaphore, #tpu.memory_space<semaphore_mem>>)
    %mul3A_35 = arith.constant 10000 : i32
    %mul3A_36 = arith.muli %add3A, %mul3A_35 : i32
    %add3A_37 = arith.constant 40 : i32
    %add3A_38 = arith.addi %mul3A_36, %add3A_37 : i32
    %dma_start3A_39 = arith.constant 1 : i32
    %dma_start3A_40 = arith.constant 40 : i32
    %dma_start3A_41 = tpu.memref_slice %arg8[%dma_start3A_40] : memref<10000xi32, #tpu.memory_space<vmem>> -> memref<40xi32, #tpu.memory_space<vmem>>
    %dma_start3A_42 = arith.constant 0 : i32
    %dma_start3A_43 = arith.constant 0 : i32
    %dma_start3A_44 = tpu.memref_slice %arg2[%dma_start3A_42, %dma_start3A_43] : memref<10240x128xf32, #tpu.memory_space<hbm>> -> memref<10240x128xf32, #tpu.memory_space<hbm>>
    %dma_start3A_45 = tpu.memref_slice %arg10[%dma_start3A_39] : memref<3x!tpu.dma_semaphore, #tpu.memory_space<semaphore_mem>> -> memref<1x!tpu.dma_semaphore, #tpu.memory_space<semaphore_mem>>
    %dma_start3A_46 = tpu.memref_squeeze %dma_start3A_45 : memref<1x!tpu.dma_semaphore, #tpu.memory_space<semaphore_mem>> -> memref<!tpu.dma_semaphore, #tpu.memory_space<semaphore_mem>>
    tpu.enqueue_indirect_dma source(%dma_start3A_44 : memref<10240x128xf32, #tpu.memory_space<hbm>>) target(%arg15 : memref<40x128xf32, #tpu.memory_space<vmem>>) offsets(%dma_start3A_41 : memref<40xi32, #tpu.memory_space<vmem>>) semaphore(%dma_start3A_46 : memref<!tpu.dma_semaphore, #tpu.memory_space<semaphore_mem>>)
    %dma_start3A_47 = arith.constant 1 : i32
    %dma_start3A_48 = arith.constant 0 : i32
    %dma_start3A_49 = tpu.memref_slice %arg3[%add3A_38, %dma_start3A_48] : memref<320000x128xf32, #tpu.memory_space<hbm>> -> memref<40x128xf32, #tpu.memory_space<hbm>>
    %dma_start3A_50 = tpu.memref_slice %arg11[%dma_start3A_47] : memref<3x!tpu.dma_semaphore, #tpu.memory_space<semaphore_mem>> -> memref<1x!tpu.dma_semaphore, #tpu.memory_space<semaphore_mem>>
    %dma_start3A_51 = tpu.memref_squeeze %dma_start3A_50 : memref<1x!tpu.dma_semaphore, #tpu.memory_space<semaphore_mem>> -> memref<!tpu.dma_semaphore, #tpu.memory_space<semaphore_mem>>
    %dma_start3A_52 = arith.constant 0 : i32
    %dma_start3A_53 = tpu.memref_slice %arg3[%add3A_38, %dma_start3A_52] : memref<320000x128xf32, #tpu.memory_space<hbm>> -> memref<40x128xf32, #tpu.memory_space<hbm>>
    tpu.enqueue_dma source(%dma_start3A_53 : memref<40x128xf32, #tpu.memory_space<hbm>>) target(%arg18 : memref<40x128xf32, #tpu.memory_space<vmem>>) target_semaphore(%dma_start3A_51 : memref<!tpu.dma_semaphore, #tpu.memory_space<semaphore_mem>>)
    %dma_start3A_54 = arith.constant 1 : i32
    %dma_start3A_55 = arith.constant 1 : i32
    %dma_start3A_56 = arith.constant 0 : i32
    %dma_start3A_57 = arith.constant 0 : i32
    %dma_start3A_58 = tpu.memref_slice %arg4[%add3A, %dma_start3A_54, %dma_start3A_56, %dma_start3A_57] : memref<32x250x1x40xi32, #tpu.memory_space<hbm>> -> memref<1x1x1x40xi32, #tpu.memory_space<hbm>>
    %dma_start3A_59 = tpu.memref_squeeze %dma_start3A_58 : memref<1x1x1x40xi32, #tpu.memory_space<hbm>> -> memref<1x40xi32, #tpu.memory_space<hbm>>
    %dma_start3A_60 = tpu.memref_slice %arg12[%dma_start3A_55] : memref<3x!tpu.dma_semaphore, #tpu.memory_space<semaphore_mem>> -> memref<1x!tpu.dma_semaphore, #tpu.memory_space<semaphore_mem>>
    %dma_start3A_61 = tpu.memref_squeeze %dma_start3A_60 : memref<1x!tpu.dma_semaphore, #tpu.memory_space<semaphore_mem>> -> memref<!tpu.dma_semaphore, #tpu.memory_space<semaphore_mem>>
    %dma_start3A_62 = arith.constant 0 : i32
    %dma_start3A_63 = arith.constant 0 : i32
    %dma_start3A_64 = tpu.memref_slice %arg4[%add3A, %dma_start3A_54, %dma_start3A_62, %dma_start3A_63] : memref<32x250x1x40xi32, #tpu.memory_space<hbm>> -> memref<1x1x1x40xi32, #tpu.memory_space<hbm>>
    %dma_start3A_65 = tpu.memref_squeeze %dma_start3A_64 : memref<1x1x1x40xi32, #tpu.memory_space<hbm>> -> memref<1x40xi32, #tpu.memory_space<hbm>>
    tpu.enqueue_dma source(%dma_start3A_65 : memref<1x40xi32, #tpu.memory_space<hbm>>) target(%arg21 : memref<1x40xi32, #tpu.memory_space<vmem>>) target_semaphore(%dma_start3A_61 : memref<!tpu.dma_semaphore, #tpu.memory_space<semaphore_mem>>)
    %mul3A_66 = arith.constant 10000 : i32
    %mul3A_67 = arith.muli %add3A, %mul3A_66 : i32
    %add3A_68 = arith.constant 80 : i32
    %add3A_69 = arith.addi %mul3A_67, %add3A_68 : i32
    %dma_start3A_70 = arith.constant 2 : i32
    %dma_start3A_71 = arith.constant 80 : i32
    %dma_start3A_72 = tpu.memref_slice %arg8[%dma_start3A_71] : memref<10000xi32, #tpu.memory_space<vmem>> -> memref<40xi32, #tpu.memory_space<vmem>>
    %dma_start3A_73 = arith.constant 0 : i32
    %dma_start3A_74 = arith.constant 0 : i32
    %dma_start3A_75 = tpu.memref_slice %arg2[%dma_start3A_73, %dma_start3A_74] : memref<10240x128xf32, #tpu.memory_space<hbm>> -> memref<10240x128xf32, #tpu.memory_space<hbm>>
    %dma_start3A_76 = tpu.memref_slice %arg10[%dma_start3A_70] : memref<3x!tpu.dma_semaphore, #tpu.memory_space<semaphore_mem>> -> memref<1x!tpu.dma_semaphore, #tpu.memory_space<semaphore_mem>>
    %dma_start3A_77 = tpu.memref_squeeze %dma_start3A_76 : memref<1x!tpu.dma_semaphore, #tpu.memory_space<semaphore_mem>> -> memref<!tpu.dma_semaphore, #tpu.memory_space<semaphore_mem>>
    tpu.enqueue_indirect_dma source(%dma_start3A_75 : memref<10240x128xf32, #tpu.memory_space<hbm>>) target(%arg16 : memref<40x128xf32, #tpu.memory_space<vmem>>) offsets(%dma_start3A_72 : memref<40xi32, #tpu.memory_space<vmem>>) semaphore(%dma_start3A_77 : memref<!tpu.dma_semaphore, #tpu.memory_space<semaphore_mem>>)
    %dma_start3A_78 = arith.constant 2 : i32
    %dma_start3A_79 = arith.constant 0 : i32
    %dma_start3A_80 = tpu.memref_slice %arg3[%add3A_69, %dma_start3A_79] : memref<320000x128xf32, #tpu.memory_space<hbm>> -> memref<40x128xf32, #tpu.memory_space<hbm>>
    %dma_start3A_81 = tpu.memref_slice %arg11[%dma_start3A_78] : memref<3x!tpu.dma_semaphore, #tpu.memory_space<semaphore_mem>> -> memref<1x!tpu.dma_semaphore, #tpu.memory_space<semaphore_mem>>
    %dma_start3A_82 = tpu.memref_squeeze %dma_start3A_81 : memref<1x!tpu.dma_semaphore, #tpu.memory_space<semaphore_mem>> -> memref<!tpu.dma_semaphore, #tpu.memory_space<semaphore_mem>>
    %dma_start3A_83 = arith.constant 0 : i32
    %dma_start3A_84 = tpu.memref_slice %arg3[%add3A_69, %dma_start3A_83] : memref<320000x128xf32, #tpu.memory_space<hbm>> -> memref<40x128xf32, #tpu.memory_space<hbm>>
    tpu.enqueue_dma source(%dma_start3A_84 : memref<40x128xf32, #tpu.memory_space<hbm>>) target(%arg19 : memref<40x128xf32, #tpu.memory_space<vmem>>) target_semaphore(%dma_start3A_82 : memref<!tpu.dma_semaphore, #tpu.memory_space<semaphore_mem>>)
    %dma_start3A_85 = arith.constant 2 : i32
    %dma_start3A_86 = arith.constant 2 : i32
    %dma_start3A_87 = arith.constant 0 : i32
    %dma_start3A_88 = arith.constant 0 : i32
    %dma_start3A_89 = tpu.memref_slice %arg4[%add3A, %dma_start3A_85, %dma_start3A_87, %dma_start3A_88] : memref<32x250x1x40xi32, #tpu.memory_space<hbm>> -> memref<1x1x1x40xi32, #tpu.memory_space<hbm>>
    %dma_start3A_90 = tpu.memref_squeeze %dma_start3A_89 : memref<1x1x1x40xi32, #tpu.memory_space<hbm>> -> memref<1x40xi32, #tpu.memory_space<hbm>>
    %dma_start3A_91 = tpu.memref_slice %arg12[%dma_start3A_86] : memref<3x!tpu.dma_semaphore, #tpu.memory_space<semaphore_mem>> -> memref<1x!tpu.dma_semaphore, #tpu.memory_space<semaphore_mem>>
    %dma_start3A_92 = tpu.memref_squeeze %dma_start3A_91 : memref<1x!tpu.dma_semaphore, #tpu.memory_space<semaphore_mem>> -> memref<!tpu.dma_semaphore, #tpu.memory_space<semaphore_mem>>
    %dma_start3A_93 = arith.constant 0 : i32
    %dma_start3A_94 = arith.constant 0 : i32
    %dma_start3A_95 = tpu.memref_slice %arg4[%add3A, %dma_start3A_85, %dma_start3A_93, %dma_start3A_94] : memref<32x250x1x40xi32, #tpu.memory_space<hbm>> -> memref<1x1x1x40xi32, #tpu.memory_space<hbm>>
    %dma_start3A_96 = tpu.memref_squeeze %dma_start3A_95 : memref<1x1x1x40xi32, #tpu.memory_space<hbm>> -> memref<1x40xi32, #tpu.memory_space<hbm>>
    tpu.enqueue_dma source(%dma_start3A_96 : memref<1x40xi32, #tpu.memory_space<hbm>>) target(%arg22 : memref<1x40xi32, #tpu.memory_space<vmem>>) target_semaphore(%dma_start3A_92 : memref<!tpu.dma_semaphore, #tpu.memory_space<semaphore_mem>>)
    %scan3A = arith.constant 0 : i32
    %scan3A_97 = arith.constant 0 : i32
    %scan3A_98 = arith.constant 83 : i32
    %scan3A_99 = arith.addi %scan3A_97, %scan3A_98 : i32
    %scan3A_100 = arith.constant 1 : i32
    scf.for %scan3A_169 = %scan3A_97 to %scan3A_99 step %scan3A_100  : i32 {
      %mul3A_170 = arith.constant 3 : i32
      %mul3A_171 = arith.muli %scan3A_169, %mul3A_170 : i32
      %add3A_172 = arith.constant 0 : i32
      %add3A_173 = arith.addi %mul3A_171, %add3A_172 : i32
      %mul3A_174 = arith.constant 40 : i32
      %mul3A_175 = arith.muli %add3A_173, %mul3A_174 : i32
      %dma_wait3A_176 = arith.constant 0 : i32
      %dma_wait3A_177 = tpu.memref_slice %arg8[%mul3A_175] : memref<10000xi32, #tpu.memory_space<vmem>> -> memref<40xi32, #tpu.memory_space<vmem>>
      %dma_wait3A_178 = arith.constant 0 : i32
      %dma_wait3A_179 = arith.constant 0 : i32
      %dma_wait3A_180 = tpu.memref_slice %arg2[%dma_wait3A_178, %dma_wait3A_179] : memref<10240x128xf32, #tpu.memory_space<hbm>> -> memref<10240x128xf32, #tpu.memory_space<hbm>>
      %dma_wait3A_181 = tpu.memref_slice %arg10[%dma_wait3A_176] : memref<3x!tpu.dma_semaphore, #tpu.memory_space<semaphore_mem>> -> memref<1x!tpu.dma_semaphore, #tpu.memory_space<semaphore_mem>>
      %dma_wait3A_182 = tpu.memref_squeeze %dma_wait3A_181 : memref<1x!tpu.dma_semaphore, #tpu.memory_space<semaphore_mem>> -> memref<!tpu.dma_semaphore, #tpu.memory_space<semaphore_mem>>
      tpu.wait_indirect_dma semaphore(%dma_wait3A_182 : memref<!tpu.dma_semaphore, #tpu.memory_space<semaphore_mem>>) src(%dma_wait3A_180 : memref<10240x128xf32, #tpu.memory_space<hbm>>) dst(%arg14 : memref<40x128xf32, #tpu.memory_space<vmem>>)
      %mul3A_183 = arith.constant 10000 : i32
      %mul3A_184 = arith.muli %add3A, %mul3A_183 : i32
      %mul3A_185 = arith.constant 40 : i32
      %mul3A_186 = arith.muli %add3A_173, %mul3A_185 : i32
      %add3A_187 = arith.addi %mul3A_184, %mul3A_186 : i32
      %dma_wait3A_188 = arith.constant 0 : i32
      %dma_wait3A_189 = arith.constant 0 : i32
      %dma_wait3A_190 = tpu.memref_slice %arg3[%add3A_187, %dma_wait3A_189] : memref<320000x128xf32, #tpu.memory_space<hbm>> -> memref<40x128xf32, #tpu.memory_space<hbm>>
      %dma_wait3A_191 = tpu.memref_slice %arg11[%dma_wait3A_188] : memref<3x!tpu.dma_semaphore, #tpu.memory_space<semaphore_mem>> -> memref<1x!tpu.dma_semaphore, #tpu.memory_space<semaphore_mem>>
      %dma_wait3A_192 = tpu.memref_squeeze %dma_wait3A_191 : memref<1x!tpu.dma_semaphore, #tpu.memory_space<semaphore_mem>> -> memref<!tpu.dma_semaphore, #tpu.memory_space<semaphore_mem>>
      %dma_wait3A_193 = arith.constant 0 : i32
      %dma_wait3A_194 = tpu.memref_slice %arg3[%add3A_187, %dma_wait3A_193] : memref<320000x128xf32, #tpu.memory_space<hbm>> -> memref<40x128xf32, #tpu.memory_space<hbm>>
      tpu.wait_dma2 semaphore(%dma_wait3A_192 : memref<!tpu.dma_semaphore, #tpu.memory_space<semaphore_mem>>) src(%dma_wait3A_194 : memref<40x128xf32, #tpu.memory_space<hbm>>) dst(%arg17 : memref<40x128xf32, #tpu.memory_space<vmem>>)
      %scan3A_195 = arith.constant 0 : i32
      %scan3A_196 = arith.constant 0 : i32
      %scan3A_197 = arith.constant 40 : i32
      %scan3A_198 = arith.addi %scan3A_196, %scan3A_197 : i32
      %scan3A_199 = arith.constant 1 : i32
      scf.for %scan3A_392 = %scan3A_196 to %scan3A_198 step %scan3A_199  : i32 {
        %get3A = arith.index_cast %scan3A_392 : i32 to index
        %get3A_393 = arith.constant 0 : index
        %get3A_394 = tpu.vector_load %arg14[%get3A, %get3A_393] {strides = array<i32>} : memref<40x128xf32, #tpu.memory_space<vmem>>, vector<1x16xf32>,
        %get3A_395 = vector.shape_cast %get3A_394 : vector<1x16xf32> to vector<16xf32>
        %get3A_396 = arith.index_cast %scan3A_392 : i32 to index
        %get3A_397 = arith.constant 0 : index
        %get3A_398 = tpu.vector_load %arg17[%get3A_396, %get3A_397] {strides = array<i32>} : memref<40x128xf32, #tpu.memory_space<vmem>>, vector<1x16xf32>,
        %get3A_399 = vector.shape_cast %get3A_398 : vector<1x16xf32> to vector<16xf32>
        %mul3A_400 = arith.mulf %get3A_395, %get3A_399 : vector<16xf32>
        %swap3A = arith.index_cast %scan3A_392 : i32 to index
        %swap3A_401 = arith.constant 0 : index
        %swap3A_402 = tpu.vector_load %arg14[%swap3A, %swap3A_401] {strides = array<i32>} : memref<40x128xf32, #tpu.memory_space<vmem>>, vector<1x16xf32>,
        %swap3A_403 = vector.shape_cast %swap3A_402 : vector<1x16xf32> to vector<16xf32>
        %swap3A_404 = vector.shape_cast %mul3A_400 : vector<16xf32> to vector<1x16xf32>
        tpu.vector_store %arg14[%swap3A, %swap3A_401], %swap3A_404 {strides = array<i32>} : memref<40x128xf32, #tpu.memory_space<vmem>>, vector<1x16xf32>,
        %get3A_405 = arith.index_cast %scan3A_392 : i32 to index
        %get3A_406 = arith.constant 16 : index
        %get3A_407 = tpu.vector_load %arg14[%get3A_405, %get3A_406] {strides = array<i32>} : memref<40x128xf32, #tpu.memory_space<vmem>>, vector<1x16xf32>,
        %get3A_408 = vector.shape_cast %get3A_407 : vector<1x16xf32> to vector<16xf32>
        %get3A_409 = arith.index_cast %scan3A_392 : i32 to index
        %get3A_410 = arith.constant 16 : index
        %get3A_411 = tpu.vector_load %arg17[%get3A_409, %get3A_410] {strides = array<i32>} : memref<40x128xf32, #tpu.memory_space<vmem>>, vector<1x16xf32>,
        %get3A_412 = vector.shape_cast %get3A_411 : vector<1x16xf32> to vector<16xf32>
        %mul3A_413 = arith.mulf %get3A_408, %get3A_412 : vector<16xf32>
        %swap3A_414 = arith.index_cast %scan3A_392 : i32 to index
        %swap3A_415 = arith.constant 16 : index
        %swap3A_416 = tpu.vector_load %arg14[%swap3A_414, %swap3A_415] {strides = array<i32>} : memref<40x128xf32, #tpu.memory_space<vmem>>, vector<1x16xf32>,
        %swap3A_417 = vector.shape_cast %swap3A_416 : vector<1x16xf32> to vector<16xf32>
        %swap3A_418 = vector.shape_cast %mul3A_413 : vector<16xf32> to vector<1x16xf32>
        tpu.vector_store %arg14[%swap3A_414, %swap3A_415], %swap3A_418 {strides = array<i32>} : memref<40x128xf32, #tpu.memory_space<vmem>>, vector<1x16xf32>,
        %get3A_419 = arith.index_cast %scan3A_392 : i32 to index
        %get3A_420 = arith.constant 32 : index
        %get3A_421 = tpu.vector_load %arg14[%get3A_419, %get3A_420] {strides = array<i32>} : memref<40x128xf32, #tpu.memory_space<vmem>>, vector<1x16xf32>,
        %get3A_422 = vector.shape_cast %get3A_421 : vector<1x16xf32> to vector<16xf32>
        %get3A_423 = arith.index_cast %scan3A_392 : i32 to index
        %get3A_424 = arith.constant 32 : index
        %get3A_425 = tpu.vector_load %arg17[%get3A_423, %get3A_424] {strides = array<i32>} : memref<40x128xf32, #tpu.memory_space<vmem>>, vector<1x16xf32>,
        %get3A_426 = vector.shape_cast %get3A_425 : vector<1x16xf32> to vector<16xf32>
        %mul3A_427 = arith.mulf %get3A_422, %get3A_426 : vector<16xf32>
        %swap3A_428 = arith.index_cast %scan3A_392 : i32 to index
        %swap3A_429 = arith.constant 32 : index
        %swap3A_430 = tpu.vector_load %arg14[%swap3A_428, %swap3A_429] {strides = array<i32>} : memref<40x128xf32, #tpu.memory_space<vmem>>, vector<1x16xf32>,
        %swap3A_431 = vector.shape_cast %swap3A_430 : vector<1x16xf32> to vector<16xf32>
        %swap3A_432 = vector.shape_cast %mul3A_427 : vector<16xf32> to vector<1x16xf32>
        tpu.vector_store %arg14[%swap3A_428, %swap3A_429], %swap3A_432 {strides = array<i32>} : memref<40x128xf32, #tpu.memory_space<vmem>>, vector<1x16xf32>,
        %get3A_433 = arith.index_cast %scan3A_392 : i32 to index
        %get3A_434 = arith.constant 48 : index
        %get3A_435 = tpu.vector_load %arg14[%get3A_433, %get3A_434] {strides = array<i32>} : memref<40x128xf32, #tpu.memory_space<vmem>>, vector<1x16xf32>,
        %get3A_436 = vector.shape_cast %get3A_435 : vector<1x16xf32> to vector<16xf32>
        %get3A_437 = arith.index_cast %scan3A_392 : i32 to index
        %get3A_438 = arith.constant 48 : index
        %get3A_439 = tpu.vector_load %arg17[%get3A_437, %get3A_438] {strides = array<i32>} : memref<40x128xf32, #tpu.memory_space<vmem>>, vector<1x16xf32>,
        %get3A_440 = vector.shape_cast %get3A_439 : vector<1x16xf32> to vector<16xf32>
        %mul3A_441 = arith.mulf %get3A_436, %get3A_440 : vector<16xf32>
        %swap3A_442 = arith.index_cast %scan3A_392 : i32 to index
        %swap3A_443 = arith.constant 48 : index
        %swap3A_444 = tpu.vector_load %arg14[%swap3A_442, %swap3A_443] {strides = array<i32>} : memref<40x128xf32, #tpu.memory_space<vmem>>, vector<1x16xf32>,
        %swap3A_445 = vector.shape_cast %swap3A_444 : vector<1x16xf32> to vector<16xf32>
        %swap3A_446 = vector.shape_cast %mul3A_441 : vector<16xf32> to vector<1x16xf32>
        tpu.vector_store %arg14[%swap3A_442, %swap3A_443], %swap3A_446 {strides = array<i32>} : memref<40x128xf32, #tpu.memory_space<vmem>>, vector<1x16xf32>,
        %get3A_447 = arith.index_cast %scan3A_392 : i32 to index
        %get3A_448 = arith.constant 64 : index
        %get3A_449 = tpu.vector_load %arg14[%get3A_447, %get3A_448] {strides = array<i32>} : memref<40x128xf32, #tpu.memory_space<vmem>>, vector<1x16xf32>,
        %get3A_450 = vector.shape_cast %get3A_449 : vector<1x16xf32> to vector<16xf32>
        %get3A_451 = arith.index_cast %scan3A_392 : i32 to index
        %get3A_452 = arith.constant 64 : index
        %get3A_453 = tpu.vector_load %arg17[%get3A_451, %get3A_452] {strides = array<i32>} : memref<40x128xf32, #tpu.memory_space<vmem>>, vector<1x16xf32>,
        %get3A_454 = vector.shape_cast %get3A_453 : vector<1x16xf32> to vector<16xf32>
        %mul3A_455 = arith.mulf %get3A_450, %get3A_454 : vector<16xf32>
        %swap3A_456 = arith.index_cast %scan3A_392 : i32 to index
        %swap3A_457 = arith.constant 64 : index
        %swap3A_458 = tpu.vector_load %arg14[%swap3A_456, %swap3A_457] {strides = array<i32>} : memref<40x128xf32, #tpu.memory_space<vmem>>, vector<1x16xf32>,
        %swap3A_459 = vector.shape_cast %swap3A_458 : vector<1x16xf32> to vector<16xf32>
        %swap3A_460 = vector.shape_cast %mul3A_455 : vector<16xf32> to vector<1x16xf32>
        tpu.vector_store %arg14[%swap3A_456, %swap3A_457], %swap3A_460 {strides = array<i32>} : memref<40x128xf32, #tpu.memory_space<vmem>>, vector<1x16xf32>,
        %get3A_461 = arith.index_cast %scan3A_392 : i32 to index
        %get3A_462 = arith.constant 80 : index
        %get3A_463 = tpu.vector_load %arg14[%get3A_461, %get3A_462] {strides = array<i32>} : memref<40x128xf32, #tpu.memory_space<vmem>>, vector<1x16xf32>,
        %get3A_464 = vector.shape_cast %get3A_463 : vector<1x16xf32> to vector<16xf32>
        %get3A_465 = arith.index_cast %scan3A_392 : i32 to index
        %get3A_466 = arith.constant 80 : index
        %get3A_467 = tpu.vector_load %arg17[%get3A_465, %get3A_466] {strides = array<i32>} : memref<40x128xf32, #tpu.memory_space<vmem>>, vector<1x16xf32>,
        %get3A_468 = vector.shape_cast %get3A_467 : vector<1x16xf32> to vector<16xf32>
        %mul3A_469 = arith.mulf %get3A_464, %get3A_468 : vector<16xf32>
        %swap3A_470 = arith.index_cast %scan3A_392 : i32 to index
        %swap3A_471 = arith.constant 80 : index
        %swap3A_472 = tpu.vector_load %arg14[%swap3A_470, %swap3A_471] {strides = array<i32>} : memref<40x128xf32, #tpu.memory_space<vmem>>, vector<1x16xf32>,
        %swap3A_473 = vector.shape_cast %swap3A_472 : vector<1x16xf32> to vector<16xf32>
        %swap3A_474 = vector.shape_cast %mul3A_469 : vector<16xf32> to vector<1x16xf32>
        tpu.vector_store %arg14[%swap3A_470, %swap3A_471], %swap3A_474 {strides = array<i32>} : memref<40x128xf32, #tpu.memory_space<vmem>>, vector<1x16xf32>,
        %get3A_475 = arith.index_cast %scan3A_392 : i32 to index
        %get3A_476 = arith.constant 96 : index
        %get3A_477 = tpu.vector_load %arg14[%get3A_475, %get3A_476] {strides = array<i32>} : memref<40x128xf32, #tpu.memory_space<vmem>>, vector<1x16xf32>,
        %get3A_478 = vector.shape_cast %get3A_477 : vector<1x16xf32> to vector<16xf32>
        %get3A_479 = arith.index_cast %scan3A_392 : i32 to index
        %get3A_480 = arith.constant 96 : index
        %get3A_481 = tpu.vector_load %arg17[%get3A_479, %get3A_480] {strides = array<i32>} : memref<40x128xf32, #tpu.memory_space<vmem>>, vector<1x16xf32>,
        %get3A_482 = vector.shape_cast %get3A_481 : vector<1x16xf32> to vector<16xf32>
        %mul3A_483 = arith.mulf %get3A_478, %get3A_482 : vector<16xf32>
        %swap3A_484 = arith.index_cast %scan3A_392 : i32 to index
        %swap3A_485 = arith.constant 96 : index
        %swap3A_486 = tpu.vector_load %arg14[%swap3A_484, %swap3A_485] {strides = array<i32>} : memref<40x128xf32, #tpu.memory_space<vmem>>, vector<1x16xf32>,
        %swap3A_487 = vector.shape_cast %swap3A_486 : vector<1x16xf32> to vector<16xf32>
        %swap3A_488 = vector.shape_cast %mul3A_483 : vector<16xf32> to vector<1x16xf32>
        tpu.vector_store %arg14[%swap3A_484, %swap3A_485], %swap3A_488 {strides = array<i32>} : memref<40x128xf32, #tpu.memory_space<vmem>>, vector<1x16xf32>,
        %get3A_489 = arith.index_cast %scan3A_392 : i32 to index
        %get3A_490 = arith.constant 112 : index
        %get3A_491 = tpu.vector_load %arg14[%get3A_489, %get3A_490] {strides = array<i32>} : memref<40x128xf32, #tpu.memory_space<vmem>>, vector<1x16xf32>,
        %get3A_492 = vector.shape_cast %get3A_491 : vector<1x16xf32> to vector<16xf32>
        %get3A_493 = arith.index_cast %scan3A_392 : i32 to index
        %get3A_494 = arith.constant 112 : index
        %get3A_495 = tpu.vector_load %arg17[%get3A_493, %get3A_494] {strides = array<i32>} : memref<40x128xf32, #tpu.memory_space<vmem>>, vector<1x16xf32>,
        %get3A_496 = vector.shape_cast %get3A_495 : vector<1x16xf32> to vector<16xf32>
        %mul3A_497 = arith.mulf %get3A_492, %get3A_496 : vector<16xf32>
        %swap3A_498 = arith.index_cast %scan3A_392 : i32 to index
        %swap3A_499 = arith.constant 112 : index
        %swap3A_500 = tpu.vector_load %arg14[%swap3A_498, %swap3A_499] {strides = array<i32>} : memref<40x128xf32, #tpu.memory_space<vmem>>, vector<1x16xf32>,
        %swap3A_501 = vector.shape_cast %swap3A_500 : vector<1x16xf32> to vector<16xf32>
        %swap3A_502 = vector.shape_cast %mul3A_497 : vector<16xf32> to vector<1x16xf32>
        tpu.vector_store %arg14[%swap3A_498, %swap3A_499], %swap3A_502 {strides = array<i32>} : memref<40x128xf32, #tpu.memory_space<vmem>>, vector<1x16xf32>,
      }
      %scan3A_200 = arith.constant 40 : i32
      %dma_wait3A_201 = arith.constant 0 : i32
      %dma_wait3A_202 = arith.constant 0 : i32
      %dma_wait3A_203 = arith.constant 0 : i32
      %dma_wait3A_204 = tpu.memref_slice %arg4[%add3A, %add3A_173, %dma_wait3A_202, %dma_wait3A_203] : memref<32x250x1x40xi32, #tpu.memory_space<hbm>> -> memref<1x1x1x40xi32, #tpu.memory_space<hbm>>
      %dma_wait3A_205 = tpu.memref_squeeze %dma_wait3A_204 : memref<1x1x1x40xi32, #tpu.memory_space<hbm>> -> memref<1x40xi32, #tpu.memory_space<hbm>>
      %dma_wait3A_206 = tpu.memref_slice %arg12[%dma_wait3A_201] : memref<3x!tpu.dma_semaphore, #tpu.memory_space<semaphore_mem>> -> memref<1x!tpu.dma_semaphore, #tpu.memory_space<semaphore_mem>>
      %dma_wait3A_207 = tpu.memref_squeeze %dma_wait3A_206 : memref<1x!tpu.dma_semaphore, #tpu.memory_space<semaphore_mem>> -> memref<!tpu.dma_semaphore, #tpu.memory_space<semaphore_mem>>
      %dma_wait3A_208 = arith.constant 0 : i32
      %dma_wait3A_209 = arith.constant 0 : i32
      %dma_wait3A_210 = tpu.memref_slice %arg4[%add3A, %add3A_173, %dma_wait3A_208, %dma_wait3A_209] : memref<32x250x1x40xi32, #tpu.memory_space<hbm>> -> memref<1x1x1x40xi32, #tpu.memory_space<hbm>>
      %dma_wait3A_211 = tpu.memref_squeeze %dma_wait3A_210 : memref<1x1x1x40xi32, #tpu.memory_space<hbm>> -> memref<1x40xi32, #tpu.memory_space<hbm>>
      tpu.wait_dma2 semaphore(%dma_wait3A_207 : memref<!tpu.dma_semaphore, #tpu.memory_space<semaphore_mem>>) src(%dma_wait3A_211 : memref<1x40xi32, #tpu.memory_space<hbm>>) dst(%arg20 : memref<1x40xi32, #tpu.memory_space<vmem>>)
      %ge3A = arith.constant 1 : i32
      %ge3A_212 = arith.cmpi sge, %scan3A_169, %ge3A : i32
      %convert_element_type3A = arith.extui %ge3A_212 : i1 to i32
      %cond3A = arith.constant 0 : i32
      %cond3A_213 = arith.cmpi ne, %convert_element_type3A, %cond3A : i32
      scf.if %cond3A_213 {
        %dma_wait3A_392 = arith.constant 0 : i32
        %dma_wait3A_393 = arith.constant 2 : i32
        %dma_wait3A_394 = arith.constant 0 : i32
        %dma_wait3A_395 = tpu.memref_slice %arg22[%dma_wait3A_392, %dma_wait3A_394] : memref<1x40xi32, #tpu.memory_space<vmem>> -> memref<1x40xi32, #tpu.memory_space<vmem>>
        %dma_wait3A_396 = tpu.memref_squeeze %dma_wait3A_395 : memref<1x40xi32, #tpu.memory_space<vmem>> -> memref<40xi32, #tpu.memory_space<vmem>>
        %dma_wait3A_397 = arith.constant 0 : i32
        %dma_wait3A_398 = arith.constant 0 : i32
        %dma_wait3A_399 = tpu.memref_slice %arg9[%dma_wait3A_397, %dma_wait3A_398] : memref<10240x128xf32, #tpu.memory_space<vmem_shared>> -> memref<10240x128xf32, #tpu.memory_space<vmem_shared>>
        %dma_wait3A_400 = tpu.memref_slice %arg13[%dma_wait3A_393] : memref<3x!tpu.dma_semaphore, #tpu.memory_space<semaphore_mem>> -> memref<1x!tpu.dma_semaphore, #tpu.memory_space<semaphore_mem>>
        %dma_wait3A_401 = tpu.memref_squeeze %dma_wait3A_400 : memref<1x!tpu.dma_semaphore, #tpu.memory_space<semaphore_mem>> -> memref<!tpu.dma_semaphore, #tpu.memory_space<semaphore_mem>>
        tpu.wait_indirect_dma semaphore(%dma_wait3A_401 : memref<!tpu.dma_semaphore, #tpu.memory_space<semaphore_mem>>) src(%arg16 : memref<40x128xf32, #tpu.memory_space<vmem>>) dst(%dma_wait3A_399 : memref<10240x128xf32, #tpu.memory_space<vmem_shared>>)
      } else {
      }
      %dma_start3A_214 = arith.constant 0 : i32
      %dma_start3A_215 = arith.constant 0 : i32
      %dma_start3A_216 = arith.constant 0 : i32
      %dma_start3A_217 = tpu.memref_slice %arg20[%dma_start3A_214, %dma_start3A_216] : memref<1x40xi32, #tpu.memory_space<vmem>> -> memref<1x40xi32, #tpu.memory_space<vmem>>
      %dma_start3A_218 = tpu.memref_squeeze %dma_start3A_217 : memref<1x40xi32, #tpu.memory_space<vmem>> -> memref<40xi32, #tpu.memory_space<vmem>>
      %dma_start3A_219 = arith.constant 0 : i32
      %dma_start3A_220 = arith.constant 0 : i32
      %dma_start3A_221 = tpu.memref_slice %arg9[%dma_start3A_219, %dma_start3A_220] : memref<10240x128xf32, #tpu.memory_space<vmem_shared>> -> memref<10240x128xf32, #tpu.memory_space<vmem_shared>>
      %dma_start3A_222 = tpu.memref_slice %arg13[%dma_start3A_215] : memref<3x!tpu.dma_semaphore, #tpu.memory_space<semaphore_mem>> -> memref<1x!tpu.dma_semaphore, #tpu.memory_space<semaphore_mem>>
      %dma_start3A_223 = tpu.memref_squeeze %dma_start3A_222 : memref<1x!tpu.dma_semaphore, #tpu.memory_space<semaphore_mem>> -> memref<!tpu.dma_semaphore, #tpu.memory_space<semaphore_mem>>
      tpu.enqueue_indirect_dma source(%arg14 : memref<40x128xf32, #tpu.memory_space<vmem>>) target(%dma_start3A_221 : memref<10240x128xf32, #tpu.memory_space<vmem_shared>>) offsets(%dma_start3A_218 : memref<40xi32, #tpu.memory_space<vmem>>) semaphore(%dma_start3A_223 : memref<!tpu.dma_semaphore, #tpu.memory_space<semaphore_mem>>) {add = true}
      %ge3A_224 = arith.constant 1 : i32
      %ge3A_225 = arith.cmpi sge, %scan3A_169, %ge3A_224 : i32
      %convert_element_type3A_226 = arith.extui %ge3A_225 : i1 to i32
      %cond3A_227 = arith.constant 0 : i32
      %cond3A_228 = arith.cmpi ne, %convert_element_type3A_226, %cond3A_227 : i32
      scf.if %cond3A_228 {
        %add3A_392 = arith.constant 3 : i32
        %add3A_393 = arith.addi %add3A_173, %add3A_392 : i32
        %sub3A_394 = arith.constant 1 : i32
        %sub3A_395 = arith.subi %add3A_393, %sub3A_394 : i32
        %mul3A_396 = arith.constant 10000 : i32
        %mul3A_397 = arith.muli %add3A, %mul3A_396 : i32
        %mul3A_398 = arith.constant 40 : i32
        %mul3A_399 = arith.muli %sub3A_395, %mul3A_398 : i32
        %add3A_400 = arith.addi %mul3A_397, %mul3A_399 : i32
        %mul3A_401 = arith.constant 40 : i32
        %mul3A_402 = arith.muli %sub3A_395, %mul3A_401 : i32
        %dma_start3A_403 = arith.constant 2 : i32
        %dma_start3A_404 = tpu.memref_slice %arg8[%mul3A_402] : memref<10000xi32, #tpu.memory_space<vmem>> -> memref<40xi32, #tpu.memory_space<vmem>>
        %dma_start3A_405 = arith.constant 0 : i32
        %dma_start3A_406 = arith.constant 0 : i32
        %dma_start3A_407 = tpu.memref_slice %arg2[%dma_start3A_405, %dma_start3A_406] : memref<10240x128xf32, #tpu.memory_space<hbm>> -> memref<10240x128xf32, #tpu.memory_space<hbm>>
        %dma_start3A_408 = tpu.memref_slice %arg10[%dma_start3A_403] : memref<3x!tpu.dma_semaphore, #tpu.memory_space<semaphore_mem>> -> memref<1x!tpu.dma_semaphore, #tpu.memory_space<semaphore_mem>>
        %dma_start3A_409 = tpu.memref_squeeze %dma_start3A_408 : memref<1x!tpu.dma_semaphore, #tpu.memory_space<semaphore_mem>> -> memref<!tpu.dma_semaphore, #tpu.memory_space<semaphore_mem>>
        tpu.enqueue_indirect_dma source(%dma_start3A_407 : memref<10240x128xf32, #tpu.memory_space<hbm>>) target(%arg16 : memref<40x128xf32, #tpu.memory_space<vmem>>) offsets(%dma_start3A_404 : memref<40xi32, #tpu.memory_space<vmem>>) semaphore(%dma_start3A_409 : memref<!tpu.dma_semaphore, #tpu.memory_space<semaphore_mem>>)
        %dma_start3A_410 = arith.constant 2 : i32
        %dma_start3A_411 = arith.constant 0 : i32
        %dma_start3A_412 = tpu.memref_slice %arg3[%add3A_400, %dma_start3A_411] : memref<320000x128xf32, #tpu.memory_space<hbm>> -> memref<40x128xf32, #tpu.memory_space<hbm>>
        %dma_start3A_413 = tpu.memref_slice %arg11[%dma_start3A_410] : memref<3x!tpu.dma_semaphore, #tpu.memory_space<semaphore_mem>> -> memref<1x!tpu.dma_semaphore, #tpu.memory_space<semaphore_mem>>
        %dma_start3A_414 = tpu.memref_squeeze %dma_start3A_413 : memref<1x!tpu.dma_semaphore, #tpu.memory_space<semaphore_mem>> -> memref<!tpu.dma_semaphore, #tpu.memory_space<semaphore_mem>>
        %dma_start3A_415 = arith.constant 0 : i32
        %dma_start3A_416 = tpu.memref_slice %arg3[%add3A_400, %dma_start3A_415] : memref<320000x128xf32, #tpu.memory_space<hbm>> -> memref<40x128xf32, #tpu.memory_space<hbm>>
        tpu.enqueue_dma source(%dma_start3A_416 : memref<40x128xf32, #tpu.memory_space<hbm>>) target(%arg19 : memref<40x128xf32, #tpu.memory_space<vmem>>) target_semaphore(%dma_start3A_414 : memref<!tpu.dma_semaphore, #tpu.memory_space<semaphore_mem>>)
        %dma_start3A_417 = arith.constant 2 : i32
        %dma_start3A_418 = arith.constant 0 : i32
        %dma_start3A_419 = arith.constant 0 : i32
        %dma_start3A_420 = tpu.memref_slice %arg4[%add3A, %sub3A_395, %dma_start3A_418, %dma_start3A_419] : memref<32x250x1x40xi32, #tpu.memory_space<hbm>> -> memref<1x1x1x40xi32, #tpu.memory_space<hbm>>
        %dma_start3A_421 = tpu.memref_squeeze %dma_start3A_420 : memref<1x1x1x40xi32, #tpu.memory_space<hbm>> -> memref<1x40xi32, #tpu.memory_space<hbm>>
        %dma_start3A_422 = tpu.memref_slice %arg12[%dma_start3A_417] : memref<3x!tpu.dma_semaphore, #tpu.memory_space<semaphore_mem>> -> memref<1x!tpu.dma_semaphore, #tpu.memory_space<semaphore_mem>>
        %dma_start3A_423 = tpu.memref_squeeze %dma_start3A_422 : memref<1x!tpu.dma_semaphore, #tpu.memory_space<semaphore_mem>> -> memref<!tpu.dma_semaphore, #tpu.memory_space<semaphore_mem>>
        %dma_start3A_424 = arith.constant 0 : i32
        %dma_start3A_425 = arith.constant 0 : i32
        %dma_start3A_426 = tpu.memref_slice %arg4[%add3A, %sub3A_395, %dma_start3A_424, %dma_start3A_425] : memref<32x250x1x40xi32, #tpu.memory_space<hbm>> -> memref<1x1x1x40xi32, #tpu.memory_space<hbm>>
        %dma_start3A_427 = tpu.memref_squeeze %dma_start3A_426 : memref<1x1x1x40xi32, #tpu.memory_space<hbm>> -> memref<1x40xi32, #tpu.memory_space<hbm>>
        tpu.enqueue_dma source(%dma_start3A_427 : memref<1x40xi32, #tpu.memory_space<hbm>>) target(%arg22 : memref<1x40xi32, #tpu.memory_space<vmem>>) target_semaphore(%dma_start3A_423 : memref<!tpu.dma_semaphore, #tpu.memory_space<semaphore_mem>>)
      } else {
      }
      %mul3A_229 = arith.constant 3 : i32
      %mul3A_230 = arith.muli %scan3A_169, %mul3A_229 : i32
      %add3A_231 = arith.constant 1 : i32
      %add3A_232 = arith.addi %mul3A_230, %add3A_231 : i32
      %mul3A_233 = arith.constant 40 : i32
      %mul3A_234 = arith.muli %add3A_232, %mul3A_233 : i32
      %dma_wait3A_235 = arith.constant 1 : i32
      %dma_wait3A_236 = tpu.memref_slice %arg8[%mul3A_234] : memref<10000xi32, #tpu.memory_space<vmem>> -> memref<40xi32, #tpu.memory_space<vmem>>
      %dma_wait3A_237 = arith.constant 0 : i32
      %dma_wait3A_238 = arith.constant 0 : i32
      %dma_wait3A_239 = tpu.memref_slice %arg2[%dma_wait3A_237, %dma_wait3A_238] : memref<10240x128xf32, #tpu.memory_space<hbm>> -> memref<10240x128xf32, #tpu.memory_space<hbm>>
      %dma_wait3A_240 = tpu.memref_slice %arg10[%dma_wait3A_235] : memref<3x!tpu.dma_semaphore, #tpu.memory_space<semaphore_mem>> -> memref<1x!tpu.dma_semaphore, #tpu.memory_space<semaphore_mem>>
      %dma_wait3A_241 = tpu.memref_squeeze %dma_wait3A_240 : memref<1x!tpu.dma_semaphore, #tpu.memory_space<semaphore_mem>> -> memref<!tpu.dma_semaphore, #tpu.memory_space<semaphore_mem>>
      tpu.wait_indirect_dma semaphore(%dma_wait3A_241 : memref<!tpu.dma_semaphore, #tpu.memory_space<semaphore_mem>>) src(%dma_wait3A_239 : memref<10240x128xf32, #tpu.memory_space<hbm>>) dst(%arg15 : memref<40x128xf32, #tpu.memory_space<vmem>>)
      %mul3A_242 = arith.constant 10000 : i32
      %mul3A_243 = arith.muli %add3A, %mul3A_242 : i32
      %mul3A_244 = arith.constant 40 : i32
      %mul3A_245 = arith.muli %add3A_232, %mul3A_244 : i32
      %add3A_246 = arith.addi %mul3A_243, %mul3A_245 : i32
      %dma_wait3A_247 = arith.constant 1 : i32
      %dma_wait3A_248 = arith.constant 0 : i32
      %dma_wait3A_249 = tpu.memref_slice %arg3[%add3A_246, %dma_wait3A_248] : memref<320000x128xf32, #tpu.memory_space<hbm>> -> memref<40x128xf32, #tpu.memory_space<hbm>>
      %dma_wait3A_250 = tpu.memref_slice %arg11[%dma_wait3A_247] : memref<3x!tpu.dma_semaphore, #tpu.memory_space<semaphore_mem>> -> memref<1x!tpu.dma_semaphore, #tpu.memory_space<semaphore_mem>>
      %dma_wait3A_251 = tpu.memref_squeeze %dma_wait3A_250 : memref<1x!tpu.dma_semaphore, #tpu.memory_space<semaphore_mem>> -> memref<!tpu.dma_semaphore, #tpu.memory_space<semaphore_mem>>
      %dma_wait3A_252 = arith.constant 0 : i32
      %dma_wait3A_253 = tpu.memref_slice %arg3[%add3A_246, %dma_wait3A_252] : memref<320000x128xf32, #tpu.memory_space<hbm>> -> memref<40x128xf32, #tpu.memory_space<hbm>>
      tpu.wait_dma2 semaphore(%dma_wait3A_251 : memref<!tpu.dma_semaphore, #tpu.memory_space<semaphore_mem>>) src(%dma_wait3A_253 : memref<40x128xf32, #tpu.memory_space<hbm>>) dst(%arg18 : memref<40x128xf32, #tpu.memory_space<vmem>>)
      %scan3A_254 = arith.constant 0 : i32
      %scan3A_255 = arith.constant 0 : i32
      %scan3A_256 = arith.constant 40 : i32
      %scan3A_257 = arith.addi %scan3A_255, %scan3A_256 : i32
      %scan3A_258 = arith.constant 1 : i32
      scf.for %scan3A_392 = %scan3A_255 to %scan3A_257 step %scan3A_258  : i32 {
        %get3A = arith.index_cast %scan3A_392 : i32 to index
        %get3A_393 = arith.constant 0 : index
        %get3A_394 = tpu.vector_load %arg15[%get3A, %get3A_393] {strides = array<i32>} : memref<40x128xf32, #tpu.memory_space<vmem>>, vector<1x16xf32>,
        %get3A_395 = vector.shape_cast %get3A_394 : vector<1x16xf32> to vector<16xf32>
        %get3A_396 = arith.index_cast %scan3A_392 : i32 to index
        %get3A_397 = arith.constant 0 : index
        %get3A_398 = tpu.vector_load %arg18[%get3A_396, %get3A_397] {strides = array<i32>} : memref<40x128xf32, #tpu.memory_space<vmem>>, vector<1x16xf32>,
        %get3A_399 = vector.shape_cast %get3A_398 : vector<1x16xf32> to vector<16xf32>
        %mul3A_400 = arith.mulf %get3A_395, %get3A_399 : vector<16xf32>
        %swap3A = arith.index_cast %scan3A_392 : i32 to index
        %swap3A_401 = arith.constant 0 : index
        %swap3A_402 = tpu.vector_load %arg15[%swap3A, %swap3A_401] {strides = array<i32>} : memref<40x128xf32, #tpu.memory_space<vmem>>, vector<1x16xf32>,
        %swap3A_403 = vector.shape_cast %swap3A_402 : vector<1x16xf32> to vector<16xf32>
        %swap3A_404 = vector.shape_cast %mul3A_400 : vector<16xf32> to vector<1x16xf32>
        tpu.vector_store %arg15[%swap3A, %swap3A_401], %swap3A_404 {strides = array<i32>} : memref<40x128xf32, #tpu.memory_space<vmem>>, vector<1x16xf32>,
        %get3A_405 = arith.index_cast %scan3A_392 : i32 to index
        %get3A_406 = arith.constant 16 : index
        %get3A_407 = tpu.vector_load %arg15[%get3A_405, %get3A_406] {strides = array<i32>} : memref<40x128xf32, #tpu.memory_space<vmem>>, vector<1x16xf32>,
        %get3A_408 = vector.shape_cast %get3A_407 : vector<1x16xf32> to vector<16xf32>
        %get3A_409 = arith.index_cast %scan3A_392 : i32 to index
        %get3A_410 = arith.constant 16 : index
        %get3A_411 = tpu.vector_load %arg18[%get3A_409, %get3A_410] {strides = array<i32>} : memref<40x128xf32, #tpu.memory_space<vmem>>, vector<1x16xf32>,
        %get3A_412 = vector.shape_cast %get3A_411 : vector<1x16xf32> to vector<16xf32>
        %mul3A_413 = arith.mulf %get3A_408, %get3A_412 : vector<16xf32>
        %swap3A_414 = arith.index_cast %scan3A_392 : i32 to index
        %swap3A_415 = arith.constant 16 : index
        %swap3A_416 = tpu.vector_load %arg15[%swap3A_414, %swap3A_415] {strides = array<i32>} : memref<40x128xf32, #tpu.memory_space<vmem>>, vector<1x16xf32>,
        %swap3A_417 = vector.shape_cast %swap3A_416 : vector<1x16xf32> to vector<16xf32>
        %swap3A_418 = vector.shape_cast %mul3A_413 : vector<16xf32> to vector<1x16xf32>
        tpu.vector_store %arg15[%swap3A_414, %swap3A_415], %swap3A_418 {strides = array<i32>} : memref<40x128xf32, #tpu.memory_space<vmem>>, vector<1x16xf32>,
        %get3A_419 = arith.index_cast %scan3A_392 : i32 to index
        %get3A_420 = arith.constant 32 : index
        %get3A_421 = tpu.vector_load %arg15[%get3A_419, %get3A_420] {strides = array<i32>} : memref<40x128xf32, #tpu.memory_space<vmem>>, vector<1x16xf32>,
        %get3A_422 = vector.shape_cast %get3A_421 : vector<1x16xf32> to vector<16xf32>
        %get3A_423 = arith.index_cast %scan3A_392 : i32 to index
        %get3A_424 = arith.constant 32 : index
        %get3A_425 = tpu.vector_load %arg18[%get3A_423, %get3A_424] {strides = array<i32>} : memref<40x128xf32, #tpu.memory_space<vmem>>, vector<1x16xf32>,
        %get3A_426 = vector.shape_cast %get3A_425 : vector<1x16xf32> to vector<16xf32>
        %mul3A_427 = arith.mulf %get3A_422, %get3A_426 : vector<16xf32>
        %swap3A_428 = arith.index_cast %scan3A_392 : i32 to index
        %swap3A_429 = arith.constant 32 : index
        %swap3A_430 = tpu.vector_load %arg15[%swap3A_428, %swap3A_429] {strides = array<i32>} : memref<40x128xf32, #tpu.memory_space<vmem>>, vector<1x16xf32>,
        %swap3A_431 = vector.shape_cast %swap3A_430 : vector<1x16xf32> to vector<16xf32>
        %swap3A_432 = vector.shape_cast %mul3A_427 : vector<16xf32> to vector<1x16xf32>
        tpu.vector_store %arg15[%swap3A_428, %swap3A_429], %swap3A_432 {strides = array<i32>} : memref<40x128xf32, #tpu.memory_space<vmem>>, vector<1x16xf32>,
        %get3A_433 = arith.index_cast %scan3A_392 : i32 to index
        %get3A_434 = arith.constant 48 : index
        %get3A_435 = tpu.vector_load %arg15[%get3A_433, %get3A_434] {strides = array<i32>} : memref<40x128xf32, #tpu.memory_space<vmem>>, vector<1x16xf32>,
        %get3A_436 = vector.shape_cast %get3A_435 : vector<1x16xf32> to vector<16xf32>
        %get3A_437 = arith.index_cast %scan3A_392 : i32 to index
        %get3A_438 = arith.constant 48 : index
        %get3A_439 = tpu.vector_load %arg18[%get3A_437, %get3A_438] {strides = array<i32>} : memref<40x128xf32, #tpu.memory_space<vmem>>, vector<1x16xf32>,
        %get3A_440 = vector.shape_cast %get3A_439 : vector<1x16xf32> to vector<16xf32>
        %mul3A_441 = arith.mulf %get3A_436, %get3A_440 : vector<16xf32>
        %swap3A_442 = arith.index_cast %scan3A_392 : i32 to index
        %swap3A_443 = arith.constant 48 : index
        %swap3A_444 = tpu.vector_load %arg15[%swap3A_442, %swap3A_443] {strides = array<i32>} : memref<40x128xf32, #tpu.memory_space<vmem>>, vector<1x16xf32>,
        %swap3A_445 = vector.shape_cast %swap3A_444 : vector<1x16xf32> to vector<16xf32>
        %swap3A_446 = vector.shape_cast %mul3A_441 : vector<16xf32> to vector<1x16xf32>
        tpu.vector_store %arg15[%swap3A_442, %swap3A_443], %swap3A_446 {strides = array<i32>} : memref<40x128xf32, #tpu.memory_space<vmem>>, vector<1x16xf32>,
        %get3A_447 = arith.index_cast %scan3A_392 : i32 to index
        %get3A_448 = arith.constant 64 : index
        %get3A_449 = tpu.vector_load %arg15[%get3A_447, %get3A_448] {strides = array<i32>} : memref<40x128xf32, #tpu.memory_space<vmem>>, vector<1x16xf32>,
        %get3A_450 = vector.shape_cast %get3A_449 : vector<1x16xf32> to vector<16xf32>
        %get3A_451 = arith.index_cast %scan3A_392 : i32 to index
        %get3A_452 = arith.constant 64 : index
        %get3A_453 = tpu.vector_load %arg18[%get3A_451, %get3A_452] {strides = array<i32>} : memref<40x128xf32, #tpu.memory_space<vmem>>, vector<1x16xf32>,
        %get3A_454 = vector.shape_cast %get3A_453 : vector<1x16xf32> to vector<16xf32>
        %mul3A_455 = arith.mulf %get3A_450, %get3A_454 : vector<16xf32>
        %swap3A_456 = arith.index_cast %scan3A_392 : i32 to index
        %swap3A_457 = arith.constant 64 : index
        %swap3A_458 = tpu.vector_load %arg15[%swap3A_456, %swap3A_457] {strides = array<i32>} : memref<40x128xf32, #tpu.memory_space<vmem>>, vector<1x16xf32>,
        %swap3A_459 = vector.shape_cast %swap3A_458 : vector<1x16xf32> to vector<16xf32>
        %swap3A_460 = vector.shape_cast %mul3A_455 : vector<16xf32> to vector<1x16xf32>
        tpu.vector_store %arg15[%swap3A_456, %swap3A_457], %swap3A_460 {strides = array<i32>} : memref<40x128xf32, #tpu.memory_space<vmem>>, vector<1x16xf32>,
        %get3A_461 = arith.index_cast %scan3A_392 : i32 to index
        %get3A_462 = arith.constant 80 : index
        %get3A_463 = tpu.vector_load %arg15[%get3A_461, %get3A_462] {strides = array<i32>} : memref<40x128xf32, #tpu.memory_space<vmem>>, vector<1x16xf32>,
        %get3A_464 = vector.shape_cast %get3A_463 : vector<1x16xf32> to vector<16xf32>
        %get3A_465 = arith.index_cast %scan3A_392 : i32 to index
        %get3A_466 = arith.constant 80 : index
        %get3A_467 = tpu.vector_load %arg18[%get3A_465, %get3A_466] {strides = array<i32>} : memref<40x128xf32, #tpu.memory_space<vmem>>, vector<1x16xf32>,
        %get3A_468 = vector.shape_cast %get3A_467 : vector<1x16xf32> to vector<16xf32>
        %mul3A_469 = arith.mulf %get3A_464, %get3A_468 : vector<16xf32>
        %swap3A_470 = arith.index_cast %scan3A_392 : i32 to index
        %swap3A_471 = arith.constant 80 : index
        %swap3A_472 = tpu.vector_load %arg15[%swap3A_470, %swap3A_471] {strides = array<i32>} : memref<40x128xf32, #tpu.memory_space<vmem>>, vector<1x16xf32>,
        %swap3A_473 = vector.shape_cast %swap3A_472 : vector<1x16xf32> to vector<16xf32>
        %swap3A_474 = vector.shape_cast %mul3A_469 : vector<16xf32> to vector<1x16xf32>
        tpu.vector_store %arg15[%swap3A_470, %swap3A_471], %swap3A_474 {strides = array<i32>} : memref<40x128xf32, #tpu.memory_space<vmem>>, vector<1x16xf32>,
        %get3A_475 = arith.index_cast %scan3A_392 : i32 to index
        %get3A_476 = arith.constant 96 : index
        %get3A_477 = tpu.vector_load %arg15[%get3A_475, %get3A_476] {strides = array<i32>} : memref<40x128xf32, #tpu.memory_space<vmem>>, vector<1x16xf32>,
        %get3A_478 = vector.shape_cast %get3A_477 : vector<1x16xf32> to vector<16xf32>
        %get3A_479 = arith.index_cast %scan3A_392 : i32 to index
        %get3A_480 = arith.constant 96 : index
        %get3A_481 = tpu.vector_load %arg18[%get3A_479, %get3A_480] {strides = array<i32>} : memref<40x128xf32, #tpu.memory_space<vmem>>, vector<1x16xf32>,
        %get3A_482 = vector.shape_cast %get3A_481 : vector<1x16xf32> to vector<16xf32>
        %mul3A_483 = arith.mulf %get3A_478, %get3A_482 : vector<16xf32>
        %swap3A_484 = arith.index_cast %scan3A_392 : i32 to index
        %swap3A_485 = arith.constant 96 : index
        %swap3A_486 = tpu.vector_load %arg15[%swap3A_484, %swap3A_485] {strides = array<i32>} : memref<40x128xf32, #tpu.memory_space<vmem>>, vector<1x16xf32>,
        %swap3A_487 = vector.shape_cast %swap3A_486 : vector<1x16xf32> to vector<16xf32>
        %swap3A_488 = vector.shape_cast %mul3A_483 : vector<16xf32> to vector<1x16xf32>
        tpu.vector_store %arg15[%swap3A_484, %swap3A_485], %swap3A_488 {strides = array<i32>} : memref<40x128xf32, #tpu.memory_space<vmem>>, vector<1x16xf32>,
        %get3A_489 = arith.index_cast %scan3A_392 : i32 to index
        %get3A_490 = arith.constant 112 : index
        %get3A_491 = tpu.vector_load %arg15[%get3A_489, %get3A_490] {strides = array<i32>} : memref<40x128xf32, #tpu.memory_space<vmem>>, vector<1x16xf32>,
        %get3A_492 = vector.shape_cast %get3A_491 : vector<1x16xf32> to vector<16xf32>
        %get3A_493 = arith.index_cast %scan3A_392 : i32 to index
        %get3A_494 = arith.constant 112 : index
        %get3A_495 = tpu.vector_load %arg18[%get3A_493, %get3A_494] {strides = array<i32>} : memref<40x128xf32, #tpu.memory_space<vmem>>, vector<1x16xf32>,
        %get3A_496 = vector.shape_cast %get3A_495 : vector<1x16xf32> to vector<16xf32>
        %mul3A_497 = arith.mulf %get3A_492, %get3A_496 : vector<16xf32>
        %swap3A_498 = arith.index_cast %scan3A_392 : i32 to index
        %swap3A_499 = arith.constant 112 : index
        %swap3A_500 = tpu.vector_load %arg15[%swap3A_498, %swap3A_499] {strides = array<i32>} : memref<40x128xf32, #tpu.memory_space<vmem>>, vector<1x16xf32>,
        %swap3A_501 = vector.shape_cast %swap3A_500 : vector<1x16xf32> to vector<16xf32>
        %swap3A_502 = vector.shape_cast %mul3A_497 : vector<16xf32> to vector<1x16xf32>
        tpu.vector_store %arg15[%swap3A_498, %swap3A_499], %swap3A_502 {strides = array<i32>} : memref<40x128xf32, #tpu.memory_space<vmem>>, vector<1x16xf32>,
      }
      %scan3A_259 = arith.constant 40 : i32
      %dma_wait3A_260 = arith.constant 1 : i32
      %dma_wait3A_261 = arith.constant 0 : i32
      %dma_wait3A_262 = arith.constant 0 : i32
      %dma_wait3A_263 = tpu.memref_slice %arg4[%add3A, %add3A_232, %dma_wait3A_261, %dma_wait3A_262] : memref<32x250x1x40xi32, #tpu.memory_space<hbm>> -> memref<1x1x1x40xi32, #tpu.memory_space<hbm>>
      %dma_wait3A_264 = tpu.memref_squeeze %dma_wait3A_263 : memref<1x1x1x40xi32, #tpu.memory_space<hbm>> -> memref<1x40xi32, #tpu.memory_space<hbm>>
      %dma_wait3A_265 = tpu.memref_slice %arg12[%dma_wait3A_260] : memref<3x!tpu.dma_semaphore, #tpu.memory_space<semaphore_mem>> -> memref<1x!tpu.dma_semaphore, #tpu.memory_space<semaphore_mem>>
      %dma_wait3A_266 = tpu.memref_squeeze %dma_wait3A_265 : memref<1x!tpu.dma_semaphore, #tpu.memory_space<semaphore_mem>> -> memref<!tpu.dma_semaphore, #tpu.memory_space<semaphore_mem>>
      %dma_wait3A_267 = arith.constant 0 : i32
      %dma_wait3A_268 = arith.constant 0 : i32
      %dma_wait3A_269 = tpu.memref_slice %arg4[%add3A, %add3A_232, %dma_wait3A_267, %dma_wait3A_268] : memref<32x250x1x40xi32, #tpu.memory_space<hbm>> -> memref<1x1x1x40xi32, #tpu.memory_space<hbm>>
      %dma_wait3A_270 = tpu.memref_squeeze %dma_wait3A_269 : memref<1x1x1x40xi32, #tpu.memory_space<hbm>> -> memref<1x40xi32, #tpu.memory_space<hbm>>
      tpu.wait_dma2 semaphore(%dma_wait3A_266 : memref<!tpu.dma_semaphore, #tpu.memory_space<semaphore_mem>>) src(%dma_wait3A_270 : memref<1x40xi32, #tpu.memory_space<hbm>>) dst(%arg21 : memref<1x40xi32, #tpu.memory_space<vmem>>)
      %dma_wait3A_271 = arith.constant 0 : i32
      %dma_wait3A_272 = arith.constant 0 : i32
      %dma_wait3A_273 = arith.constant 0 : i32
      %dma_wait3A_274 = tpu.memref_slice %arg20[%dma_wait3A_271, %dma_wait3A_273] : memref<1x40xi32, #tpu.memory_space<vmem>> -> memref<1x40xi32, #tpu.memory_space<vmem>>
      %dma_wait3A_275 = tpu.memref_squeeze %dma_wait3A_274 : memref<1x40xi32, #tpu.memory_space<vmem>> -> memref<40xi32, #tpu.memory_space<vmem>>
      %dma_wait3A_276 = arith.constant 0 : i32
      %dma_wait3A_277 = arith.constant 0 : i32
      %dma_wait3A_278 = tpu.memref_slice %arg9[%dma_wait3A_276, %dma_wait3A_277] : memref<10240x128xf32, #tpu.memory_space<vmem_shared>> -> memref<10240x128xf32, #tpu.memory_space<vmem_shared>>
      %dma_wait3A_279 = tpu.memref_slice %arg13[%dma_wait3A_272] : memref<3x!tpu.dma_semaphore, #tpu.memory_space<semaphore_mem>> -> memref<1x!tpu.dma_semaphore, #tpu.memory_space<semaphore_mem>>
      %dma_wait3A_280 = tpu.memref_squeeze %dma_wait3A_279 : memref<1x!tpu.dma_semaphore, #tpu.memory_space<semaphore_mem>> -> memref<!tpu.dma_semaphore, #tpu.memory_space<semaphore_mem>>
      tpu.wait_indirect_dma semaphore(%dma_wait3A_280 : memref<!tpu.dma_semaphore, #tpu.memory_space<semaphore_mem>>) src(%arg14 : memref<40x128xf32, #tpu.memory_space<vmem>>) dst(%dma_wait3A_278 : memref<10240x128xf32, #tpu.memory_space<vmem_shared>>)
      %dma_start3A_281 = arith.constant 0 : i32
      %dma_start3A_282 = arith.constant 1 : i32
      %dma_start3A_283 = arith.constant 0 : i32
      %dma_start3A_284 = tpu.memref_slice %arg21[%dma_start3A_281, %dma_start3A_283] : memref<1x40xi32, #tpu.memory_space<vmem>> -> memref<1x40xi32, #tpu.memory_space<vmem>>
      %dma_start3A_285 = tpu.memref_squeeze %dma_start3A_284 : memref<1x40xi32, #tpu.memory_space<vmem>> -> memref<40xi32, #tpu.memory_space<vmem>>
      %dma_start3A_286 = arith.constant 0 : i32
      %dma_start3A_287 = arith.constant 0 : i32
      %dma_start3A_288 = tpu.memref_slice %arg9[%dma_start3A_286, %dma_start3A_287] : memref<10240x128xf32, #tpu.memory_space<vmem_shared>> -> memref<10240x128xf32, #tpu.memory_space<vmem_shared>>
      %dma_start3A_289 = tpu.memref_slice %arg13[%dma_start3A_282] : memref<3x!tpu.dma_semaphore, #tpu.memory_space<semaphore_mem>> -> memref<1x!tpu.dma_semaphore, #tpu.memory_space<semaphore_mem>>
      %dma_start3A_290 = tpu.memref_squeeze %dma_start3A_289 : memref<1x!tpu.dma_semaphore, #tpu.memory_space<semaphore_mem>> -> memref<!tpu.dma_semaphore, #tpu.memory_space<semaphore_mem>>
      tpu.enqueue_indirect_dma source(%arg15 : memref<40x128xf32, #tpu.memory_space<vmem>>) target(%dma_start3A_288 : memref<10240x128xf32, #tpu.memory_space<vmem_shared>>) offsets(%dma_start3A_285 : memref<40xi32, #tpu.memory_space<vmem>>) semaphore(%dma_start3A_290 : memref<!tpu.dma_semaphore, #tpu.memory_space<semaphore_mem>>) {add = true}
      %add3A_291 = arith.constant 3 : i32
      %add3A_292 = arith.addi %add3A_232, %add3A_291 : i32
      %sub3A = arith.constant 1 : i32
      %sub3A_293 = arith.subi %add3A_292, %sub3A : i32
      %mul3A_294 = arith.constant 10000 : i32
      %mul3A_295 = arith.muli %add3A, %mul3A_294 : i32
      %mul3A_296 = arith.constant 40 : i32
      %mul3A_297 = arith.muli %sub3A_293, %mul3A_296 : i32
      %add3A_298 = arith.addi %mul3A_295, %mul3A_297 : i32
      %mul3A_299 = arith.constant 40 : i32
      %mul3A_300 = arith.muli %sub3A_293, %mul3A_299 : i32
      %dma_start3A_301 = arith.constant 0 : i32
      %dma_start3A_302 = tpu.memref_slice %arg8[%mul3A_300] : memref<10000xi32, #tpu.memory_space<vmem>> -> memref<40xi32, #tpu.memory_space<vmem>>
      %dma_start3A_303 = arith.constant 0 : i32
      %dma_start3A_304 = arith.constant 0 : i32
      %dma_start3A_305 = tpu.memref_slice %arg2[%dma_start3A_303, %dma_start3A_304] : memref<10240x128xf32, #tpu.memory_space<hbm>> -> memref<10240x128xf32, #tpu.memory_space<hbm>>
      %dma_start3A_306 = tpu.memref_slice %arg10[%dma_start3A_301] : memref<3x!tpu.dma_semaphore, #tpu.memory_space<semaphore_mem>> -> memref<1x!tpu.dma_semaphore, #tpu.memory_space<semaphore_mem>>
      %dma_start3A_307 = tpu.memref_squeeze %dma_start3A_306 : memref<1x!tpu.dma_semaphore, #tpu.memory_space<semaphore_mem>> -> memref<!tpu.dma_semaphore, #tpu.memory_space<semaphore_mem>>
      tpu.enqueue_indirect_dma source(%dma_start3A_305 : memref<10240x128xf32, #tpu.memory_space<hbm>>) target(%arg14 : memref<40x128xf32, #tpu.memory_space<vmem>>) offsets(%dma_start3A_302 : memref<40xi32, #tpu.memory_space<vmem>>) semaphore(%dma_start3A_307 : memref<!tpu.dma_semaphore, #tpu.memory_space<semaphore_mem>>)
      %dma_start3A_308 = arith.constant 0 : i32
      %dma_start3A_309 = arith.constant 0 : i32
      %dma_start3A_310 = tpu.memref_slice %arg3[%add3A_298, %dma_start3A_309] : memref<320000x128xf32, #tpu.memory_space<hbm>> -> memref<40x128xf32, #tpu.memory_space<hbm>>
      %dma_start3A_311 = tpu.memref_slice %arg11[%dma_start3A_308] : memref<3x!tpu.dma_semaphore, #tpu.memory_space<semaphore_mem>> -> memref<1x!tpu.dma_semaphore, #tpu.memory_space<semaphore_mem>>
      %dma_start3A_312 = tpu.memref_squeeze %dma_start3A_311 : memref<1x!tpu.dma_semaphore, #tpu.memory_space<semaphore_mem>> -> memref<!tpu.dma_semaphore, #tpu.memory_space<semaphore_mem>>
      %dma_start3A_313 = arith.constant 0 : i32
      %dma_start3A_314 = tpu.memref_slice %arg3[%add3A_298, %dma_start3A_313] : memref<320000x128xf32, #tpu.memory_space<hbm>> -> memref<40x128xf32, #tpu.memory_space<hbm>>
      tpu.enqueue_dma source(%dma_start3A_314 : memref<40x128xf32, #tpu.memory_space<hbm>>) target(%arg17 : memref<40x128xf32, #tpu.memory_space<vmem>>) target_semaphore(%dma_start3A_312 : memref<!tpu.dma_semaphore, #tpu.memory_space<semaphore_mem>>)
      %dma_start3A_315 = arith.constant 0 : i32
      %dma_start3A_316 = arith.constant 0 : i32
      %dma_start3A_317 = arith.constant 0 : i32
      %dma_start3A_318 = tpu.memref_slice %arg4[%add3A, %sub3A_293, %dma_start3A_316, %dma_start3A_317] : memref<32x250x1x40xi32, #tpu.memory_space<hbm>> -> memref<1x1x1x40xi32, #tpu.memory_space<hbm>>
      %dma_start3A_319 = tpu.memref_squeeze %dma_start3A_318 : memref<1x1x1x40xi32, #tpu.memory_space<hbm>> -> memref<1x40xi32, #tpu.memory_space<hbm>>
      %dma_start3A_320 = tpu.memref_slice %arg12[%dma_start3A_315] : memref<3x!tpu.dma_semaphore, #tpu.memory_space<semaphore_mem>> -> memref<1x!tpu.dma_semaphore, #tpu.memory_space<semaphore_mem>>
      %dma_start3A_321 = tpu.memref_squeeze %dma_start3A_320 : memref<1x!tpu.dma_semaphore, #tpu.memory_space<semaphore_mem>> -> memref<!tpu.dma_semaphore, #tpu.memory_space<semaphore_mem>>
      %dma_start3A_322 = arith.constant 0 : i32
      %dma_start3A_323 = arith.constant 0 : i32
      %dma_start3A_324 = tpu.memref_slice %arg4[%add3A, %sub3A_293, %dma_start3A_322, %dma_start3A_323] : memref<32x250x1x40xi32, #tpu.memory_space<hbm>> -> memref<1x1x1x40xi32, #tpu.memory_space<hbm>>
      %dma_start3A_325 = tpu.memref_squeeze %dma_start3A_324 : memref<1x1x1x40xi32, #tpu.memory_space<hbm>> -> memref<1x40xi32, #tpu.memory_space<hbm>>
      tpu.enqueue_dma source(%dma_start3A_325 : memref<1x40xi32, #tpu.memory_space<hbm>>) target(%arg20 : memref<1x40xi32, #tpu.memory_space<vmem>>) target_semaphore(%dma_start3A_321 : memref<!tpu.dma_semaphore, #tpu.memory_space<semaphore_mem>>)
      %mul3A_326 = arith.constant 3 : i32
      %mul3A_327 = arith.muli %scan3A_169, %mul3A_326 : i32
      %add3A_328 = arith.constant 2 : i32
      %add3A_329 = arith.addi %mul3A_327, %add3A_328 : i32
      %mul3A_330 = arith.constant 40 : i32
      %mul3A_331 = arith.muli %add3A_329, %mul3A_330 : i32
      %dma_wait3A_332 = arith.constant 2 : i32
      %dma_wait3A_333 = tpu.memref_slice %arg8[%mul3A_331] : memref<10000xi32, #tpu.memory_space<vmem>> -> memref<40xi32, #tpu.memory_space<vmem>>
      %dma_wait3A_334 = arith.constant 0 : i32
      %dma_wait3A_335 = arith.constant 0 : i32
      %dma_wait3A_336 = tpu.memref_slice %arg2[%dma_wait3A_334, %dma_wait3A_335] : memref<10240x128xf32, #tpu.memory_space<hbm>> -> memref<10240x128xf32, #tpu.memory_space<hbm>>
      %dma_wait3A_337 = tpu.memref_slice %arg10[%dma_wait3A_332] : memref<3x!tpu.dma_semaphore, #tpu.memory_space<semaphore_mem>> -> memref<1x!tpu.dma_semaphore, #tpu.memory_space<semaphore_mem>>
      %dma_wait3A_338 = tpu.memref_squeeze %dma_wait3A_337 : memref<1x!tpu.dma_semaphore, #tpu.memory_space<semaphore_mem>> -> memref<!tpu.dma_semaphore, #tpu.memory_space<semaphore_mem>>
      tpu.wait_indirect_dma semaphore(%dma_wait3A_338 : memref<!tpu.dma_semaphore, #tpu.memory_space<semaphore_mem>>) src(%dma_wait3A_336 : memref<10240x128xf32, #tpu.memory_space<hbm>>) dst(%arg16 : memref<40x128xf32, #tpu.memory_space<vmem>>)
      %mul3A_339 = arith.constant 10000 : i32
      %mul3A_340 = arith.muli %add3A, %mul3A_339 : i32
      %mul3A_341 = arith.constant 40 : i32
      %mul3A_342 = arith.muli %add3A_329, %mul3A_341 : i32
      %add3A_343 = arith.addi %mul3A_340, %mul3A_342 : i32
      %dma_wait3A_344 = arith.constant 2 : i32
      %dma_wait3A_345 = arith.constant 0 : i32
      %dma_wait3A_346 = tpu.memref_slice %arg3[%add3A_343, %dma_wait3A_345] : memref<320000x128xf32, #tpu.memory_space<hbm>> -> memref<40x128xf32, #tpu.memory_space<hbm>>
      %dma_wait3A_347 = tpu.memref_slice %arg11[%dma_wait3A_344] : memref<3x!tpu.dma_semaphore, #tpu.memory_space<semaphore_mem>> -> memref<1x!tpu.dma_semaphore, #tpu.memory_space<semaphore_mem>>
      %dma_wait3A_348 = tpu.memref_squeeze %dma_wait3A_347 : memref<1x!tpu.dma_semaphore, #tpu.memory_space<semaphore_mem>> -> memref<!tpu.dma_semaphore, #tpu.memory_space<semaphore_mem>>
      %dma_wait3A_349 = arith.constant 0 : i32
      %dma_wait3A_350 = tpu.memref_slice %arg3[%add3A_343, %dma_wait3A_349] : memref<320000x128xf32, #tpu.memory_space<hbm>> -> memref<40x128xf32, #tpu.memory_space<hbm>>
      tpu.wait_dma2 semaphore(%dma_wait3A_348 : memref<!tpu.dma_semaphore, #tpu.memory_space<semaphore_mem>>) src(%dma_wait3A_350 : memref<40x128xf32, #tpu.memory_space<hbm>>) dst(%arg19 : memref<40x128xf32, #tpu.memory_space<vmem>>)
      %scan3A_351 = arith.constant 0 : i32
      %scan3A_352 = arith.constant 0 : i32
      %scan3A_353 = arith.constant 40 : i32
      %scan3A_354 = arith.addi %scan3A_352, %scan3A_353 : i32
      %scan3A_355 = arith.constant 1 : i32
      scf.for %scan3A_392 = %scan3A_352 to %scan3A_354 step %scan3A_355  : i32 {
        %get3A = arith.index_cast %scan3A_392 : i32 to index
        %get3A_393 = arith.constant 0 : index
        %get3A_394 = tpu.vector_load %arg16[%get3A, %get3A_393] {strides = array<i32>} : memref<40x128xf32, #tpu.memory_space<vmem>>, vector<1x16xf32>,
        %get3A_395 = vector.shape_cast %get3A_394 : vector<1x16xf32> to vector<16xf32>
        %get3A_396 = arith.index_cast %scan3A_392 : i32 to index
        %get3A_397 = arith.constant 0 : index
        %get3A_398 = tpu.vector_load %arg19[%get3A_396, %get3A_397] {strides = array<i32>} : memref<40x128xf32, #tpu.memory_space<vmem>>, vector<1x16xf32>,
        %get3A_399 = vector.shape_cast %get3A_398 : vector<1x16xf32> to vector<16xf32>
        %mul3A_400 = arith.mulf %get3A_395, %get3A_399 : vector<16xf32>
        %swap3A = arith.index_cast %scan3A_392 : i32 to index
        %swap3A_401 = arith.constant 0 : index
        %swap3A_402 = tpu.vector_load %arg16[%swap3A, %swap3A_401] {strides = array<i32>} : memref<40x128xf32, #tpu.memory_space<vmem>>, vector<1x16xf32>,
        %swap3A_403 = vector.shape_cast %swap3A_402 : vector<1x16xf32> to vector<16xf32>
        %swap3A_404 = vector.shape_cast %mul3A_400 : vector<16xf32> to vector<1x16xf32>
        tpu.vector_store %arg16[%swap3A, %swap3A_401], %swap3A_404 {strides = array<i32>} : memref<40x128xf32, #tpu.memory_space<vmem>>, vector<1x16xf32>,
        %get3A_405 = arith.index_cast %scan3A_392 : i32 to index
        %get3A_406 = arith.constant 16 : index
        %get3A_407 = tpu.vector_load %arg16[%get3A_405, %get3A_406] {strides = array<i32>} : memref<40x128xf32, #tpu.memory_space<vmem>>, vector<1x16xf32>,
        %get3A_408 = vector.shape_cast %get3A_407 : vector<1x16xf32> to vector<16xf32>
        %get3A_409 = arith.index_cast %scan3A_392 : i32 to index
        %get3A_410 = arith.constant 16 : index
        %get3A_411 = tpu.vector_load %arg19[%get3A_409, %get3A_410] {strides = array<i32>} : memref<40x128xf32, #tpu.memory_space<vmem>>, vector<1x16xf32>,
        %get3A_412 = vector.shape_cast %get3A_411 : vector<1x16xf32> to vector<16xf32>
        %mul3A_413 = arith.mulf %get3A_408, %get3A_412 : vector<16xf32>
        %swap3A_414 = arith.index_cast %scan3A_392 : i32 to index
        %swap3A_415 = arith.constant 16 : index
        %swap3A_416 = tpu.vector_load %arg16[%swap3A_414, %swap3A_415] {strides = array<i32>} : memref<40x128xf32, #tpu.memory_space<vmem>>, vector<1x16xf32>,
        %swap3A_417 = vector.shape_cast %swap3A_416 : vector<1x16xf32> to vector<16xf32>
        %swap3A_418 = vector.shape_cast %mul3A_413 : vector<16xf32> to vector<1x16xf32>
        tpu.vector_store %arg16[%swap3A_414, %swap3A_415], %swap3A_418 {strides = array<i32>} : memref<40x128xf32, #tpu.memory_space<vmem>>, vector<1x16xf32>,
        %get3A_419 = arith.index_cast %scan3A_392 : i32 to index
        %get3A_420 = arith.constant 32 : index
        %get3A_421 = tpu.vector_load %arg16[%get3A_419, %get3A_420] {strides = array<i32>} : memref<40x128xf32, #tpu.memory_space<vmem>>, vector<1x16xf32>,
        %get3A_422 = vector.shape_cast %get3A_421 : vector<1x16xf32> to vector<16xf32>
        %get3A_423 = arith.index_cast %scan3A_392 : i32 to index
        %get3A_424 = arith.constant 32 : index
        %get3A_425 = tpu.vector_load %arg19[%get3A_423, %get3A_424] {strides = array<i32>} : memref<40x128xf32, #tpu.memory_space<vmem>>, vector<1x16xf32>,
        %get3A_426 = vector.shape_cast %get3A_425 : vector<1x16xf32> to vector<16xf32>
        %mul3A_427 = arith.mulf %get3A_422, %get3A_426 : vector<16xf32>
        %swap3A_428 = arith.index_cast %scan3A_392 : i32 to index
        %swap3A_429 = arith.constant 32 : index
        %swap3A_430 = tpu.vector_load %arg16[%swap3A_428, %swap3A_429] {strides = array<i32>} : memref<40x128xf32, #tpu.memory_space<vmem>>, vector<1x16xf32>,
        %swap3A_431 = vector.shape_cast %swap3A_430 : vector<1x16xf32> to vector<16xf32>
        %swap3A_432 = vector.shape_cast %mul3A_427 : vector<16xf32> to vector<1x16xf32>
        tpu.vector_store %arg16[%swap3A_428, %swap3A_429], %swap3A_432 {strides = array<i32>} : memref<40x128xf32, #tpu.memory_space<vmem>>, vector<1x16xf32>,
        %get3A_433 = arith.index_cast %scan3A_392 : i32 to index
        %get3A_434 = arith.constant 48 : index
        %get3A_435 = tpu.vector_load %arg16[%get3A_433, %get3A_434] {strides = array<i32>} : memref<40x128xf32, #tpu.memory_space<vmem>>, vector<1x16xf32>,
        %get3A_436 = vector.shape_cast %get3A_435 : vector<1x16xf32> to vector<16xf32>
        %get3A_437 = arith.index_cast %scan3A_392 : i32 to index
        %get3A_438 = arith.constant 48 : index
        %get3A_439 = tpu.vector_load %arg19[%get3A_437, %get3A_438] {strides = array<i32>} : memref<40x128xf32, #tpu.memory_space<vmem>>, vector<1x16xf32>,
        %get3A_440 = vector.shape_cast %get3A_439 : vector<1x16xf32> to vector<16xf32>
        %mul3A_441 = arith.mulf %get3A_436, %get3A_440 : vector<16xf32>
        %swap3A_442 = arith.index_cast %scan3A_392 : i32 to index
        %swap3A_443 = arith.constant 48 : index
        %swap3A_444 = tpu.vector_load %arg16[%swap3A_442, %swap3A_443] {strides = array<i32>} : memref<40x128xf32, #tpu.memory_space<vmem>>, vector<1x16xf32>,
        %swap3A_445 = vector.shape_cast %swap3A_444 : vector<1x16xf32> to vector<16xf32>
        %swap3A_446 = vector.shape_cast %mul3A_441 : vector<16xf32> to vector<1x16xf32>
        tpu.vector_store %arg16[%swap3A_442, %swap3A_443], %swap3A_446 {strides = array<i32>} : memref<40x128xf32, #tpu.memory_space<vmem>>, vector<1x16xf32>,
        %get3A_447 = arith.index_cast %scan3A_392 : i32 to index
        %get3A_448 = arith.constant 64 : index
        %get3A_449 = tpu.vector_load %arg16[%get3A_447, %get3A_448] {strides = array<i32>} : memref<40x128xf32, #tpu.memory_space<vmem>>, vector<1x16xf32>,
        %get3A_450 = vector.shape_cast %get3A_449 : vector<1x16xf32> to vector<16xf32>
        %get3A_451 = arith.index_cast %scan3A_392 : i32 to index
        %get3A_452 = arith.constant 64 : index
        %get3A_453 = tpu.vector_load %arg19[%get3A_451, %get3A_452] {strides = array<i32>} : memref<40x128xf32, #tpu.memory_space<vmem>>, vector<1x16xf32>,
        %get3A_454 = vector.shape_cast %get3A_453 : vector<1x16xf32> to vector<16xf32>
        %mul3A_455 = arith.mulf %get3A_450, %get3A_454 : vector<16xf32>
        %swap3A_456 = arith.index_cast %scan3A_392 : i32 to index
        %swap3A_457 = arith.constant 64 : index
        %swap3A_458 = tpu.vector_load %arg16[%swap3A_456, %swap3A_457] {strides = array<i32>} : memref<40x128xf32, #tpu.memory_space<vmem>>, vector<1x16xf32>,
        %swap3A_459 = vector.shape_cast %swap3A_458 : vector<1x16xf32> to vector<16xf32>
        %swap3A_460 = vector.shape_cast %mul3A_455 : vector<16xf32> to vector<1x16xf32>
        tpu.vector_store %arg16[%swap3A_456, %swap3A_457], %swap3A_460 {strides = array<i32>} : memref<40x128xf32, #tpu.memory_space<vmem>>, vector<1x16xf32>,
        %get3A_461 = arith.index_cast %scan3A_392 : i32 to index
        %get3A_462 = arith.constant 80 : index
        %get3A_463 = tpu.vector_load %arg16[%get3A_461, %get3A_462] {strides = array<i32>} : memref<40x128xf32, #tpu.memory_space<vmem>>, vector<1x16xf32>,
        %get3A_464 = vector.shape_cast %get3A_463 : vector<1x16xf32> to vector<16xf32>
        %get3A_465 = arith.index_cast %scan3A_392 : i32 to index
        %get3A_466 = arith.constant 80 : index
        %get3A_467 = tpu.vector_load %arg19[%get3A_465, %get3A_466] {strides = array<i32>} : memref<40x128xf32, #tpu.memory_space<vmem>>, vector<1x16xf32>,
        %get3A_468 = vector.shape_cast %get3A_467 : vector<1x16xf32> to vector<16xf32>
        %mul3A_469 = arith.mulf %get3A_464, %get3A_468 : vector<16xf32>
        %swap3A_470 = arith.index_cast %scan3A_392 : i32 to index
        %swap3A_471 = arith.constant 80 : index
        %swap3A_472 = tpu.vector_load %arg16[%swap3A_470, %swap3A_471] {strides = array<i32>} : memref<40x128xf32, #tpu.memory_space<vmem>>, vector<1x16xf32>,
        %swap3A_473 = vector.shape_cast %swap3A_472 : vector<1x16xf32> to vector<16xf32>
        %swap3A_474 = vector.shape_cast %mul3A_469 : vector<16xf32> to vector<1x16xf32>
        tpu.vector_store %arg16[%swap3A_470, %swap3A_471], %swap3A_474 {strides = array<i32>} : memref<40x128xf32, #tpu.memory_space<vmem>>, vector<1x16xf32>,
        %get3A_475 = arith.index_cast %scan3A_392 : i32 to index
        %get3A_476 = arith.constant 96 : index
        %get3A_477 = tpu.vector_load %arg16[%get3A_475, %get3A_476] {strides = array<i32>} : memref<40x128xf32, #tpu.memory_space<vmem>>, vector<1x16xf32>,
        %get3A_478 = vector.shape_cast %get3A_477 : vector<1x16xf32> to vector<16xf32>
        %get3A_479 = arith.index_cast %scan3A_392 : i32 to index
        %get3A_480 = arith.constant 96 : index
        %get3A_481 = tpu.vector_load %arg19[%get3A_479, %get3A_480] {strides = array<i32>} : memref<40x128xf32, #tpu.memory_space<vmem>>, vector<1x16xf32>,
        %get3A_482 = vector.shape_cast %get3A_481 : vector<1x16xf32> to vector<16xf32>
        %mul3A_483 = arith.mulf %get3A_478, %get3A_482 : vector<16xf32>
        %swap3A_484 = arith.index_cast %scan3A_392 : i32 to index
        %swap3A_485 = arith.constant 96 : index
        %swap3A_486 = tpu.vector_load %arg16[%swap3A_484, %swap3A_485] {strides = array<i32>} : memref<40x128xf32, #tpu.memory_space<vmem>>, vector<1x16xf32>,
        %swap3A_487 = vector.shape_cast %swap3A_486 : vector<1x16xf32> to vector<16xf32>
        %swap3A_488 = vector.shape_cast %mul3A_483 : vector<16xf32> to vector<1x16xf32>
        tpu.vector_store %arg16[%swap3A_484, %swap3A_485], %swap3A_488 {strides = array<i32>} : memref<40x128xf32, #tpu.memory_space<vmem>>, vector<1x16xf32>,
        %get3A_489 = arith.index_cast %scan3A_392 : i32 to index
        %get3A_490 = arith.constant 112 : index
        %get3A_491 = tpu.vector_load %arg16[%get3A_489, %get3A_490] {strides = array<i32>} : memref<40x128xf32, #tpu.memory_space<vmem>>, vector<1x16xf32>,
        %get3A_492 = vector.shape_cast %get3A_491 : vector<1x16xf32> to vector<16xf32>
        %get3A_493 = arith.index_cast %scan3A_392 : i32 to index
        %get3A_494 = arith.constant 112 : index
        %get3A_495 = tpu.vector_load %arg19[%get3A_493, %get3A_494] {strides = array<i32>} : memref<40x128xf32, #tpu.memory_space<vmem>>, vector<1x16xf32>,
        %get3A_496 = vector.shape_cast %get3A_495 : vector<1x16xf32> to vector<16xf32>
        %mul3A_497 = arith.mulf %get3A_492, %get3A_496 : vector<16xf32>
        %swap3A_498 = arith.index_cast %scan3A_392 : i32 to index
        %swap3A_499 = arith.constant 112 : index
        %swap3A_500 = tpu.vector_load %arg16[%swap3A_498, %swap3A_499] {strides = array<i32>} : memref<40x128xf32, #tpu.memory_space<vmem>>, vector<1x16xf32>,
        %swap3A_501 = vector.shape_cast %swap3A_500 : vector<1x16xf32> to vector<16xf32>
        %swap3A_502 = vector.shape_cast %mul3A_497 : vector<16xf32> to vector<1x16xf32>
        tpu.vector_store %arg16[%swap3A_498, %swap3A_499], %swap3A_502 {strides = array<i32>} : memref<40x128xf32, #tpu.memory_space<vmem>>, vector<1x16xf32>,
      }
      %scan3A_356 = arith.constant 40 : i32
      %dma_wait3A_357 = arith.constant 2 : i32
      %dma_wait3A_358 = arith.constant 0 : i32
      %dma_wait3A_359 = arith.constant 0 : i32
      %dma_wait3A_360 = tpu.memref_slice %arg4[%add3A, %add3A_329, %dma_wait3A_358, %dma_wait3A_359] : memref<32x250x1x40xi32, #tpu.memory_space<hbm>> -> memref<1x1x1x40xi32, #tpu.memory_space<hbm>>
      %dma_wait3A_361 = tpu.memref_squeeze %dma_wait3A_360 : memref<1x1x1x40xi32, #tpu.memory_space<hbm>> -> memref<1x40xi32, #tpu.memory_space<hbm>>
      %dma_wait3A_362 = tpu.memref_slice %arg12[%dma_wait3A_357] : memref<3x!tpu.dma_semaphore, #tpu.memory_space<semaphore_mem>> -> memref<1x!tpu.dma_semaphore, #tpu.memory_space<semaphore_mem>>
      %dma_wait3A_363 = tpu.memref_squeeze %dma_wait3A_362 : memref<1x!tpu.dma_semaphore, #tpu.memory_space<semaphore_mem>> -> memref<!tpu.dma_semaphore, #tpu.memory_space<semaphore_mem>>
      %dma_wait3A_364 = arith.constant 0 : i32
      %dma_wait3A_365 = arith.constant 0 : i32
      %dma_wait3A_366 = tpu.memref_slice %arg4[%add3A, %add3A_329, %dma_wait3A_364, %dma_wait3A_365] : memref<32x250x1x40xi32, #tpu.memory_space<hbm>> -> memref<1x1x1x40xi32, #tpu.memory_space<hbm>>
      %dma_wait3A_367 = tpu.memref_squeeze %dma_wait3A_366 : memref<1x1x1x40xi32, #tpu.memory_space<hbm>> -> memref<1x40xi32, #tpu.memory_space<hbm>>
      tpu.wait_dma2 semaphore(%dma_wait3A_363 : memref<!tpu.dma_semaphore, #tpu.memory_space<semaphore_mem>>) src(%dma_wait3A_367 : memref<1x40xi32, #tpu.memory_space<hbm>>) dst(%arg22 : memref<1x40xi32, #tpu.memory_space<vmem>>)
      %dma_wait3A_368 = arith.constant 0 : i32
      %dma_wait3A_369 = arith.constant 1 : i32
      %dma_wait3A_370 = arith.constant 0 : i32
      %dma_wait3A_371 = tpu.memref_slice %arg21[%dma_wait3A_368, %dma_wait3A_370] : memref<1x40xi32, #tpu.memory_space<vmem>> -> memref<1x40xi32, #tpu.memory_space<vmem>>
      %dma_wait3A_372 = tpu.memref_squeeze %dma_wait3A_371 : memref<1x40xi32, #tpu.memory_space<vmem>> -> memref<40xi32, #tpu.memory_space<vmem>>
      %dma_wait3A_373 = arith.constant 0 : i32
      %dma_wait3A_374 = arith.constant 0 : i32
      %dma_wait3A_375 = tpu.memref_slice %arg9[%dma_wait3A_373, %dma_wait3A_374] : memref<10240x128xf32, #tpu.memory_space<vmem_shared>> -> memref<10240x128xf32, #tpu.memory_space<vmem_shared>>
      %dma_wait3A_376 = tpu.memref_slice %arg13[%dma_wait3A_369] : memref<3x!tpu.dma_semaphore, #tpu.memory_space<semaphore_mem>> -> memref<1x!tpu.dma_semaphore, #tpu.memory_space<semaphore_mem>>
      %dma_wait3A_377 = tpu.memref_squeeze %dma_wait3A_376 : memref<1x!tpu.dma_semaphore, #tpu.memory_space<semaphore_mem>> -> memref<!tpu.dma_semaphore, #tpu.memory_space<semaphore_mem>>
      tpu.wait_indirect_dma semaphore(%dma_wait3A_377 : memref<!tpu.dma_semaphore, #tpu.memory_space<semaphore_mem>>) src(%arg15 : memref<40x128xf32, #tpu.memory_space<vmem>>) dst(%dma_wait3A_375 : memref<10240x128xf32, #tpu.memory_space<vmem_shared>>)
      %dma_start3A_378 = arith.constant 0 : i32
      %dma_start3A_379 = arith.constant 2 : i32
      %dma_start3A_380 = arith.constant 0 : i32
      %dma_start3A_381 = tpu.memref_slice %arg22[%dma_start3A_378, %dma_start3A_380] : memref<1x40xi32, #tpu.memory_space<vmem>> -> memref<1x40xi32, #tpu.memory_space<vmem>>
      %dma_start3A_382 = tpu.memref_squeeze %dma_start3A_381 : memref<1x40xi32, #tpu.memory_space<vmem>> -> memref<40xi32, #tpu.memory_space<vmem>>
      %dma_start3A_383 = arith.constant 0 : i32
      %dma_start3A_384 = arith.constant 0 : i32
      %dma_start3A_385 = tpu.memref_slice %arg9[%dma_start3A_383, %dma_start3A_384] : memref<10240x128xf32, #tpu.memory_space<vmem_shared>> -> memref<10240x128xf32, #tpu.memory_space<vmem_shared>>
      %dma_start3A_386 = tpu.memref_slice %arg13[%dma_start3A_379] : memref<3x!tpu.dma_semaphore, #tpu.memory_space<semaphore_mem>> -> memref<1x!tpu.dma_semaphore, #tpu.memory_space<semaphore_mem>>
      %dma_start3A_387 = tpu.memref_squeeze %dma_start3A_386 : memref<1x!tpu.dma_semaphore, #tpu.memory_space<semaphore_mem>> -> memref<!tpu.dma_semaphore, #tpu.memory_space<semaphore_mem>>
      tpu.enqueue_indirect_dma source(%arg16 : memref<40x128xf32, #tpu.memory_space<vmem>>) target(%dma_start3A_385 : memref<10240x128xf32, #tpu.memory_space<vmem_shared>>) offsets(%dma_start3A_382 : memref<40xi32, #tpu.memory_space<vmem>>) semaphore(%dma_start3A_387 : memref<!tpu.dma_semaphore, #tpu.memory_space<semaphore_mem>>) {add = true}
      %lt3A = arith.constant 82 : i32
      %lt3A_388 = arith.cmpi slt, %scan3A_169, %lt3A : i32
      %convert_element_type3A_389 = arith.extui %lt3A_388 : i1 to i32
      %cond3A_390 = arith.constant 0 : i32
      %cond3A_391 = arith.cmpi ne, %convert_element_type3A_389, %cond3A_390 : i32
      scf.if %cond3A_391 {
        %add3A_392 = arith.constant 3 : i32
        %add3A_393 = arith.addi %add3A_329, %add3A_392 : i32
        %sub3A_394 = arith.constant 1 : i32
        %sub3A_395 = arith.subi %add3A_393, %sub3A_394 : i32
        %mul3A_396 = arith.constant 10000 : i32
        %mul3A_397 = arith.muli %add3A, %mul3A_396 : i32
        %mul3A_398 = arith.constant 40 : i32
        %mul3A_399 = arith.muli %sub3A_395, %mul3A_398 : i32
        %add3A_400 = arith.addi %mul3A_397, %mul3A_399 : i32
        %mul3A_401 = arith.constant 40 : i32
        %mul3A_402 = arith.muli %sub3A_395, %mul3A_401 : i32
        %dma_start3A_403 = arith.constant 1 : i32
        %dma_start3A_404 = tpu.memref_slice %arg8[%mul3A_402] : memref<10000xi32, #tpu.memory_space<vmem>> -> memref<40xi32, #tpu.memory_space<vmem>>
        %dma_start3A_405 = arith.constant 0 : i32
        %dma_start3A_406 = arith.constant 0 : i32
        %dma_start3A_407 = tpu.memref_slice %arg2[%dma_start3A_405, %dma_start3A_406] : memref<10240x128xf32, #tpu.memory_space<hbm>> -> memref<10240x128xf32, #tpu.memory_space<hbm>>
        %dma_start3A_408 = tpu.memref_slice %arg10[%dma_start3A_403] : memref<3x!tpu.dma_semaphore, #tpu.memory_space<semaphore_mem>> -> memref<1x!tpu.dma_semaphore, #tpu.memory_space<semaphore_mem>>
        %dma_start3A_409 = tpu.memref_squeeze %dma_start3A_408 : memref<1x!tpu.dma_semaphore, #tpu.memory_space<semaphore_mem>> -> memref<!tpu.dma_semaphore, #tpu.memory_space<semaphore_mem>>
        tpu.enqueue_indirect_dma source(%dma_start3A_407 : memref<10240x128xf32, #tpu.memory_space<hbm>>) target(%arg15 : memref<40x128xf32, #tpu.memory_space<vmem>>) offsets(%dma_start3A_404 : memref<40xi32, #tpu.memory_space<vmem>>) semaphore(%dma_start3A_409 : memref<!tpu.dma_semaphore, #tpu.memory_space<semaphore_mem>>)
        %dma_start3A_410 = arith.constant 1 : i32
        %dma_start3A_411 = arith.constant 0 : i32
        %dma_start3A_412 = tpu.memref_slice %arg3[%add3A_400, %dma_start3A_411] : memref<320000x128xf32, #tpu.memory_space<hbm>> -> memref<40x128xf32, #tpu.memory_space<hbm>>
        %dma_start3A_413 = tpu.memref_slice %arg11[%dma_start3A_410] : memref<3x!tpu.dma_semaphore, #tpu.memory_space<semaphore_mem>> -> memref<1x!tpu.dma_semaphore, #tpu.memory_space<semaphore_mem>>
        %dma_start3A_414 = tpu.memref_squeeze %dma_start3A_413 : memref<1x!tpu.dma_semaphore, #tpu.memory_space<semaphore_mem>> -> memref<!tpu.dma_semaphore, #tpu.memory_space<semaphore_mem>>
        %dma_start3A_415 = arith.constant 0 : i32
        %dma_start3A_416 = tpu.memref_slice %arg3[%add3A_400, %dma_start3A_415] : memref<320000x128xf32, #tpu.memory_space<hbm>> -> memref<40x128xf32, #tpu.memory_space<hbm>>
        tpu.enqueue_dma source(%dma_start3A_416 : memref<40x128xf32, #tpu.memory_space<hbm>>) target(%arg18 : memref<40x128xf32, #tpu.memory_space<vmem>>) target_semaphore(%dma_start3A_414 : memref<!tpu.dma_semaphore, #tpu.memory_space<semaphore_mem>>)
        %dma_start3A_417 = arith.constant 1 : i32
        %dma_start3A_418 = arith.constant 0 : i32
        %dma_start3A_419 = arith.constant 0 : i32
        %dma_start3A_420 = tpu.memref_slice %arg4[%add3A, %sub3A_395, %dma_start3A_418, %dma_start3A_419] : memref<32x250x1x40xi32, #tpu.memory_space<hbm>> -> memref<1x1x1x40xi32, #tpu.memory_space<hbm>>
        %dma_start3A_421 = tpu.memref_squeeze %dma_start3A_420 : memref<1x1x1x40xi32, #tpu.memory_space<hbm>> -> memref<1x40xi32, #tpu.memory_space<hbm>>
        %dma_start3A_422 = tpu.memref_slice %arg12[%dma_start3A_417] : memref<3x!tpu.dma_semaphore, #tpu.memory_space<semaphore_mem>> -> memref<1x!tpu.dma_semaphore, #tpu.memory_space<semaphore_mem>>
        %dma_start3A_423 = tpu.memref_squeeze %dma_start3A_422 : memref<1x!tpu.dma_semaphore, #tpu.memory_space<semaphore_mem>> -> memref<!tpu.dma_semaphore, #tpu.memory_space<semaphore_mem>>
        %dma_start3A_424 = arith.constant 0 : i32
        %dma_start3A_425 = arith.constant 0 : i32
        %dma_start3A_426 = tpu.memref_slice %arg4[%add3A, %sub3A_395, %dma_start3A_424, %dma_start3A_425] : memref<32x250x1x40xi32, #tpu.memory_space<hbm>> -> memref<1x1x1x40xi32, #tpu.memory_space<hbm>>
        %dma_start3A_427 = tpu.memref_squeeze %dma_start3A_426 : memref<1x1x1x40xi32, #tpu.memory_space<hbm>> -> memref<1x40xi32, #tpu.memory_space<hbm>>
        tpu.enqueue_dma source(%dma_start3A_427 : memref<1x40xi32, #tpu.memory_space<hbm>>) target(%arg21 : memref<1x40xi32, #tpu.memory_space<vmem>>) target_semaphore(%dma_start3A_423 : memref<!tpu.dma_semaphore, #tpu.memory_space<semaphore_mem>>)
      } else {
      }
    }
    %scan3A_101 = arith.constant 83 : i32
    %dma_wait3A = arith.constant 0 : i32
    %dma_wait3A_102 = arith.constant 9960 : i32
    %dma_wait3A_103 = tpu.memref_slice %arg8[%dma_wait3A_102] : memref<10000xi32, #tpu.memory_space<vmem>> -> memref<40xi32, #tpu.memory_space<vmem>>
    %dma_wait3A_104 = arith.constant 0 : i32
    %dma_wait3A_105 = arith.constant 0 : i32
    %dma_wait3A_106 = tpu.memref_slice %arg2[%dma_wait3A_104, %dma_wait3A_105] : memref<10240x128xf32, #tpu.memory_space<hbm>> -> memref<10240x128xf32, #tpu.memory_space<hbm>>
    %dma_wait3A_107 = tpu.memref_slice %arg10[%dma_wait3A] : memref<3x!tpu.dma_semaphore, #tpu.memory_space<semaphore_mem>> -> memref<1x!tpu.dma_semaphore, #tpu.memory_space<semaphore_mem>>
    %dma_wait3A_108 = tpu.memref_squeeze %dma_wait3A_107 : memref<1x!tpu.dma_semaphore, #tpu.memory_space<semaphore_mem>> -> memref<!tpu.dma_semaphore, #tpu.memory_space<semaphore_mem>>
    tpu.wait_indirect_dma semaphore(%dma_wait3A_108 : memref<!tpu.dma_semaphore, #tpu.memory_space<semaphore_mem>>) src(%dma_wait3A_106 : memref<10240x128xf32, #tpu.memory_space<hbm>>) dst(%arg14 : memref<40x128xf32, #tpu.memory_space<vmem>>)
    %mul3A_109 = arith.constant 10000 : i32
    %mul3A_110 = arith.muli %add3A, %mul3A_109 : i32
    %add3A_111 = arith.constant 9960 : i32
    %add3A_112 = arith.addi %mul3A_110, %add3A_111 : i32
    %dma_wait3A_113 = arith.constant 0 : i32
    %dma_wait3A_114 = arith.constant 0 : i32
    %dma_wait3A_115 = tpu.memref_slice %arg3[%add3A_112, %dma_wait3A_114] : memref<320000x128xf32, #tpu.memory_space<hbm>> -> memref<40x128xf32, #tpu.memory_space<hbm>>
    %dma_wait3A_116 = tpu.memref_slice %arg11[%dma_wait3A_113] : memref<3x!tpu.dma_semaphore, #tpu.memory_space<semaphore_mem>> -> memref<1x!tpu.dma_semaphore, #tpu.memory_space<semaphore_mem>>
    %dma_wait3A_117 = tpu.memref_squeeze %dma_wait3A_116 : memref<1x!tpu.dma_semaphore, #tpu.memory_space<semaphore_mem>> -> memref<!tpu.dma_semaphore, #tpu.memory_space<semaphore_mem>>
    %dma_wait3A_118 = arith.constant 0 : i32
    %dma_wait3A_119 = tpu.memref_slice %arg3[%add3A_112, %dma_wait3A_118] : memref<320000x128xf32, #tpu.memory_space<hbm>> -> memref<40x128xf32, #tpu.memory_space<hbm>>
    tpu.wait_dma2 semaphore(%dma_wait3A_117 : memref<!tpu.dma_semaphore, #tpu.memory_space<semaphore_mem>>) src(%dma_wait3A_119 : memref<40x128xf32, #tpu.memory_space<hbm>>) dst(%arg17 : memref<40x128xf32, #tpu.memory_space<vmem>>)
    %scan3A_120 = arith.constant 0 : i32
    %scan3A_121 = arith.constant 0 : i32
    %scan3A_122 = arith.constant 40 : i32
    %scan3A_123 = arith.addi %scan3A_121, %scan3A_122 : i32
    %scan3A_124 = arith.constant 1 : i32
    scf.for %scan3A_169 = %scan3A_121 to %scan3A_123 step %scan3A_124  : i32 {
      %get3A = arith.index_cast %scan3A_169 : i32 to index
      %get3A_170 = arith.constant 0 : index
      %get3A_171 = tpu.vector_load %arg14[%get3A, %get3A_170] {strides = array<i32>} : memref<40x128xf32, #tpu.memory_space<vmem>>, vector<1x16xf32>,
      %get3A_172 = vector.shape_cast %get3A_171 : vector<1x16xf32> to vector<16xf32>
      %get3A_173 = arith.index_cast %scan3A_169 : i32 to index
      %get3A_174 = arith.constant 0 : index
      %get3A_175 = tpu.vector_load %arg17[%get3A_173, %get3A_174] {strides = array<i32>} : memref<40x128xf32, #tpu.memory_space<vmem>>, vector<1x16xf32>,
      %get3A_176 = vector.shape_cast %get3A_175 : vector<1x16xf32> to vector<16xf32>
      %mul3A_177 = arith.mulf %get3A_172, %get3A_176 : vector<16xf32>
      %swap3A = arith.index_cast %scan3A_169 : i32 to index
      %swap3A_178 = arith.constant 0 : index
      %swap3A_179 = tpu.vector_load %arg14[%swap3A, %swap3A_178] {strides = array<i32>} : memref<40x128xf32, #tpu.memory_space<vmem>>, vector<1x16xf32>,
      %swap3A_180 = vector.shape_cast %swap3A_179 : vector<1x16xf32> to vector<16xf32>
      %swap3A_181 = vector.shape_cast %mul3A_177 : vector<16xf32> to vector<1x16xf32>
      tpu.vector_store %arg14[%swap3A, %swap3A_178], %swap3A_181 {strides = array<i32>} : memref<40x128xf32, #tpu.memory_space<vmem>>, vector<1x16xf32>,
      %get3A_182 = arith.index_cast %scan3A_169 : i32 to index
      %get3A_183 = arith.constant 16 : index
      %get3A_184 = tpu.vector_load %arg14[%get3A_182, %get3A_183] {strides = array<i32>} : memref<40x128xf32, #tpu.memory_space<vmem>>, vector<1x16xf32>,
      %get3A_185 = vector.shape_cast %get3A_184 : vector<1x16xf32> to vector<16xf32>
      %get3A_186 = arith.index_cast %scan3A_169 : i32 to index
      %get3A_187 = arith.constant 16 : index
      %get3A_188 = tpu.vector_load %arg17[%get3A_186, %get3A_187] {strides = array<i32>} : memref<40x128xf32, #tpu.memory_space<vmem>>, vector<1x16xf32>,
      %get3A_189 = vector.shape_cast %get3A_188 : vector<1x16xf32> to vector<16xf32>
      %mul3A_190 = arith.mulf %get3A_185, %get3A_189 : vector<16xf32>
      %swap3A_191 = arith.index_cast %scan3A_169 : i32 to index
      %swap3A_192 = arith.constant 16 : index
      %swap3A_193 = tpu.vector_load %arg14[%swap3A_191, %swap3A_192] {strides = array<i32>} : memref<40x128xf32, #tpu.memory_space<vmem>>, vector<1x16xf32>,
      %swap3A_194 = vector.shape_cast %swap3A_193 : vector<1x16xf32> to vector<16xf32>
      %swap3A_195 = vector.shape_cast %mul3A_190 : vector<16xf32> to vector<1x16xf32>
      tpu.vector_store %arg14[%swap3A_191, %swap3A_192], %swap3A_195 {strides = array<i32>} : memref<40x128xf32, #tpu.memory_space<vmem>>, vector<1x16xf32>,
      %get3A_196 = arith.index_cast %scan3A_169 : i32 to index
      %get3A_197 = arith.constant 32 : index
      %get3A_198 = tpu.vector_load %arg14[%get3A_196, %get3A_197] {strides = array<i32>} : memref<40x128xf32, #tpu.memory_space<vmem>>, vector<1x16xf32>,
      %get3A_199 = vector.shape_cast %get3A_198 : vector<1x16xf32> to vector<16xf32>
      %get3A_200 = arith.index_cast %scan3A_169 : i32 to index
      %get3A_201 = arith.constant 32 : index
      %get3A_202 = tpu.vector_load %arg17[%get3A_200, %get3A_201] {strides = array<i32>} : memref<40x128xf32, #tpu.memory_space<vmem>>, vector<1x16xf32>,
      %get3A_203 = vector.shape_cast %get3A_202 : vector<1x16xf32> to vector<16xf32>
      %mul3A_204 = arith.mulf %get3A_199, %get3A_203 : vector<16xf32>
      %swap3A_205 = arith.index_cast %scan3A_169 : i32 to index
      %swap3A_206 = arith.constant 32 : index
      %swap3A_207 = tpu.vector_load %arg14[%swap3A_205, %swap3A_206] {strides = array<i32>} : memref<40x128xf32, #tpu.memory_space<vmem>>, vector<1x16xf32>,
      %swap3A_208 = vector.shape_cast %swap3A_207 : vector<1x16xf32> to vector<16xf32>
      %swap3A_209 = vector.shape_cast %mul3A_204 : vector<16xf32> to vector<1x16xf32>
      tpu.vector_store %arg14[%swap3A_205, %swap3A_206], %swap3A_209 {strides = array<i32>} : memref<40x128xf32, #tpu.memory_space<vmem>>, vector<1x16xf32>,
      %get3A_210 = arith.index_cast %scan3A_169 : i32 to index
      %get3A_211 = arith.constant 48 : index
      %get3A_212 = tpu.vector_load %arg14[%get3A_210, %get3A_211] {strides = array<i32>} : memref<40x128xf32, #tpu.memory_space<vmem>>, vector<1x16xf32>,
      %get3A_213 = vector.shape_cast %get3A_212 : vector<1x16xf32> to vector<16xf32>
      %get3A_214 = arith.index_cast %scan3A_169 : i32 to index
      %get3A_215 = arith.constant 48 : index
      %get3A_216 = tpu.vector_load %arg17[%get3A_214, %get3A_215] {strides = array<i32>} : memref<40x128xf32, #tpu.memory_space<vmem>>, vector<1x16xf32>,
      %get3A_217 = vector.shape_cast %get3A_216 : vector<1x16xf32> to vector<16xf32>
      %mul3A_218 = arith.mulf %get3A_213, %get3A_217 : vector<16xf32>
      %swap3A_219 = arith.index_cast %scan3A_169 : i32 to index
      %swap3A_220 = arith.constant 48 : index
      %swap3A_221 = tpu.vector_load %arg14[%swap3A_219, %swap3A_220] {strides = array<i32>} : memref<40x128xf32, #tpu.memory_space<vmem>>, vector<1x16xf32>,
      %swap3A_222 = vector.shape_cast %swap3A_221 : vector<1x16xf32> to vector<16xf32>
      %swap3A_223 = vector.shape_cast %mul3A_218 : vector<16xf32> to vector<1x16xf32>
      tpu.vector_store %arg14[%swap3A_219, %swap3A_220], %swap3A_223 {strides = array<i32>} : memref<40x128xf32, #tpu.memory_space<vmem>>, vector<1x16xf32>,
      %get3A_224 = arith.index_cast %scan3A_169 : i32 to index
      %get3A_225 = arith.constant 64 : index
      %get3A_226 = tpu.vector_load %arg14[%get3A_224, %get3A_225] {strides = array<i32>} : memref<40x128xf32, #tpu.memory_space<vmem>>, vector<1x16xf32>,
      %get3A_227 = vector.shape_cast %get3A_226 : vector<1x16xf32> to vector<16xf32>
      %get3A_228 = arith.index_cast %scan3A_169 : i32 to index
      %get3A_229 = arith.constant 64 : index
      %get3A_230 = tpu.vector_load %arg17[%get3A_228, %get3A_229] {strides = array<i32>} : memref<40x128xf32, #tpu.memory_space<vmem>>, vector<1x16xf32>,
      %get3A_231 = vector.shape_cast %get3A_230 : vector<1x16xf32> to vector<16xf32>
      %mul3A_232 = arith.mulf %get3A_227, %get3A_231 : vector<16xf32>
      %swap3A_233 = arith.index_cast %scan3A_169 : i32 to index
      %swap3A_234 = arith.constant 64 : index
      %swap3A_235 = tpu.vector_load %arg14[%swap3A_233, %swap3A_234] {strides = array<i32>} : memref<40x128xf32, #tpu.memory_space<vmem>>, vector<1x16xf32>,
      %swap3A_236 = vector.shape_cast %swap3A_235 : vector<1x16xf32> to vector<16xf32>
      %swap3A_237 = vector.shape_cast %mul3A_232 : vector<16xf32> to vector<1x16xf32>
      tpu.vector_store %arg14[%swap3A_233, %swap3A_234], %swap3A_237 {strides = array<i32>} : memref<40x128xf32, #tpu.memory_space<vmem>>, vector<1x16xf32>,
      %get3A_238 = arith.index_cast %scan3A_169 : i32 to index
      %get3A_239 = arith.constant 80 : index
      %get3A_240 = tpu.vector_load %arg14[%get3A_238, %get3A_239] {strides = array<i32>} : memref<40x128xf32, #tpu.memory_space<vmem>>, vector<1x16xf32>,
      %get3A_241 = vector.shape_cast %get3A_240 : vector<1x16xf32> to vector<16xf32>
      %get3A_242 = arith.index_cast %scan3A_169 : i32 to index
      %get3A_243 = arith.constant 80 : index
      %get3A_244 = tpu.vector_load %arg17[%get3A_242, %get3A_243] {strides = array<i32>} : memref<40x128xf32, #tpu.memory_space<vmem>>, vector<1x16xf32>,
      %get3A_245 = vector.shape_cast %get3A_244 : vector<1x16xf32> to vector<16xf32>
      %mul3A_246 = arith.mulf %get3A_241, %get3A_245 : vector<16xf32>
      %swap3A_247 = arith.index_cast %scan3A_169 : i32 to index
      %swap3A_248 = arith.constant 80 : index
      %swap3A_249 = tpu.vector_load %arg14[%swap3A_247, %swap3A_248] {strides = array<i32>} : memref<40x128xf32, #tpu.memory_space<vmem>>, vector<1x16xf32>,
      %swap3A_250 = vector.shape_cast %swap3A_249 : vector<1x16xf32> to vector<16xf32>
      %swap3A_251 = vector.shape_cast %mul3A_246 : vector<16xf32> to vector<1x16xf32>
      tpu.vector_store %arg14[%swap3A_247, %swap3A_248], %swap3A_251 {strides = array<i32>} : memref<40x128xf32, #tpu.memory_space<vmem>>, vector<1x16xf32>,
      %get3A_252 = arith.index_cast %scan3A_169 : i32 to index
      %get3A_253 = arith.constant 96 : index
      %get3A_254 = tpu.vector_load %arg14[%get3A_252, %get3A_253] {strides = array<i32>} : memref<40x128xf32, #tpu.memory_space<vmem>>, vector<1x16xf32>,
      %get3A_255 = vector.shape_cast %get3A_254 : vector<1x16xf32> to vector<16xf32>
      %get3A_256 = arith.index_cast %scan3A_169 : i32 to index
      %get3A_257 = arith.constant 96 : index
      %get3A_258 = tpu.vector_load %arg17[%get3A_256, %get3A_257] {strides = array<i32>} : memref<40x128xf32, #tpu.memory_space<vmem>>, vector<1x16xf32>,
      %get3A_259 = vector.shape_cast %get3A_258 : vector<1x16xf32> to vector<16xf32>
      %mul3A_260 = arith.mulf %get3A_255, %get3A_259 : vector<16xf32>
      %swap3A_261 = arith.index_cast %scan3A_169 : i32 to index
      %swap3A_262 = arith.constant 96 : index
      %swap3A_263 = tpu.vector_load %arg14[%swap3A_261, %swap3A_262] {strides = array<i32>} : memref<40x128xf32, #tpu.memory_space<vmem>>, vector<1x16xf32>,
      %swap3A_264 = vector.shape_cast %swap3A_263 : vector<1x16xf32> to vector<16xf32>
      %swap3A_265 = vector.shape_cast %mul3A_260 : vector<16xf32> to vector<1x16xf32>
      tpu.vector_store %arg14[%swap3A_261, %swap3A_262], %swap3A_265 {strides = array<i32>} : memref<40x128xf32, #tpu.memory_space<vmem>>, vector<1x16xf32>,
      %get3A_266 = arith.index_cast %scan3A_169 : i32 to index
      %get3A_267 = arith.constant 112 : index
      %get3A_268 = tpu.vector_load %arg14[%get3A_266, %get3A_267] {strides = array<i32>} : memref<40x128xf32, #tpu.memory_space<vmem>>, vector<1x16xf32>,
      %get3A_269 = vector.shape_cast %get3A_268 : vector<1x16xf32> to vector<16xf32>
      %get3A_270 = arith.index_cast %scan3A_169 : i32 to index
      %get3A_271 = arith.constant 112 : index
      %get3A_272 = tpu.vector_load %arg17[%get3A_270, %get3A_271] {strides = array<i32>} : memref<40x128xf32, #tpu.memory_space<vmem>>, vector<1x16xf32>,
      %get3A_273 = vector.shape_cast %get3A_272 : vector<1x16xf32> to vector<16xf32>
      %mul3A_274 = arith.mulf %get3A_269, %get3A_273 : vector<16xf32>
      %swap3A_275 = arith.index_cast %scan3A_169 : i32 to index
      %swap3A_276 = arith.constant 112 : index
      %swap3A_277 = tpu.vector_load %arg14[%swap3A_275, %swap3A_276] {strides = array<i32>} : memref<40x128xf32, #tpu.memory_space<vmem>>, vector<1x16xf32>,
      %swap3A_278 = vector.shape_cast %swap3A_277 : vector<1x16xf32> to vector<16xf32>
      %swap3A_279 = vector.shape_cast %mul3A_274 : vector<16xf32> to vector<1x16xf32>
      tpu.vector_store %arg14[%swap3A_275, %swap3A_276], %swap3A_279 {strides = array<i32>} : memref<40x128xf32, #tpu.memory_space<vmem>>, vector<1x16xf32>,
    }
    %scan3A_125 = arith.constant 40 : i32
    %dma_wait3A_126 = arith.constant 249 : i32
    %dma_wait3A_127 = arith.constant 0 : i32
    %dma_wait3A_128 = arith.constant 0 : i32
    %dma_wait3A_129 = arith.constant 0 : i32
    %dma_wait3A_130 = tpu.memref_slice %arg4[%add3A, %dma_wait3A_126, %dma_wait3A_128, %dma_wait3A_129] : memref<32x250x1x40xi32, #tpu.memory_space<hbm>> -> memref<1x1x1x40xi32, #tpu.memory_space<hbm>>
    %dma_wait3A_131 = tpu.memref_squeeze %dma_wait3A_130 : memref<1x1x1x40xi32, #tpu.memory_space<hbm>> -> memref<1x40xi32, #tpu.memory_space<hbm>>
    %dma_wait3A_132 = tpu.memref_slice %arg12[%dma_wait3A_127] : memref<3x!tpu.dma_semaphore, #tpu.memory_space<semaphore_mem>> -> memref<1x!tpu.dma_semaphore, #tpu.memory_space<semaphore_mem>>
    %dma_wait3A_133 = tpu.memref_squeeze %dma_wait3A_132 : memref<1x!tpu.dma_semaphore, #tpu.memory_space<semaphore_mem>> -> memref<!tpu.dma_semaphore, #tpu.memory_space<semaphore_mem>>
    %dma_wait3A_134 = arith.constant 0 : i32
    %dma_wait3A_135 = arith.constant 0 : i32
    %dma_wait3A_136 = tpu.memref_slice %arg4[%add3A, %dma_wait3A_126, %dma_wait3A_134, %dma_wait3A_135] : memref<32x250x1x40xi32, #tpu.memory_space<hbm>> -> memref<1x1x1x40xi32, #tpu.memory_space<hbm>>
    %dma_wait3A_137 = tpu.memref_squeeze %dma_wait3A_136 : memref<1x1x1x40xi32, #tpu.memory_space<hbm>> -> memref<1x40xi32, #tpu.memory_space<hbm>>
    tpu.wait_dma2 semaphore(%dma_wait3A_133 : memref<!tpu.dma_semaphore, #tpu.memory_space<semaphore_mem>>) src(%dma_wait3A_137 : memref<1x40xi32, #tpu.memory_space<hbm>>) dst(%arg20 : memref<1x40xi32, #tpu.memory_space<vmem>>)
    %dma_wait3A_138 = arith.constant 0 : i32
    %dma_wait3A_139 = arith.constant 2 : i32
    %dma_wait3A_140 = arith.constant 0 : i32
    %dma_wait3A_141 = tpu.memref_slice %arg22[%dma_wait3A_138, %dma_wait3A_140] : memref<1x40xi32, #tpu.memory_space<vmem>> -> memref<1x40xi32, #tpu.memory_space<vmem>>
    %dma_wait3A_142 = tpu.memref_squeeze %dma_wait3A_141 : memref<1x40xi32, #tpu.memory_space<vmem>> -> memref<40xi32, #tpu.memory_space<vmem>>
    %dma_wait3A_143 = arith.constant 0 : i32
    %dma_wait3A_144 = arith.constant 0 : i32
    %dma_wait3A_145 = tpu.memref_slice %arg9[%dma_wait3A_143, %dma_wait3A_144] : memref<10240x128xf32, #tpu.memory_space<vmem_shared>> -> memref<10240x128xf32, #tpu.memory_space<vmem_shared>>
    %dma_wait3A_146 = tpu.memref_slice %arg13[%dma_wait3A_139] : memref<3x!tpu.dma_semaphore, #tpu.memory_space<semaphore_mem>> -> memref<1x!tpu.dma_semaphore, #tpu.memory_space<semaphore_mem>>
    %dma_wait3A_147 = tpu.memref_squeeze %dma_wait3A_146 : memref<1x!tpu.dma_semaphore, #tpu.memory_space<semaphore_mem>> -> memref<!tpu.dma_semaphore, #tpu.memory_space<semaphore_mem>>
    tpu.wait_indirect_dma semaphore(%dma_wait3A_147 : memref<!tpu.dma_semaphore, #tpu.memory_space<semaphore_mem>>) src(%arg16 : memref<40x128xf32, #tpu.memory_space<vmem>>) dst(%dma_wait3A_145 : memref<10240x128xf32, #tpu.memory_space<vmem_shared>>)
    %dma_start3A_148 = arith.constant 0 : i32
    %dma_start3A_149 = arith.constant 0 : i32
    %dma_start3A_150 = arith.constant 0 : i32
    %dma_start3A_151 = tpu.memref_slice %arg20[%dma_start3A_148, %dma_start3A_150] : memref<1x40xi32, #tpu.memory_space<vmem>> -> memref<1x40xi32, #tpu.memory_space<vmem>>
    %dma_start3A_152 = tpu.memref_squeeze %dma_start3A_151 : memref<1x40xi32, #tpu.memory_space<vmem>> -> memref<40xi32, #tpu.memory_space<vmem>>
    %dma_start3A_153 = arith.constant 0 : i32
    %dma_start3A_154 = arith.constant 0 : i32
    %dma_start3A_155 = tpu.memref_slice %arg9[%dma_start3A_153, %dma_start3A_154] : memref<10240x128xf32, #tpu.memory_space<vmem_shared>> -> memref<10240x128xf32, #tpu.memory_space<vmem_shared>>
    %dma_start3A_156 = tpu.memref_slice %arg13[%dma_start3A_149] : memref<3x!tpu.dma_semaphore, #tpu.memory_space<semaphore_mem>> -> memref<1x!tpu.dma_semaphore, #tpu.memory_space<semaphore_mem>>
    %dma_start3A_157 = tpu.memref_squeeze %dma_start3A_156 : memref<1x!tpu.dma_semaphore, #tpu.memory_space<semaphore_mem>> -> memref<!tpu.dma_semaphore, #tpu.memory_space<semaphore_mem>>
    tpu.enqueue_indirect_dma source(%arg14 : memref<40x128xf32, #tpu.memory_space<vmem>>) target(%dma_start3A_155 : memref<10240x128xf32, #tpu.memory_space<vmem_shared>>) offsets(%dma_start3A_152 : memref<40xi32, #tpu.memory_space<vmem>>) semaphore(%dma_start3A_157 : memref<!tpu.dma_semaphore, #tpu.memory_space<semaphore_mem>>) {add = true}
    %dma_wait3A_158 = arith.constant 0 : i32
    %dma_wait3A_159 = arith.constant 0 : i32
    %dma_wait3A_160 = arith.constant 0 : i32
    %dma_wait3A_161 = tpu.memref_slice %arg20[%dma_wait3A_158, %dma_wait3A_160] : memref<1x40xi32, #tpu.memory_space<vmem>> -> memref<1x40xi32, #tpu.memory_space<vmem>>
    %dma_wait3A_162 = tpu.memref_squeeze %dma_wait3A_161 : memref<1x40xi32, #tpu.memory_space<vmem>> -> memref<40xi32, #tpu.memory_space<vmem>>
    %dma_wait3A_163 = arith.constant 0 : i32
    %dma_wait3A_164 = arith.constant 0 : i32
    %dma_wait3A_165 = tpu.memref_slice %arg9[%dma_wait3A_163, %dma_wait3A_164] : memref<10240x128xf32, #tpu.memory_space<vmem_shared>> -> memref<10240x128xf32, #tpu.memory_space<vmem_shared>>
    %dma_wait3A_166 = tpu.memref_slice %arg13[%dma_wait3A_159] : memref<3x!tpu.dma_semaphore, #tpu.memory_space<semaphore_mem>> -> memref<1x!tpu.dma_semaphore, #tpu.memory_space<semaphore_mem>>
    %dma_wait3A_167 = tpu.memref_squeeze %dma_wait3A_166 : memref<1x!tpu.dma_semaphore, #tpu.memory_space<semaphore_mem>> -> memref<!tpu.dma_semaphore, #tpu.memory_space<semaphore_mem>>
    tpu.wait_indirect_dma semaphore(%dma_wait3A_167 : memref<!tpu.dma_semaphore, #tpu.memory_space<semaphore_mem>>) src(%arg14 : memref<40x128xf32, #tpu.memory_space<vmem>>) dst(%dma_wait3A_165 : memref<10240x128xf32, #tpu.memory_space<vmem_shared>>)
    %barrier3A_168 = arith.constant 0 : index
    tpu.barrier barrier_id(%barrier3A_168)
    "tpu.region"() ({
      %run_scoped3A = tpu.sem_alloc : memref<!tpu.dma_semaphore, #tpu.memory_space<semaphore_mem>>
      %dma_start3A_169 = arith.constant 0 : i32
      %dma_start3A_170 = tpu.memref_slice %arg7[%arg0, %mul3A_2, %dma_start3A_169] : memref<2x10240x128xf32, #tpu.memory_space<hbm>> -> memref<1x640x128xf32, #tpu.memory_space<hbm>>
      %dma_start3A_171 = tpu.memref_squeeze %dma_start3A_170 : memref<1x640x128xf32, #tpu.memory_space<hbm>> -> memref<640x128xf32, #tpu.memory_space<hbm>>
      %dma_start3A_172 = arith.constant 0 : i32
      %dma_start3A_173 = tpu.memref_slice %arg9[%mul3A_2, %dma_start3A_172] : memref<10240x128xf32, #tpu.memory_space<vmem_shared>> -> memref<640x128xf32, #tpu.memory_space<vmem_shared>>
      tpu.enqueue_dma source(%dma_start3A_173 : memref<640x128xf32, #tpu.memory_space<vmem_shared>>) target(%dma_start3A_171 : memref<640x128xf32, #tpu.memory_space<hbm>>) target_semaphore(%run_scoped3A : memref<!tpu.dma_semaphore, #tpu.memory_space<semaphore_mem>>)
      %dma_wait3A_174 = arith.constant 0 : i32
      %dma_wait3A_175 = tpu.memref_slice %arg7[%arg0, %mul3A_2, %dma_wait3A_174] : memref<2x10240x128xf32, #tpu.memory_space<hbm>> -> memref<1x640x128xf32, #tpu.memory_space<hbm>>
      %dma_wait3A_176 = tpu.memref_squeeze %dma_wait3A_175 : memref<1x640x128xf32, #tpu.memory_space<hbm>> -> memref<640x128xf32, #tpu.memory_space<hbm>>
      %dma_wait3A_177 = arith.constant 0 : i32
      %dma_wait3A_178 = tpu.memref_slice %arg9[%mul3A_2, %dma_wait3A_177] : memref<10240x128xf32, #tpu.memory_space<vmem_shared>> -> memref<640x128xf32, #tpu.memory_space<vmem_shared>>
      tpu.wait_dma2 semaphore(%run_scoped3A : memref<!tpu.dma_semaphore, #tpu.memory_space<semaphore_mem>>) src(%dma_wait3A_178 : memref<640x128xf32, #tpu.memory_space<vmem_shared>>) dst(%dma_wait3A_176 : memref<640x128xf32, #tpu.memory_space<hbm>>)
      tpu.yield
    }) : () -> ()
    return
  }
}

#map = affine_map<(d0, d1) -> (0)>
module attributes {stable_mosaic.version = 14 : i64} {
  func.func @_sc_dd_body(%arg0: i32, %arg1: i32, %arg2: memref<10000xf32, #tpu.memory_space<hbm>>, %arg3: memref<10000xf32, #tpu.memory_space<hbm>>, %arg4: memref<10000xf32, #tpu.memory_space<hbm>>, %arg5: memref<320000xi32, #tpu.memory_space<hbm>>, %arg6: memref<320000xi32, #tpu.memory_space<hbm>>, %arg7: memref<320000xf32, #tpu.memory_space<hbm>>, %arg8: memref<10000xf32, #tpu.memory_space<vmem>>, %arg9: memref<10000xf32, #tpu.memory_space<vmem>>, %arg10: memref<10000xf32, #tpu.memory_space<vmem>>, %arg11: memref<10000xi32, #tpu.memory_space<vmem>>, %arg12: memref<10000xi32, #tpu.memory_space<vmem>>, %arg13: memref<10000xf32, #tpu.memory_space<vmem>>) attributes {dimension_semantics = [#tpu.dimension_semantics<core_parallel>, #tpu.dimension_semantics<subcore_parallel>], iteration_bounds = array<i64: 2, 16>, scalar_prefetch = 0 : i64, scratch_operands = 6 : i64, tpu.core_type = #tpu.core_type<sc_vector_subcore>, window_params = [{transform_indices = #map}, {transform_indices = #map}, {transform_indices = #map}, {transform_indices = #map}, {transform_indices = #map}, {transform_indices = #map}]} {
    %mul3A = arith.constant 2 : i32
    %mul3A_0 = arith.muli %arg1, %mul3A : i32
    %add3A = arith.addi %mul3A_0, %arg0 : i32
    %mul3A_1 = arith.constant 10000 : i32
    %mul3A_2 = arith.muli %add3A, %mul3A_1 : i32
    "tpu.region"() ({
      %run_scoped3A = tpu.sem_alloc : memref<!tpu.dma_semaphore, #tpu.memory_space<semaphore_mem>>
      tpu.enqueue_dma source(%arg2 : memref<10000xf32, #tpu.memory_space<hbm>>) target(%arg8 : memref<10000xf32, #tpu.memory_space<vmem>>) target_semaphore(%run_scoped3A : memref<!tpu.dma_semaphore, #tpu.memory_space<semaphore_mem>>)
      tpu.wait_dma2 semaphore(%run_scoped3A : memref<!tpu.dma_semaphore, #tpu.memory_space<semaphore_mem>>) src(%arg2 : memref<10000xf32, #tpu.memory_space<hbm>>) dst(%arg8 : memref<10000xf32, #tpu.memory_space<vmem>>)
      tpu.yield
    }) : () -> ()
    "tpu.region"() ({
      %run_scoped3A = tpu.sem_alloc : memref<!tpu.dma_semaphore, #tpu.memory_space<semaphore_mem>>
      tpu.enqueue_dma source(%arg3 : memref<10000xf32, #tpu.memory_space<hbm>>) target(%arg9 : memref<10000xf32, #tpu.memory_space<vmem>>) target_semaphore(%run_scoped3A : memref<!tpu.dma_semaphore, #tpu.memory_space<semaphore_mem>>)
      tpu.wait_dma2 semaphore(%run_scoped3A : memref<!tpu.dma_semaphore, #tpu.memory_space<semaphore_mem>>) src(%arg3 : memref<10000xf32, #tpu.memory_space<hbm>>) dst(%arg9 : memref<10000xf32, #tpu.memory_space<vmem>>)
      tpu.yield
    }) : () -> ()
    "tpu.region"() ({
      %run_scoped3A = tpu.sem_alloc : memref<!tpu.dma_semaphore, #tpu.memory_space<semaphore_mem>>
      tpu.enqueue_dma source(%arg4 : memref<10000xf32, #tpu.memory_space<hbm>>) target(%arg10 : memref<10000xf32, #tpu.memory_space<vmem>>) target_semaphore(%run_scoped3A : memref<!tpu.dma_semaphore, #tpu.memory_space<semaphore_mem>>)
      tpu.wait_dma2 semaphore(%run_scoped3A : memref<!tpu.dma_semaphore, #tpu.memory_space<semaphore_mem>>) src(%arg4 : memref<10000xf32, #tpu.memory_space<hbm>>) dst(%arg10 : memref<10000xf32, #tpu.memory_space<vmem>>)
      tpu.yield
    }) : () -> ()
    "tpu.region"() ({
      %run_scoped3A = tpu.sem_alloc : memref<!tpu.dma_semaphore, #tpu.memory_space<semaphore_mem>>
      %dma_start3A = tpu.memref_slice %arg5[%mul3A_2] : memref<320000xi32, #tpu.memory_space<hbm>> -> memref<10000xi32, #tpu.memory_space<hbm>>
      %dma_start3A_8 = tpu.memref_slice %arg5[%mul3A_2] : memref<320000xi32, #tpu.memory_space<hbm>> -> memref<10000xi32, #tpu.memory_space<hbm>>
      tpu.enqueue_dma source(%dma_start3A_8 : memref<10000xi32, #tpu.memory_space<hbm>>) target(%arg11 : memref<10000xi32, #tpu.memory_space<vmem>>) target_semaphore(%run_scoped3A : memref<!tpu.dma_semaphore, #tpu.memory_space<semaphore_mem>>)
      %dma_wait3A = tpu.memref_slice %arg5[%mul3A_2] : memref<320000xi32, #tpu.memory_space<hbm>> -> memref<10000xi32, #tpu.memory_space<hbm>>
      %dma_wait3A_9 = tpu.memref_slice %arg5[%mul3A_2] : memref<320000xi32, #tpu.memory_space<hbm>> -> memref<10000xi32, #tpu.memory_space<hbm>>
      tpu.wait_dma2 semaphore(%run_scoped3A : memref<!tpu.dma_semaphore, #tpu.memory_space<semaphore_mem>>) src(%dma_wait3A_9 : memref<10000xi32, #tpu.memory_space<hbm>>) dst(%arg11 : memref<10000xi32, #tpu.memory_space<vmem>>)
      tpu.yield
    }) : () -> ()
    "tpu.region"() ({
      %run_scoped3A = tpu.sem_alloc : memref<!tpu.dma_semaphore, #tpu.memory_space<semaphore_mem>>
      %dma_start3A = tpu.memref_slice %arg6[%mul3A_2] : memref<320000xi32, #tpu.memory_space<hbm>> -> memref<10000xi32, #tpu.memory_space<hbm>>
      %dma_start3A_8 = tpu.memref_slice %arg6[%mul3A_2] : memref<320000xi32, #tpu.memory_space<hbm>> -> memref<10000xi32, #tpu.memory_space<hbm>>
      tpu.enqueue_dma source(%dma_start3A_8 : memref<10000xi32, #tpu.memory_space<hbm>>) target(%arg12 : memref<10000xi32, #tpu.memory_space<vmem>>) target_semaphore(%run_scoped3A : memref<!tpu.dma_semaphore, #tpu.memory_space<semaphore_mem>>)
      %dma_wait3A = tpu.memref_slice %arg6[%mul3A_2] : memref<320000xi32, #tpu.memory_space<hbm>> -> memref<10000xi32, #tpu.memory_space<hbm>>
      %dma_wait3A_9 = tpu.memref_slice %arg6[%mul3A_2] : memref<320000xi32, #tpu.memory_space<hbm>> -> memref<10000xi32, #tpu.memory_space<hbm>>
      tpu.wait_dma2 semaphore(%run_scoped3A : memref<!tpu.dma_semaphore, #tpu.memory_space<semaphore_mem>>) src(%dma_wait3A_9 : memref<10000xi32, #tpu.memory_space<hbm>>) dst(%arg12 : memref<10000xi32, #tpu.memory_space<vmem>>)
      tpu.yield
    }) : () -> ()
    %scan3A = arith.constant 0 : i32
    %scan3A_3 = arith.constant 0 : i32
    %scan3A_4 = arith.constant 625 : i32
    %scan3A_5 = arith.addi %scan3A_3, %scan3A_4 : i32
    %scan3A_6 = arith.constant 1 : i32
    scf.for %scan3A_8 = %scan3A_3 to %scan3A_5 step %scan3A_6  : i32 {
      %mul3A_9 = arith.constant 16 : i32
      %mul3A_10 = arith.muli %scan3A_8, %mul3A_9 : i32
      %get3A = arith.index_cast %mul3A_10 : i32 to index
      %get3A_11 = tpu.vector_load %arg11[%get3A] {strides = array<i32>} : memref<10000xi32, #tpu.memory_space<vmem>>, vector<16xi32>,
      %get3A_12 = arith.index_cast %mul3A_10 : i32 to index
      %get3A_13 = tpu.vector_load %arg12[%get3A_12] {strides = array<i32>} : memref<10000xi32, #tpu.memory_space<vmem>>, vector<16xi32>,
      %gather3A = tpu.vector_load_idx %arg8[%get3A_11] : memref<10000xf32, #tpu.memory_space<vmem>>[vector<16xi32>], vector<16xf32>,
      %gather3A_14 = tpu.vector_load_idx %arg8[%get3A_13] : memref<10000xf32, #tpu.memory_space<vmem>>[vector<16xi32>], vector<16xf32>,
      %sub3A = arith.subf %gather3A, %gather3A_14 : vector<16xf32>
      %gather3A_15 = tpu.vector_load_idx %arg9[%get3A_11] : memref<10000xf32, #tpu.memory_space<vmem>>[vector<16xi32>], vector<16xf32>,
      %gather3A_16 = tpu.vector_load_idx %arg9[%get3A_13] : memref<10000xf32, #tpu.memory_space<vmem>>[vector<16xi32>], vector<16xf32>,
      %sub3A_17 = arith.subf %gather3A_15, %gather3A_16 : vector<16xf32>
      %gather3A_18 = tpu.vector_load_idx %arg10[%get3A_11] : memref<10000xf32, #tpu.memory_space<vmem>>[vector<16xi32>], vector<16xf32>,
      %gather3A_19 = tpu.vector_load_idx %arg10[%get3A_13] : memref<10000xf32, #tpu.memory_space<vmem>>[vector<16xi32>], vector<16xf32>,
      %sub3A_20 = arith.subf %gather3A_18, %gather3A_19 : vector<16xf32>
      %mul3A_21 = arith.mulf %sub3A, %sub3A : vector<16xf32>
      %mul3A_22 = arith.mulf %sub3A_17, %sub3A_17 : vector<16xf32>
      %add3A_23 = arith.addf %mul3A_21, %mul3A_22 : vector<16xf32>
      %mul3A_24 = arith.mulf %sub3A_20, %sub3A_20 : vector<16xf32>
      %add3A_25 = arith.addf %add3A_23, %mul3A_24 : vector<16xf32>
      %swap3A = arith.index_cast %mul3A_10 : i32 to index
      %swap3A_26 = tpu.vector_load %arg13[%swap3A] {strides = array<i32>} : memref<10000xf32, #tpu.memory_space<vmem>>, vector<16xf32>,
      tpu.vector_store %arg13[%swap3A], %add3A_25 {strides = array<i32>} : memref<10000xf32, #tpu.memory_space<vmem>>, vector<16xf32>,
    }
    %scan3A_7 = arith.constant 625 : i32
    "tpu.region"() ({
      %run_scoped3A = tpu.sem_alloc : memref<!tpu.dma_semaphore, #tpu.memory_space<semaphore_mem>>
      %dma_start3A = tpu.memref_slice %arg7[%mul3A_2] : memref<320000xf32, #tpu.memory_space<hbm>> -> memref<10000xf32, #tpu.memory_space<hbm>>
      %dma_start3A_8 = tpu.memref_slice %arg7[%mul3A_2] : memref<320000xf32, #tpu.memory_space<hbm>> -> memref<10000xf32, #tpu.memory_space<hbm>>
      tpu.enqueue_dma source(%arg13 : memref<10000xf32, #tpu.memory_space<vmem>>) target(%dma_start3A_8 : memref<10000xf32, #tpu.memory_space<hbm>>) target_semaphore(%run_scoped3A : memref<!tpu.dma_semaphore, #tpu.memory_space<semaphore_mem>>)
      %dma_wait3A = tpu.memref_slice %arg7[%mul3A_2] : memref<320000xf32, #tpu.memory_space<hbm>> -> memref<10000xf32, #tpu.memory_space<hbm>>
      %dma_wait3A_9 = tpu.memref_slice %arg7[%mul3A_2] : memref<320000xf32, #tpu.memory_space<hbm>> -> memref<10000xf32, #tpu.memory_space<hbm>>
      tpu.wait_dma2 semaphore(%run_scoped3A : memref<!tpu.dma_semaphore, #tpu.memory_space<semaphore_mem>>) src(%arg13 : memref<10000xf32, #tpu.memory_space<vmem>>) dst(%dma_wait3A_9 : memref<10000xf32, #tpu.memory_space<hbm>>)
      tpu.yield
    }) : () -> ()
    return
  }
}

#map = affine_map<(d0, d1) -> (0, 0)>
#map1 = affine_map<(d0, d1) -> (0, 0, 0, 0)>
#map2 = affine_map<(d0, d1) -> (0)>
#map3 = affine_map<(d0, d1) -> (0, 0, 0)>
module attributes {stable_mosaic.version = 14 : i64} {
  func.func @_sc_msg_body(%arg0: i32, %arg1: i32, %arg2: memref<10240x128xf32, #tpu.memory_space<hbm>>, %arg3: memref<320000x128xf32, #tpu.memory_space<hbm>>, %arg4: memref<32x250x1x40xi32, #tpu.memory_space<hbm>>, %arg5: memref<320000xi32, #tpu.memory_space<hbm>>, %arg6: memref<10240x128xf32, #tpu.memory_space<hbm>>, %arg7: memref<2x10240x128xf32, #tpu.memory_space<hbm>>, %arg8: memref<10000xi32, #tpu.memory_space<vmem>>, %arg9: memref<10240x128xf32, #tpu.memory_space<vmem_shared>>, %arg10: memref<3x!tpu.dma_semaphore, #tpu.memory_space<semaphore_mem>>, %arg11: memref<3x!tpu.dma_semaphore, #tpu.memory_space<semaphore_mem>>, %arg12: memref<3x!tpu.dma_semaphore, #tpu.memory_space<semaphore_mem>>, %arg13: memref<3x!tpu.dma_semaphore, #tpu.memory_space<semaphore_mem>>, %arg14: memref<40x128xf32, #tpu.memory_space<vmem>>, %arg15: memref<40x128xf32, #tpu.memory_space<vmem>>, %arg16: memref<40x128xf32, #tpu.memory_space<vmem>>, %arg17: memref<40x128xf32, #tpu.memory_space<vmem>>, %arg18: memref<40x128xf32, #tpu.memory_space<vmem>>, %arg19: memref<40x128xf32, #tpu.memory_space<vmem>>, %arg20: memref<1x40xi32, #tpu.memory_space<vmem>>, %arg21: memref<1x40xi32, #tpu.memory_space<vmem>>, %arg22: memref<1x40xi32, #tpu.memory_space<vmem>>) attributes {dimension_semantics = [#tpu.dimension_semantics<core_parallel>, #tpu.dimension_semantics<subcore_parallel>], iteration_bounds = array<i64: 2, 16>, scalar_prefetch = 0 : i64, scratch_operands = 15 : i64, tpu.core_type = #tpu.core_type<sc_vector_subcore>, window_params = [{transform_indices = #map}, {transform_indices = #map}, {transform_indices = #map1}, {transform_indices = #map2}, {transform_indices = #map}, {transform_indices = #map3}]} {
    %mul3A = arith.constant 2 : i32
    %mul3A_0 = arith.muli %arg1, %mul3A : i32
    %add3A = arith.addi %mul3A_0, %arg0 : i32
    %mul3A_1 = arith.constant 640 : i32
    %mul3A_2 = arith.muli %arg1, %mul3A_1 : i32
    "tpu.region"() ({
      %run_scoped3A = tpu.sem_alloc : memref<!tpu.dma_semaphore, #tpu.memory_space<semaphore_mem>>
      %dma_start3A_169 = arith.constant 0 : i32
      %dma_start3A_170 = tpu.memref_slice %arg9[%mul3A_2, %dma_start3A_169] : memref<10240x128xf32, #tpu.memory_space<vmem_shared>> -> memref<640x128xf32, #tpu.memory_space<vmem_shared>>
      %dma_start3A_171 = arith.constant 0 : i32
      %dma_start3A_172 = tpu.memref_slice %arg6[%mul3A_2, %dma_start3A_171] : memref<10240x128xf32, #tpu.memory_space<hbm>> -> memref<640x128xf32, #tpu.memory_space<hbm>>
      tpu.enqueue_dma source(%dma_start3A_172 : memref<640x128xf32, #tpu.memory_space<hbm>>) target(%dma_start3A_170 : memref<640x128xf32, #tpu.memory_space<vmem_shared>>) target_semaphore(%run_scoped3A : memref<!tpu.dma_semaphore, #tpu.memory_space<semaphore_mem>>)
      %dma_wait3A_173 = arith.constant 0 : i32
      %dma_wait3A_174 = tpu.memref_slice %arg9[%mul3A_2, %dma_wait3A_173] : memref<10240x128xf32, #tpu.memory_space<vmem_shared>> -> memref<640x128xf32, #tpu.memory_space<vmem_shared>>
      %dma_wait3A_175 = arith.constant 0 : i32
      %dma_wait3A_176 = tpu.memref_slice %arg6[%mul3A_2, %dma_wait3A_175] : memref<10240x128xf32, #tpu.memory_space<hbm>> -> memref<640x128xf32, #tpu.memory_space<hbm>>
      tpu.wait_dma2 semaphore(%run_scoped3A : memref<!tpu.dma_semaphore, #tpu.memory_space<semaphore_mem>>) src(%dma_wait3A_176 : memref<640x128xf32, #tpu.memory_space<hbm>>) dst(%dma_wait3A_174 : memref<640x128xf32, #tpu.memory_space<vmem_shared>>)
      tpu.yield
    }) : () -> ()
    %mul3A_3 = arith.constant 10000 : i32
    %mul3A_4 = arith.muli %add3A, %mul3A_3 : i32
    "tpu.region"() ({
      %run_scoped3A = tpu.sem_alloc : memref<!tpu.dma_semaphore, #tpu.memory_space<semaphore_mem>>
      %dma_start3A_169 = tpu.memref_slice %arg5[%mul3A_4] : memref<320000xi32, #tpu.memory_space<hbm>> -> memref<10000xi32, #tpu.memory_space<hbm>>
      %dma_start3A_170 = tpu.memref_slice %arg5[%mul3A_4] : memref<320000xi32, #tpu.memory_space<hbm>> -> memref<10000xi32, #tpu.memory_space<hbm>>
      tpu.enqueue_dma source(%dma_start3A_170 : memref<10000xi32, #tpu.memory_space<hbm>>) target(%arg8 : memref<10000xi32, #tpu.memory_space<vmem>>) target_semaphore(%run_scoped3A : memref<!tpu.dma_semaphore, #tpu.memory_space<semaphore_mem>>)
      %dma_wait3A_171 = tpu.memref_slice %arg5[%mul3A_4] : memref<320000xi32, #tpu.memory_space<hbm>> -> memref<10000xi32, #tpu.memory_space<hbm>>
      %dma_wait3A_172 = tpu.memref_slice %arg5[%mul3A_4] : memref<320000xi32, #tpu.memory_space<hbm>> -> memref<10000xi32, #tpu.memory_space<hbm>>
      tpu.wait_dma2 semaphore(%run_scoped3A : memref<!tpu.dma_semaphore, #tpu.memory_space<semaphore_mem>>) src(%dma_wait3A_172 : memref<10000xi32, #tpu.memory_space<hbm>>) dst(%arg8 : memref<10000xi32, #tpu.memory_space<vmem>>)
      tpu.yield
    }) : () -> ()
    %barrier3A = arith.constant 0 : index
    tpu.barrier barrier_id(%barrier3A)
    %mul3A_5 = arith.constant 10000 : i32
    %mul3A_6 = arith.muli %add3A, %mul3A_5 : i32
    %add3A_7 = arith.constant 0 : i32
    %add3A_8 = arith.addi %mul3A_6, %add3A_7 : i32
    %dma_start3A = arith.constant 0 : i32
    %dma_start3A_9 = arith.constant 0 : i32
    %dma_start3A_10 = tpu.memref_slice %arg8[%dma_start3A_9] : memref<10000xi32, #tpu.memory_space<vmem>> -> memref<40xi32, #tpu.memory_space<vmem>>
    %dma_start3A_11 = arith.constant 0 : i32
    %dma_start3A_12 = arith.constant 0 : i32
    %dma_start3A_13 = tpu.memref_slice %arg2[%dma_start3A_11, %dma_start3A_12] : memref<10240x128xf32, #tpu.memory_space<hbm>> -> memref<10240x128xf32, #tpu.memory_space<hbm>>
    %dma_start3A_14 = tpu.memref_slice %arg10[%dma_start3A] : memref<3x!tpu.dma_semaphore, #tpu.memory_space<semaphore_mem>> -> memref<1x!tpu.dma_semaphore, #tpu.memory_space<semaphore_mem>>
    %dma_start3A_15 = tpu.memref_squeeze %dma_start3A_14 : memref<1x!tpu.dma_semaphore, #tpu.memory_space<semaphore_mem>> -> memref<!tpu.dma_semaphore, #tpu.memory_space<semaphore_mem>>
    tpu.enqueue_indirect_dma source(%dma_start3A_13 : memref<10240x128xf32, #tpu.memory_space<hbm>>) target(%arg14 : memref<40x128xf32, #tpu.memory_space<vmem>>) offsets(%dma_start3A_10 : memref<40xi32, #tpu.memory_space<vmem>>) semaphore(%dma_start3A_15 : memref<!tpu.dma_semaphore, #tpu.memory_space<semaphore_mem>>)
    %dma_start3A_16 = arith.constant 0 : i32
    %dma_start3A_17 = arith.constant 0 : i32
    %dma_start3A_18 = tpu.memref_slice %arg3[%add3A_8, %dma_start3A_17] : memref<320000x128xf32, #tpu.memory_space<hbm>> -> memref<40x128xf32, #tpu.memory_space<hbm>>
    %dma_start3A_19 = tpu.memref_slice %arg11[%dma_start3A_16] : memref<3x!tpu.dma_semaphore, #tpu.memory_space<semaphore_mem>> -> memref<1x!tpu.dma_semaphore, #tpu.memory_space<semaphore_mem>>
    %dma_start3A_20 = tpu.memref_squeeze %dma_start3A_19 : memref<1x!tpu.dma_semaphore, #tpu.memory_space<semaphore_mem>> -> memref<!tpu.dma_semaphore, #tpu.memory_space<semaphore_mem>>
    %dma_start3A_21 = arith.constant 0 : i32
    %dma_start3A_22 = tpu.memref_slice %arg3[%add3A_8, %dma_start3A_21] : memref<320000x128xf32, #tpu.memory_space<hbm>> -> memref<40x128xf32, #tpu.memory_space<hbm>>
    tpu.enqueue_dma source(%dma_start3A_22 : memref<40x128xf32, #tpu.memory_space<hbm>>) target(%arg17 : memref<40x128xf32, #tpu.memory_space<vmem>>) target_semaphore(%dma_start3A_20 : memref<!tpu.dma_semaphore, #tpu.memory_space<semaphore_mem>>)
    %dma_start3A_23 = arith.constant 0 : i32
    %dma_start3A_24 = arith.constant 0 : i32
    %dma_start3A_25 = arith.constant 0 : i32
    %dma_start3A_26 = arith.constant 0 : i32
    %dma_start3A_27 = tpu.memref_slice %arg4[%add3A, %dma_start3A_23, %dma_start3A_25, %dma_start3A_26] : memref<32x250x1x40xi32, #tpu.memory_space<hbm>> -> memref<1x1x1x40xi32, #tpu.memory_space<hbm>>
    %dma_start3A_28 = tpu.memref_squeeze %dma_start3A_27 : memref<1x1x1x40xi32, #tpu.memory_space<hbm>> -> memref<1x40xi32, #tpu.memory_space<hbm>>
    %dma_start3A_29 = tpu.memref_slice %arg12[%dma_start3A_24] : memref<3x!tpu.dma_semaphore, #tpu.memory_space<semaphore_mem>> -> memref<1x!tpu.dma_semaphore, #tpu.memory_space<semaphore_mem>>
    %dma_start3A_30 = tpu.memref_squeeze %dma_start3A_29 : memref<1x!tpu.dma_semaphore, #tpu.memory_space<semaphore_mem>> -> memref<!tpu.dma_semaphore, #tpu.memory_space<semaphore_mem>>
    %dma_start3A_31 = arith.constant 0 : i32
    %dma_start3A_32 = arith.constant 0 : i32
    %dma_start3A_33 = tpu.memref_slice %arg4[%add3A, %dma_start3A_23, %dma_start3A_31, %dma_start3A_32] : memref<32x250x1x40xi32, #tpu.memory_space<hbm>> -> memref<1x1x1x40xi32, #tpu.memory_space<hbm>>
    %dma_start3A_34 = tpu.memref_squeeze %dma_start3A_33 : memref<1x1x1x40xi32, #tpu.memory_space<hbm>> -> memref<1x40xi32, #tpu.memory_space<hbm>>
    tpu.enqueue_dma source(%dma_start3A_34 : memref<1x40xi32, #tpu.memory_space<hbm>>) target(%arg20 : memref<1x40xi32, #tpu.memory_space<vmem>>) target_semaphore(%dma_start3A_30 : memref<!tpu.dma_semaphore, #tpu.memory_space<semaphore_mem>>)
    %mul3A_35 = arith.constant 10000 : i32
    %mul3A_36 = arith.muli %add3A, %mul3A_35 : i32
    %add3A_37 = arith.constant 40 : i32
    %add3A_38 = arith.addi %mul3A_36, %add3A_37 : i32
    %dma_start3A_39 = arith.constant 1 : i32
    %dma_start3A_40 = arith.constant 40 : i32
    %dma_start3A_41 = tpu.memref_slice %arg8[%dma_start3A_40] : memref<10000xi32, #tpu.memory_space<vmem>> -> memref<40xi32, #tpu.memory_space<vmem>>
    %dma_start3A_42 = arith.constant 0 : i32
    %dma_start3A_43 = arith.constant 0 : i32
    %dma_start3A_44 = tpu.memref_slice %arg2[%dma_start3A_42, %dma_start3A_43] : memref<10240x128xf32, #tpu.memory_space<hbm>> -> memref<10240x128xf32, #tpu.memory_space<hbm>>
    %dma_start3A_45 = tpu.memref_slice %arg10[%dma_start3A_39] : memref<3x!tpu.dma_semaphore, #tpu.memory_space<semaphore_mem>> -> memref<1x!tpu.dma_semaphore, #tpu.memory_space<semaphore_mem>>
    %dma_start3A_46 = tpu.memref_squeeze %dma_start3A_45 : memref<1x!tpu.dma_semaphore, #tpu.memory_space<semaphore_mem>> -> memref<!tpu.dma_semaphore, #tpu.memory_space<semaphore_mem>>
    tpu.enqueue_indirect_dma source(%dma_start3A_44 : memref<10240x128xf32, #tpu.memory_space<hbm>>) target(%arg15 : memref<40x128xf32, #tpu.memory_space<vmem>>) offsets(%dma_start3A_41 : memref<40xi32, #tpu.memory_space<vmem>>) semaphore(%dma_start3A_46 : memref<!tpu.dma_semaphore, #tpu.memory_space<semaphore_mem>>)
    %dma_start3A_47 = arith.constant 1 : i32
    %dma_start3A_48 = arith.constant 0 : i32
    %dma_start3A_49 = tpu.memref_slice %arg3[%add3A_38, %dma_start3A_48] : memref<320000x128xf32, #tpu.memory_space<hbm>> -> memref<40x128xf32, #tpu.memory_space<hbm>>
    %dma_start3A_50 = tpu.memref_slice %arg11[%dma_start3A_47] : memref<3x!tpu.dma_semaphore, #tpu.memory_space<semaphore_mem>> -> memref<1x!tpu.dma_semaphore, #tpu.memory_space<semaphore_mem>>
    %dma_start3A_51 = tpu.memref_squeeze %dma_start3A_50 : memref<1x!tpu.dma_semaphore, #tpu.memory_space<semaphore_mem>> -> memref<!tpu.dma_semaphore, #tpu.memory_space<semaphore_mem>>
    %dma_start3A_52 = arith.constant 0 : i32
    %dma_start3A_53 = tpu.memref_slice %arg3[%add3A_38, %dma_start3A_52] : memref<320000x128xf32, #tpu.memory_space<hbm>> -> memref<40x128xf32, #tpu.memory_space<hbm>>
    tpu.enqueue_dma source(%dma_start3A_53 : memref<40x128xf32, #tpu.memory_space<hbm>>) target(%arg18 : memref<40x128xf32, #tpu.memory_space<vmem>>) target_semaphore(%dma_start3A_51 : memref<!tpu.dma_semaphore, #tpu.memory_space<semaphore_mem>>)
    %dma_start3A_54 = arith.constant 1 : i32
    %dma_start3A_55 = arith.constant 1 : i32
    %dma_start3A_56 = arith.constant 0 : i32
    %dma_start3A_57 = arith.constant 0 : i32
    %dma_start3A_58 = tpu.memref_slice %arg4[%add3A, %dma_start3A_54, %dma_start3A_56, %dma_start3A_57] : memref<32x250x1x40xi32, #tpu.memory_space<hbm>> -> memref<1x1x1x40xi32, #tpu.memory_space<hbm>>
    %dma_start3A_59 = tpu.memref_squeeze %dma_start3A_58 : memref<1x1x1x40xi32, #tpu.memory_space<hbm>> -> memref<1x40xi32, #tpu.memory_space<hbm>>
    %dma_start3A_60 = tpu.memref_slice %arg12[%dma_start3A_55] : memref<3x!tpu.dma_semaphore, #tpu.memory_space<semaphore_mem>> -> memref<1x!tpu.dma_semaphore, #tpu.memory_space<semaphore_mem>>
    %dma_start3A_61 = tpu.memref_squeeze %dma_start3A_60 : memref<1x!tpu.dma_semaphore, #tpu.memory_space<semaphore_mem>> -> memref<!tpu.dma_semaphore, #tpu.memory_space<semaphore_mem>>
    %dma_start3A_62 = arith.constant 0 : i32
    %dma_start3A_63 = arith.constant 0 : i32
    %dma_start3A_64 = tpu.memref_slice %arg4[%add3A, %dma_start3A_54, %dma_start3A_62, %dma_start3A_63] : memref<32x250x1x40xi32, #tpu.memory_space<hbm>> -> memref<1x1x1x40xi32, #tpu.memory_space<hbm>>
    %dma_start3A_65 = tpu.memref_squeeze %dma_start3A_64 : memref<1x1x1x40xi32, #tpu.memory_space<hbm>> -> memref<1x40xi32, #tpu.memory_space<hbm>>
    tpu.enqueue_dma source(%dma_start3A_65 : memref<1x40xi32, #tpu.memory_space<hbm>>) target(%arg21 : memref<1x40xi32, #tpu.memory_space<vmem>>) target_semaphore(%dma_start3A_61 : memref<!tpu.dma_semaphore, #tpu.memory_space<semaphore_mem>>)
    %mul3A_66 = arith.constant 10000 : i32
    %mul3A_67 = arith.muli %add3A, %mul3A_66 : i32
    %add3A_68 = arith.constant 80 : i32
    %add3A_69 = arith.addi %mul3A_67, %add3A_68 : i32
    %dma_start3A_70 = arith.constant 2 : i32
    %dma_start3A_71 = arith.constant 80 : i32
    %dma_start3A_72 = tpu.memref_slice %arg8[%dma_start3A_71] : memref<10000xi32, #tpu.memory_space<vmem>> -> memref<40xi32, #tpu.memory_space<vmem>>
    %dma_start3A_73 = arith.constant 0 : i32
    %dma_start3A_74 = arith.constant 0 : i32
    %dma_start3A_75 = tpu.memref_slice %arg2[%dma_start3A_73, %dma_start3A_74] : memref<10240x128xf32, #tpu.memory_space<hbm>> -> memref<10240x128xf32, #tpu.memory_space<hbm>>
    %dma_start3A_76 = tpu.memref_slice %arg10[%dma_start3A_70] : memref<3x!tpu.dma_semaphore, #tpu.memory_space<semaphore_mem>> -> memref<1x!tpu.dma_semaphore, #tpu.memory_space<semaphore_mem>>
    %dma_start3A_77 = tpu.memref_squeeze %dma_start3A_76 : memref<1x!tpu.dma_semaphore, #tpu.memory_space<semaphore_mem>> -> memref<!tpu.dma_semaphore, #tpu.memory_space<semaphore_mem>>
    tpu.enqueue_indirect_dma source(%dma_start3A_75 : memref<10240x128xf32, #tpu.memory_space<hbm>>) target(%arg16 : memref<40x128xf32, #tpu.memory_space<vmem>>) offsets(%dma_start3A_72 : memref<40xi32, #tpu.memory_space<vmem>>) semaphore(%dma_start3A_77 : memref<!tpu.dma_semaphore, #tpu.memory_space<semaphore_mem>>)
    %dma_start3A_78 = arith.constant 2 : i32
    %dma_start3A_79 = arith.constant 0 : i32
    %dma_start3A_80 = tpu.memref_slice %arg3[%add3A_69, %dma_start3A_79] : memref<320000x128xf32, #tpu.memory_space<hbm>> -> memref<40x128xf32, #tpu.memory_space<hbm>>
    %dma_start3A_81 = tpu.memref_slice %arg11[%dma_start3A_78] : memref<3x!tpu.dma_semaphore, #tpu.memory_space<semaphore_mem>> -> memref<1x!tpu.dma_semaphore, #tpu.memory_space<semaphore_mem>>
    %dma_start3A_82 = tpu.memref_squeeze %dma_start3A_81 : memref<1x!tpu.dma_semaphore, #tpu.memory_space<semaphore_mem>> -> memref<!tpu.dma_semaphore, #tpu.memory_space<semaphore_mem>>
    %dma_start3A_83 = arith.constant 0 : i32
    %dma_start3A_84 = tpu.memref_slice %arg3[%add3A_69, %dma_start3A_83] : memref<320000x128xf32, #tpu.memory_space<hbm>> -> memref<40x128xf32, #tpu.memory_space<hbm>>
    tpu.enqueue_dma source(%dma_start3A_84 : memref<40x128xf32, #tpu.memory_space<hbm>>) target(%arg19 : memref<40x128xf32, #tpu.memory_space<vmem>>) target_semaphore(%dma_start3A_82 : memref<!tpu.dma_semaphore, #tpu.memory_space<semaphore_mem>>)
    %dma_start3A_85 = arith.constant 2 : i32
    %dma_start3A_86 = arith.constant 2 : i32
    %dma_start3A_87 = arith.constant 0 : i32
    %dma_start3A_88 = arith.constant 0 : i32
    %dma_start3A_89 = tpu.memref_slice %arg4[%add3A, %dma_start3A_85, %dma_start3A_87, %dma_start3A_88] : memref<32x250x1x40xi32, #tpu.memory_space<hbm>> -> memref<1x1x1x40xi32, #tpu.memory_space<hbm>>
    %dma_start3A_90 = tpu.memref_squeeze %dma_start3A_89 : memref<1x1x1x40xi32, #tpu.memory_space<hbm>> -> memref<1x40xi32, #tpu.memory_space<hbm>>
    %dma_start3A_91 = tpu.memref_slice %arg12[%dma_start3A_86] : memref<3x!tpu.dma_semaphore, #tpu.memory_space<semaphore_mem>> -> memref<1x!tpu.dma_semaphore, #tpu.memory_space<semaphore_mem>>
    %dma_start3A_92 = tpu.memref_squeeze %dma_start3A_91 : memref<1x!tpu.dma_semaphore, #tpu.memory_space<semaphore_mem>> -> memref<!tpu.dma_semaphore, #tpu.memory_space<semaphore_mem>>
    %dma_start3A_93 = arith.constant 0 : i32
    %dma_start3A_94 = arith.constant 0 : i32
    %dma_start3A_95 = tpu.memref_slice %arg4[%add3A, %dma_start3A_85, %dma_start3A_93, %dma_start3A_94] : memref<32x250x1x40xi32, #tpu.memory_space<hbm>> -> memref<1x1x1x40xi32, #tpu.memory_space<hbm>>
    %dma_start3A_96 = tpu.memref_squeeze %dma_start3A_95 : memref<1x1x1x40xi32, #tpu.memory_space<hbm>> -> memref<1x40xi32, #tpu.memory_space<hbm>>
    tpu.enqueue_dma source(%dma_start3A_96 : memref<1x40xi32, #tpu.memory_space<hbm>>) target(%arg22 : memref<1x40xi32, #tpu.memory_space<vmem>>) target_semaphore(%dma_start3A_92 : memref<!tpu.dma_semaphore, #tpu.memory_space<semaphore_mem>>)
    %scan3A = arith.constant 0 : i32
    %scan3A_97 = arith.constant 0 : i32
    %scan3A_98 = arith.constant 83 : i32
    %scan3A_99 = arith.addi %scan3A_97, %scan3A_98 : i32
    %scan3A_100 = arith.constant 1 : i32
    scf.for %scan3A_169 = %scan3A_97 to %scan3A_99 step %scan3A_100  : i32 {
      %mul3A_170 = arith.constant 3 : i32
      %mul3A_171 = arith.muli %scan3A_169, %mul3A_170 : i32
      %add3A_172 = arith.constant 0 : i32
      %add3A_173 = arith.addi %mul3A_171, %add3A_172 : i32
      %mul3A_174 = arith.constant 40 : i32
      %mul3A_175 = arith.muli %add3A_173, %mul3A_174 : i32
      %dma_wait3A_176 = arith.constant 0 : i32
      %dma_wait3A_177 = tpu.memref_slice %arg8[%mul3A_175] : memref<10000xi32, #tpu.memory_space<vmem>> -> memref<40xi32, #tpu.memory_space<vmem>>
      %dma_wait3A_178 = arith.constant 0 : i32
      %dma_wait3A_179 = arith.constant 0 : i32
      %dma_wait3A_180 = tpu.memref_slice %arg2[%dma_wait3A_178, %dma_wait3A_179] : memref<10240x128xf32, #tpu.memory_space<hbm>> -> memref<10240x128xf32, #tpu.memory_space<hbm>>
      %dma_wait3A_181 = tpu.memref_slice %arg10[%dma_wait3A_176] : memref<3x!tpu.dma_semaphore, #tpu.memory_space<semaphore_mem>> -> memref<1x!tpu.dma_semaphore, #tpu.memory_space<semaphore_mem>>
      %dma_wait3A_182 = tpu.memref_squeeze %dma_wait3A_181 : memref<1x!tpu.dma_semaphore, #tpu.memory_space<semaphore_mem>> -> memref<!tpu.dma_semaphore, #tpu.memory_space<semaphore_mem>>
      tpu.wait_indirect_dma semaphore(%dma_wait3A_182 : memref<!tpu.dma_semaphore, #tpu.memory_space<semaphore_mem>>) src(%dma_wait3A_180 : memref<10240x128xf32, #tpu.memory_space<hbm>>) dst(%arg14 : memref<40x128xf32, #tpu.memory_space<vmem>>)
      %mul3A_183 = arith.constant 10000 : i32
      %mul3A_184 = arith.muli %add3A, %mul3A_183 : i32
      %mul3A_185 = arith.constant 40 : i32
      %mul3A_186 = arith.muli %add3A_173, %mul3A_185 : i32
      %add3A_187 = arith.addi %mul3A_184, %mul3A_186 : i32
      %dma_wait3A_188 = arith.constant 0 : i32
      %dma_wait3A_189 = arith.constant 0 : i32
      %dma_wait3A_190 = tpu.memref_slice %arg3[%add3A_187, %dma_wait3A_189] : memref<320000x128xf32, #tpu.memory_space<hbm>> -> memref<40x128xf32, #tpu.memory_space<hbm>>
      %dma_wait3A_191 = tpu.memref_slice %arg11[%dma_wait3A_188] : memref<3x!tpu.dma_semaphore, #tpu.memory_space<semaphore_mem>> -> memref<1x!tpu.dma_semaphore, #tpu.memory_space<semaphore_mem>>
      %dma_wait3A_192 = tpu.memref_squeeze %dma_wait3A_191 : memref<1x!tpu.dma_semaphore, #tpu.memory_space<semaphore_mem>> -> memref<!tpu.dma_semaphore, #tpu.memory_space<semaphore_mem>>
      %dma_wait3A_193 = arith.constant 0 : i32
      %dma_wait3A_194 = tpu.memref_slice %arg3[%add3A_187, %dma_wait3A_193] : memref<320000x128xf32, #tpu.memory_space<hbm>> -> memref<40x128xf32, #tpu.memory_space<hbm>>
      tpu.wait_dma2 semaphore(%dma_wait3A_192 : memref<!tpu.dma_semaphore, #tpu.memory_space<semaphore_mem>>) src(%dma_wait3A_194 : memref<40x128xf32, #tpu.memory_space<hbm>>) dst(%arg17 : memref<40x128xf32, #tpu.memory_space<vmem>>)
      %scan3A_195 = arith.constant 0 : i32
      %scan3A_196 = arith.constant 0 : i32
      %scan3A_197 = arith.constant 40 : i32
      %scan3A_198 = arith.addi %scan3A_196, %scan3A_197 : i32
      %scan3A_199 = arith.constant 1 : i32
      scf.for %scan3A_392 = %scan3A_196 to %scan3A_198 step %scan3A_199  : i32 {
        %get3A = arith.index_cast %scan3A_392 : i32 to index
        %get3A_393 = arith.constant 0 : index
        %get3A_394 = tpu.vector_load %arg14[%get3A, %get3A_393] {strides = array<i32>} : memref<40x128xf32, #tpu.memory_space<vmem>>, vector<1x16xf32>,
        %get3A_395 = vector.shape_cast %get3A_394 : vector<1x16xf32> to vector<16xf32>
        %get3A_396 = arith.index_cast %scan3A_392 : i32 to index
        %get3A_397 = arith.constant 0 : index
        %get3A_398 = tpu.vector_load %arg17[%get3A_396, %get3A_397] {strides = array<i32>} : memref<40x128xf32, #tpu.memory_space<vmem>>, vector<1x16xf32>,
        %get3A_399 = vector.shape_cast %get3A_398 : vector<1x16xf32> to vector<16xf32>
        %mul3A_400 = arith.mulf %get3A_395, %get3A_399 : vector<16xf32>
        %swap3A = arith.index_cast %scan3A_392 : i32 to index
        %swap3A_401 = arith.constant 0 : index
        %swap3A_402 = tpu.vector_load %arg14[%swap3A, %swap3A_401] {strides = array<i32>} : memref<40x128xf32, #tpu.memory_space<vmem>>, vector<1x16xf32>,
        %swap3A_403 = vector.shape_cast %swap3A_402 : vector<1x16xf32> to vector<16xf32>
        %swap3A_404 = vector.shape_cast %mul3A_400 : vector<16xf32> to vector<1x16xf32>
        tpu.vector_store %arg14[%swap3A, %swap3A_401], %swap3A_404 {strides = array<i32>} : memref<40x128xf32, #tpu.memory_space<vmem>>, vector<1x16xf32>,
        %get3A_405 = arith.index_cast %scan3A_392 : i32 to index
        %get3A_406 = arith.constant 16 : index
        %get3A_407 = tpu.vector_load %arg14[%get3A_405, %get3A_406] {strides = array<i32>} : memref<40x128xf32, #tpu.memory_space<vmem>>, vector<1x16xf32>,
        %get3A_408 = vector.shape_cast %get3A_407 : vector<1x16xf32> to vector<16xf32>
        %get3A_409 = arith.index_cast %scan3A_392 : i32 to index
        %get3A_410 = arith.constant 16 : index
        %get3A_411 = tpu.vector_load %arg17[%get3A_409, %get3A_410] {strides = array<i32>} : memref<40x128xf32, #tpu.memory_space<vmem>>, vector<1x16xf32>,
        %get3A_412 = vector.shape_cast %get3A_411 : vector<1x16xf32> to vector<16xf32>
        %mul3A_413 = arith.mulf %get3A_408, %get3A_412 : vector<16xf32>
        %swap3A_414 = arith.index_cast %scan3A_392 : i32 to index
        %swap3A_415 = arith.constant 16 : index
        %swap3A_416 = tpu.vector_load %arg14[%swap3A_414, %swap3A_415] {strides = array<i32>} : memref<40x128xf32, #tpu.memory_space<vmem>>, vector<1x16xf32>,
        %swap3A_417 = vector.shape_cast %swap3A_416 : vector<1x16xf32> to vector<16xf32>
        %swap3A_418 = vector.shape_cast %mul3A_413 : vector<16xf32> to vector<1x16xf32>
        tpu.vector_store %arg14[%swap3A_414, %swap3A_415], %swap3A_418 {strides = array<i32>} : memref<40x128xf32, #tpu.memory_space<vmem>>, vector<1x16xf32>,
        %get3A_419 = arith.index_cast %scan3A_392 : i32 to index
        %get3A_420 = arith.constant 32 : index
        %get3A_421 = tpu.vector_load %arg14[%get3A_419, %get3A_420] {strides = array<i32>} : memref<40x128xf32, #tpu.memory_space<vmem>>, vector<1x16xf32>,
        %get3A_422 = vector.shape_cast %get3A_421 : vector<1x16xf32> to vector<16xf32>
        %get3A_423 = arith.index_cast %scan3A_392 : i32 to index
        %get3A_424 = arith.constant 32 : index
        %get3A_425 = tpu.vector_load %arg17[%get3A_423, %get3A_424] {strides = array<i32>} : memref<40x128xf32, #tpu.memory_space<vmem>>, vector<1x16xf32>,
        %get3A_426 = vector.shape_cast %get3A_425 : vector<1x16xf32> to vector<16xf32>
        %mul3A_427 = arith.mulf %get3A_422, %get3A_426 : vector<16xf32>
        %swap3A_428 = arith.index_cast %scan3A_392 : i32 to index
        %swap3A_429 = arith.constant 32 : index
        %swap3A_430 = tpu.vector_load %arg14[%swap3A_428, %swap3A_429] {strides = array<i32>} : memref<40x128xf32, #tpu.memory_space<vmem>>, vector<1x16xf32>,
        %swap3A_431 = vector.shape_cast %swap3A_430 : vector<1x16xf32> to vector<16xf32>
        %swap3A_432 = vector.shape_cast %mul3A_427 : vector<16xf32> to vector<1x16xf32>
        tpu.vector_store %arg14[%swap3A_428, %swap3A_429], %swap3A_432 {strides = array<i32>} : memref<40x128xf32, #tpu.memory_space<vmem>>, vector<1x16xf32>,
        %get3A_433 = arith.index_cast %scan3A_392 : i32 to index
        %get3A_434 = arith.constant 48 : index
        %get3A_435 = tpu.vector_load %arg14[%get3A_433, %get3A_434] {strides = array<i32>} : memref<40x128xf32, #tpu.memory_space<vmem>>, vector<1x16xf32>,
        %get3A_436 = vector.shape_cast %get3A_435 : vector<1x16xf32> to vector<16xf32>
        %get3A_437 = arith.index_cast %scan3A_392 : i32 to index
        %get3A_438 = arith.constant 48 : index
        %get3A_439 = tpu.vector_load %arg17[%get3A_437, %get3A_438] {strides = array<i32>} : memref<40x128xf32, #tpu.memory_space<vmem>>, vector<1x16xf32>,
        %get3A_440 = vector.shape_cast %get3A_439 : vector<1x16xf32> to vector<16xf32>
        %mul3A_441 = arith.mulf %get3A_436, %get3A_440 : vector<16xf32>
        %swap3A_442 = arith.index_cast %scan3A_392 : i32 to index
        %swap3A_443 = arith.constant 48 : index
        %swap3A_444 = tpu.vector_load %arg14[%swap3A_442, %swap3A_443] {strides = array<i32>} : memref<40x128xf32, #tpu.memory_space<vmem>>, vector<1x16xf32>,
        %swap3A_445 = vector.shape_cast %swap3A_444 : vector<1x16xf32> to vector<16xf32>
        %swap3A_446 = vector.shape_cast %mul3A_441 : vector<16xf32> to vector<1x16xf32>
        tpu.vector_store %arg14[%swap3A_442, %swap3A_443], %swap3A_446 {strides = array<i32>} : memref<40x128xf32, #tpu.memory_space<vmem>>, vector<1x16xf32>,
        %get3A_447 = arith.index_cast %scan3A_392 : i32 to index
        %get3A_448 = arith.constant 64 : index
        %get3A_449 = tpu.vector_load %arg14[%get3A_447, %get3A_448] {strides = array<i32>} : memref<40x128xf32, #tpu.memory_space<vmem>>, vector<1x16xf32>,
        %get3A_450 = vector.shape_cast %get3A_449 : vector<1x16xf32> to vector<16xf32>
        %get3A_451 = arith.index_cast %scan3A_392 : i32 to index
        %get3A_452 = arith.constant 64 : index
        %get3A_453 = tpu.vector_load %arg17[%get3A_451, %get3A_452] {strides = array<i32>} : memref<40x128xf32, #tpu.memory_space<vmem>>, vector<1x16xf32>,
        %get3A_454 = vector.shape_cast %get3A_453 : vector<1x16xf32> to vector<16xf32>
        %mul3A_455 = arith.mulf %get3A_450, %get3A_454 : vector<16xf32>
        %swap3A_456 = arith.index_cast %scan3A_392 : i32 to index
        %swap3A_457 = arith.constant 64 : index
        %swap3A_458 = tpu.vector_load %arg14[%swap3A_456, %swap3A_457] {strides = array<i32>} : memref<40x128xf32, #tpu.memory_space<vmem>>, vector<1x16xf32>,
        %swap3A_459 = vector.shape_cast %swap3A_458 : vector<1x16xf32> to vector<16xf32>
        %swap3A_460 = vector.shape_cast %mul3A_455 : vector<16xf32> to vector<1x16xf32>
        tpu.vector_store %arg14[%swap3A_456, %swap3A_457], %swap3A_460 {strides = array<i32>} : memref<40x128xf32, #tpu.memory_space<vmem>>, vector<1x16xf32>,
        %get3A_461 = arith.index_cast %scan3A_392 : i32 to index
        %get3A_462 = arith.constant 80 : index
        %get3A_463 = tpu.vector_load %arg14[%get3A_461, %get3A_462] {strides = array<i32>} : memref<40x128xf32, #tpu.memory_space<vmem>>, vector<1x16xf32>,
        %get3A_464 = vector.shape_cast %get3A_463 : vector<1x16xf32> to vector<16xf32>
        %get3A_465 = arith.index_cast %scan3A_392 : i32 to index
        %get3A_466 = arith.constant 80 : index
        %get3A_467 = tpu.vector_load %arg17[%get3A_465, %get3A_466] {strides = array<i32>} : memref<40x128xf32, #tpu.memory_space<vmem>>, vector<1x16xf32>,
        %get3A_468 = vector.shape_cast %get3A_467 : vector<1x16xf32> to vector<16xf32>
        %mul3A_469 = arith.mulf %get3A_464, %get3A_468 : vector<16xf32>
        %swap3A_470 = arith.index_cast %scan3A_392 : i32 to index
        %swap3A_471 = arith.constant 80 : index
        %swap3A_472 = tpu.vector_load %arg14[%swap3A_470, %swap3A_471] {strides = array<i32>} : memref<40x128xf32, #tpu.memory_space<vmem>>, vector<1x16xf32>,
        %swap3A_473 = vector.shape_cast %swap3A_472 : vector<1x16xf32> to vector<16xf32>
        %swap3A_474 = vector.shape_cast %mul3A_469 : vector<16xf32> to vector<1x16xf32>
        tpu.vector_store %arg14[%swap3A_470, %swap3A_471], %swap3A_474 {strides = array<i32>} : memref<40x128xf32, #tpu.memory_space<vmem>>, vector<1x16xf32>,
        %get3A_475 = arith.index_cast %scan3A_392 : i32 to index
        %get3A_476 = arith.constant 96 : index
        %get3A_477 = tpu.vector_load %arg14[%get3A_475, %get3A_476] {strides = array<i32>} : memref<40x128xf32, #tpu.memory_space<vmem>>, vector<1x16xf32>,
        %get3A_478 = vector.shape_cast %get3A_477 : vector<1x16xf32> to vector<16xf32>
        %get3A_479 = arith.index_cast %scan3A_392 : i32 to index
        %get3A_480 = arith.constant 96 : index
        %get3A_481 = tpu.vector_load %arg17[%get3A_479, %get3A_480] {strides = array<i32>} : memref<40x128xf32, #tpu.memory_space<vmem>>, vector<1x16xf32>,
        %get3A_482 = vector.shape_cast %get3A_481 : vector<1x16xf32> to vector<16xf32>
        %mul3A_483 = arith.mulf %get3A_478, %get3A_482 : vector<16xf32>
        %swap3A_484 = arith.index_cast %scan3A_392 : i32 to index
        %swap3A_485 = arith.constant 96 : index
        %swap3A_486 = tpu.vector_load %arg14[%swap3A_484, %swap3A_485] {strides = array<i32>} : memref<40x128xf32, #tpu.memory_space<vmem>>, vector<1x16xf32>,
        %swap3A_487 = vector.shape_cast %swap3A_486 : vector<1x16xf32> to vector<16xf32>
        %swap3A_488 = vector.shape_cast %mul3A_483 : vector<16xf32> to vector<1x16xf32>
        tpu.vector_store %arg14[%swap3A_484, %swap3A_485], %swap3A_488 {strides = array<i32>} : memref<40x128xf32, #tpu.memory_space<vmem>>, vector<1x16xf32>,
        %get3A_489 = arith.index_cast %scan3A_392 : i32 to index
        %get3A_490 = arith.constant 112 : index
        %get3A_491 = tpu.vector_load %arg14[%get3A_489, %get3A_490] {strides = array<i32>} : memref<40x128xf32, #tpu.memory_space<vmem>>, vector<1x16xf32>,
        %get3A_492 = vector.shape_cast %get3A_491 : vector<1x16xf32> to vector<16xf32>
        %get3A_493 = arith.index_cast %scan3A_392 : i32 to index
        %get3A_494 = arith.constant 112 : index
        %get3A_495 = tpu.vector_load %arg17[%get3A_493, %get3A_494] {strides = array<i32>} : memref<40x128xf32, #tpu.memory_space<vmem>>, vector<1x16xf32>,
        %get3A_496 = vector.shape_cast %get3A_495 : vector<1x16xf32> to vector<16xf32>
        %mul3A_497 = arith.mulf %get3A_492, %get3A_496 : vector<16xf32>
        %swap3A_498 = arith.index_cast %scan3A_392 : i32 to index
        %swap3A_499 = arith.constant 112 : index
        %swap3A_500 = tpu.vector_load %arg14[%swap3A_498, %swap3A_499] {strides = array<i32>} : memref<40x128xf32, #tpu.memory_space<vmem>>, vector<1x16xf32>,
        %swap3A_501 = vector.shape_cast %swap3A_500 : vector<1x16xf32> to vector<16xf32>
        %swap3A_502 = vector.shape_cast %mul3A_497 : vector<16xf32> to vector<1x16xf32>
        tpu.vector_store %arg14[%swap3A_498, %swap3A_499], %swap3A_502 {strides = array<i32>} : memref<40x128xf32, #tpu.memory_space<vmem>>, vector<1x16xf32>,
      }
      %scan3A_200 = arith.constant 40 : i32
      %dma_wait3A_201 = arith.constant 0 : i32
      %dma_wait3A_202 = arith.constant 0 : i32
      %dma_wait3A_203 = arith.constant 0 : i32
      %dma_wait3A_204 = tpu.memref_slice %arg4[%add3A, %add3A_173, %dma_wait3A_202, %dma_wait3A_203] : memref<32x250x1x40xi32, #tpu.memory_space<hbm>> -> memref<1x1x1x40xi32, #tpu.memory_space<hbm>>
      %dma_wait3A_205 = tpu.memref_squeeze %dma_wait3A_204 : memref<1x1x1x40xi32, #tpu.memory_space<hbm>> -> memref<1x40xi32, #tpu.memory_space<hbm>>
      %dma_wait3A_206 = tpu.memref_slice %arg12[%dma_wait3A_201] : memref<3x!tpu.dma_semaphore, #tpu.memory_space<semaphore_mem>> -> memref<1x!tpu.dma_semaphore, #tpu.memory_space<semaphore_mem>>
      %dma_wait3A_207 = tpu.memref_squeeze %dma_wait3A_206 : memref<1x!tpu.dma_semaphore, #tpu.memory_space<semaphore_mem>> -> memref<!tpu.dma_semaphore, #tpu.memory_space<semaphore_mem>>
      %dma_wait3A_208 = arith.constant 0 : i32
      %dma_wait3A_209 = arith.constant 0 : i32
      %dma_wait3A_210 = tpu.memref_slice %arg4[%add3A, %add3A_173, %dma_wait3A_208, %dma_wait3A_209] : memref<32x250x1x40xi32, #tpu.memory_space<hbm>> -> memref<1x1x1x40xi32, #tpu.memory_space<hbm>>
      %dma_wait3A_211 = tpu.memref_squeeze %dma_wait3A_210 : memref<1x1x1x40xi32, #tpu.memory_space<hbm>> -> memref<1x40xi32, #tpu.memory_space<hbm>>
      tpu.wait_dma2 semaphore(%dma_wait3A_207 : memref<!tpu.dma_semaphore, #tpu.memory_space<semaphore_mem>>) src(%dma_wait3A_211 : memref<1x40xi32, #tpu.memory_space<hbm>>) dst(%arg20 : memref<1x40xi32, #tpu.memory_space<vmem>>)
      %ge3A = arith.constant 1 : i32
      %ge3A_212 = arith.cmpi sge, %scan3A_169, %ge3A : i32
      %convert_element_type3A = arith.extui %ge3A_212 : i1 to i32
      %cond3A = arith.constant 0 : i32
      %cond3A_213 = arith.cmpi ne, %convert_element_type3A, %cond3A : i32
      scf.if %cond3A_213 {
        %dma_wait3A_392 = arith.constant 0 : i32
        %dma_wait3A_393 = arith.constant 2 : i32
        %dma_wait3A_394 = arith.constant 0 : i32
        %dma_wait3A_395 = tpu.memref_slice %arg22[%dma_wait3A_392, %dma_wait3A_394] : memref<1x40xi32, #tpu.memory_space<vmem>> -> memref<1x40xi32, #tpu.memory_space<vmem>>
        %dma_wait3A_396 = tpu.memref_squeeze %dma_wait3A_395 : memref<1x40xi32, #tpu.memory_space<vmem>> -> memref<40xi32, #tpu.memory_space<vmem>>
        %dma_wait3A_397 = arith.constant 0 : i32
        %dma_wait3A_398 = arith.constant 0 : i32
        %dma_wait3A_399 = tpu.memref_slice %arg9[%dma_wait3A_397, %dma_wait3A_398] : memref<10240x128xf32, #tpu.memory_space<vmem_shared>> -> memref<10240x128xf32, #tpu.memory_space<vmem_shared>>
        %dma_wait3A_400 = tpu.memref_slice %arg13[%dma_wait3A_393] : memref<3x!tpu.dma_semaphore, #tpu.memory_space<semaphore_mem>> -> memref<1x!tpu.dma_semaphore, #tpu.memory_space<semaphore_mem>>
        %dma_wait3A_401 = tpu.memref_squeeze %dma_wait3A_400 : memref<1x!tpu.dma_semaphore, #tpu.memory_space<semaphore_mem>> -> memref<!tpu.dma_semaphore, #tpu.memory_space<semaphore_mem>>
        tpu.wait_indirect_dma semaphore(%dma_wait3A_401 : memref<!tpu.dma_semaphore, #tpu.memory_space<semaphore_mem>>) src(%arg16 : memref<40x128xf32, #tpu.memory_space<vmem>>) dst(%dma_wait3A_399 : memref<10240x128xf32, #tpu.memory_space<vmem_shared>>)
      } else {
      }
      %dma_start3A_214 = arith.constant 0 : i32
      %dma_start3A_215 = arith.constant 0 : i32
      %dma_start3A_216 = arith.constant 0 : i32
      %dma_start3A_217 = tpu.memref_slice %arg20[%dma_start3A_214, %dma_start3A_216] : memref<1x40xi32, #tpu.memory_space<vmem>> -> memref<1x40xi32, #tpu.memory_space<vmem>>
      %dma_start3A_218 = tpu.memref_squeeze %dma_start3A_217 : memref<1x40xi32, #tpu.memory_space<vmem>> -> memref<40xi32, #tpu.memory_space<vmem>>
      %dma_start3A_219 = arith.constant 0 : i32
      %dma_start3A_220 = arith.constant 0 : i32
      %dma_start3A_221 = tpu.memref_slice %arg9[%dma_start3A_219, %dma_start3A_220] : memref<10240x128xf32, #tpu.memory_space<vmem_shared>> -> memref<10240x128xf32, #tpu.memory_space<vmem_shared>>
      %dma_start3A_222 = tpu.memref_slice %arg13[%dma_start3A_215] : memref<3x!tpu.dma_semaphore, #tpu.memory_space<semaphore_mem>> -> memref<1x!tpu.dma_semaphore, #tpu.memory_space<semaphore_mem>>
      %dma_start3A_223 = tpu.memref_squeeze %dma_start3A_222 : memref<1x!tpu.dma_semaphore, #tpu.memory_space<semaphore_mem>> -> memref<!tpu.dma_semaphore, #tpu.memory_space<semaphore_mem>>
      tpu.enqueue_indirect_dma source(%arg14 : memref<40x128xf32, #tpu.memory_space<vmem>>) target(%dma_start3A_221 : memref<10240x128xf32, #tpu.memory_space<vmem_shared>>) offsets(%dma_start3A_218 : memref<40xi32, #tpu.memory_space<vmem>>) semaphore(%dma_start3A_223 : memref<!tpu.dma_semaphore, #tpu.memory_space<semaphore_mem>>) {add = true}
      %ge3A_224 = arith.constant 1 : i32
      %ge3A_225 = arith.cmpi sge, %scan3A_169, %ge3A_224 : i32
      %convert_element_type3A_226 = arith.extui %ge3A_225 : i1 to i32
      %cond3A_227 = arith.constant 0 : i32
      %cond3A_228 = arith.cmpi ne, %convert_element_type3A_226, %cond3A_227 : i32
      scf.if %cond3A_228 {
        %add3A_392 = arith.constant 3 : i32
        %add3A_393 = arith.addi %add3A_173, %add3A_392 : i32
        %sub3A_394 = arith.constant 1 : i32
        %sub3A_395 = arith.subi %add3A_393, %sub3A_394 : i32
        %mul3A_396 = arith.constant 10000 : i32
        %mul3A_397 = arith.muli %add3A, %mul3A_396 : i32
        %mul3A_398 = arith.constant 40 : i32
        %mul3A_399 = arith.muli %sub3A_395, %mul3A_398 : i32
        %add3A_400 = arith.addi %mul3A_397, %mul3A_399 : i32
        %mul3A_401 = arith.constant 40 : i32
        %mul3A_402 = arith.muli %sub3A_395, %mul3A_401 : i32
        %dma_start3A_403 = arith.constant 2 : i32
        %dma_start3A_404 = tpu.memref_slice %arg8[%mul3A_402] : memref<10000xi32, #tpu.memory_space<vmem>> -> memref<40xi32, #tpu.memory_space<vmem>>
        %dma_start3A_405 = arith.constant 0 : i32
        %dma_start3A_406 = arith.constant 0 : i32
        %dma_start3A_407 = tpu.memref_slice %arg2[%dma_start3A_405, %dma_start3A_406] : memref<10240x128xf32, #tpu.memory_space<hbm>> -> memref<10240x128xf32, #tpu.memory_space<hbm>>
        %dma_start3A_408 = tpu.memref_slice %arg10[%dma_start3A_403] : memref<3x!tpu.dma_semaphore, #tpu.memory_space<semaphore_mem>> -> memref<1x!tpu.dma_semaphore, #tpu.memory_space<semaphore_mem>>
        %dma_start3A_409 = tpu.memref_squeeze %dma_start3A_408 : memref<1x!tpu.dma_semaphore, #tpu.memory_space<semaphore_mem>> -> memref<!tpu.dma_semaphore, #tpu.memory_space<semaphore_mem>>
        tpu.enqueue_indirect_dma source(%dma_start3A_407 : memref<10240x128xf32, #tpu.memory_space<hbm>>) target(%arg16 : memref<40x128xf32, #tpu.memory_space<vmem>>) offsets(%dma_start3A_404 : memref<40xi32, #tpu.memory_space<vmem>>) semaphore(%dma_start3A_409 : memref<!tpu.dma_semaphore, #tpu.memory_space<semaphore_mem>>)
        %dma_start3A_410 = arith.constant 2 : i32
        %dma_start3A_411 = arith.constant 0 : i32
        %dma_start3A_412 = tpu.memref_slice %arg3[%add3A_400, %dma_start3A_411] : memref<320000x128xf32, #tpu.memory_space<hbm>> -> memref<40x128xf32, #tpu.memory_space<hbm>>
        %dma_start3A_413 = tpu.memref_slice %arg11[%dma_start3A_410] : memref<3x!tpu.dma_semaphore, #tpu.memory_space<semaphore_mem>> -> memref<1x!tpu.dma_semaphore, #tpu.memory_space<semaphore_mem>>
        %dma_start3A_414 = tpu.memref_squeeze %dma_start3A_413 : memref<1x!tpu.dma_semaphore, #tpu.memory_space<semaphore_mem>> -> memref<!tpu.dma_semaphore, #tpu.memory_space<semaphore_mem>>
        %dma_start3A_415 = arith.constant 0 : i32
        %dma_start3A_416 = tpu.memref_slice %arg3[%add3A_400, %dma_start3A_415] : memref<320000x128xf32, #tpu.memory_space<hbm>> -> memref<40x128xf32, #tpu.memory_space<hbm>>
        tpu.enqueue_dma source(%dma_start3A_416 : memref<40x128xf32, #tpu.memory_space<hbm>>) target(%arg19 : memref<40x128xf32, #tpu.memory_space<vmem>>) target_semaphore(%dma_start3A_414 : memref<!tpu.dma_semaphore, #tpu.memory_space<semaphore_mem>>)
        %dma_start3A_417 = arith.constant 2 : i32
        %dma_start3A_418 = arith.constant 0 : i32
        %dma_start3A_419 = arith.constant 0 : i32
        %dma_start3A_420 = tpu.memref_slice %arg4[%add3A, %sub3A_395, %dma_start3A_418, %dma_start3A_419] : memref<32x250x1x40xi32, #tpu.memory_space<hbm>> -> memref<1x1x1x40xi32, #tpu.memory_space<hbm>>
        %dma_start3A_421 = tpu.memref_squeeze %dma_start3A_420 : memref<1x1x1x40xi32, #tpu.memory_space<hbm>> -> memref<1x40xi32, #tpu.memory_space<hbm>>
        %dma_start3A_422 = tpu.memref_slice %arg12[%dma_start3A_417] : memref<3x!tpu.dma_semaphore, #tpu.memory_space<semaphore_mem>> -> memref<1x!tpu.dma_semaphore, #tpu.memory_space<semaphore_mem>>
        %dma_start3A_423 = tpu.memref_squeeze %dma_start3A_422 : memref<1x!tpu.dma_semaphore, #tpu.memory_space<semaphore_mem>> -> memref<!tpu.dma_semaphore, #tpu.memory_space<semaphore_mem>>
        %dma_start3A_424 = arith.constant 0 : i32
        %dma_start3A_425 = arith.constant 0 : i32
        %dma_start3A_426 = tpu.memref_slice %arg4[%add3A, %sub3A_395, %dma_start3A_424, %dma_start3A_425] : memref<32x250x1x40xi32, #tpu.memory_space<hbm>> -> memref<1x1x1x40xi32, #tpu.memory_space<hbm>>
        %dma_start3A_427 = tpu.memref_squeeze %dma_start3A_426 : memref<1x1x1x40xi32, #tpu.memory_space<hbm>> -> memref<1x40xi32, #tpu.memory_space<hbm>>
        tpu.enqueue_dma source(%dma_start3A_427 : memref<1x40xi32, #tpu.memory_space<hbm>>) target(%arg22 : memref<1x40xi32, #tpu.memory_space<vmem>>) target_semaphore(%dma_start3A_423 : memref<!tpu.dma_semaphore, #tpu.memory_space<semaphore_mem>>)
      } else {
      }
      %mul3A_229 = arith.constant 3 : i32
      %mul3A_230 = arith.muli %scan3A_169, %mul3A_229 : i32
      %add3A_231 = arith.constant 1 : i32
      %add3A_232 = arith.addi %mul3A_230, %add3A_231 : i32
      %mul3A_233 = arith.constant 40 : i32
      %mul3A_234 = arith.muli %add3A_232, %mul3A_233 : i32
      %dma_wait3A_235 = arith.constant 1 : i32
      %dma_wait3A_236 = tpu.memref_slice %arg8[%mul3A_234] : memref<10000xi32, #tpu.memory_space<vmem>> -> memref<40xi32, #tpu.memory_space<vmem>>
      %dma_wait3A_237 = arith.constant 0 : i32
      %dma_wait3A_238 = arith.constant 0 : i32
      %dma_wait3A_239 = tpu.memref_slice %arg2[%dma_wait3A_237, %dma_wait3A_238] : memref<10240x128xf32, #tpu.memory_space<hbm>> -> memref<10240x128xf32, #tpu.memory_space<hbm>>
      %dma_wait3A_240 = tpu.memref_slice %arg10[%dma_wait3A_235] : memref<3x!tpu.dma_semaphore, #tpu.memory_space<semaphore_mem>> -> memref<1x!tpu.dma_semaphore, #tpu.memory_space<semaphore_mem>>
      %dma_wait3A_241 = tpu.memref_squeeze %dma_wait3A_240 : memref<1x!tpu.dma_semaphore, #tpu.memory_space<semaphore_mem>> -> memref<!tpu.dma_semaphore, #tpu.memory_space<semaphore_mem>>
      tpu.wait_indirect_dma semaphore(%dma_wait3A_241 : memref<!tpu.dma_semaphore, #tpu.memory_space<semaphore_mem>>) src(%dma_wait3A_239 : memref<10240x128xf32, #tpu.memory_space<hbm>>) dst(%arg15 : memref<40x128xf32, #tpu.memory_space<vmem>>)
      %mul3A_242 = arith.constant 10000 : i32
      %mul3A_243 = arith.muli %add3A, %mul3A_242 : i32
      %mul3A_244 = arith.constant 40 : i32
      %mul3A_245 = arith.muli %add3A_232, %mul3A_244 : i32
      %add3A_246 = arith.addi %mul3A_243, %mul3A_245 : i32
      %dma_wait3A_247 = arith.constant 1 : i32
      %dma_wait3A_248 = arith.constant 0 : i32
      %dma_wait3A_249 = tpu.memref_slice %arg3[%add3A_246, %dma_wait3A_248] : memref<320000x128xf32, #tpu.memory_space<hbm>> -> memref<40x128xf32, #tpu.memory_space<hbm>>
      %dma_wait3A_250 = tpu.memref_slice %arg11[%dma_wait3A_247] : memref<3x!tpu.dma_semaphore, #tpu.memory_space<semaphore_mem>> -> memref<1x!tpu.dma_semaphore, #tpu.memory_space<semaphore_mem>>
      %dma_wait3A_251 = tpu.memref_squeeze %dma_wait3A_250 : memref<1x!tpu.dma_semaphore, #tpu.memory_space<semaphore_mem>> -> memref<!tpu.dma_semaphore, #tpu.memory_space<semaphore_mem>>
      %dma_wait3A_252 = arith.constant 0 : i32
      %dma_wait3A_253 = tpu.memref_slice %arg3[%add3A_246, %dma_wait3A_252] : memref<320000x128xf32, #tpu.memory_space<hbm>> -> memref<40x128xf32, #tpu.memory_space<hbm>>
      tpu.wait_dma2 semaphore(%dma_wait3A_251 : memref<!tpu.dma_semaphore, #tpu.memory_space<semaphore_mem>>) src(%dma_wait3A_253 : memref<40x128xf32, #tpu.memory_space<hbm>>) dst(%arg18 : memref<40x128xf32, #tpu.memory_space<vmem>>)
      %scan3A_254 = arith.constant 0 : i32
      %scan3A_255 = arith.constant 0 : i32
      %scan3A_256 = arith.constant 40 : i32
      %scan3A_257 = arith.addi %scan3A_255, %scan3A_256 : i32
      %scan3A_258 = arith.constant 1 : i32
      scf.for %scan3A_392 = %scan3A_255 to %scan3A_257 step %scan3A_258  : i32 {
        %get3A = arith.index_cast %scan3A_392 : i32 to index
        %get3A_393 = arith.constant 0 : index
        %get3A_394 = tpu.vector_load %arg15[%get3A, %get3A_393] {strides = array<i32>} : memref<40x128xf32, #tpu.memory_space<vmem>>, vector<1x16xf32>,
        %get3A_395 = vector.shape_cast %get3A_394 : vector<1x16xf32> to vector<16xf32>
        %get3A_396 = arith.index_cast %scan3A_392 : i32 to index
        %get3A_397 = arith.constant 0 : index
        %get3A_398 = tpu.vector_load %arg18[%get3A_396, %get3A_397] {strides = array<i32>} : memref<40x128xf32, #tpu.memory_space<vmem>>, vector<1x16xf32>,
        %get3A_399 = vector.shape_cast %get3A_398 : vector<1x16xf32> to vector<16xf32>
        %mul3A_400 = arith.mulf %get3A_395, %get3A_399 : vector<16xf32>
        %swap3A = arith.index_cast %scan3A_392 : i32 to index
        %swap3A_401 = arith.constant 0 : index
        %swap3A_402 = tpu.vector_load %arg15[%swap3A, %swap3A_401] {strides = array<i32>} : memref<40x128xf32, #tpu.memory_space<vmem>>, vector<1x16xf32>,
        %swap3A_403 = vector.shape_cast %swap3A_402 : vector<1x16xf32> to vector<16xf32>
        %swap3A_404 = vector.shape_cast %mul3A_400 : vector<16xf32> to vector<1x16xf32>
        tpu.vector_store %arg15[%swap3A, %swap3A_401], %swap3A_404 {strides = array<i32>} : memref<40x128xf32, #tpu.memory_space<vmem>>, vector<1x16xf32>,
        %get3A_405 = arith.index_cast %scan3A_392 : i32 to index
        %get3A_406 = arith.constant 16 : index
        %get3A_407 = tpu.vector_load %arg15[%get3A_405, %get3A_406] {strides = array<i32>} : memref<40x128xf32, #tpu.memory_space<vmem>>, vector<1x16xf32>,
        %get3A_408 = vector.shape_cast %get3A_407 : vector<1x16xf32> to vector<16xf32>
        %get3A_409 = arith.index_cast %scan3A_392 : i32 to index
        %get3A_410 = arith.constant 16 : index
        %get3A_411 = tpu.vector_load %arg18[%get3A_409, %get3A_410] {strides = array<i32>} : memref<40x128xf32, #tpu.memory_space<vmem>>, vector<1x16xf32>,
        %get3A_412 = vector.shape_cast %get3A_411 : vector<1x16xf32> to vector<16xf32>
        %mul3A_413 = arith.mulf %get3A_408, %get3A_412 : vector<16xf32>
        %swap3A_414 = arith.index_cast %scan3A_392 : i32 to index
        %swap3A_415 = arith.constant 16 : index
        %swap3A_416 = tpu.vector_load %arg15[%swap3A_414, %swap3A_415] {strides = array<i32>} : memref<40x128xf32, #tpu.memory_space<vmem>>, vector<1x16xf32>,
        %swap3A_417 = vector.shape_cast %swap3A_416 : vector<1x16xf32> to vector<16xf32>
        %swap3A_418 = vector.shape_cast %mul3A_413 : vector<16xf32> to vector<1x16xf32>
        tpu.vector_store %arg15[%swap3A_414, %swap3A_415], %swap3A_418 {strides = array<i32>} : memref<40x128xf32, #tpu.memory_space<vmem>>, vector<1x16xf32>,
        %get3A_419 = arith.index_cast %scan3A_392 : i32 to index
        %get3A_420 = arith.constant 32 : index
        %get3A_421 = tpu.vector_load %arg15[%get3A_419, %get3A_420] {strides = array<i32>} : memref<40x128xf32, #tpu.memory_space<vmem>>, vector<1x16xf32>,
        %get3A_422 = vector.shape_cast %get3A_421 : vector<1x16xf32> to vector<16xf32>
        %get3A_423 = arith.index_cast %scan3A_392 : i32 to index
        %get3A_424 = arith.constant 32 : index
        %get3A_425 = tpu.vector_load %arg18[%get3A_423, %get3A_424] {strides = array<i32>} : memref<40x128xf32, #tpu.memory_space<vmem>>, vector<1x16xf32>,
        %get3A_426 = vector.shape_cast %get3A_425 : vector<1x16xf32> to vector<16xf32>
        %mul3A_427 = arith.mulf %get3A_422, %get3A_426 : vector<16xf32>
        %swap3A_428 = arith.index_cast %scan3A_392 : i32 to index
        %swap3A_429 = arith.constant 32 : index
        %swap3A_430 = tpu.vector_load %arg15[%swap3A_428, %swap3A_429] {strides = array<i32>} : memref<40x128xf32, #tpu.memory_space<vmem>>, vector<1x16xf32>,
        %swap3A_431 = vector.shape_cast %swap3A_430 : vector<1x16xf32> to vector<16xf32>
        %swap3A_432 = vector.shape_cast %mul3A_427 : vector<16xf32> to vector<1x16xf32>
        tpu.vector_store %arg15[%swap3A_428, %swap3A_429], %swap3A_432 {strides = array<i32>} : memref<40x128xf32, #tpu.memory_space<vmem>>, vector<1x16xf32>,
        %get3A_433 = arith.index_cast %scan3A_392 : i32 to index
        %get3A_434 = arith.constant 48 : index
        %get3A_435 = tpu.vector_load %arg15[%get3A_433, %get3A_434] {strides = array<i32>} : memref<40x128xf32, #tpu.memory_space<vmem>>, vector<1x16xf32>,
        %get3A_436 = vector.shape_cast %get3A_435 : vector<1x16xf32> to vector<16xf32>
        %get3A_437 = arith.index_cast %scan3A_392 : i32 to index
        %get3A_438 = arith.constant 48 : index
        %get3A_439 = tpu.vector_load %arg18[%get3A_437, %get3A_438] {strides = array<i32>} : memref<40x128xf32, #tpu.memory_space<vmem>>, vector<1x16xf32>,
        %get3A_440 = vector.shape_cast %get3A_439 : vector<1x16xf32> to vector<16xf32>
        %mul3A_441 = arith.mulf %get3A_436, %get3A_440 : vector<16xf32>
        %swap3A_442 = arith.index_cast %scan3A_392 : i32 to index
        %swap3A_443 = arith.constant 48 : index
        %swap3A_444 = tpu.vector_load %arg15[%swap3A_442, %swap3A_443] {strides = array<i32>} : memref<40x128xf32, #tpu.memory_space<vmem>>, vector<1x16xf32>,
        %swap3A_445 = vector.shape_cast %swap3A_444 : vector<1x16xf32> to vector<16xf32>
        %swap3A_446 = vector.shape_cast %mul3A_441 : vector<16xf32> to vector<1x16xf32>
        tpu.vector_store %arg15[%swap3A_442, %swap3A_443], %swap3A_446 {strides = array<i32>} : memref<40x128xf32, #tpu.memory_space<vmem>>, vector<1x16xf32>,
        %get3A_447 = arith.index_cast %scan3A_392 : i32 to index
        %get3A_448 = arith.constant 64 : index
        %get3A_449 = tpu.vector_load %arg15[%get3A_447, %get3A_448] {strides = array<i32>} : memref<40x128xf32, #tpu.memory_space<vmem>>, vector<1x16xf32>,
        %get3A_450 = vector.shape_cast %get3A_449 : vector<1x16xf32> to vector<16xf32>
        %get3A_451 = arith.index_cast %scan3A_392 : i32 to index
        %get3A_452 = arith.constant 64 : index
        %get3A_453 = tpu.vector_load %arg18[%get3A_451, %get3A_452] {strides = array<i32>} : memref<40x128xf32, #tpu.memory_space<vmem>>, vector<1x16xf32>,
        %get3A_454 = vector.shape_cast %get3A_453 : vector<1x16xf32> to vector<16xf32>
        %mul3A_455 = arith.mulf %get3A_450, %get3A_454 : vector<16xf32>
        %swap3A_456 = arith.index_cast %scan3A_392 : i32 to index
        %swap3A_457 = arith.constant 64 : index
        %swap3A_458 = tpu.vector_load %arg15[%swap3A_456, %swap3A_457] {strides = array<i32>} : memref<40x128xf32, #tpu.memory_space<vmem>>, vector<1x16xf32>,
        %swap3A_459 = vector.shape_cast %swap3A_458 : vector<1x16xf32> to vector<16xf32>
        %swap3A_460 = vector.shape_cast %mul3A_455 : vector<16xf32> to vector<1x16xf32>
        tpu.vector_store %arg15[%swap3A_456, %swap3A_457], %swap3A_460 {strides = array<i32>} : memref<40x128xf32, #tpu.memory_space<vmem>>, vector<1x16xf32>,
        %get3A_461 = arith.index_cast %scan3A_392 : i32 to index
        %get3A_462 = arith.constant 80 : index
        %get3A_463 = tpu.vector_load %arg15[%get3A_461, %get3A_462] {strides = array<i32>} : memref<40x128xf32, #tpu.memory_space<vmem>>, vector<1x16xf32>,
        %get3A_464 = vector.shape_cast %get3A_463 : vector<1x16xf32> to vector<16xf32>
        %get3A_465 = arith.index_cast %scan3A_392 : i32 to index
        %get3A_466 = arith.constant 80 : index
        %get3A_467 = tpu.vector_load %arg18[%get3A_465, %get3A_466] {strides = array<i32>} : memref<40x128xf32, #tpu.memory_space<vmem>>, vector<1x16xf32>,
        %get3A_468 = vector.shape_cast %get3A_467 : vector<1x16xf32> to vector<16xf32>
        %mul3A_469 = arith.mulf %get3A_464, %get3A_468 : vector<16xf32>
        %swap3A_470 = arith.index_cast %scan3A_392 : i32 to index
        %swap3A_471 = arith.constant 80 : index
        %swap3A_472 = tpu.vector_load %arg15[%swap3A_470, %swap3A_471] {strides = array<i32>} : memref<40x128xf32, #tpu.memory_space<vmem>>, vector<1x16xf32>,
        %swap3A_473 = vector.shape_cast %swap3A_472 : vector<1x16xf32> to vector<16xf32>
        %swap3A_474 = vector.shape_cast %mul3A_469 : vector<16xf32> to vector<1x16xf32>
        tpu.vector_store %arg15[%swap3A_470, %swap3A_471], %swap3A_474 {strides = array<i32>} : memref<40x128xf32, #tpu.memory_space<vmem>>, vector<1x16xf32>,
        %get3A_475 = arith.index_cast %scan3A_392 : i32 to index
        %get3A_476 = arith.constant 96 : index
        %get3A_477 = tpu.vector_load %arg15[%get3A_475, %get3A_476] {strides = array<i32>} : memref<40x128xf32, #tpu.memory_space<vmem>>, vector<1x16xf32>,
        %get3A_478 = vector.shape_cast %get3A_477 : vector<1x16xf32> to vector<16xf32>
        %get3A_479 = arith.index_cast %scan3A_392 : i32 to index
        %get3A_480 = arith.constant 96 : index
        %get3A_481 = tpu.vector_load %arg18[%get3A_479, %get3A_480] {strides = array<i32>} : memref<40x128xf32, #tpu.memory_space<vmem>>, vector<1x16xf32>,
        %get3A_482 = vector.shape_cast %get3A_481 : vector<1x16xf32> to vector<16xf32>
        %mul3A_483 = arith.mulf %get3A_478, %get3A_482 : vector<16xf32>
        %swap3A_484 = arith.index_cast %scan3A_392 : i32 to index
        %swap3A_485 = arith.constant 96 : index
        %swap3A_486 = tpu.vector_load %arg15[%swap3A_484, %swap3A_485] {strides = array<i32>} : memref<40x128xf32, #tpu.memory_space<vmem>>, vector<1x16xf32>,
        %swap3A_487 = vector.shape_cast %swap3A_486 : vector<1x16xf32> to vector<16xf32>
        %swap3A_488 = vector.shape_cast %mul3A_483 : vector<16xf32> to vector<1x16xf32>
        tpu.vector_store %arg15[%swap3A_484, %swap3A_485], %swap3A_488 {strides = array<i32>} : memref<40x128xf32, #tpu.memory_space<vmem>>, vector<1x16xf32>,
        %get3A_489 = arith.index_cast %scan3A_392 : i32 to index
        %get3A_490 = arith.constant 112 : index
        %get3A_491 = tpu.vector_load %arg15[%get3A_489, %get3A_490] {strides = array<i32>} : memref<40x128xf32, #tpu.memory_space<vmem>>, vector<1x16xf32>,
        %get3A_492 = vector.shape_cast %get3A_491 : vector<1x16xf32> to vector<16xf32>
        %get3A_493 = arith.index_cast %scan3A_392 : i32 to index
        %get3A_494 = arith.constant 112 : index
        %get3A_495 = tpu.vector_load %arg18[%get3A_493, %get3A_494] {strides = array<i32>} : memref<40x128xf32, #tpu.memory_space<vmem>>, vector<1x16xf32>,
        %get3A_496 = vector.shape_cast %get3A_495 : vector<1x16xf32> to vector<16xf32>
        %mul3A_497 = arith.mulf %get3A_492, %get3A_496 : vector<16xf32>
        %swap3A_498 = arith.index_cast %scan3A_392 : i32 to index
        %swap3A_499 = arith.constant 112 : index
        %swap3A_500 = tpu.vector_load %arg15[%swap3A_498, %swap3A_499] {strides = array<i32>} : memref<40x128xf32, #tpu.memory_space<vmem>>, vector<1x16xf32>,
        %swap3A_501 = vector.shape_cast %swap3A_500 : vector<1x16xf32> to vector<16xf32>
        %swap3A_502 = vector.shape_cast %mul3A_497 : vector<16xf32> to vector<1x16xf32>
        tpu.vector_store %arg15[%swap3A_498, %swap3A_499], %swap3A_502 {strides = array<i32>} : memref<40x128xf32, #tpu.memory_space<vmem>>, vector<1x16xf32>,
      }
      %scan3A_259 = arith.constant 40 : i32
      %dma_wait3A_260 = arith.constant 1 : i32
      %dma_wait3A_261 = arith.constant 0 : i32
      %dma_wait3A_262 = arith.constant 0 : i32
      %dma_wait3A_263 = tpu.memref_slice %arg4[%add3A, %add3A_232, %dma_wait3A_261, %dma_wait3A_262] : memref<32x250x1x40xi32, #tpu.memory_space<hbm>> -> memref<1x1x1x40xi32, #tpu.memory_space<hbm>>
      %dma_wait3A_264 = tpu.memref_squeeze %dma_wait3A_263 : memref<1x1x1x40xi32, #tpu.memory_space<hbm>> -> memref<1x40xi32, #tpu.memory_space<hbm>>
      %dma_wait3A_265 = tpu.memref_slice %arg12[%dma_wait3A_260] : memref<3x!tpu.dma_semaphore, #tpu.memory_space<semaphore_mem>> -> memref<1x!tpu.dma_semaphore, #tpu.memory_space<semaphore_mem>>
      %dma_wait3A_266 = tpu.memref_squeeze %dma_wait3A_265 : memref<1x!tpu.dma_semaphore, #tpu.memory_space<semaphore_mem>> -> memref<!tpu.dma_semaphore, #tpu.memory_space<semaphore_mem>>
      %dma_wait3A_267 = arith.constant 0 : i32
      %dma_wait3A_268 = arith.constant 0 : i32
      %dma_wait3A_269 = tpu.memref_slice %arg4[%add3A, %add3A_232, %dma_wait3A_267, %dma_wait3A_268] : memref<32x250x1x40xi32, #tpu.memory_space<hbm>> -> memref<1x1x1x40xi32, #tpu.memory_space<hbm>>
      %dma_wait3A_270 = tpu.memref_squeeze %dma_wait3A_269 : memref<1x1x1x40xi32, #tpu.memory_space<hbm>> -> memref<1x40xi32, #tpu.memory_space<hbm>>
      tpu.wait_dma2 semaphore(%dma_wait3A_266 : memref<!tpu.dma_semaphore, #tpu.memory_space<semaphore_mem>>) src(%dma_wait3A_270 : memref<1x40xi32, #tpu.memory_space<hbm>>) dst(%arg21 : memref<1x40xi32, #tpu.memory_space<vmem>>)
      %dma_wait3A_271 = arith.constant 0 : i32
      %dma_wait3A_272 = arith.constant 0 : i32
      %dma_wait3A_273 = arith.constant 0 : i32
      %dma_wait3A_274 = tpu.memref_slice %arg20[%dma_wait3A_271, %dma_wait3A_273] : memref<1x40xi32, #tpu.memory_space<vmem>> -> memref<1x40xi32, #tpu.memory_space<vmem>>
      %dma_wait3A_275 = tpu.memref_squeeze %dma_wait3A_274 : memref<1x40xi32, #tpu.memory_space<vmem>> -> memref<40xi32, #tpu.memory_space<vmem>>
      %dma_wait3A_276 = arith.constant 0 : i32
      %dma_wait3A_277 = arith.constant 0 : i32
      %dma_wait3A_278 = tpu.memref_slice %arg9[%dma_wait3A_276, %dma_wait3A_277] : memref<10240x128xf32, #tpu.memory_space<vmem_shared>> -> memref<10240x128xf32, #tpu.memory_space<vmem_shared>>
      %dma_wait3A_279 = tpu.memref_slice %arg13[%dma_wait3A_272] : memref<3x!tpu.dma_semaphore, #tpu.memory_space<semaphore_mem>> -> memref<1x!tpu.dma_semaphore, #tpu.memory_space<semaphore_mem>>
      %dma_wait3A_280 = tpu.memref_squeeze %dma_wait3A_279 : memref<1x!tpu.dma_semaphore, #tpu.memory_space<semaphore_mem>> -> memref<!tpu.dma_semaphore, #tpu.memory_space<semaphore_mem>>
      tpu.wait_indirect_dma semaphore(%dma_wait3A_280 : memref<!tpu.dma_semaphore, #tpu.memory_space<semaphore_mem>>) src(%arg14 : memref<40x128xf32, #tpu.memory_space<vmem>>) dst(%dma_wait3A_278 : memref<10240x128xf32, #tpu.memory_space<vmem_shared>>)
      %dma_start3A_281 = arith.constant 0 : i32
      %dma_start3A_282 = arith.constant 1 : i32
      %dma_start3A_283 = arith.constant 0 : i32
      %dma_start3A_284 = tpu.memref_slice %arg21[%dma_start3A_281, %dma_start3A_283] : memref<1x40xi32, #tpu.memory_space<vmem>> -> memref<1x40xi32, #tpu.memory_space<vmem>>
      %dma_start3A_285 = tpu.memref_squeeze %dma_start3A_284 : memref<1x40xi32, #tpu.memory_space<vmem>> -> memref<40xi32, #tpu.memory_space<vmem>>
      %dma_start3A_286 = arith.constant 0 : i32
      %dma_start3A_287 = arith.constant 0 : i32
      %dma_start3A_288 = tpu.memref_slice %arg9[%dma_start3A_286, %dma_start3A_287] : memref<10240x128xf32, #tpu.memory_space<vmem_shared>> -> memref<10240x128xf32, #tpu.memory_space<vmem_shared>>
      %dma_start3A_289 = tpu.memref_slice %arg13[%dma_start3A_282] : memref<3x!tpu.dma_semaphore, #tpu.memory_space<semaphore_mem>> -> memref<1x!tpu.dma_semaphore, #tpu.memory_space<semaphore_mem>>
      %dma_start3A_290 = tpu.memref_squeeze %dma_start3A_289 : memref<1x!tpu.dma_semaphore, #tpu.memory_space<semaphore_mem>> -> memref<!tpu.dma_semaphore, #tpu.memory_space<semaphore_mem>>
      tpu.enqueue_indirect_dma source(%arg15 : memref<40x128xf32, #tpu.memory_space<vmem>>) target(%dma_start3A_288 : memref<10240x128xf32, #tpu.memory_space<vmem_shared>>) offsets(%dma_start3A_285 : memref<40xi32, #tpu.memory_space<vmem>>) semaphore(%dma_start3A_290 : memref<!tpu.dma_semaphore, #tpu.memory_space<semaphore_mem>>) {add = true}
      %add3A_291 = arith.constant 3 : i32
      %add3A_292 = arith.addi %add3A_232, %add3A_291 : i32
      %sub3A = arith.constant 1 : i32
      %sub3A_293 = arith.subi %add3A_292, %sub3A : i32
      %mul3A_294 = arith.constant 10000 : i32
      %mul3A_295 = arith.muli %add3A, %mul3A_294 : i32
      %mul3A_296 = arith.constant 40 : i32
      %mul3A_297 = arith.muli %sub3A_293, %mul3A_296 : i32
      %add3A_298 = arith.addi %mul3A_295, %mul3A_297 : i32
      %mul3A_299 = arith.constant 40 : i32
      %mul3A_300 = arith.muli %sub3A_293, %mul3A_299 : i32
      %dma_start3A_301 = arith.constant 0 : i32
      %dma_start3A_302 = tpu.memref_slice %arg8[%mul3A_300] : memref<10000xi32, #tpu.memory_space<vmem>> -> memref<40xi32, #tpu.memory_space<vmem>>
      %dma_start3A_303 = arith.constant 0 : i32
      %dma_start3A_304 = arith.constant 0 : i32
      %dma_start3A_305 = tpu.memref_slice %arg2[%dma_start3A_303, %dma_start3A_304] : memref<10240x128xf32, #tpu.memory_space<hbm>> -> memref<10240x128xf32, #tpu.memory_space<hbm>>
      %dma_start3A_306 = tpu.memref_slice %arg10[%dma_start3A_301] : memref<3x!tpu.dma_semaphore, #tpu.memory_space<semaphore_mem>> -> memref<1x!tpu.dma_semaphore, #tpu.memory_space<semaphore_mem>>
      %dma_start3A_307 = tpu.memref_squeeze %dma_start3A_306 : memref<1x!tpu.dma_semaphore, #tpu.memory_space<semaphore_mem>> -> memref<!tpu.dma_semaphore, #tpu.memory_space<semaphore_mem>>
      tpu.enqueue_indirect_dma source(%dma_start3A_305 : memref<10240x128xf32, #tpu.memory_space<hbm>>) target(%arg14 : memref<40x128xf32, #tpu.memory_space<vmem>>) offsets(%dma_start3A_302 : memref<40xi32, #tpu.memory_space<vmem>>) semaphore(%dma_start3A_307 : memref<!tpu.dma_semaphore, #tpu.memory_space<semaphore_mem>>)
      %dma_start3A_308 = arith.constant 0 : i32
      %dma_start3A_309 = arith.constant 0 : i32
      %dma_start3A_310 = tpu.memref_slice %arg3[%add3A_298, %dma_start3A_309] : memref<320000x128xf32, #tpu.memory_space<hbm>> -> memref<40x128xf32, #tpu.memory_space<hbm>>
      %dma_start3A_311 = tpu.memref_slice %arg11[%dma_start3A_308] : memref<3x!tpu.dma_semaphore, #tpu.memory_space<semaphore_mem>> -> memref<1x!tpu.dma_semaphore, #tpu.memory_space<semaphore_mem>>
      %dma_start3A_312 = tpu.memref_squeeze %dma_start3A_311 : memref<1x!tpu.dma_semaphore, #tpu.memory_space<semaphore_mem>> -> memref<!tpu.dma_semaphore, #tpu.memory_space<semaphore_mem>>
      %dma_start3A_313 = arith.constant 0 : i32
      %dma_start3A_314 = tpu.memref_slice %arg3[%add3A_298, %dma_start3A_313] : memref<320000x128xf32, #tpu.memory_space<hbm>> -> memref<40x128xf32, #tpu.memory_space<hbm>>
      tpu.enqueue_dma source(%dma_start3A_314 : memref<40x128xf32, #tpu.memory_space<hbm>>) target(%arg17 : memref<40x128xf32, #tpu.memory_space<vmem>>) target_semaphore(%dma_start3A_312 : memref<!tpu.dma_semaphore, #tpu.memory_space<semaphore_mem>>)
      %dma_start3A_315 = arith.constant 0 : i32
      %dma_start3A_316 = arith.constant 0 : i32
      %dma_start3A_317 = arith.constant 0 : i32
      %dma_start3A_318 = tpu.memref_slice %arg4[%add3A, %sub3A_293, %dma_start3A_316, %dma_start3A_317] : memref<32x250x1x40xi32, #tpu.memory_space<hbm>> -> memref<1x1x1x40xi32, #tpu.memory_space<hbm>>
      %dma_start3A_319 = tpu.memref_squeeze %dma_start3A_318 : memref<1x1x1x40xi32, #tpu.memory_space<hbm>> -> memref<1x40xi32, #tpu.memory_space<hbm>>
      %dma_start3A_320 = tpu.memref_slice %arg12[%dma_start3A_315] : memref<3x!tpu.dma_semaphore, #tpu.memory_space<semaphore_mem>> -> memref<1x!tpu.dma_semaphore, #tpu.memory_space<semaphore_mem>>
      %dma_start3A_321 = tpu.memref_squeeze %dma_start3A_320 : memref<1x!tpu.dma_semaphore, #tpu.memory_space<semaphore_mem>> -> memref<!tpu.dma_semaphore, #tpu.memory_space<semaphore_mem>>
      %dma_start3A_322 = arith.constant 0 : i32
      %dma_start3A_323 = arith.constant 0 : i32
      %dma_start3A_324 = tpu.memref_slice %arg4[%add3A, %sub3A_293, %dma_start3A_322, %dma_start3A_323] : memref<32x250x1x40xi32, #tpu.memory_space<hbm>> -> memref<1x1x1x40xi32, #tpu.memory_space<hbm>>
      %dma_start3A_325 = tpu.memref_squeeze %dma_start3A_324 : memref<1x1x1x40xi32, #tpu.memory_space<hbm>> -> memref<1x40xi32, #tpu.memory_space<hbm>>
      tpu.enqueue_dma source(%dma_start3A_325 : memref<1x40xi32, #tpu.memory_space<hbm>>) target(%arg20 : memref<1x40xi32, #tpu.memory_space<vmem>>) target_semaphore(%dma_start3A_321 : memref<!tpu.dma_semaphore, #tpu.memory_space<semaphore_mem>>)
      %mul3A_326 = arith.constant 3 : i32
      %mul3A_327 = arith.muli %scan3A_169, %mul3A_326 : i32
      %add3A_328 = arith.constant 2 : i32
      %add3A_329 = arith.addi %mul3A_327, %add3A_328 : i32
      %mul3A_330 = arith.constant 40 : i32
      %mul3A_331 = arith.muli %add3A_329, %mul3A_330 : i32
      %dma_wait3A_332 = arith.constant 2 : i32
      %dma_wait3A_333 = tpu.memref_slice %arg8[%mul3A_331] : memref<10000xi32, #tpu.memory_space<vmem>> -> memref<40xi32, #tpu.memory_space<vmem>>
      %dma_wait3A_334 = arith.constant 0 : i32
      %dma_wait3A_335 = arith.constant 0 : i32
      %dma_wait3A_336 = tpu.memref_slice %arg2[%dma_wait3A_334, %dma_wait3A_335] : memref<10240x128xf32, #tpu.memory_space<hbm>> -> memref<10240x128xf32, #tpu.memory_space<hbm>>
      %dma_wait3A_337 = tpu.memref_slice %arg10[%dma_wait3A_332] : memref<3x!tpu.dma_semaphore, #tpu.memory_space<semaphore_mem>> -> memref<1x!tpu.dma_semaphore, #tpu.memory_space<semaphore_mem>>
      %dma_wait3A_338 = tpu.memref_squeeze %dma_wait3A_337 : memref<1x!tpu.dma_semaphore, #tpu.memory_space<semaphore_mem>> -> memref<!tpu.dma_semaphore, #tpu.memory_space<semaphore_mem>>
      tpu.wait_indirect_dma semaphore(%dma_wait3A_338 : memref<!tpu.dma_semaphore, #tpu.memory_space<semaphore_mem>>) src(%dma_wait3A_336 : memref<10240x128xf32, #tpu.memory_space<hbm>>) dst(%arg16 : memref<40x128xf32, #tpu.memory_space<vmem>>)
      %mul3A_339 = arith.constant 10000 : i32
      %mul3A_340 = arith.muli %add3A, %mul3A_339 : i32
      %mul3A_341 = arith.constant 40 : i32
      %mul3A_342 = arith.muli %add3A_329, %mul3A_341 : i32
      %add3A_343 = arith.addi %mul3A_340, %mul3A_342 : i32
      %dma_wait3A_344 = arith.constant 2 : i32
      %dma_wait3A_345 = arith.constant 0 : i32
      %dma_wait3A_346 = tpu.memref_slice %arg3[%add3A_343, %dma_wait3A_345] : memref<320000x128xf32, #tpu.memory_space<hbm>> -> memref<40x128xf32, #tpu.memory_space<hbm>>
      %dma_wait3A_347 = tpu.memref_slice %arg11[%dma_wait3A_344] : memref<3x!tpu.dma_semaphore, #tpu.memory_space<semaphore_mem>> -> memref<1x!tpu.dma_semaphore, #tpu.memory_space<semaphore_mem>>
      %dma_wait3A_348 = tpu.memref_squeeze %dma_wait3A_347 : memref<1x!tpu.dma_semaphore, #tpu.memory_space<semaphore_mem>> -> memref<!tpu.dma_semaphore, #tpu.memory_space<semaphore_mem>>
      %dma_wait3A_349 = arith.constant 0 : i32
      %dma_wait3A_350 = tpu.memref_slice %arg3[%add3A_343, %dma_wait3A_349] : memref<320000x128xf32, #tpu.memory_space<hbm>> -> memref<40x128xf32, #tpu.memory_space<hbm>>
      tpu.wait_dma2 semaphore(%dma_wait3A_348 : memref<!tpu.dma_semaphore, #tpu.memory_space<semaphore_mem>>) src(%dma_wait3A_350 : memref<40x128xf32, #tpu.memory_space<hbm>>) dst(%arg19 : memref<40x128xf32, #tpu.memory_space<vmem>>)
      %scan3A_351 = arith.constant 0 : i32
      %scan3A_352 = arith.constant 0 : i32
      %scan3A_353 = arith.constant 40 : i32
      %scan3A_354 = arith.addi %scan3A_352, %scan3A_353 : i32
      %scan3A_355 = arith.constant 1 : i32
      scf.for %scan3A_392 = %scan3A_352 to %scan3A_354 step %scan3A_355  : i32 {
        %get3A = arith.index_cast %scan3A_392 : i32 to index
        %get3A_393 = arith.constant 0 : index
        %get3A_394 = tpu.vector_load %arg16[%get3A, %get3A_393] {strides = array<i32>} : memref<40x128xf32, #tpu.memory_space<vmem>>, vector<1x16xf32>,
        %get3A_395 = vector.shape_cast %get3A_394 : vector<1x16xf32> to vector<16xf32>
        %get3A_396 = arith.index_cast %scan3A_392 : i32 to index
        %get3A_397 = arith.constant 0 : index
        %get3A_398 = tpu.vector_load %arg19[%get3A_396, %get3A_397] {strides = array<i32>} : memref<40x128xf32, #tpu.memory_space<vmem>>, vector<1x16xf32>,
        %get3A_399 = vector.shape_cast %get3A_398 : vector<1x16xf32> to vector<16xf32>
        %mul3A_400 = arith.mulf %get3A_395, %get3A_399 : vector<16xf32>
        %swap3A = arith.index_cast %scan3A_392 : i32 to index
        %swap3A_401 = arith.constant 0 : index
        %swap3A_402 = tpu.vector_load %arg16[%swap3A, %swap3A_401] {strides = array<i32>} : memref<40x128xf32, #tpu.memory_space<vmem>>, vector<1x16xf32>,
        %swap3A_403 = vector.shape_cast %swap3A_402 : vector<1x16xf32> to vector<16xf32>
        %swap3A_404 = vector.shape_cast %mul3A_400 : vector<16xf32> to vector<1x16xf32>
        tpu.vector_store %arg16[%swap3A, %swap3A_401], %swap3A_404 {strides = array<i32>} : memref<40x128xf32, #tpu.memory_space<vmem>>, vector<1x16xf32>,
        %get3A_405 = arith.index_cast %scan3A_392 : i32 to index
        %get3A_406 = arith.constant 16 : index
        %get3A_407 = tpu.vector_load %arg16[%get3A_405, %get3A_406] {strides = array<i32>} : memref<40x128xf32, #tpu.memory_space<vmem>>, vector<1x16xf32>,
        %get3A_408 = vector.shape_cast %get3A_407 : vector<1x16xf32> to vector<16xf32>
        %get3A_409 = arith.index_cast %scan3A_392 : i32 to index
        %get3A_410 = arith.constant 16 : index
        %get3A_411 = tpu.vector_load %arg19[%get3A_409, %get3A_410] {strides = array<i32>} : memref<40x128xf32, #tpu.memory_space<vmem>>, vector<1x16xf32>,
        %get3A_412 = vector.shape_cast %get3A_411 : vector<1x16xf32> to vector<16xf32>
        %mul3A_413 = arith.mulf %get3A_408, %get3A_412 : vector<16xf32>
        %swap3A_414 = arith.index_cast %scan3A_392 : i32 to index
        %swap3A_415 = arith.constant 16 : index
        %swap3A_416 = tpu.vector_load %arg16[%swap3A_414, %swap3A_415] {strides = array<i32>} : memref<40x128xf32, #tpu.memory_space<vmem>>, vector<1x16xf32>,
        %swap3A_417 = vector.shape_cast %swap3A_416 : vector<1x16xf32> to vector<16xf32>
        %swap3A_418 = vector.shape_cast %mul3A_413 : vector<16xf32> to vector<1x16xf32>
        tpu.vector_store %arg16[%swap3A_414, %swap3A_415], %swap3A_418 {strides = array<i32>} : memref<40x128xf32, #tpu.memory_space<vmem>>, vector<1x16xf32>,
        %get3A_419 = arith.index_cast %scan3A_392 : i32 to index
        %get3A_420 = arith.constant 32 : index
        %get3A_421 = tpu.vector_load %arg16[%get3A_419, %get3A_420] {strides = array<i32>} : memref<40x128xf32, #tpu.memory_space<vmem>>, vector<1x16xf32>,
        %get3A_422 = vector.shape_cast %get3A_421 : vector<1x16xf32> to vector<16xf32>
        %get3A_423 = arith.index_cast %scan3A_392 : i32 to index
        %get3A_424 = arith.constant 32 : index
        %get3A_425 = tpu.vector_load %arg19[%get3A_423, %get3A_424] {strides = array<i32>} : memref<40x128xf32, #tpu.memory_space<vmem>>, vector<1x16xf32>,
        %get3A_426 = vector.shape_cast %get3A_425 : vector<1x16xf32> to vector<16xf32>
        %mul3A_427 = arith.mulf %get3A_422, %get3A_426 : vector<16xf32>
        %swap3A_428 = arith.index_cast %scan3A_392 : i32 to index
        %swap3A_429 = arith.constant 32 : index
        %swap3A_430 = tpu.vector_load %arg16[%swap3A_428, %swap3A_429] {strides = array<i32>} : memref<40x128xf32, #tpu.memory_space<vmem>>, vector<1x16xf32>,
        %swap3A_431 = vector.shape_cast %swap3A_430 : vector<1x16xf32> to vector<16xf32>
        %swap3A_432 = vector.shape_cast %mul3A_427 : vector<16xf32> to vector<1x16xf32>
        tpu.vector_store %arg16[%swap3A_428, %swap3A_429], %swap3A_432 {strides = array<i32>} : memref<40x128xf32, #tpu.memory_space<vmem>>, vector<1x16xf32>,
        %get3A_433 = arith.index_cast %scan3A_392 : i32 to index
        %get3A_434 = arith.constant 48 : index
        %get3A_435 = tpu.vector_load %arg16[%get3A_433, %get3A_434] {strides = array<i32>} : memref<40x128xf32, #tpu.memory_space<vmem>>, vector<1x16xf32>,
        %get3A_436 = vector.shape_cast %get3A_435 : vector<1x16xf32> to vector<16xf32>
        %get3A_437 = arith.index_cast %scan3A_392 : i32 to index
        %get3A_438 = arith.constant 48 : index
        %get3A_439 = tpu.vector_load %arg19[%get3A_437, %get3A_438] {strides = array<i32>} : memref<40x128xf32, #tpu.memory_space<vmem>>, vector<1x16xf32>,
        %get3A_440 = vector.shape_cast %get3A_439 : vector<1x16xf32> to vector<16xf32>
        %mul3A_441 = arith.mulf %get3A_436, %get3A_440 : vector<16xf32>
        %swap3A_442 = arith.index_cast %scan3A_392 : i32 to index
        %swap3A_443 = arith.constant 48 : index
        %swap3A_444 = tpu.vector_load %arg16[%swap3A_442, %swap3A_443] {strides = array<i32>} : memref<40x128xf32, #tpu.memory_space<vmem>>, vector<1x16xf32>,
        %swap3A_445 = vector.shape_cast %swap3A_444 : vector<1x16xf32> to vector<16xf32>
        %swap3A_446 = vector.shape_cast %mul3A_441 : vector<16xf32> to vector<1x16xf32>
        tpu.vector_store %arg16[%swap3A_442, %swap3A_443], %swap3A_446 {strides = array<i32>} : memref<40x128xf32, #tpu.memory_space<vmem>>, vector<1x16xf32>,
        %get3A_447 = arith.index_cast %scan3A_392 : i32 to index
        %get3A_448 = arith.constant 64 : index
        %get3A_449 = tpu.vector_load %arg16[%get3A_447, %get3A_448] {strides = array<i32>} : memref<40x128xf32, #tpu.memory_space<vmem>>, vector<1x16xf32>,
        %get3A_450 = vector.shape_cast %get3A_449 : vector<1x16xf32> to vector<16xf32>
        %get3A_451 = arith.index_cast %scan3A_392 : i32 to index
        %get3A_452 = arith.constant 64 : index
        %get3A_453 = tpu.vector_load %arg19[%get3A_451, %get3A_452] {strides = array<i32>} : memref<40x128xf32, #tpu.memory_space<vmem>>, vector<1x16xf32>,
        %get3A_454 = vector.shape_cast %get3A_453 : vector<1x16xf32> to vector<16xf32>
        %mul3A_455 = arith.mulf %get3A_450, %get3A_454 : vector<16xf32>
        %swap3A_456 = arith.index_cast %scan3A_392 : i32 to index
        %swap3A_457 = arith.constant 64 : index
        %swap3A_458 = tpu.vector_load %arg16[%swap3A_456, %swap3A_457] {strides = array<i32>} : memref<40x128xf32, #tpu.memory_space<vmem>>, vector<1x16xf32>,
        %swap3A_459 = vector.shape_cast %swap3A_458 : vector<1x16xf32> to vector<16xf32>
        %swap3A_460 = vector.shape_cast %mul3A_455 : vector<16xf32> to vector<1x16xf32>
        tpu.vector_store %arg16[%swap3A_456, %swap3A_457], %swap3A_460 {strides = array<i32>} : memref<40x128xf32, #tpu.memory_space<vmem>>, vector<1x16xf32>,
        %get3A_461 = arith.index_cast %scan3A_392 : i32 to index
        %get3A_462 = arith.constant 80 : index
        %get3A_463 = tpu.vector_load %arg16[%get3A_461, %get3A_462] {strides = array<i32>} : memref<40x128xf32, #tpu.memory_space<vmem>>, vector<1x16xf32>,
        %get3A_464 = vector.shape_cast %get3A_463 : vector<1x16xf32> to vector<16xf32>
        %get3A_465 = arith.index_cast %scan3A_392 : i32 to index
        %get3A_466 = arith.constant 80 : index
        %get3A_467 = tpu.vector_load %arg19[%get3A_465, %get3A_466] {strides = array<i32>} : memref<40x128xf32, #tpu.memory_space<vmem>>, vector<1x16xf32>,
        %get3A_468 = vector.shape_cast %get3A_467 : vector<1x16xf32> to vector<16xf32>
        %mul3A_469 = arith.mulf %get3A_464, %get3A_468 : vector<16xf32>
        %swap3A_470 = arith.index_cast %scan3A_392 : i32 to index
        %swap3A_471 = arith.constant 80 : index
        %swap3A_472 = tpu.vector_load %arg16[%swap3A_470, %swap3A_471] {strides = array<i32>} : memref<40x128xf32, #tpu.memory_space<vmem>>, vector<1x16xf32>,
        %swap3A_473 = vector.shape_cast %swap3A_472 : vector<1x16xf32> to vector<16xf32>
        %swap3A_474 = vector.shape_cast %mul3A_469 : vector<16xf32> to vector<1x16xf32>
        tpu.vector_store %arg16[%swap3A_470, %swap3A_471], %swap3A_474 {strides = array<i32>} : memref<40x128xf32, #tpu.memory_space<vmem>>, vector<1x16xf32>,
        %get3A_475 = arith.index_cast %scan3A_392 : i32 to index
        %get3A_476 = arith.constant 96 : index
        %get3A_477 = tpu.vector_load %arg16[%get3A_475, %get3A_476] {strides = array<i32>} : memref<40x128xf32, #tpu.memory_space<vmem>>, vector<1x16xf32>,
        %get3A_478 = vector.shape_cast %get3A_477 : vector<1x16xf32> to vector<16xf32>
        %get3A_479 = arith.index_cast %scan3A_392 : i32 to index
        %get3A_480 = arith.constant 96 : index
        %get3A_481 = tpu.vector_load %arg19[%get3A_479, %get3A_480] {strides = array<i32>} : memref<40x128xf32, #tpu.memory_space<vmem>>, vector<1x16xf32>,
        %get3A_482 = vector.shape_cast %get3A_481 : vector<1x16xf32> to vector<16xf32>
        %mul3A_483 = arith.mulf %get3A_478, %get3A_482 : vector<16xf32>
        %swap3A_484 = arith.index_cast %scan3A_392 : i32 to index
        %swap3A_485 = arith.constant 96 : index
        %swap3A_486 = tpu.vector_load %arg16[%swap3A_484, %swap3A_485] {strides = array<i32>} : memref<40x128xf32, #tpu.memory_space<vmem>>, vector<1x16xf32>,
        %swap3A_487 = vector.shape_cast %swap3A_486 : vector<1x16xf32> to vector<16xf32>
        %swap3A_488 = vector.shape_cast %mul3A_483 : vector<16xf32> to vector<1x16xf32>
        tpu.vector_store %arg16[%swap3A_484, %swap3A_485], %swap3A_488 {strides = array<i32>} : memref<40x128xf32, #tpu.memory_space<vmem>>, vector<1x16xf32>,
        %get3A_489 = arith.index_cast %scan3A_392 : i32 to index
        %get3A_490 = arith.constant 112 : index
        %get3A_491 = tpu.vector_load %arg16[%get3A_489, %get3A_490] {strides = array<i32>} : memref<40x128xf32, #tpu.memory_space<vmem>>, vector<1x16xf32>,
        %get3A_492 = vector.shape_cast %get3A_491 : vector<1x16xf32> to vector<16xf32>
        %get3A_493 = arith.index_cast %scan3A_392 : i32 to index
        %get3A_494 = arith.constant 112 : index
        %get3A_495 = tpu.vector_load %arg19[%get3A_493, %get3A_494] {strides = array<i32>} : memref<40x128xf32, #tpu.memory_space<vmem>>, vector<1x16xf32>,
        %get3A_496 = vector.shape_cast %get3A_495 : vector<1x16xf32> to vector<16xf32>
        %mul3A_497 = arith.mulf %get3A_492, %get3A_496 : vector<16xf32>
        %swap3A_498 = arith.index_cast %scan3A_392 : i32 to index
        %swap3A_499 = arith.constant 112 : index
        %swap3A_500 = tpu.vector_load %arg16[%swap3A_498, %swap3A_499] {strides = array<i32>} : memref<40x128xf32, #tpu.memory_space<vmem>>, vector<1x16xf32>,
        %swap3A_501 = vector.shape_cast %swap3A_500 : vector<1x16xf32> to vector<16xf32>
        %swap3A_502 = vector.shape_cast %mul3A_497 : vector<16xf32> to vector<1x16xf32>
        tpu.vector_store %arg16[%swap3A_498, %swap3A_499], %swap3A_502 {strides = array<i32>} : memref<40x128xf32, #tpu.memory_space<vmem>>, vector<1x16xf32>,
      }
      %scan3A_356 = arith.constant 40 : i32
      %dma_wait3A_357 = arith.constant 2 : i32
      %dma_wait3A_358 = arith.constant 0 : i32
      %dma_wait3A_359 = arith.constant 0 : i32
      %dma_wait3A_360 = tpu.memref_slice %arg4[%add3A, %add3A_329, %dma_wait3A_358, %dma_wait3A_359] : memref<32x250x1x40xi32, #tpu.memory_space<hbm>> -> memref<1x1x1x40xi32, #tpu.memory_space<hbm>>
      %dma_wait3A_361 = tpu.memref_squeeze %dma_wait3A_360 : memref<1x1x1x40xi32, #tpu.memory_space<hbm>> -> memref<1x40xi32, #tpu.memory_space<hbm>>
      %dma_wait3A_362 = tpu.memref_slice %arg12[%dma_wait3A_357] : memref<3x!tpu.dma_semaphore, #tpu.memory_space<semaphore_mem>> -> memref<1x!tpu.dma_semaphore, #tpu.memory_space<semaphore_mem>>
      %dma_wait3A_363 = tpu.memref_squeeze %dma_wait3A_362 : memref<1x!tpu.dma_semaphore, #tpu.memory_space<semaphore_mem>> -> memref<!tpu.dma_semaphore, #tpu.memory_space<semaphore_mem>>
      %dma_wait3A_364 = arith.constant 0 : i32
      %dma_wait3A_365 = arith.constant 0 : i32
      %dma_wait3A_366 = tpu.memref_slice %arg4[%add3A, %add3A_329, %dma_wait3A_364, %dma_wait3A_365] : memref<32x250x1x40xi32, #tpu.memory_space<hbm>> -> memref<1x1x1x40xi32, #tpu.memory_space<hbm>>
      %dma_wait3A_367 = tpu.memref_squeeze %dma_wait3A_366 : memref<1x1x1x40xi32, #tpu.memory_space<hbm>> -> memref<1x40xi32, #tpu.memory_space<hbm>>
      tpu.wait_dma2 semaphore(%dma_wait3A_363 : memref<!tpu.dma_semaphore, #tpu.memory_space<semaphore_mem>>) src(%dma_wait3A_367 : memref<1x40xi32, #tpu.memory_space<hbm>>) dst(%arg22 : memref<1x40xi32, #tpu.memory_space<vmem>>)
      %dma_wait3A_368 = arith.constant 0 : i32
      %dma_wait3A_369 = arith.constant 1 : i32
      %dma_wait3A_370 = arith.constant 0 : i32
      %dma_wait3A_371 = tpu.memref_slice %arg21[%dma_wait3A_368, %dma_wait3A_370] : memref<1x40xi32, #tpu.memory_space<vmem>> -> memref<1x40xi32, #tpu.memory_space<vmem>>
      %dma_wait3A_372 = tpu.memref_squeeze %dma_wait3A_371 : memref<1x40xi32, #tpu.memory_space<vmem>> -> memref<40xi32, #tpu.memory_space<vmem>>
      %dma_wait3A_373 = arith.constant 0 : i32
      %dma_wait3A_374 = arith.constant 0 : i32
      %dma_wait3A_375 = tpu.memref_slice %arg9[%dma_wait3A_373, %dma_wait3A_374] : memref<10240x128xf32, #tpu.memory_space<vmem_shared>> -> memref<10240x128xf32, #tpu.memory_space<vmem_shared>>
      %dma_wait3A_376 = tpu.memref_slice %arg13[%dma_wait3A_369] : memref<3x!tpu.dma_semaphore, #tpu.memory_space<semaphore_mem>> -> memref<1x!tpu.dma_semaphore, #tpu.memory_space<semaphore_mem>>
      %dma_wait3A_377 = tpu.memref_squeeze %dma_wait3A_376 : memref<1x!tpu.dma_semaphore, #tpu.memory_space<semaphore_mem>> -> memref<!tpu.dma_semaphore, #tpu.memory_space<semaphore_mem>>
      tpu.wait_indirect_dma semaphore(%dma_wait3A_377 : memref<!tpu.dma_semaphore, #tpu.memory_space<semaphore_mem>>) src(%arg15 : memref<40x128xf32, #tpu.memory_space<vmem>>) dst(%dma_wait3A_375 : memref<10240x128xf32, #tpu.memory_space<vmem_shared>>)
      %dma_start3A_378 = arith.constant 0 : i32
      %dma_start3A_379 = arith.constant 2 : i32
      %dma_start3A_380 = arith.constant 0 : i32
      %dma_start3A_381 = tpu.memref_slice %arg22[%dma_start3A_378, %dma_start3A_380] : memref<1x40xi32, #tpu.memory_space<vmem>> -> memref<1x40xi32, #tpu.memory_space<vmem>>
      %dma_start3A_382 = tpu.memref_squeeze %dma_start3A_381 : memref<1x40xi32, #tpu.memory_space<vmem>> -> memref<40xi32, #tpu.memory_space<vmem>>
      %dma_start3A_383 = arith.constant 0 : i32
      %dma_start3A_384 = arith.constant 0 : i32
      %dma_start3A_385 = tpu.memref_slice %arg9[%dma_start3A_383, %dma_start3A_384] : memref<10240x128xf32, #tpu.memory_space<vmem_shared>> -> memref<10240x128xf32, #tpu.memory_space<vmem_shared>>
      %dma_start3A_386 = tpu.memref_slice %arg13[%dma_start3A_379] : memref<3x!tpu.dma_semaphore, #tpu.memory_space<semaphore_mem>> -> memref<1x!tpu.dma_semaphore, #tpu.memory_space<semaphore_mem>>
      %dma_start3A_387 = tpu.memref_squeeze %dma_start3A_386 : memref<1x!tpu.dma_semaphore, #tpu.memory_space<semaphore_mem>> -> memref<!tpu.dma_semaphore, #tpu.memory_space<semaphore_mem>>
      tpu.enqueue_indirect_dma source(%arg16 : memref<40x128xf32, #tpu.memory_space<vmem>>) target(%dma_start3A_385 : memref<10240x128xf32, #tpu.memory_space<vmem_shared>>) offsets(%dma_start3A_382 : memref<40xi32, #tpu.memory_space<vmem>>) semaphore(%dma_start3A_387 : memref<!tpu.dma_semaphore, #tpu.memory_space<semaphore_mem>>) {add = true}
      %lt3A = arith.constant 82 : i32
      %lt3A_388 = arith.cmpi slt, %scan3A_169, %lt3A : i32
      %convert_element_type3A_389 = arith.extui %lt3A_388 : i1 to i32
      %cond3A_390 = arith.constant 0 : i32
      %cond3A_391 = arith.cmpi ne, %convert_element_type3A_389, %cond3A_390 : i32
      scf.if %cond3A_391 {
        %add3A_392 = arith.constant 3 : i32
        %add3A_393 = arith.addi %add3A_329, %add3A_392 : i32
        %sub3A_394 = arith.constant 1 : i32
        %sub3A_395 = arith.subi %add3A_393, %sub3A_394 : i32
        %mul3A_396 = arith.constant 10000 : i32
        %mul3A_397 = arith.muli %add3A, %mul3A_396 : i32
        %mul3A_398 = arith.constant 40 : i32
        %mul3A_399 = arith.muli %sub3A_395, %mul3A_398 : i32
        %add3A_400 = arith.addi %mul3A_397, %mul3A_399 : i32
        %mul3A_401 = arith.constant 40 : i32
        %mul3A_402 = arith.muli %sub3A_395, %mul3A_401 : i32
        %dma_start3A_403 = arith.constant 1 : i32
        %dma_start3A_404 = tpu.memref_slice %arg8[%mul3A_402] : memref<10000xi32, #tpu.memory_space<vmem>> -> memref<40xi32, #tpu.memory_space<vmem>>
        %dma_start3A_405 = arith.constant 0 : i32
        %dma_start3A_406 = arith.constant 0 : i32
        %dma_start3A_407 = tpu.memref_slice %arg2[%dma_start3A_405, %dma_start3A_406] : memref<10240x128xf32, #tpu.memory_space<hbm>> -> memref<10240x128xf32, #tpu.memory_space<hbm>>
        %dma_start3A_408 = tpu.memref_slice %arg10[%dma_start3A_403] : memref<3x!tpu.dma_semaphore, #tpu.memory_space<semaphore_mem>> -> memref<1x!tpu.dma_semaphore, #tpu.memory_space<semaphore_mem>>
        %dma_start3A_409 = tpu.memref_squeeze %dma_start3A_408 : memref<1x!tpu.dma_semaphore, #tpu.memory_space<semaphore_mem>> -> memref<!tpu.dma_semaphore, #tpu.memory_space<semaphore_mem>>
        tpu.enqueue_indirect_dma source(%dma_start3A_407 : memref<10240x128xf32, #tpu.memory_space<hbm>>) target(%arg15 : memref<40x128xf32, #tpu.memory_space<vmem>>) offsets(%dma_start3A_404 : memref<40xi32, #tpu.memory_space<vmem>>) semaphore(%dma_start3A_409 : memref<!tpu.dma_semaphore, #tpu.memory_space<semaphore_mem>>)
        %dma_start3A_410 = arith.constant 1 : i32
        %dma_start3A_411 = arith.constant 0 : i32
        %dma_start3A_412 = tpu.memref_slice %arg3[%add3A_400, %dma_start3A_411] : memref<320000x128xf32, #tpu.memory_space<hbm>> -> memref<40x128xf32, #tpu.memory_space<hbm>>
        %dma_start3A_413 = tpu.memref_slice %arg11[%dma_start3A_410] : memref<3x!tpu.dma_semaphore, #tpu.memory_space<semaphore_mem>> -> memref<1x!tpu.dma_semaphore, #tpu.memory_space<semaphore_mem>>
        %dma_start3A_414 = tpu.memref_squeeze %dma_start3A_413 : memref<1x!tpu.dma_semaphore, #tpu.memory_space<semaphore_mem>> -> memref<!tpu.dma_semaphore, #tpu.memory_space<semaphore_mem>>
        %dma_start3A_415 = arith.constant 0 : i32
        %dma_start3A_416 = tpu.memref_slice %arg3[%add3A_400, %dma_start3A_415] : memref<320000x128xf32, #tpu.memory_space<hbm>> -> memref<40x128xf32, #tpu.memory_space<hbm>>
        tpu.enqueue_dma source(%dma_start3A_416 : memref<40x128xf32, #tpu.memory_space<hbm>>) target(%arg18 : memref<40x128xf32, #tpu.memory_space<vmem>>) target_semaphore(%dma_start3A_414 : memref<!tpu.dma_semaphore, #tpu.memory_space<semaphore_mem>>)
        %dma_start3A_417 = arith.constant 1 : i32
        %dma_start3A_418 = arith.constant 0 : i32
        %dma_start3A_419 = arith.constant 0 : i32
        %dma_start3A_420 = tpu.memref_slice %arg4[%add3A, %sub3A_395, %dma_start3A_418, %dma_start3A_419] : memref<32x250x1x40xi32, #tpu.memory_space<hbm>> -> memref<1x1x1x40xi32, #tpu.memory_space<hbm>>
        %dma_start3A_421 = tpu.memref_squeeze %dma_start3A_420 : memref<1x1x1x40xi32, #tpu.memory_space<hbm>> -> memref<1x40xi32, #tpu.memory_space<hbm>>
        %dma_start3A_422 = tpu.memref_slice %arg12[%dma_start3A_417] : memref<3x!tpu.dma_semaphore, #tpu.memory_space<semaphore_mem>> -> memref<1x!tpu.dma_semaphore, #tpu.memory_space<semaphore_mem>>
        %dma_start3A_423 = tpu.memref_squeeze %dma_start3A_422 : memref<1x!tpu.dma_semaphore, #tpu.memory_space<semaphore_mem>> -> memref<!tpu.dma_semaphore, #tpu.memory_space<semaphore_mem>>
        %dma_start3A_424 = arith.constant 0 : i32
        %dma_start3A_425 = arith.constant 0 : i32
        %dma_start3A_426 = tpu.memref_slice %arg4[%add3A, %sub3A_395, %dma_start3A_424, %dma_start3A_425] : memref<32x250x1x40xi32, #tpu.memory_space<hbm>> -> memref<1x1x1x40xi32, #tpu.memory_space<hbm>>
        %dma_start3A_427 = tpu.memref_squeeze %dma_start3A_426 : memref<1x1x1x40xi32, #tpu.memory_space<hbm>> -> memref<1x40xi32, #tpu.memory_space<hbm>>
        tpu.enqueue_dma source(%dma_start3A_427 : memref<1x40xi32, #tpu.memory_space<hbm>>) target(%arg21 : memref<1x40xi32, #tpu.memory_space<vmem>>) target_semaphore(%dma_start3A_423 : memref<!tpu.dma_semaphore, #tpu.memory_space<semaphore_mem>>)
      } else {
      }
    }
    %scan3A_101 = arith.constant 83 : i32
    %dma_wait3A = arith.constant 0 : i32
    %dma_wait3A_102 = arith.constant 9960 : i32
    %dma_wait3A_103 = tpu.memref_slice %arg8[%dma_wait3A_102] : memref<10000xi32, #tpu.memory_space<vmem>> -> memref<40xi32, #tpu.memory_space<vmem>>
    %dma_wait3A_104 = arith.constant 0 : i32
    %dma_wait3A_105 = arith.constant 0 : i32
    %dma_wait3A_106 = tpu.memref_slice %arg2[%dma_wait3A_104, %dma_wait3A_105] : memref<10240x128xf32, #tpu.memory_space<hbm>> -> memref<10240x128xf32, #tpu.memory_space<hbm>>
    %dma_wait3A_107 = tpu.memref_slice %arg10[%dma_wait3A] : memref<3x!tpu.dma_semaphore, #tpu.memory_space<semaphore_mem>> -> memref<1x!tpu.dma_semaphore, #tpu.memory_space<semaphore_mem>>
    %dma_wait3A_108 = tpu.memref_squeeze %dma_wait3A_107 : memref<1x!tpu.dma_semaphore, #tpu.memory_space<semaphore_mem>> -> memref<!tpu.dma_semaphore, #tpu.memory_space<semaphore_mem>>
    tpu.wait_indirect_dma semaphore(%dma_wait3A_108 : memref<!tpu.dma_semaphore, #tpu.memory_space<semaphore_mem>>) src(%dma_wait3A_106 : memref<10240x128xf32, #tpu.memory_space<hbm>>) dst(%arg14 : memref<40x128xf32, #tpu.memory_space<vmem>>)
    %mul3A_109 = arith.constant 10000 : i32
    %mul3A_110 = arith.muli %add3A, %mul3A_109 : i32
    %add3A_111 = arith.constant 9960 : i32
    %add3A_112 = arith.addi %mul3A_110, %add3A_111 : i32
    %dma_wait3A_113 = arith.constant 0 : i32
    %dma_wait3A_114 = arith.constant 0 : i32
    %dma_wait3A_115 = tpu.memref_slice %arg3[%add3A_112, %dma_wait3A_114] : memref<320000x128xf32, #tpu.memory_space<hbm>> -> memref<40x128xf32, #tpu.memory_space<hbm>>
    %dma_wait3A_116 = tpu.memref_slice %arg11[%dma_wait3A_113] : memref<3x!tpu.dma_semaphore, #tpu.memory_space<semaphore_mem>> -> memref<1x!tpu.dma_semaphore, #tpu.memory_space<semaphore_mem>>
    %dma_wait3A_117 = tpu.memref_squeeze %dma_wait3A_116 : memref<1x!tpu.dma_semaphore, #tpu.memory_space<semaphore_mem>> -> memref<!tpu.dma_semaphore, #tpu.memory_space<semaphore_mem>>
    %dma_wait3A_118 = arith.constant 0 : i32
    %dma_wait3A_119 = tpu.memref_slice %arg3[%add3A_112, %dma_wait3A_118] : memref<320000x128xf32, #tpu.memory_space<hbm>> -> memref<40x128xf32, #tpu.memory_space<hbm>>
    tpu.wait_dma2 semaphore(%dma_wait3A_117 : memref<!tpu.dma_semaphore, #tpu.memory_space<semaphore_mem>>) src(%dma_wait3A_119 : memref<40x128xf32, #tpu.memory_space<hbm>>) dst(%arg17 : memref<40x128xf32, #tpu.memory_space<vmem>>)
    %scan3A_120 = arith.constant 0 : i32
    %scan3A_121 = arith.constant 0 : i32
    %scan3A_122 = arith.constant 40 : i32
    %scan3A_123 = arith.addi %scan3A_121, %scan3A_122 : i32
    %scan3A_124 = arith.constant 1 : i32
    scf.for %scan3A_169 = %scan3A_121 to %scan3A_123 step %scan3A_124  : i32 {
      %get3A = arith.index_cast %scan3A_169 : i32 to index
      %get3A_170 = arith.constant 0 : index
      %get3A_171 = tpu.vector_load %arg14[%get3A, %get3A_170] {strides = array<i32>} : memref<40x128xf32, #tpu.memory_space<vmem>>, vector<1x16xf32>,
      %get3A_172 = vector.shape_cast %get3A_171 : vector<1x16xf32> to vector<16xf32>
      %get3A_173 = arith.index_cast %scan3A_169 : i32 to index
      %get3A_174 = arith.constant 0 : index
      %get3A_175 = tpu.vector_load %arg17[%get3A_173, %get3A_174] {strides = array<i32>} : memref<40x128xf32, #tpu.memory_space<vmem>>, vector<1x16xf32>,
      %get3A_176 = vector.shape_cast %get3A_175 : vector<1x16xf32> to vector<16xf32>
      %mul3A_177 = arith.mulf %get3A_172, %get3A_176 : vector<16xf32>
      %swap3A = arith.index_cast %scan3A_169 : i32 to index
      %swap3A_178 = arith.constant 0 : index
      %swap3A_179 = tpu.vector_load %arg14[%swap3A, %swap3A_178] {strides = array<i32>} : memref<40x128xf32, #tpu.memory_space<vmem>>, vector<1x16xf32>,
      %swap3A_180 = vector.shape_cast %swap3A_179 : vector<1x16xf32> to vector<16xf32>
      %swap3A_181 = vector.shape_cast %mul3A_177 : vector<16xf32> to vector<1x16xf32>
      tpu.vector_store %arg14[%swap3A, %swap3A_178], %swap3A_181 {strides = array<i32>} : memref<40x128xf32, #tpu.memory_space<vmem>>, vector<1x16xf32>,
      %get3A_182 = arith.index_cast %scan3A_169 : i32 to index
      %get3A_183 = arith.constant 16 : index
      %get3A_184 = tpu.vector_load %arg14[%get3A_182, %get3A_183] {strides = array<i32>} : memref<40x128xf32, #tpu.memory_space<vmem>>, vector<1x16xf32>,
      %get3A_185 = vector.shape_cast %get3A_184 : vector<1x16xf32> to vector<16xf32>
      %get3A_186 = arith.index_cast %scan3A_169 : i32 to index
      %get3A_187 = arith.constant 16 : index
      %get3A_188 = tpu.vector_load %arg17[%get3A_186, %get3A_187] {strides = array<i32>} : memref<40x128xf32, #tpu.memory_space<vmem>>, vector<1x16xf32>,
      %get3A_189 = vector.shape_cast %get3A_188 : vector<1x16xf32> to vector<16xf32>
      %mul3A_190 = arith.mulf %get3A_185, %get3A_189 : vector<16xf32>
      %swap3A_191 = arith.index_cast %scan3A_169 : i32 to index
      %swap3A_192 = arith.constant 16 : index
      %swap3A_193 = tpu.vector_load %arg14[%swap3A_191, %swap3A_192] {strides = array<i32>} : memref<40x128xf32, #tpu.memory_space<vmem>>, vector<1x16xf32>,
      %swap3A_194 = vector.shape_cast %swap3A_193 : vector<1x16xf32> to vector<16xf32>
      %swap3A_195 = vector.shape_cast %mul3A_190 : vector<16xf32> to vector<1x16xf32>
      tpu.vector_store %arg14[%swap3A_191, %swap3A_192], %swap3A_195 {strides = array<i32>} : memref<40x128xf32, #tpu.memory_space<vmem>>, vector<1x16xf32>,
      %get3A_196 = arith.index_cast %scan3A_169 : i32 to index
      %get3A_197 = arith.constant 32 : index
      %get3A_198 = tpu.vector_load %arg14[%get3A_196, %get3A_197] {strides = array<i32>} : memref<40x128xf32, #tpu.memory_space<vmem>>, vector<1x16xf32>,
      %get3A_199 = vector.shape_cast %get3A_198 : vector<1x16xf32> to vector<16xf32>
      %get3A_200 = arith.index_cast %scan3A_169 : i32 to index
      %get3A_201 = arith.constant 32 : index
      %get3A_202 = tpu.vector_load %arg17[%get3A_200, %get3A_201] {strides = array<i32>} : memref<40x128xf32, #tpu.memory_space<vmem>>, vector<1x16xf32>,
      %get3A_203 = vector.shape_cast %get3A_202 : vector<1x16xf32> to vector<16xf32>
      %mul3A_204 = arith.mulf %get3A_199, %get3A_203 : vector<16xf32>
      %swap3A_205 = arith.index_cast %scan3A_169 : i32 to index
      %swap3A_206 = arith.constant 32 : index
      %swap3A_207 = tpu.vector_load %arg14[%swap3A_205, %swap3A_206] {strides = array<i32>} : memref<40x128xf32, #tpu.memory_space<vmem>>, vector<1x16xf32>,
      %swap3A_208 = vector.shape_cast %swap3A_207 : vector<1x16xf32> to vector<16xf32>
      %swap3A_209 = vector.shape_cast %mul3A_204 : vector<16xf32> to vector<1x16xf32>
      tpu.vector_store %arg14[%swap3A_205, %swap3A_206], %swap3A_209 {strides = array<i32>} : memref<40x128xf32, #tpu.memory_space<vmem>>, vector<1x16xf32>,
      %get3A_210 = arith.index_cast %scan3A_169 : i32 to index
      %get3A_211 = arith.constant 48 : index
      %get3A_212 = tpu.vector_load %arg14[%get3A_210, %get3A_211] {strides = array<i32>} : memref<40x128xf32, #tpu.memory_space<vmem>>, vector<1x16xf32>,
      %get3A_213 = vector.shape_cast %get3A_212 : vector<1x16xf32> to vector<16xf32>
      %get3A_214 = arith.index_cast %scan3A_169 : i32 to index
      %get3A_215 = arith.constant 48 : index
      %get3A_216 = tpu.vector_load %arg17[%get3A_214, %get3A_215] {strides = array<i32>} : memref<40x128xf32, #tpu.memory_space<vmem>>, vector<1x16xf32>,
      %get3A_217 = vector.shape_cast %get3A_216 : vector<1x16xf32> to vector<16xf32>
      %mul3A_218 = arith.mulf %get3A_213, %get3A_217 : vector<16xf32>
      %swap3A_219 = arith.index_cast %scan3A_169 : i32 to index
      %swap3A_220 = arith.constant 48 : index
      %swap3A_221 = tpu.vector_load %arg14[%swap3A_219, %swap3A_220] {strides = array<i32>} : memref<40x128xf32, #tpu.memory_space<vmem>>, vector<1x16xf32>,
      %swap3A_222 = vector.shape_cast %swap3A_221 : vector<1x16xf32> to vector<16xf32>
      %swap3A_223 = vector.shape_cast %mul3A_218 : vector<16xf32> to vector<1x16xf32>
      tpu.vector_store %arg14[%swap3A_219, %swap3A_220], %swap3A_223 {strides = array<i32>} : memref<40x128xf32, #tpu.memory_space<vmem>>, vector<1x16xf32>,
      %get3A_224 = arith.index_cast %scan3A_169 : i32 to index
      %get3A_225 = arith.constant 64 : index
      %get3A_226 = tpu.vector_load %arg14[%get3A_224, %get3A_225] {strides = array<i32>} : memref<40x128xf32, #tpu.memory_space<vmem>>, vector<1x16xf32>,
      %get3A_227 = vector.shape_cast %get3A_226 : vector<1x16xf32> to vector<16xf32>
      %get3A_228 = arith.index_cast %scan3A_169 : i32 to index
      %get3A_229 = arith.constant 64 : index
      %get3A_230 = tpu.vector_load %arg17[%get3A_228, %get3A_229] {strides = array<i32>} : memref<40x128xf32, #tpu.memory_space<vmem>>, vector<1x16xf32>,
      %get3A_231 = vector.shape_cast %get3A_230 : vector<1x16xf32> to vector<16xf32>
      %mul3A_232 = arith.mulf %get3A_227, %get3A_231 : vector<16xf32>
      %swap3A_233 = arith.index_cast %scan3A_169 : i32 to index
      %swap3A_234 = arith.constant 64 : index
      %swap3A_235 = tpu.vector_load %arg14[%swap3A_233, %swap3A_234] {strides = array<i32>} : memref<40x128xf32, #tpu.memory_space<vmem>>, vector<1x16xf32>,
      %swap3A_236 = vector.shape_cast %swap3A_235 : vector<1x16xf32> to vector<16xf32>
      %swap3A_237 = vector.shape_cast %mul3A_232 : vector<16xf32> to vector<1x16xf32>
      tpu.vector_store %arg14[%swap3A_233, %swap3A_234], %swap3A_237 {strides = array<i32>} : memref<40x128xf32, #tpu.memory_space<vmem>>, vector<1x16xf32>,
      %get3A_238 = arith.index_cast %scan3A_169 : i32 to index
      %get3A_239 = arith.constant 80 : index
      %get3A_240 = tpu.vector_load %arg14[%get3A_238, %get3A_239] {strides = array<i32>} : memref<40x128xf32, #tpu.memory_space<vmem>>, vector<1x16xf32>,
      %get3A_241 = vector.shape_cast %get3A_240 : vector<1x16xf32> to vector<16xf32>
      %get3A_242 = arith.index_cast %scan3A_169 : i32 to index
      %get3A_243 = arith.constant 80 : index
      %get3A_244 = tpu.vector_load %arg17[%get3A_242, %get3A_243] {strides = array<i32>} : memref<40x128xf32, #tpu.memory_space<vmem>>, vector<1x16xf32>,
      %get3A_245 = vector.shape_cast %get3A_244 : vector<1x16xf32> to vector<16xf32>
      %mul3A_246 = arith.mulf %get3A_241, %get3A_245 : vector<16xf32>
      %swap3A_247 = arith.index_cast %scan3A_169 : i32 to index
      %swap3A_248 = arith.constant 80 : index
      %swap3A_249 = tpu.vector_load %arg14[%swap3A_247, %swap3A_248] {strides = array<i32>} : memref<40x128xf32, #tpu.memory_space<vmem>>, vector<1x16xf32>,
      %swap3A_250 = vector.shape_cast %swap3A_249 : vector<1x16xf32> to vector<16xf32>
      %swap3A_251 = vector.shape_cast %mul3A_246 : vector<16xf32> to vector<1x16xf32>
      tpu.vector_store %arg14[%swap3A_247, %swap3A_248], %swap3A_251 {strides = array<i32>} : memref<40x128xf32, #tpu.memory_space<vmem>>, vector<1x16xf32>,
      %get3A_252 = arith.index_cast %scan3A_169 : i32 to index
      %get3A_253 = arith.constant 96 : index
      %get3A_254 = tpu.vector_load %arg14[%get3A_252, %get3A_253] {strides = array<i32>} : memref<40x128xf32, #tpu.memory_space<vmem>>, vector<1x16xf32>,
      %get3A_255 = vector.shape_cast %get3A_254 : vector<1x16xf32> to vector<16xf32>
      %get3A_256 = arith.index_cast %scan3A_169 : i32 to index
      %get3A_257 = arith.constant 96 : index
      %get3A_258 = tpu.vector_load %arg17[%get3A_256, %get3A_257] {strides = array<i32>} : memref<40x128xf32, #tpu.memory_space<vmem>>, vector<1x16xf32>,
      %get3A_259 = vector.shape_cast %get3A_258 : vector<1x16xf32> to vector<16xf32>
      %mul3A_260 = arith.mulf %get3A_255, %get3A_259 : vector<16xf32>
      %swap3A_261 = arith.index_cast %scan3A_169 : i32 to index
      %swap3A_262 = arith.constant 96 : index
      %swap3A_263 = tpu.vector_load %arg14[%swap3A_261, %swap3A_262] {strides = array<i32>} : memref<40x128xf32, #tpu.memory_space<vmem>>, vector<1x16xf32>,
      %swap3A_264 = vector.shape_cast %swap3A_263 : vector<1x16xf32> to vector<16xf32>
      %swap3A_265 = vector.shape_cast %mul3A_260 : vector<16xf32> to vector<1x16xf32>
      tpu.vector_store %arg14[%swap3A_261, %swap3A_262], %swap3A_265 {strides = array<i32>} : memref<40x128xf32, #tpu.memory_space<vmem>>, vector<1x16xf32>,
      %get3A_266 = arith.index_cast %scan3A_169 : i32 to index
      %get3A_267 = arith.constant 112 : index
      %get3A_268 = tpu.vector_load %arg14[%get3A_266, %get3A_267] {strides = array<i32>} : memref<40x128xf32, #tpu.memory_space<vmem>>, vector<1x16xf32>,
      %get3A_269 = vector.shape_cast %get3A_268 : vector<1x16xf32> to vector<16xf32>
      %get3A_270 = arith.index_cast %scan3A_169 : i32 to index
      %get3A_271 = arith.constant 112 : index
      %get3A_272 = tpu.vector_load %arg17[%get3A_270, %get3A_271] {strides = array<i32>} : memref<40x128xf32, #tpu.memory_space<vmem>>, vector<1x16xf32>,
      %get3A_273 = vector.shape_cast %get3A_272 : vector<1x16xf32> to vector<16xf32>
      %mul3A_274 = arith.mulf %get3A_269, %get3A_273 : vector<16xf32>
      %swap3A_275 = arith.index_cast %scan3A_169 : i32 to index
      %swap3A_276 = arith.constant 112 : index
      %swap3A_277 = tpu.vector_load %arg14[%swap3A_275, %swap3A_276] {strides = array<i32>} : memref<40x128xf32, #tpu.memory_space<vmem>>, vector<1x16xf32>,
      %swap3A_278 = vector.shape_cast %swap3A_277 : vector<1x16xf32> to vector<16xf32>
      %swap3A_279 = vector.shape_cast %mul3A_274 : vector<16xf32> to vector<1x16xf32>
      tpu.vector_store %arg14[%swap3A_275, %swap3A_276], %swap3A_279 {strides = array<i32>} : memref<40x128xf32, #tpu.memory_space<vmem>>, vector<1x16xf32>,
    }
    %scan3A_125 = arith.constant 40 : i32
    %dma_wait3A_126 = arith.constant 249 : i32
    %dma_wait3A_127 = arith.constant 0 : i32
    %dma_wait3A_128 = arith.constant 0 : i32
    %dma_wait3A_129 = arith.constant 0 : i32
    %dma_wait3A_130 = tpu.memref_slice %arg4[%add3A, %dma_wait3A_126, %dma_wait3A_128, %dma_wait3A_129] : memref<32x250x1x40xi32, #tpu.memory_space<hbm>> -> memref<1x1x1x40xi32, #tpu.memory_space<hbm>>
    %dma_wait3A_131 = tpu.memref_squeeze %dma_wait3A_130 : memref<1x1x1x40xi32, #tpu.memory_space<hbm>> -> memref<1x40xi32, #tpu.memory_space<hbm>>
    %dma_wait3A_132 = tpu.memref_slice %arg12[%dma_wait3A_127] : memref<3x!tpu.dma_semaphore, #tpu.memory_space<semaphore_mem>> -> memref<1x!tpu.dma_semaphore, #tpu.memory_space<semaphore_mem>>
    %dma_wait3A_133 = tpu.memref_squeeze %dma_wait3A_132 : memref<1x!tpu.dma_semaphore, #tpu.memory_space<semaphore_mem>> -> memref<!tpu.dma_semaphore, #tpu.memory_space<semaphore_mem>>
    %dma_wait3A_134 = arith.constant 0 : i32
    %dma_wait3A_135 = arith.constant 0 : i32
    %dma_wait3A_136 = tpu.memref_slice %arg4[%add3A, %dma_wait3A_126, %dma_wait3A_134, %dma_wait3A_135] : memref<32x250x1x40xi32, #tpu.memory_space<hbm>> -> memref<1x1x1x40xi32, #tpu.memory_space<hbm>>
    %dma_wait3A_137 = tpu.memref_squeeze %dma_wait3A_136 : memref<1x1x1x40xi32, #tpu.memory_space<hbm>> -> memref<1x40xi32, #tpu.memory_space<hbm>>
    tpu.wait_dma2 semaphore(%dma_wait3A_133 : memref<!tpu.dma_semaphore, #tpu.memory_space<semaphore_mem>>) src(%dma_wait3A_137 : memref<1x40xi32, #tpu.memory_space<hbm>>) dst(%arg20 : memref<1x40xi32, #tpu.memory_space<vmem>>)
    %dma_wait3A_138 = arith.constant 0 : i32
    %dma_wait3A_139 = arith.constant 2 : i32
    %dma_wait3A_140 = arith.constant 0 : i32
    %dma_wait3A_141 = tpu.memref_slice %arg22[%dma_wait3A_138, %dma_wait3A_140] : memref<1x40xi32, #tpu.memory_space<vmem>> -> memref<1x40xi32, #tpu.memory_space<vmem>>
    %dma_wait3A_142 = tpu.memref_squeeze %dma_wait3A_141 : memref<1x40xi32, #tpu.memory_space<vmem>> -> memref<40xi32, #tpu.memory_space<vmem>>
    %dma_wait3A_143 = arith.constant 0 : i32
    %dma_wait3A_144 = arith.constant 0 : i32
    %dma_wait3A_145 = tpu.memref_slice %arg9[%dma_wait3A_143, %dma_wait3A_144] : memref<10240x128xf32, #tpu.memory_space<vmem_shared>> -> memref<10240x128xf32, #tpu.memory_space<vmem_shared>>
    %dma_wait3A_146 = tpu.memref_slice %arg13[%dma_wait3A_139] : memref<3x!tpu.dma_semaphore, #tpu.memory_space<semaphore_mem>> -> memref<1x!tpu.dma_semaphore, #tpu.memory_space<semaphore_mem>>
    %dma_wait3A_147 = tpu.memref_squeeze %dma_wait3A_146 : memref<1x!tpu.dma_semaphore, #tpu.memory_space<semaphore_mem>> -> memref<!tpu.dma_semaphore, #tpu.memory_space<semaphore_mem>>
    tpu.wait_indirect_dma semaphore(%dma_wait3A_147 : memref<!tpu.dma_semaphore, #tpu.memory_space<semaphore_mem>>) src(%arg16 : memref<40x128xf32, #tpu.memory_space<vmem>>) dst(%dma_wait3A_145 : memref<10240x128xf32, #tpu.memory_space<vmem_shared>>)
    %dma_start3A_148 = arith.constant 0 : i32
    %dma_start3A_149 = arith.constant 0 : i32
    %dma_start3A_150 = arith.constant 0 : i32
    %dma_start3A_151 = tpu.memref_slice %arg20[%dma_start3A_148, %dma_start3A_150] : memref<1x40xi32, #tpu.memory_space<vmem>> -> memref<1x40xi32, #tpu.memory_space<vmem>>
    %dma_start3A_152 = tpu.memref_squeeze %dma_start3A_151 : memref<1x40xi32, #tpu.memory_space<vmem>> -> memref<40xi32, #tpu.memory_space<vmem>>
    %dma_start3A_153 = arith.constant 0 : i32
    %dma_start3A_154 = arith.constant 0 : i32
    %dma_start3A_155 = tpu.memref_slice %arg9[%dma_start3A_153, %dma_start3A_154] : memref<10240x128xf32, #tpu.memory_space<vmem_shared>> -> memref<10240x128xf32, #tpu.memory_space<vmem_shared>>
    %dma_start3A_156 = tpu.memref_slice %arg13[%dma_start3A_149] : memref<3x!tpu.dma_semaphore, #tpu.memory_space<semaphore_mem>> -> memref<1x!tpu.dma_semaphore, #tpu.memory_space<semaphore_mem>>
    %dma_start3A_157 = tpu.memref_squeeze %dma_start3A_156 : memref<1x!tpu.dma_semaphore, #tpu.memory_space<semaphore_mem>> -> memref<!tpu.dma_semaphore, #tpu.memory_space<semaphore_mem>>
    tpu.enqueue_indirect_dma source(%arg14 : memref<40x128xf32, #tpu.memory_space<vmem>>) target(%dma_start3A_155 : memref<10240x128xf32, #tpu.memory_space<vmem_shared>>) offsets(%dma_start3A_152 : memref<40xi32, #tpu.memory_space<vmem>>) semaphore(%dma_start3A_157 : memref<!tpu.dma_semaphore, #tpu.memory_space<semaphore_mem>>) {add = true}
    %dma_wait3A_158 = arith.constant 0 : i32
    %dma_wait3A_159 = arith.constant 0 : i32
    %dma_wait3A_160 = arith.constant 0 : i32
    %dma_wait3A_161 = tpu.memref_slice %arg20[%dma_wait3A_158, %dma_wait3A_160] : memref<1x40xi32, #tpu.memory_space<vmem>> -> memref<1x40xi32, #tpu.memory_space<vmem>>
    %dma_wait3A_162 = tpu.memref_squeeze %dma_wait3A_161 : memref<1x40xi32, #tpu.memory_space<vmem>> -> memref<40xi32, #tpu.memory_space<vmem>>
    %dma_wait3A_163 = arith.constant 0 : i32
    %dma_wait3A_164 = arith.constant 0 : i32
    %dma_wait3A_165 = tpu.memref_slice %arg9[%dma_wait3A_163, %dma_wait3A_164] : memref<10240x128xf32, #tpu.memory_space<vmem_shared>> -> memref<10240x128xf32, #tpu.memory_space<vmem_shared>>
    %dma_wait3A_166 = tpu.memref_slice %arg13[%dma_wait3A_159] : memref<3x!tpu.dma_semaphore, #tpu.memory_space<semaphore_mem>> -> memref<1x!tpu.dma_semaphore, #tpu.memory_space<semaphore_mem>>
    %dma_wait3A_167 = tpu.memref_squeeze %dma_wait3A_166 : memref<1x!tpu.dma_semaphore, #tpu.memory_space<semaphore_mem>> -> memref<!tpu.dma_semaphore, #tpu.memory_space<semaphore_mem>>
    tpu.wait_indirect_dma semaphore(%dma_wait3A_167 : memref<!tpu.dma_semaphore, #tpu.memory_space<semaphore_mem>>) src(%arg14 : memref<40x128xf32, #tpu.memory_space<vmem>>) dst(%dma_wait3A_165 : memref<10240x128xf32, #tpu.memory_space<vmem_shared>>)
    %barrier3A_168 = arith.constant 0 : index
    tpu.barrier barrier_id(%barrier3A_168)
    "tpu.region"() ({
      %run_scoped3A = tpu.sem_alloc : memref<!tpu.dma_semaphore, #tpu.memory_space<semaphore_mem>>
      %dma_start3A_169 = arith.constant 0 : i32
      %dma_start3A_170 = tpu.memref_slice %arg7[%arg0, %mul3A_2, %dma_start3A_169] : memref<2x10240x128xf32, #tpu.memory_space<hbm>> -> memref<1x640x128xf32, #tpu.memory_space<hbm>>
      %dma_start3A_171 = tpu.memref_squeeze %dma_start3A_170 : memref<1x640x128xf32, #tpu.memory_space<hbm>> -> memref<640x128xf32, #tpu.memory_space<hbm>>
      %dma_start3A_172 = arith.constant 0 : i32
      %dma_start3A_173 = tpu.memref_slice %arg9[%mul3A_2, %dma_start3A_172] : memref<10240x128xf32, #tpu.memory_space<vmem_shared>> -> memref<640x128xf32, #tpu.memory_space<vmem_shared>>
      tpu.enqueue_dma source(%dma_start3A_173 : memref<640x128xf32, #tpu.memory_space<vmem_shared>>) target(%dma_start3A_171 : memref<640x128xf32, #tpu.memory_space<hbm>>) target_semaphore(%run_scoped3A : memref<!tpu.dma_semaphore, #tpu.memory_space<semaphore_mem>>)
      %dma_wait3A_174 = arith.constant 0 : i32
      %dma_wait3A_175 = tpu.memref_slice %arg7[%arg0, %mul3A_2, %dma_wait3A_174] : memref<2x10240x128xf32, #tpu.memory_space<hbm>> -> memref<1x640x128xf32, #tpu.memory_space<hbm>>
      %dma_wait3A_176 = tpu.memref_squeeze %dma_wait3A_175 : memref<1x640x128xf32, #tpu.memory_space<hbm>> -> memref<640x128xf32, #tpu.memory_space<hbm>>
      %dma_wait3A_177 = arith.constant 0 : i32
      %dma_wait3A_178 = tpu.memref_slice %arg9[%mul3A_2, %dma_wait3A_177] : memref<10240x128xf32, #tpu.memory_space<vmem_shared>> -> memref<640x128xf32, #tpu.memory_space<vmem_shared>>
      tpu.wait_dma2 semaphore(%run_scoped3A : memref<!tpu.dma_semaphore, #tpu.memory_space<semaphore_mem>>) src(%dma_wait3A_178 : memref<640x128xf32, #tpu.memory_space<vmem_shared>>) dst(%dma_wait3A_176 : memref<640x128xf32, #tpu.memory_space<hbm>>)
      tpu.yield
    }) : () -> ()
    return
  }
}

#map = affine_map<(d0, d1) -> (0, 0)>
#map1 = affine_map<(d0, d1) -> (0, 0, 0, 0)>
#map2 = affine_map<(d0, d1) -> (0)>
#map3 = affine_map<(d0, d1) -> (0, 0, 0)>
module attributes {stable_mosaic.version = 14 : i64} {
  func.func @_sc_msg_body(%arg0: i32, %arg1: i32, %arg2: memref<10240x128xf32, #tpu.memory_space<hbm>>, %arg3: memref<320000x128xf32, #tpu.memory_space<hbm>>, %arg4: memref<32x250x1x40xi32, #tpu.memory_space<hbm>>, %arg5: memref<320000xi32, #tpu.memory_space<hbm>>, %arg6: memref<10240x128xf32, #tpu.memory_space<hbm>>, %arg7: memref<2x10240x128xf32, #tpu.memory_space<hbm>>, %arg8: memref<10000xi32, #tpu.memory_space<vmem>>, %arg9: memref<10240x128xf32, #tpu.memory_space<vmem_shared>>, %arg10: memref<3x!tpu.dma_semaphore, #tpu.memory_space<semaphore_mem>>, %arg11: memref<3x!tpu.dma_semaphore, #tpu.memory_space<semaphore_mem>>, %arg12: memref<3x!tpu.dma_semaphore, #tpu.memory_space<semaphore_mem>>, %arg13: memref<3x!tpu.dma_semaphore, #tpu.memory_space<semaphore_mem>>, %arg14: memref<40x128xf32, #tpu.memory_space<vmem>>, %arg15: memref<40x128xf32, #tpu.memory_space<vmem>>, %arg16: memref<40x128xf32, #tpu.memory_space<vmem>>, %arg17: memref<40x128xf32, #tpu.memory_space<vmem>>, %arg18: memref<40x128xf32, #tpu.memory_space<vmem>>, %arg19: memref<40x128xf32, #tpu.memory_space<vmem>>, %arg20: memref<1x40xi32, #tpu.memory_space<vmem>>, %arg21: memref<1x40xi32, #tpu.memory_space<vmem>>, %arg22: memref<1x40xi32, #tpu.memory_space<vmem>>) attributes {dimension_semantics = [#tpu.dimension_semantics<core_parallel>, #tpu.dimension_semantics<subcore_parallel>], iteration_bounds = array<i64: 2, 16>, scalar_prefetch = 0 : i64, scratch_operands = 15 : i64, tpu.core_type = #tpu.core_type<sc_vector_subcore>, window_params = [{transform_indices = #map}, {transform_indices = #map}, {transform_indices = #map1}, {transform_indices = #map2}, {transform_indices = #map}, {transform_indices = #map3}]} {
    %mul3A = arith.constant 2 : i32
    %mul3A_0 = arith.muli %arg1, %mul3A : i32
    %add3A = arith.addi %mul3A_0, %arg0 : i32
    %mul3A_1 = arith.constant 640 : i32
    %mul3A_2 = arith.muli %arg1, %mul3A_1 : i32
    "tpu.region"() ({
      %run_scoped3A = tpu.sem_alloc : memref<!tpu.dma_semaphore, #tpu.memory_space<semaphore_mem>>
      %dma_start3A_169 = arith.constant 0 : i32
      %dma_start3A_170 = tpu.memref_slice %arg9[%mul3A_2, %dma_start3A_169] : memref<10240x128xf32, #tpu.memory_space<vmem_shared>> -> memref<640x128xf32, #tpu.memory_space<vmem_shared>>
      %dma_start3A_171 = arith.constant 0 : i32
      %dma_start3A_172 = tpu.memref_slice %arg6[%mul3A_2, %dma_start3A_171] : memref<10240x128xf32, #tpu.memory_space<hbm>> -> memref<640x128xf32, #tpu.memory_space<hbm>>
      tpu.enqueue_dma source(%dma_start3A_172 : memref<640x128xf32, #tpu.memory_space<hbm>>) target(%dma_start3A_170 : memref<640x128xf32, #tpu.memory_space<vmem_shared>>) target_semaphore(%run_scoped3A : memref<!tpu.dma_semaphore, #tpu.memory_space<semaphore_mem>>)
      %dma_wait3A_173 = arith.constant 0 : i32
      %dma_wait3A_174 = tpu.memref_slice %arg9[%mul3A_2, %dma_wait3A_173] : memref<10240x128xf32, #tpu.memory_space<vmem_shared>> -> memref<640x128xf32, #tpu.memory_space<vmem_shared>>
      %dma_wait3A_175 = arith.constant 0 : i32
      %dma_wait3A_176 = tpu.memref_slice %arg6[%mul3A_2, %dma_wait3A_175] : memref<10240x128xf32, #tpu.memory_space<hbm>> -> memref<640x128xf32, #tpu.memory_space<hbm>>
      tpu.wait_dma2 semaphore(%run_scoped3A : memref<!tpu.dma_semaphore, #tpu.memory_space<semaphore_mem>>) src(%dma_wait3A_176 : memref<640x128xf32, #tpu.memory_space<hbm>>) dst(%dma_wait3A_174 : memref<640x128xf32, #tpu.memory_space<vmem_shared>>)
      tpu.yield
    }) : () -> ()
    %mul3A_3 = arith.constant 10000 : i32
    %mul3A_4 = arith.muli %add3A, %mul3A_3 : i32
    "tpu.region"() ({
      %run_scoped3A = tpu.sem_alloc : memref<!tpu.dma_semaphore, #tpu.memory_space<semaphore_mem>>
      %dma_start3A_169 = tpu.memref_slice %arg5[%mul3A_4] : memref<320000xi32, #tpu.memory_space<hbm>> -> memref<10000xi32, #tpu.memory_space<hbm>>
      %dma_start3A_170 = tpu.memref_slice %arg5[%mul3A_4] : memref<320000xi32, #tpu.memory_space<hbm>> -> memref<10000xi32, #tpu.memory_space<hbm>>
      tpu.enqueue_dma source(%dma_start3A_170 : memref<10000xi32, #tpu.memory_space<hbm>>) target(%arg8 : memref<10000xi32, #tpu.memory_space<vmem>>) target_semaphore(%run_scoped3A : memref<!tpu.dma_semaphore, #tpu.memory_space<semaphore_mem>>)
      %dma_wait3A_171 = tpu.memref_slice %arg5[%mul3A_4] : memref<320000xi32, #tpu.memory_space<hbm>> -> memref<10000xi32, #tpu.memory_space<hbm>>
      %dma_wait3A_172 = tpu.memref_slice %arg5[%mul3A_4] : memref<320000xi32, #tpu.memory_space<hbm>> -> memref<10000xi32, #tpu.memory_space<hbm>>
      tpu.wait_dma2 semaphore(%run_scoped3A : memref<!tpu.dma_semaphore, #tpu.memory_space<semaphore_mem>>) src(%dma_wait3A_172 : memref<10000xi32, #tpu.memory_space<hbm>>) dst(%arg8 : memref<10000xi32, #tpu.memory_space<vmem>>)
      tpu.yield
    }) : () -> ()
    %barrier3A = arith.constant 0 : index
    tpu.barrier barrier_id(%barrier3A)
    %mul3A_5 = arith.constant 10000 : i32
    %mul3A_6 = arith.muli %add3A, %mul3A_5 : i32
    %add3A_7 = arith.constant 0 : i32
    %add3A_8 = arith.addi %mul3A_6, %add3A_7 : i32
    %dma_start3A = arith.constant 0 : i32
    %dma_start3A_9 = arith.constant 0 : i32
    %dma_start3A_10 = tpu.memref_slice %arg8[%dma_start3A_9] : memref<10000xi32, #tpu.memory_space<vmem>> -> memref<40xi32, #tpu.memory_space<vmem>>
    %dma_start3A_11 = arith.constant 0 : i32
    %dma_start3A_12 = arith.constant 0 : i32
    %dma_start3A_13 = tpu.memref_slice %arg2[%dma_start3A_11, %dma_start3A_12] : memref<10240x128xf32, #tpu.memory_space<hbm>> -> memref<10240x128xf32, #tpu.memory_space<hbm>>
    %dma_start3A_14 = tpu.memref_slice %arg10[%dma_start3A] : memref<3x!tpu.dma_semaphore, #tpu.memory_space<semaphore_mem>> -> memref<1x!tpu.dma_semaphore, #tpu.memory_space<semaphore_mem>>
    %dma_start3A_15 = tpu.memref_squeeze %dma_start3A_14 : memref<1x!tpu.dma_semaphore, #tpu.memory_space<semaphore_mem>> -> memref<!tpu.dma_semaphore, #tpu.memory_space<semaphore_mem>>
    tpu.enqueue_indirect_dma source(%dma_start3A_13 : memref<10240x128xf32, #tpu.memory_space<hbm>>) target(%arg14 : memref<40x128xf32, #tpu.memory_space<vmem>>) offsets(%dma_start3A_10 : memref<40xi32, #tpu.memory_space<vmem>>) semaphore(%dma_start3A_15 : memref<!tpu.dma_semaphore, #tpu.memory_space<semaphore_mem>>)
    %dma_start3A_16 = arith.constant 0 : i32
    %dma_start3A_17 = arith.constant 0 : i32
    %dma_start3A_18 = tpu.memref_slice %arg3[%add3A_8, %dma_start3A_17] : memref<320000x128xf32, #tpu.memory_space<hbm>> -> memref<40x128xf32, #tpu.memory_space<hbm>>
    %dma_start3A_19 = tpu.memref_slice %arg11[%dma_start3A_16] : memref<3x!tpu.dma_semaphore, #tpu.memory_space<semaphore_mem>> -> memref<1x!tpu.dma_semaphore, #tpu.memory_space<semaphore_mem>>
    %dma_start3A_20 = tpu.memref_squeeze %dma_start3A_19 : memref<1x!tpu.dma_semaphore, #tpu.memory_space<semaphore_mem>> -> memref<!tpu.dma_semaphore, #tpu.memory_space<semaphore_mem>>
    %dma_start3A_21 = arith.constant 0 : i32
    %dma_start3A_22 = tpu.memref_slice %arg3[%add3A_8, %dma_start3A_21] : memref<320000x128xf32, #tpu.memory_space<hbm>> -> memref<40x128xf32, #tpu.memory_space<hbm>>
    tpu.enqueue_dma source(%dma_start3A_22 : memref<40x128xf32, #tpu.memory_space<hbm>>) target(%arg17 : memref<40x128xf32, #tpu.memory_space<vmem>>) target_semaphore(%dma_start3A_20 : memref<!tpu.dma_semaphore, #tpu.memory_space<semaphore_mem>>)
    %dma_start3A_23 = arith.constant 0 : i32
    %dma_start3A_24 = arith.constant 0 : i32
    %dma_start3A_25 = arith.constant 0 : i32
    %dma_start3A_26 = arith.constant 0 : i32
    %dma_start3A_27 = tpu.memref_slice %arg4[%add3A, %dma_start3A_23, %dma_start3A_25, %dma_start3A_26] : memref<32x250x1x40xi32, #tpu.memory_space<hbm>> -> memref<1x1x1x40xi32, #tpu.memory_space<hbm>>
    %dma_start3A_28 = tpu.memref_squeeze %dma_start3A_27 : memref<1x1x1x40xi32, #tpu.memory_space<hbm>> -> memref<1x40xi32, #tpu.memory_space<hbm>>
    %dma_start3A_29 = tpu.memref_slice %arg12[%dma_start3A_24] : memref<3x!tpu.dma_semaphore, #tpu.memory_space<semaphore_mem>> -> memref<1x!tpu.dma_semaphore, #tpu.memory_space<semaphore_mem>>
    %dma_start3A_30 = tpu.memref_squeeze %dma_start3A_29 : memref<1x!tpu.dma_semaphore, #tpu.memory_space<semaphore_mem>> -> memref<!tpu.dma_semaphore, #tpu.memory_space<semaphore_mem>>
    %dma_start3A_31 = arith.constant 0 : i32
    %dma_start3A_32 = arith.constant 0 : i32
    %dma_start3A_33 = tpu.memref_slice %arg4[%add3A, %dma_start3A_23, %dma_start3A_31, %dma_start3A_32] : memref<32x250x1x40xi32, #tpu.memory_space<hbm>> -> memref<1x1x1x40xi32, #tpu.memory_space<hbm>>
    %dma_start3A_34 = tpu.memref_squeeze %dma_start3A_33 : memref<1x1x1x40xi32, #tpu.memory_space<hbm>> -> memref<1x40xi32, #tpu.memory_space<hbm>>
    tpu.enqueue_dma source(%dma_start3A_34 : memref<1x40xi32, #tpu.memory_space<hbm>>) target(%arg20 : memref<1x40xi32, #tpu.memory_space<vmem>>) target_semaphore(%dma_start3A_30 : memref<!tpu.dma_semaphore, #tpu.memory_space<semaphore_mem>>)
    %mul3A_35 = arith.constant 10000 : i32
    %mul3A_36 = arith.muli %add3A, %mul3A_35 : i32
    %add3A_37 = arith.constant 40 : i32
    %add3A_38 = arith.addi %mul3A_36, %add3A_37 : i32
    %dma_start3A_39 = arith.constant 1 : i32
    %dma_start3A_40 = arith.constant 40 : i32
    %dma_start3A_41 = tpu.memref_slice %arg8[%dma_start3A_40] : memref<10000xi32, #tpu.memory_space<vmem>> -> memref<40xi32, #tpu.memory_space<vmem>>
    %dma_start3A_42 = arith.constant 0 : i32
    %dma_start3A_43 = arith.constant 0 : i32
    %dma_start3A_44 = tpu.memref_slice %arg2[%dma_start3A_42, %dma_start3A_43] : memref<10240x128xf32, #tpu.memory_space<hbm>> -> memref<10240x128xf32, #tpu.memory_space<hbm>>
    %dma_start3A_45 = tpu.memref_slice %arg10[%dma_start3A_39] : memref<3x!tpu.dma_semaphore, #tpu.memory_space<semaphore_mem>> -> memref<1x!tpu.dma_semaphore, #tpu.memory_space<semaphore_mem>>
    %dma_start3A_46 = tpu.memref_squeeze %dma_start3A_45 : memref<1x!tpu.dma_semaphore, #tpu.memory_space<semaphore_mem>> -> memref<!tpu.dma_semaphore, #tpu.memory_space<semaphore_mem>>
    tpu.enqueue_indirect_dma source(%dma_start3A_44 : memref<10240x128xf32, #tpu.memory_space<hbm>>) target(%arg15 : memref<40x128xf32, #tpu.memory_space<vmem>>) offsets(%dma_start3A_41 : memref<40xi32, #tpu.memory_space<vmem>>) semaphore(%dma_start3A_46 : memref<!tpu.dma_semaphore, #tpu.memory_space<semaphore_mem>>)
    %dma_start3A_47 = arith.constant 1 : i32
    %dma_start3A_48 = arith.constant 0 : i32
    %dma_start3A_49 = tpu.memref_slice %arg3[%add3A_38, %dma_start3A_48] : memref<320000x128xf32, #tpu.memory_space<hbm>> -> memref<40x128xf32, #tpu.memory_space<hbm>>
    %dma_start3A_50 = tpu.memref_slice %arg11[%dma_start3A_47] : memref<3x!tpu.dma_semaphore, #tpu.memory_space<semaphore_mem>> -> memref<1x!tpu.dma_semaphore, #tpu.memory_space<semaphore_mem>>
    %dma_start3A_51 = tpu.memref_squeeze %dma_start3A_50 : memref<1x!tpu.dma_semaphore, #tpu.memory_space<semaphore_mem>> -> memref<!tpu.dma_semaphore, #tpu.memory_space<semaphore_mem>>
    %dma_start3A_52 = arith.constant 0 : i32
    %dma_start3A_53 = tpu.memref_slice %arg3[%add3A_38, %dma_start3A_52] : memref<320000x128xf32, #tpu.memory_space<hbm>> -> memref<40x128xf32, #tpu.memory_space<hbm>>
    tpu.enqueue_dma source(%dma_start3A_53 : memref<40x128xf32, #tpu.memory_space<hbm>>) target(%arg18 : memref<40x128xf32, #tpu.memory_space<vmem>>) target_semaphore(%dma_start3A_51 : memref<!tpu.dma_semaphore, #tpu.memory_space<semaphore_mem>>)
    %dma_start3A_54 = arith.constant 1 : i32
    %dma_start3A_55 = arith.constant 1 : i32
    %dma_start3A_56 = arith.constant 0 : i32
    %dma_start3A_57 = arith.constant 0 : i32
    %dma_start3A_58 = tpu.memref_slice %arg4[%add3A, %dma_start3A_54, %dma_start3A_56, %dma_start3A_57] : memref<32x250x1x40xi32, #tpu.memory_space<hbm>> -> memref<1x1x1x40xi32, #tpu.memory_space<hbm>>
    %dma_start3A_59 = tpu.memref_squeeze %dma_start3A_58 : memref<1x1x1x40xi32, #tpu.memory_space<hbm>> -> memref<1x40xi32, #tpu.memory_space<hbm>>
    %dma_start3A_60 = tpu.memref_slice %arg12[%dma_start3A_55] : memref<3x!tpu.dma_semaphore, #tpu.memory_space<semaphore_mem>> -> memref<1x!tpu.dma_semaphore, #tpu.memory_space<semaphore_mem>>
    %dma_start3A_61 = tpu.memref_squeeze %dma_start3A_60 : memref<1x!tpu.dma_semaphore, #tpu.memory_space<semaphore_mem>> -> memref<!tpu.dma_semaphore, #tpu.memory_space<semaphore_mem>>
    %dma_start3A_62 = arith.constant 0 : i32
    %dma_start3A_63 = arith.constant 0 : i32
    %dma_start3A_64 = tpu.memref_slice %arg4[%add3A, %dma_start3A_54, %dma_start3A_62, %dma_start3A_63] : memref<32x250x1x40xi32, #tpu.memory_space<hbm>> -> memref<1x1x1x40xi32, #tpu.memory_space<hbm>>
    %dma_start3A_65 = tpu.memref_squeeze %dma_start3A_64 : memref<1x1x1x40xi32, #tpu.memory_space<hbm>> -> memref<1x40xi32, #tpu.memory_space<hbm>>
    tpu.enqueue_dma source(%dma_start3A_65 : memref<1x40xi32, #tpu.memory_space<hbm>>) target(%arg21 : memref<1x40xi32, #tpu.memory_space<vmem>>) target_semaphore(%dma_start3A_61 : memref<!tpu.dma_semaphore, #tpu.memory_space<semaphore_mem>>)
    %mul3A_66 = arith.constant 10000 : i32
    %mul3A_67 = arith.muli %add3A, %mul3A_66 : i32
    %add3A_68 = arith.constant 80 : i32
    %add3A_69 = arith.addi %mul3A_67, %add3A_68 : i32
    %dma_start3A_70 = arith.constant 2 : i32
    %dma_start3A_71 = arith.constant 80 : i32
    %dma_start3A_72 = tpu.memref_slice %arg8[%dma_start3A_71] : memref<10000xi32, #tpu.memory_space<vmem>> -> memref<40xi32, #tpu.memory_space<vmem>>
    %dma_start3A_73 = arith.constant 0 : i32
    %dma_start3A_74 = arith.constant 0 : i32
    %dma_start3A_75 = tpu.memref_slice %arg2[%dma_start3A_73, %dma_start3A_74] : memref<10240x128xf32, #tpu.memory_space<hbm>> -> memref<10240x128xf32, #tpu.memory_space<hbm>>
    %dma_start3A_76 = tpu.memref_slice %arg10[%dma_start3A_70] : memref<3x!tpu.dma_semaphore, #tpu.memory_space<semaphore_mem>> -> memref<1x!tpu.dma_semaphore, #tpu.memory_space<semaphore_mem>>
    %dma_start3A_77 = tpu.memref_squeeze %dma_start3A_76 : memref<1x!tpu.dma_semaphore, #tpu.memory_space<semaphore_mem>> -> memref<!tpu.dma_semaphore, #tpu.memory_space<semaphore_mem>>
    tpu.enqueue_indirect_dma source(%dma_start3A_75 : memref<10240x128xf32, #tpu.memory_space<hbm>>) target(%arg16 : memref<40x128xf32, #tpu.memory_space<vmem>>) offsets(%dma_start3A_72 : memref<40xi32, #tpu.memory_space<vmem>>) semaphore(%dma_start3A_77 : memref<!tpu.dma_semaphore, #tpu.memory_space<semaphore_mem>>)
    %dma_start3A_78 = arith.constant 2 : i32
    %dma_start3A_79 = arith.constant 0 : i32
    %dma_start3A_80 = tpu.memref_slice %arg3[%add3A_69, %dma_start3A_79] : memref<320000x128xf32, #tpu.memory_space<hbm>> -> memref<40x128xf32, #tpu.memory_space<hbm>>
    %dma_start3A_81 = tpu.memref_slice %arg11[%dma_start3A_78] : memref<3x!tpu.dma_semaphore, #tpu.memory_space<semaphore_mem>> -> memref<1x!tpu.dma_semaphore, #tpu.memory_space<semaphore_mem>>
    %dma_start3A_82 = tpu.memref_squeeze %dma_start3A_81 : memref<1x!tpu.dma_semaphore, #tpu.memory_space<semaphore_mem>> -> memref<!tpu.dma_semaphore, #tpu.memory_space<semaphore_mem>>
    %dma_start3A_83 = arith.constant 0 : i32
    %dma_start3A_84 = tpu.memref_slice %arg3[%add3A_69, %dma_start3A_83] : memref<320000x128xf32, #tpu.memory_space<hbm>> -> memref<40x128xf32, #tpu.memory_space<hbm>>
    tpu.enqueue_dma source(%dma_start3A_84 : memref<40x128xf32, #tpu.memory_space<hbm>>) target(%arg19 : memref<40x128xf32, #tpu.memory_space<vmem>>) target_semaphore(%dma_start3A_82 : memref<!tpu.dma_semaphore, #tpu.memory_space<semaphore_mem>>)
    %dma_start3A_85 = arith.constant 2 : i32
    %dma_start3A_86 = arith.constant 2 : i32
    %dma_start3A_87 = arith.constant 0 : i32
    %dma_start3A_88 = arith.constant 0 : i32
    %dma_start3A_89 = tpu.memref_slice %arg4[%add3A, %dma_start3A_85, %dma_start3A_87, %dma_start3A_88] : memref<32x250x1x40xi32, #tpu.memory_space<hbm>> -> memref<1x1x1x40xi32, #tpu.memory_space<hbm>>
    %dma_start3A_90 = tpu.memref_squeeze %dma_start3A_89 : memref<1x1x1x40xi32, #tpu.memory_space<hbm>> -> memref<1x40xi32, #tpu.memory_space<hbm>>
    %dma_start3A_91 = tpu.memref_slice %arg12[%dma_start3A_86] : memref<3x!tpu.dma_semaphore, #tpu.memory_space<semaphore_mem>> -> memref<1x!tpu.dma_semaphore, #tpu.memory_space<semaphore_mem>>
    %dma_start3A_92 = tpu.memref_squeeze %dma_start3A_91 : memref<1x!tpu.dma_semaphore, #tpu.memory_space<semaphore_mem>> -> memref<!tpu.dma_semaphore, #tpu.memory_space<semaphore_mem>>
    %dma_start3A_93 = arith.constant 0 : i32
    %dma_start3A_94 = arith.constant 0 : i32
    %dma_start3A_95 = tpu.memref_slice %arg4[%add3A, %dma_start3A_85, %dma_start3A_93, %dma_start3A_94] : memref<32x250x1x40xi32, #tpu.memory_space<hbm>> -> memref<1x1x1x40xi32, #tpu.memory_space<hbm>>
    %dma_start3A_96 = tpu.memref_squeeze %dma_start3A_95 : memref<1x1x1x40xi32, #tpu.memory_space<hbm>> -> memref<1x40xi32, #tpu.memory_space<hbm>>
    tpu.enqueue_dma source(%dma_start3A_96 : memref<1x40xi32, #tpu.memory_space<hbm>>) target(%arg22 : memref<1x40xi32, #tpu.memory_space<vmem>>) target_semaphore(%dma_start3A_92 : memref<!tpu.dma_semaphore, #tpu.memory_space<semaphore_mem>>)
    %scan3A = arith.constant 0 : i32
    %scan3A_97 = arith.constant 0 : i32
    %scan3A_98 = arith.constant 83 : i32
    %scan3A_99 = arith.addi %scan3A_97, %scan3A_98 : i32
    %scan3A_100 = arith.constant 1 : i32
    scf.for %scan3A_169 = %scan3A_97 to %scan3A_99 step %scan3A_100  : i32 {
      %mul3A_170 = arith.constant 3 : i32
      %mul3A_171 = arith.muli %scan3A_169, %mul3A_170 : i32
      %add3A_172 = arith.constant 0 : i32
      %add3A_173 = arith.addi %mul3A_171, %add3A_172 : i32
      %mul3A_174 = arith.constant 40 : i32
      %mul3A_175 = arith.muli %add3A_173, %mul3A_174 : i32
      %dma_wait3A_176 = arith.constant 0 : i32
      %dma_wait3A_177 = tpu.memref_slice %arg8[%mul3A_175] : memref<10000xi32, #tpu.memory_space<vmem>> -> memref<40xi32, #tpu.memory_space<vmem>>
      %dma_wait3A_178 = arith.constant 0 : i32
      %dma_wait3A_179 = arith.constant 0 : i32
      %dma_wait3A_180 = tpu.memref_slice %arg2[%dma_wait3A_178, %dma_wait3A_179] : memref<10240x128xf32, #tpu.memory_space<hbm>> -> memref<10240x128xf32, #tpu.memory_space<hbm>>
      %dma_wait3A_181 = tpu.memref_slice %arg10[%dma_wait3A_176] : memref<3x!tpu.dma_semaphore, #tpu.memory_space<semaphore_mem>> -> memref<1x!tpu.dma_semaphore, #tpu.memory_space<semaphore_mem>>
      %dma_wait3A_182 = tpu.memref_squeeze %dma_wait3A_181 : memref<1x!tpu.dma_semaphore, #tpu.memory_space<semaphore_mem>> -> memref<!tpu.dma_semaphore, #tpu.memory_space<semaphore_mem>>
      tpu.wait_indirect_dma semaphore(%dma_wait3A_182 : memref<!tpu.dma_semaphore, #tpu.memory_space<semaphore_mem>>) src(%dma_wait3A_180 : memref<10240x128xf32, #tpu.memory_space<hbm>>) dst(%arg14 : memref<40x128xf32, #tpu.memory_space<vmem>>)
      %mul3A_183 = arith.constant 10000 : i32
      %mul3A_184 = arith.muli %add3A, %mul3A_183 : i32
      %mul3A_185 = arith.constant 40 : i32
      %mul3A_186 = arith.muli %add3A_173, %mul3A_185 : i32
      %add3A_187 = arith.addi %mul3A_184, %mul3A_186 : i32
      %dma_wait3A_188 = arith.constant 0 : i32
      %dma_wait3A_189 = arith.constant 0 : i32
      %dma_wait3A_190 = tpu.memref_slice %arg3[%add3A_187, %dma_wait3A_189] : memref<320000x128xf32, #tpu.memory_space<hbm>> -> memref<40x128xf32, #tpu.memory_space<hbm>>
      %dma_wait3A_191 = tpu.memref_slice %arg11[%dma_wait3A_188] : memref<3x!tpu.dma_semaphore, #tpu.memory_space<semaphore_mem>> -> memref<1x!tpu.dma_semaphore, #tpu.memory_space<semaphore_mem>>
      %dma_wait3A_192 = tpu.memref_squeeze %dma_wait3A_191 : memref<1x!tpu.dma_semaphore, #tpu.memory_space<semaphore_mem>> -> memref<!tpu.dma_semaphore, #tpu.memory_space<semaphore_mem>>
      %dma_wait3A_193 = arith.constant 0 : i32
      %dma_wait3A_194 = tpu.memref_slice %arg3[%add3A_187, %dma_wait3A_193] : memref<320000x128xf32, #tpu.memory_space<hbm>> -> memref<40x128xf32, #tpu.memory_space<hbm>>
      tpu.wait_dma2 semaphore(%dma_wait3A_192 : memref<!tpu.dma_semaphore, #tpu.memory_space<semaphore_mem>>) src(%dma_wait3A_194 : memref<40x128xf32, #tpu.memory_space<hbm>>) dst(%arg17 : memref<40x128xf32, #tpu.memory_space<vmem>>)
      %scan3A_195 = arith.constant 0 : i32
      %scan3A_196 = arith.constant 0 : i32
      %scan3A_197 = arith.constant 40 : i32
      %scan3A_198 = arith.addi %scan3A_196, %scan3A_197 : i32
      %scan3A_199 = arith.constant 1 : i32
      scf.for %scan3A_392 = %scan3A_196 to %scan3A_198 step %scan3A_199  : i32 {
        %get3A = arith.index_cast %scan3A_392 : i32 to index
        %get3A_393 = arith.constant 0 : index
        %get3A_394 = tpu.vector_load %arg14[%get3A, %get3A_393] {strides = array<i32>} : memref<40x128xf32, #tpu.memory_space<vmem>>, vector<1x16xf32>,
        %get3A_395 = vector.shape_cast %get3A_394 : vector<1x16xf32> to vector<16xf32>
        %get3A_396 = arith.index_cast %scan3A_392 : i32 to index
        %get3A_397 = arith.constant 0 : index
        %get3A_398 = tpu.vector_load %arg17[%get3A_396, %get3A_397] {strides = array<i32>} : memref<40x128xf32, #tpu.memory_space<vmem>>, vector<1x16xf32>,
        %get3A_399 = vector.shape_cast %get3A_398 : vector<1x16xf32> to vector<16xf32>
        %mul3A_400 = arith.mulf %get3A_395, %get3A_399 : vector<16xf32>
        %swap3A = arith.index_cast %scan3A_392 : i32 to index
        %swap3A_401 = arith.constant 0 : index
        %swap3A_402 = tpu.vector_load %arg14[%swap3A, %swap3A_401] {strides = array<i32>} : memref<40x128xf32, #tpu.memory_space<vmem>>, vector<1x16xf32>,
        %swap3A_403 = vector.shape_cast %swap3A_402 : vector<1x16xf32> to vector<16xf32>
        %swap3A_404 = vector.shape_cast %mul3A_400 : vector<16xf32> to vector<1x16xf32>
        tpu.vector_store %arg14[%swap3A, %swap3A_401], %swap3A_404 {strides = array<i32>} : memref<40x128xf32, #tpu.memory_space<vmem>>, vector<1x16xf32>,
        %get3A_405 = arith.index_cast %scan3A_392 : i32 to index
        %get3A_406 = arith.constant 16 : index
        %get3A_407 = tpu.vector_load %arg14[%get3A_405, %get3A_406] {strides = array<i32>} : memref<40x128xf32, #tpu.memory_space<vmem>>, vector<1x16xf32>,
        %get3A_408 = vector.shape_cast %get3A_407 : vector<1x16xf32> to vector<16xf32>
        %get3A_409 = arith.index_cast %scan3A_392 : i32 to index
        %get3A_410 = arith.constant 16 : index
        %get3A_411 = tpu.vector_load %arg17[%get3A_409, %get3A_410] {strides = array<i32>} : memref<40x128xf32, #tpu.memory_space<vmem>>, vector<1x16xf32>,
        %get3A_412 = vector.shape_cast %get3A_411 : vector<1x16xf32> to vector<16xf32>
        %mul3A_413 = arith.mulf %get3A_408, %get3A_412 : vector<16xf32>
        %swap3A_414 = arith.index_cast %scan3A_392 : i32 to index
        %swap3A_415 = arith.constant 16 : index
        %swap3A_416 = tpu.vector_load %arg14[%swap3A_414, %swap3A_415] {strides = array<i32>} : memref<40x128xf32, #tpu.memory_space<vmem>>, vector<1x16xf32>,
        %swap3A_417 = vector.shape_cast %swap3A_416 : vector<1x16xf32> to vector<16xf32>
        %swap3A_418 = vector.shape_cast %mul3A_413 : vector<16xf32> to vector<1x16xf32>
        tpu.vector_store %arg14[%swap3A_414, %swap3A_415], %swap3A_418 {strides = array<i32>} : memref<40x128xf32, #tpu.memory_space<vmem>>, vector<1x16xf32>,
        %get3A_419 = arith.index_cast %scan3A_392 : i32 to index
        %get3A_420 = arith.constant 32 : index
        %get3A_421 = tpu.vector_load %arg14[%get3A_419, %get3A_420] {strides = array<i32>} : memref<40x128xf32, #tpu.memory_space<vmem>>, vector<1x16xf32>,
        %get3A_422 = vector.shape_cast %get3A_421 : vector<1x16xf32> to vector<16xf32>
        %get3A_423 = arith.index_cast %scan3A_392 : i32 to index
        %get3A_424 = arith.constant 32 : index
        %get3A_425 = tpu.vector_load %arg17[%get3A_423, %get3A_424] {strides = array<i32>} : memref<40x128xf32, #tpu.memory_space<vmem>>, vector<1x16xf32>,
        %get3A_426 = vector.shape_cast %get3A_425 : vector<1x16xf32> to vector<16xf32>
        %mul3A_427 = arith.mulf %get3A_422, %get3A_426 : vector<16xf32>
        %swap3A_428 = arith.index_cast %scan3A_392 : i32 to index
        %swap3A_429 = arith.constant 32 : index
        %swap3A_430 = tpu.vector_load %arg14[%swap3A_428, %swap3A_429] {strides = array<i32>} : memref<40x128xf32, #tpu.memory_space<vmem>>, vector<1x16xf32>,
        %swap3A_431 = vector.shape_cast %swap3A_430 : vector<1x16xf32> to vector<16xf32>
        %swap3A_432 = vector.shape_cast %mul3A_427 : vector<16xf32> to vector<1x16xf32>
        tpu.vector_store %arg14[%swap3A_428, %swap3A_429], %swap3A_432 {strides = array<i32>} : memref<40x128xf32, #tpu.memory_space<vmem>>, vector<1x16xf32>,
        %get3A_433 = arith.index_cast %scan3A_392 : i32 to index
        %get3A_434 = arith.constant 48 : index
        %get3A_435 = tpu.vector_load %arg14[%get3A_433, %get3A_434] {strides = array<i32>} : memref<40x128xf32, #tpu.memory_space<vmem>>, vector<1x16xf32>,
        %get3A_436 = vector.shape_cast %get3A_435 : vector<1x16xf32> to vector<16xf32>
        %get3A_437 = arith.index_cast %scan3A_392 : i32 to index
        %get3A_438 = arith.constant 48 : index
        %get3A_439 = tpu.vector_load %arg17[%get3A_437, %get3A_438] {strides = array<i32>} : memref<40x128xf32, #tpu.memory_space<vmem>>, vector<1x16xf32>,
        %get3A_440 = vector.shape_cast %get3A_439 : vector<1x16xf32> to vector<16xf32>
        %mul3A_441 = arith.mulf %get3A_436, %get3A_440 : vector<16xf32>
        %swap3A_442 = arith.index_cast %scan3A_392 : i32 to index
        %swap3A_443 = arith.constant 48 : index
        %swap3A_444 = tpu.vector_load %arg14[%swap3A_442, %swap3A_443] {strides = array<i32>} : memref<40x128xf32, #tpu.memory_space<vmem>>, vector<1x16xf32>,
        %swap3A_445 = vector.shape_cast %swap3A_444 : vector<1x16xf32> to vector<16xf32>
        %swap3A_446 = vector.shape_cast %mul3A_441 : vector<16xf32> to vector<1x16xf32>
        tpu.vector_store %arg14[%swap3A_442, %swap3A_443], %swap3A_446 {strides = array<i32>} : memref<40x128xf32, #tpu.memory_space<vmem>>, vector<1x16xf32>,
        %get3A_447 = arith.index_cast %scan3A_392 : i32 to index
        %get3A_448 = arith.constant 64 : index
        %get3A_449 = tpu.vector_load %arg14[%get3A_447, %get3A_448] {strides = array<i32>} : memref<40x128xf32, #tpu.memory_space<vmem>>, vector<1x16xf32>,
        %get3A_450 = vector.shape_cast %get3A_449 : vector<1x16xf32> to vector<16xf32>
        %get3A_451 = arith.index_cast %scan3A_392 : i32 to index
        %get3A_452 = arith.constant 64 : index
        %get3A_453 = tpu.vector_load %arg17[%get3A_451, %get3A_452] {strides = array<i32>} : memref<40x128xf32, #tpu.memory_space<vmem>>, vector<1x16xf32>,
        %get3A_454 = vector.shape_cast %get3A_453 : vector<1x16xf32> to vector<16xf32>
        %mul3A_455 = arith.mulf %get3A_450, %get3A_454 : vector<16xf32>
        %swap3A_456 = arith.index_cast %scan3A_392 : i32 to index
        %swap3A_457 = arith.constant 64 : index
        %swap3A_458 = tpu.vector_load %arg14[%swap3A_456, %swap3A_457] {strides = array<i32>} : memref<40x128xf32, #tpu.memory_space<vmem>>, vector<1x16xf32>,
        %swap3A_459 = vector.shape_cast %swap3A_458 : vector<1x16xf32> to vector<16xf32>
        %swap3A_460 = vector.shape_cast %mul3A_455 : vector<16xf32> to vector<1x16xf32>
        tpu.vector_store %arg14[%swap3A_456, %swap3A_457], %swap3A_460 {strides = array<i32>} : memref<40x128xf32, #tpu.memory_space<vmem>>, vector<1x16xf32>,
        %get3A_461 = arith.index_cast %scan3A_392 : i32 to index
        %get3A_462 = arith.constant 80 : index
        %get3A_463 = tpu.vector_load %arg14[%get3A_461, %get3A_462] {strides = array<i32>} : memref<40x128xf32, #tpu.memory_space<vmem>>, vector<1x16xf32>,
        %get3A_464 = vector.shape_cast %get3A_463 : vector<1x16xf32> to vector<16xf32>
        %get3A_465 = arith.index_cast %scan3A_392 : i32 to index
        %get3A_466 = arith.constant 80 : index
        %get3A_467 = tpu.vector_load %arg17[%get3A_465, %get3A_466] {strides = array<i32>} : memref<40x128xf32, #tpu.memory_space<vmem>>, vector<1x16xf32>,
        %get3A_468 = vector.shape_cast %get3A_467 : vector<1x16xf32> to vector<16xf32>
        %mul3A_469 = arith.mulf %get3A_464, %get3A_468 : vector<16xf32>
        %swap3A_470 = arith.index_cast %scan3A_392 : i32 to index
        %swap3A_471 = arith.constant 80 : index
        %swap3A_472 = tpu.vector_load %arg14[%swap3A_470, %swap3A_471] {strides = array<i32>} : memref<40x128xf32, #tpu.memory_space<vmem>>, vector<1x16xf32>,
        %swap3A_473 = vector.shape_cast %swap3A_472 : vector<1x16xf32> to vector<16xf32>
        %swap3A_474 = vector.shape_cast %mul3A_469 : vector<16xf32> to vector<1x16xf32>
        tpu.vector_store %arg14[%swap3A_470, %swap3A_471], %swap3A_474 {strides = array<i32>} : memref<40x128xf32, #tpu.memory_space<vmem>>, vector<1x16xf32>,
        %get3A_475 = arith.index_cast %scan3A_392 : i32 to index
        %get3A_476 = arith.constant 96 : index
        %get3A_477 = tpu.vector_load %arg14[%get3A_475, %get3A_476] {strides = array<i32>} : memref<40x128xf32, #tpu.memory_space<vmem>>, vector<1x16xf32>,
        %get3A_478 = vector.shape_cast %get3A_477 : vector<1x16xf32> to vector<16xf32>
        %get3A_479 = arith.index_cast %scan3A_392 : i32 to index
        %get3A_480 = arith.constant 96 : index
        %get3A_481 = tpu.vector_load %arg17[%get3A_479, %get3A_480] {strides = array<i32>} : memref<40x128xf32, #tpu.memory_space<vmem>>, vector<1x16xf32>,
        %get3A_482 = vector.shape_cast %get3A_481 : vector<1x16xf32> to vector<16xf32>
        %mul3A_483 = arith.mulf %get3A_478, %get3A_482 : vector<16xf32>
        %swap3A_484 = arith.index_cast %scan3A_392 : i32 to index
        %swap3A_485 = arith.constant 96 : index
        %swap3A_486 = tpu.vector_load %arg14[%swap3A_484, %swap3A_485] {strides = array<i32>} : memref<40x128xf32, #tpu.memory_space<vmem>>, vector<1x16xf32>,
        %swap3A_487 = vector.shape_cast %swap3A_486 : vector<1x16xf32> to vector<16xf32>
        %swap3A_488 = vector.shape_cast %mul3A_483 : vector<16xf32> to vector<1x16xf32>
        tpu.vector_store %arg14[%swap3A_484, %swap3A_485], %swap3A_488 {strides = array<i32>} : memref<40x128xf32, #tpu.memory_space<vmem>>, vector<1x16xf32>,
        %get3A_489 = arith.index_cast %scan3A_392 : i32 to index
        %get3A_490 = arith.constant 112 : index
        %get3A_491 = tpu.vector_load %arg14[%get3A_489, %get3A_490] {strides = array<i32>} : memref<40x128xf32, #tpu.memory_space<vmem>>, vector<1x16xf32>,
        %get3A_492 = vector.shape_cast %get3A_491 : vector<1x16xf32> to vector<16xf32>
        %get3A_493 = arith.index_cast %scan3A_392 : i32 to index
        %get3A_494 = arith.constant 112 : index
        %get3A_495 = tpu.vector_load %arg17[%get3A_493, %get3A_494] {strides = array<i32>} : memref<40x128xf32, #tpu.memory_space<vmem>>, vector<1x16xf32>,
        %get3A_496 = vector.shape_cast %get3A_495 : vector<1x16xf32> to vector<16xf32>
        %mul3A_497 = arith.mulf %get3A_492, %get3A_496 : vector<16xf32>
        %swap3A_498 = arith.index_cast %scan3A_392 : i32 to index
        %swap3A_499 = arith.constant 112 : index
        %swap3A_500 = tpu.vector_load %arg14[%swap3A_498, %swap3A_499] {strides = array<i32>} : memref<40x128xf32, #tpu.memory_space<vmem>>, vector<1x16xf32>,
        %swap3A_501 = vector.shape_cast %swap3A_500 : vector<1x16xf32> to vector<16xf32>
        %swap3A_502 = vector.shape_cast %mul3A_497 : vector<16xf32> to vector<1x16xf32>
        tpu.vector_store %arg14[%swap3A_498, %swap3A_499], %swap3A_502 {strides = array<i32>} : memref<40x128xf32, #tpu.memory_space<vmem>>, vector<1x16xf32>,
      }
      %scan3A_200 = arith.constant 40 : i32
      %dma_wait3A_201 = arith.constant 0 : i32
      %dma_wait3A_202 = arith.constant 0 : i32
      %dma_wait3A_203 = arith.constant 0 : i32
      %dma_wait3A_204 = tpu.memref_slice %arg4[%add3A, %add3A_173, %dma_wait3A_202, %dma_wait3A_203] : memref<32x250x1x40xi32, #tpu.memory_space<hbm>> -> memref<1x1x1x40xi32, #tpu.memory_space<hbm>>
      %dma_wait3A_205 = tpu.memref_squeeze %dma_wait3A_204 : memref<1x1x1x40xi32, #tpu.memory_space<hbm>> -> memref<1x40xi32, #tpu.memory_space<hbm>>
      %dma_wait3A_206 = tpu.memref_slice %arg12[%dma_wait3A_201] : memref<3x!tpu.dma_semaphore, #tpu.memory_space<semaphore_mem>> -> memref<1x!tpu.dma_semaphore, #tpu.memory_space<semaphore_mem>>
      %dma_wait3A_207 = tpu.memref_squeeze %dma_wait3A_206 : memref<1x!tpu.dma_semaphore, #tpu.memory_space<semaphore_mem>> -> memref<!tpu.dma_semaphore, #tpu.memory_space<semaphore_mem>>
      %dma_wait3A_208 = arith.constant 0 : i32
      %dma_wait3A_209 = arith.constant 0 : i32
      %dma_wait3A_210 = tpu.memref_slice %arg4[%add3A, %add3A_173, %dma_wait3A_208, %dma_wait3A_209] : memref<32x250x1x40xi32, #tpu.memory_space<hbm>> -> memref<1x1x1x40xi32, #tpu.memory_space<hbm>>
      %dma_wait3A_211 = tpu.memref_squeeze %dma_wait3A_210 : memref<1x1x1x40xi32, #tpu.memory_space<hbm>> -> memref<1x40xi32, #tpu.memory_space<hbm>>
      tpu.wait_dma2 semaphore(%dma_wait3A_207 : memref<!tpu.dma_semaphore, #tpu.memory_space<semaphore_mem>>) src(%dma_wait3A_211 : memref<1x40xi32, #tpu.memory_space<hbm>>) dst(%arg20 : memref<1x40xi32, #tpu.memory_space<vmem>>)
      %ge3A = arith.constant 1 : i32
      %ge3A_212 = arith.cmpi sge, %scan3A_169, %ge3A : i32
      %convert_element_type3A = arith.extui %ge3A_212 : i1 to i32
      %cond3A = arith.constant 0 : i32
      %cond3A_213 = arith.cmpi ne, %convert_element_type3A, %cond3A : i32
      scf.if %cond3A_213 {
        %dma_wait3A_392 = arith.constant 0 : i32
        %dma_wait3A_393 = arith.constant 2 : i32
        %dma_wait3A_394 = arith.constant 0 : i32
        %dma_wait3A_395 = tpu.memref_slice %arg22[%dma_wait3A_392, %dma_wait3A_394] : memref<1x40xi32, #tpu.memory_space<vmem>> -> memref<1x40xi32, #tpu.memory_space<vmem>>
        %dma_wait3A_396 = tpu.memref_squeeze %dma_wait3A_395 : memref<1x40xi32, #tpu.memory_space<vmem>> -> memref<40xi32, #tpu.memory_space<vmem>>
        %dma_wait3A_397 = arith.constant 0 : i32
        %dma_wait3A_398 = arith.constant 0 : i32
        %dma_wait3A_399 = tpu.memref_slice %arg9[%dma_wait3A_397, %dma_wait3A_398] : memref<10240x128xf32, #tpu.memory_space<vmem_shared>> -> memref<10240x128xf32, #tpu.memory_space<vmem_shared>>
        %dma_wait3A_400 = tpu.memref_slice %arg13[%dma_wait3A_393] : memref<3x!tpu.dma_semaphore, #tpu.memory_space<semaphore_mem>> -> memref<1x!tpu.dma_semaphore, #tpu.memory_space<semaphore_mem>>
        %dma_wait3A_401 = tpu.memref_squeeze %dma_wait3A_400 : memref<1x!tpu.dma_semaphore, #tpu.memory_space<semaphore_mem>> -> memref<!tpu.dma_semaphore, #tpu.memory_space<semaphore_mem>>
        tpu.wait_indirect_dma semaphore(%dma_wait3A_401 : memref<!tpu.dma_semaphore, #tpu.memory_space<semaphore_mem>>) src(%arg16 : memref<40x128xf32, #tpu.memory_space<vmem>>) dst(%dma_wait3A_399 : memref<10240x128xf32, #tpu.memory_space<vmem_shared>>)
      } else {
      }
      %dma_start3A_214 = arith.constant 0 : i32
      %dma_start3A_215 = arith.constant 0 : i32
      %dma_start3A_216 = arith.constant 0 : i32
      %dma_start3A_217 = tpu.memref_slice %arg20[%dma_start3A_214, %dma_start3A_216] : memref<1x40xi32, #tpu.memory_space<vmem>> -> memref<1x40xi32, #tpu.memory_space<vmem>>
      %dma_start3A_218 = tpu.memref_squeeze %dma_start3A_217 : memref<1x40xi32, #tpu.memory_space<vmem>> -> memref<40xi32, #tpu.memory_space<vmem>>
      %dma_start3A_219 = arith.constant 0 : i32
      %dma_start3A_220 = arith.constant 0 : i32
      %dma_start3A_221 = tpu.memref_slice %arg9[%dma_start3A_219, %dma_start3A_220] : memref<10240x128xf32, #tpu.memory_space<vmem_shared>> -> memref<10240x128xf32, #tpu.memory_space<vmem_shared>>
      %dma_start3A_222 = tpu.memref_slice %arg13[%dma_start3A_215] : memref<3x!tpu.dma_semaphore, #tpu.memory_space<semaphore_mem>> -> memref<1x!tpu.dma_semaphore, #tpu.memory_space<semaphore_mem>>
      %dma_start3A_223 = tpu.memref_squeeze %dma_start3A_222 : memref<1x!tpu.dma_semaphore, #tpu.memory_space<semaphore_mem>> -> memref<!tpu.dma_semaphore, #tpu.memory_space<semaphore_mem>>
      tpu.enqueue_indirect_dma source(%arg14 : memref<40x128xf32, #tpu.memory_space<vmem>>) target(%dma_start3A_221 : memref<10240x128xf32, #tpu.memory_space<vmem_shared>>) offsets(%dma_start3A_218 : memref<40xi32, #tpu.memory_space<vmem>>) semaphore(%dma_start3A_223 : memref<!tpu.dma_semaphore, #tpu.memory_space<semaphore_mem>>) {add = true}
      %ge3A_224 = arith.constant 1 : i32
      %ge3A_225 = arith.cmpi sge, %scan3A_169, %ge3A_224 : i32
      %convert_element_type3A_226 = arith.extui %ge3A_225 : i1 to i32
      %cond3A_227 = arith.constant 0 : i32
      %cond3A_228 = arith.cmpi ne, %convert_element_type3A_226, %cond3A_227 : i32
      scf.if %cond3A_228 {
        %add3A_392 = arith.constant 3 : i32
        %add3A_393 = arith.addi %add3A_173, %add3A_392 : i32
        %sub3A_394 = arith.constant 1 : i32
        %sub3A_395 = arith.subi %add3A_393, %sub3A_394 : i32
        %mul3A_396 = arith.constant 10000 : i32
        %mul3A_397 = arith.muli %add3A, %mul3A_396 : i32
        %mul3A_398 = arith.constant 40 : i32
        %mul3A_399 = arith.muli %sub3A_395, %mul3A_398 : i32
        %add3A_400 = arith.addi %mul3A_397, %mul3A_399 : i32
        %mul3A_401 = arith.constant 40 : i32
        %mul3A_402 = arith.muli %sub3A_395, %mul3A_401 : i32
        %dma_start3A_403 = arith.constant 2 : i32
        %dma_start3A_404 = tpu.memref_slice %arg8[%mul3A_402] : memref<10000xi32, #tpu.memory_space<vmem>> -> memref<40xi32, #tpu.memory_space<vmem>>
        %dma_start3A_405 = arith.constant 0 : i32
        %dma_start3A_406 = arith.constant 0 : i32
        %dma_start3A_407 = tpu.memref_slice %arg2[%dma_start3A_405, %dma_start3A_406] : memref<10240x128xf32, #tpu.memory_space<hbm>> -> memref<10240x128xf32, #tpu.memory_space<hbm>>
        %dma_start3A_408 = tpu.memref_slice %arg10[%dma_start3A_403] : memref<3x!tpu.dma_semaphore, #tpu.memory_space<semaphore_mem>> -> memref<1x!tpu.dma_semaphore, #tpu.memory_space<semaphore_mem>>
        %dma_start3A_409 = tpu.memref_squeeze %dma_start3A_408 : memref<1x!tpu.dma_semaphore, #tpu.memory_space<semaphore_mem>> -> memref<!tpu.dma_semaphore, #tpu.memory_space<semaphore_mem>>
        tpu.enqueue_indirect_dma source(%dma_start3A_407 : memref<10240x128xf32, #tpu.memory_space<hbm>>) target(%arg16 : memref<40x128xf32, #tpu.memory_space<vmem>>) offsets(%dma_start3A_404 : memref<40xi32, #tpu.memory_space<vmem>>) semaphore(%dma_start3A_409 : memref<!tpu.dma_semaphore, #tpu.memory_space<semaphore_mem>>)
        %dma_start3A_410 = arith.constant 2 : i32
        %dma_start3A_411 = arith.constant 0 : i32
        %dma_start3A_412 = tpu.memref_slice %arg3[%add3A_400, %dma_start3A_411] : memref<320000x128xf32, #tpu.memory_space<hbm>> -> memref<40x128xf32, #tpu.memory_space<hbm>>
        %dma_start3A_413 = tpu.memref_slice %arg11[%dma_start3A_410] : memref<3x!tpu.dma_semaphore, #tpu.memory_space<semaphore_mem>> -> memref<1x!tpu.dma_semaphore, #tpu.memory_space<semaphore_mem>>
        %dma_start3A_414 = tpu.memref_squeeze %dma_start3A_413 : memref<1x!tpu.dma_semaphore, #tpu.memory_space<semaphore_mem>> -> memref<!tpu.dma_semaphore, #tpu.memory_space<semaphore_mem>>
        %dma_start3A_415 = arith.constant 0 : i32
        %dma_start3A_416 = tpu.memref_slice %arg3[%add3A_400, %dma_start3A_415] : memref<320000x128xf32, #tpu.memory_space<hbm>> -> memref<40x128xf32, #tpu.memory_space<hbm>>
        tpu.enqueue_dma source(%dma_start3A_416 : memref<40x128xf32, #tpu.memory_space<hbm>>) target(%arg19 : memref<40x128xf32, #tpu.memory_space<vmem>>) target_semaphore(%dma_start3A_414 : memref<!tpu.dma_semaphore, #tpu.memory_space<semaphore_mem>>)
        %dma_start3A_417 = arith.constant 2 : i32
        %dma_start3A_418 = arith.constant 0 : i32
        %dma_start3A_419 = arith.constant 0 : i32
        %dma_start3A_420 = tpu.memref_slice %arg4[%add3A, %sub3A_395, %dma_start3A_418, %dma_start3A_419] : memref<32x250x1x40xi32, #tpu.memory_space<hbm>> -> memref<1x1x1x40xi32, #tpu.memory_space<hbm>>
        %dma_start3A_421 = tpu.memref_squeeze %dma_start3A_420 : memref<1x1x1x40xi32, #tpu.memory_space<hbm>> -> memref<1x40xi32, #tpu.memory_space<hbm>>
        %dma_start3A_422 = tpu.memref_slice %arg12[%dma_start3A_417] : memref<3x!tpu.dma_semaphore, #tpu.memory_space<semaphore_mem>> -> memref<1x!tpu.dma_semaphore, #tpu.memory_space<semaphore_mem>>
        %dma_start3A_423 = tpu.memref_squeeze %dma_start3A_422 : memref<1x!tpu.dma_semaphore, #tpu.memory_space<semaphore_mem>> -> memref<!tpu.dma_semaphore, #tpu.memory_space<semaphore_mem>>
        %dma_start3A_424 = arith.constant 0 : i32
        %dma_start3A_425 = arith.constant 0 : i32
        %dma_start3A_426 = tpu.memref_slice %arg4[%add3A, %sub3A_395, %dma_start3A_424, %dma_start3A_425] : memref<32x250x1x40xi32, #tpu.memory_space<hbm>> -> memref<1x1x1x40xi32, #tpu.memory_space<hbm>>
        %dma_start3A_427 = tpu.memref_squeeze %dma_start3A_426 : memref<1x1x1x40xi32, #tpu.memory_space<hbm>> -> memref<1x40xi32, #tpu.memory_space<hbm>>
        tpu.enqueue_dma source(%dma_start3A_427 : memref<1x40xi32, #tpu.memory_space<hbm>>) target(%arg22 : memref<1x40xi32, #tpu.memory_space<vmem>>) target_semaphore(%dma_start3A_423 : memref<!tpu.dma_semaphore, #tpu.memory_space<semaphore_mem>>)
      } else {
      }
      %mul3A_229 = arith.constant 3 : i32
      %mul3A_230 = arith.muli %scan3A_169, %mul3A_229 : i32
      %add3A_231 = arith.constant 1 : i32
      %add3A_232 = arith.addi %mul3A_230, %add3A_231 : i32
      %mul3A_233 = arith.constant 40 : i32
      %mul3A_234 = arith.muli %add3A_232, %mul3A_233 : i32
      %dma_wait3A_235 = arith.constant 1 : i32
      %dma_wait3A_236 = tpu.memref_slice %arg8[%mul3A_234] : memref<10000xi32, #tpu.memory_space<vmem>> -> memref<40xi32, #tpu.memory_space<vmem>>
      %dma_wait3A_237 = arith.constant 0 : i32
      %dma_wait3A_238 = arith.constant 0 : i32
      %dma_wait3A_239 = tpu.memref_slice %arg2[%dma_wait3A_237, %dma_wait3A_238] : memref<10240x128xf32, #tpu.memory_space<hbm>> -> memref<10240x128xf32, #tpu.memory_space<hbm>>
      %dma_wait3A_240 = tpu.memref_slice %arg10[%dma_wait3A_235] : memref<3x!tpu.dma_semaphore, #tpu.memory_space<semaphore_mem>> -> memref<1x!tpu.dma_semaphore, #tpu.memory_space<semaphore_mem>>
      %dma_wait3A_241 = tpu.memref_squeeze %dma_wait3A_240 : memref<1x!tpu.dma_semaphore, #tpu.memory_space<semaphore_mem>> -> memref<!tpu.dma_semaphore, #tpu.memory_space<semaphore_mem>>
      tpu.wait_indirect_dma semaphore(%dma_wait3A_241 : memref<!tpu.dma_semaphore, #tpu.memory_space<semaphore_mem>>) src(%dma_wait3A_239 : memref<10240x128xf32, #tpu.memory_space<hbm>>) dst(%arg15 : memref<40x128xf32, #tpu.memory_space<vmem>>)
      %mul3A_242 = arith.constant 10000 : i32
      %mul3A_243 = arith.muli %add3A, %mul3A_242 : i32
      %mul3A_244 = arith.constant 40 : i32
      %mul3A_245 = arith.muli %add3A_232, %mul3A_244 : i32
      %add3A_246 = arith.addi %mul3A_243, %mul3A_245 : i32
      %dma_wait3A_247 = arith.constant 1 : i32
      %dma_wait3A_248 = arith.constant 0 : i32
      %dma_wait3A_249 = tpu.memref_slice %arg3[%add3A_246, %dma_wait3A_248] : memref<320000x128xf32, #tpu.memory_space<hbm>> -> memref<40x128xf32, #tpu.memory_space<hbm>>
      %dma_wait3A_250 = tpu.memref_slice %arg11[%dma_wait3A_247] : memref<3x!tpu.dma_semaphore, #tpu.memory_space<semaphore_mem>> -> memref<1x!tpu.dma_semaphore, #tpu.memory_space<semaphore_mem>>
      %dma_wait3A_251 = tpu.memref_squeeze %dma_wait3A_250 : memref<1x!tpu.dma_semaphore, #tpu.memory_space<semaphore_mem>> -> memref<!tpu.dma_semaphore, #tpu.memory_space<semaphore_mem>>
      %dma_wait3A_252 = arith.constant 0 : i32
      %dma_wait3A_253 = tpu.memref_slice %arg3[%add3A_246, %dma_wait3A_252] : memref<320000x128xf32, #tpu.memory_space<hbm>> -> memref<40x128xf32, #tpu.memory_space<hbm>>
      tpu.wait_dma2 semaphore(%dma_wait3A_251 : memref<!tpu.dma_semaphore, #tpu.memory_space<semaphore_mem>>) src(%dma_wait3A_253 : memref<40x128xf32, #tpu.memory_space<hbm>>) dst(%arg18 : memref<40x128xf32, #tpu.memory_space<vmem>>)
      %scan3A_254 = arith.constant 0 : i32
      %scan3A_255 = arith.constant 0 : i32
      %scan3A_256 = arith.constant 40 : i32
      %scan3A_257 = arith.addi %scan3A_255, %scan3A_256 : i32
      %scan3A_258 = arith.constant 1 : i32
      scf.for %scan3A_392 = %scan3A_255 to %scan3A_257 step %scan3A_258  : i32 {
        %get3A = arith.index_cast %scan3A_392 : i32 to index
        %get3A_393 = arith.constant 0 : index
        %get3A_394 = tpu.vector_load %arg15[%get3A, %get3A_393] {strides = array<i32>} : memref<40x128xf32, #tpu.memory_space<vmem>>, vector<1x16xf32>,
        %get3A_395 = vector.shape_cast %get3A_394 : vector<1x16xf32> to vector<16xf32>
        %get3A_396 = arith.index_cast %scan3A_392 : i32 to index
        %get3A_397 = arith.constant 0 : index
        %get3A_398 = tpu.vector_load %arg18[%get3A_396, %get3A_397] {strides = array<i32>} : memref<40x128xf32, #tpu.memory_space<vmem>>, vector<1x16xf32>,
        %get3A_399 = vector.shape_cast %get3A_398 : vector<1x16xf32> to vector<16xf32>
        %mul3A_400 = arith.mulf %get3A_395, %get3A_399 : vector<16xf32>
        %swap3A = arith.index_cast %scan3A_392 : i32 to index
        %swap3A_401 = arith.constant 0 : index
        %swap3A_402 = tpu.vector_load %arg15[%swap3A, %swap3A_401] {strides = array<i32>} : memref<40x128xf32, #tpu.memory_space<vmem>>, vector<1x16xf32>,
        %swap3A_403 = vector.shape_cast %swap3A_402 : vector<1x16xf32> to vector<16xf32>
        %swap3A_404 = vector.shape_cast %mul3A_400 : vector<16xf32> to vector<1x16xf32>
        tpu.vector_store %arg15[%swap3A, %swap3A_401], %swap3A_404 {strides = array<i32>} : memref<40x128xf32, #tpu.memory_space<vmem>>, vector<1x16xf32>,
        %get3A_405 = arith.index_cast %scan3A_392 : i32 to index
        %get3A_406 = arith.constant 16 : index
        %get3A_407 = tpu.vector_load %arg15[%get3A_405, %get3A_406] {strides = array<i32>} : memref<40x128xf32, #tpu.memory_space<vmem>>, vector<1x16xf32>,
        %get3A_408 = vector.shape_cast %get3A_407 : vector<1x16xf32> to vector<16xf32>
        %get3A_409 = arith.index_cast %scan3A_392 : i32 to index
        %get3A_410 = arith.constant 16 : index
        %get3A_411 = tpu.vector_load %arg18[%get3A_409, %get3A_410] {strides = array<i32>} : memref<40x128xf32, #tpu.memory_space<vmem>>, vector<1x16xf32>,
        %get3A_412 = vector.shape_cast %get3A_411 : vector<1x16xf32> to vector<16xf32>
        %mul3A_413 = arith.mulf %get3A_408, %get3A_412 : vector<16xf32>
        %swap3A_414 = arith.index_cast %scan3A_392 : i32 to index
        %swap3A_415 = arith.constant 16 : index
        %swap3A_416 = tpu.vector_load %arg15[%swap3A_414, %swap3A_415] {strides = array<i32>} : memref<40x128xf32, #tpu.memory_space<vmem>>, vector<1x16xf32>,
        %swap3A_417 = vector.shape_cast %swap3A_416 : vector<1x16xf32> to vector<16xf32>
        %swap3A_418 = vector.shape_cast %mul3A_413 : vector<16xf32> to vector<1x16xf32>
        tpu.vector_store %arg15[%swap3A_414, %swap3A_415], %swap3A_418 {strides = array<i32>} : memref<40x128xf32, #tpu.memory_space<vmem>>, vector<1x16xf32>,
        %get3A_419 = arith.index_cast %scan3A_392 : i32 to index
        %get3A_420 = arith.constant 32 : index
        %get3A_421 = tpu.vector_load %arg15[%get3A_419, %get3A_420] {strides = array<i32>} : memref<40x128xf32, #tpu.memory_space<vmem>>, vector<1x16xf32>,
        %get3A_422 = vector.shape_cast %get3A_421 : vector<1x16xf32> to vector<16xf32>
        %get3A_423 = arith.index_cast %scan3A_392 : i32 to index
        %get3A_424 = arith.constant 32 : index
        %get3A_425 = tpu.vector_load %arg18[%get3A_423, %get3A_424] {strides = array<i32>} : memref<40x128xf32, #tpu.memory_space<vmem>>, vector<1x16xf32>,
        %get3A_426 = vector.shape_cast %get3A_425 : vector<1x16xf32> to vector<16xf32>
        %mul3A_427 = arith.mulf %get3A_422, %get3A_426 : vector<16xf32>
        %swap3A_428 = arith.index_cast %scan3A_392 : i32 to index
        %swap3A_429 = arith.constant 32 : index
        %swap3A_430 = tpu.vector_load %arg15[%swap3A_428, %swap3A_429] {strides = array<i32>} : memref<40x128xf32, #tpu.memory_space<vmem>>, vector<1x16xf32>,
        %swap3A_431 = vector.shape_cast %swap3A_430 : vector<1x16xf32> to vector<16xf32>
        %swap3A_432 = vector.shape_cast %mul3A_427 : vector<16xf32> to vector<1x16xf32>
        tpu.vector_store %arg15[%swap3A_428, %swap3A_429], %swap3A_432 {strides = array<i32>} : memref<40x128xf32, #tpu.memory_space<vmem>>, vector<1x16xf32>,
        %get3A_433 = arith.index_cast %scan3A_392 : i32 to index
        %get3A_434 = arith.constant 48 : index
        %get3A_435 = tpu.vector_load %arg15[%get3A_433, %get3A_434] {strides = array<i32>} : memref<40x128xf32, #tpu.memory_space<vmem>>, vector<1x16xf32>,
        %get3A_436 = vector.shape_cast %get3A_435 : vector<1x16xf32> to vector<16xf32>
        %get3A_437 = arith.index_cast %scan3A_392 : i32 to index
        %get3A_438 = arith.constant 48 : index
        %get3A_439 = tpu.vector_load %arg18[%get3A_437, %get3A_438] {strides = array<i32>} : memref<40x128xf32, #tpu.memory_space<vmem>>, vector<1x16xf32>,
        %get3A_440 = vector.shape_cast %get3A_439 : vector<1x16xf32> to vector<16xf32>
        %mul3A_441 = arith.mulf %get3A_436, %get3A_440 : vector<16xf32>
        %swap3A_442 = arith.index_cast %scan3A_392 : i32 to index
        %swap3A_443 = arith.constant 48 : index
        %swap3A_444 = tpu.vector_load %arg15[%swap3A_442, %swap3A_443] {strides = array<i32>} : memref<40x128xf32, #tpu.memory_space<vmem>>, vector<1x16xf32>,
        %swap3A_445 = vector.shape_cast %swap3A_444 : vector<1x16xf32> to vector<16xf32>
        %swap3A_446 = vector.shape_cast %mul3A_441 : vector<16xf32> to vector<1x16xf32>
        tpu.vector_store %arg15[%swap3A_442, %swap3A_443], %swap3A_446 {strides = array<i32>} : memref<40x128xf32, #tpu.memory_space<vmem>>, vector<1x16xf32>,
        %get3A_447 = arith.index_cast %scan3A_392 : i32 to index
        %get3A_448 = arith.constant 64 : index
        %get3A_449 = tpu.vector_load %arg15[%get3A_447, %get3A_448] {strides = array<i32>} : memref<40x128xf32, #tpu.memory_space<vmem>>, vector<1x16xf32>,
        %get3A_450 = vector.shape_cast %get3A_449 : vector<1x16xf32> to vector<16xf32>
        %get3A_451 = arith.index_cast %scan3A_392 : i32 to index
        %get3A_452 = arith.constant 64 : index
        %get3A_453 = tpu.vector_load %arg18[%get3A_451, %get3A_452] {strides = array<i32>} : memref<40x128xf32, #tpu.memory_space<vmem>>, vector<1x16xf32>,
        %get3A_454 = vector.shape_cast %get3A_453 : vector<1x16xf32> to vector<16xf32>
        %mul3A_455 = arith.mulf %get3A_450, %get3A_454 : vector<16xf32>
        %swap3A_456 = arith.index_cast %scan3A_392 : i32 to index
        %swap3A_457 = arith.constant 64 : index
        %swap3A_458 = tpu.vector_load %arg15[%swap3A_456, %swap3A_457] {strides = array<i32>} : memref<40x128xf32, #tpu.memory_space<vmem>>, vector<1x16xf32>,
        %swap3A_459 = vector.shape_cast %swap3A_458 : vector<1x16xf32> to vector<16xf32>
        %swap3A_460 = vector.shape_cast %mul3A_455 : vector<16xf32> to vector<1x16xf32>
        tpu.vector_store %arg15[%swap3A_456, %swap3A_457], %swap3A_460 {strides = array<i32>} : memref<40x128xf32, #tpu.memory_space<vmem>>, vector<1x16xf32>,
        %get3A_461 = arith.index_cast %scan3A_392 : i32 to index
        %get3A_462 = arith.constant 80 : index
        %get3A_463 = tpu.vector_load %arg15[%get3A_461, %get3A_462] {strides = array<i32>} : memref<40x128xf32, #tpu.memory_space<vmem>>, vector<1x16xf32>,
        %get3A_464 = vector.shape_cast %get3A_463 : vector<1x16xf32> to vector<16xf32>
        %get3A_465 = arith.index_cast %scan3A_392 : i32 to index
        %get3A_466 = arith.constant 80 : index
        %get3A_467 = tpu.vector_load %arg18[%get3A_465, %get3A_466] {strides = array<i32>} : memref<40x128xf32, #tpu.memory_space<vmem>>, vector<1x16xf32>,
        %get3A_468 = vector.shape_cast %get3A_467 : vector<1x16xf32> to vector<16xf32>
        %mul3A_469 = arith.mulf %get3A_464, %get3A_468 : vector<16xf32>
        %swap3A_470 = arith.index_cast %scan3A_392 : i32 to index
        %swap3A_471 = arith.constant 80 : index
        %swap3A_472 = tpu.vector_load %arg15[%swap3A_470, %swap3A_471] {strides = array<i32>} : memref<40x128xf32, #tpu.memory_space<vmem>>, vector<1x16xf32>,
        %swap3A_473 = vector.shape_cast %swap3A_472 : vector<1x16xf32> to vector<16xf32>
        %swap3A_474 = vector.shape_cast %mul3A_469 : vector<16xf32> to vector<1x16xf32>
        tpu.vector_store %arg15[%swap3A_470, %swap3A_471], %swap3A_474 {strides = array<i32>} : memref<40x128xf32, #tpu.memory_space<vmem>>, vector<1x16xf32>,
        %get3A_475 = arith.index_cast %scan3A_392 : i32 to index
        %get3A_476 = arith.constant 96 : index
        %get3A_477 = tpu.vector_load %arg15[%get3A_475, %get3A_476] {strides = array<i32>} : memref<40x128xf32, #tpu.memory_space<vmem>>, vector<1x16xf32>,
        %get3A_478 = vector.shape_cast %get3A_477 : vector<1x16xf32> to vector<16xf32>
        %get3A_479 = arith.index_cast %scan3A_392 : i32 to index
        %get3A_480 = arith.constant 96 : index
        %get3A_481 = tpu.vector_load %arg18[%get3A_479, %get3A_480] {strides = array<i32>} : memref<40x128xf32, #tpu.memory_space<vmem>>, vector<1x16xf32>,
        %get3A_482 = vector.shape_cast %get3A_481 : vector<1x16xf32> to vector<16xf32>
        %mul3A_483 = arith.mulf %get3A_478, %get3A_482 : vector<16xf32>
        %swap3A_484 = arith.index_cast %scan3A_392 : i32 to index
        %swap3A_485 = arith.constant 96 : index
        %swap3A_486 = tpu.vector_load %arg15[%swap3A_484, %swap3A_485] {strides = array<i32>} : memref<40x128xf32, #tpu.memory_space<vmem>>, vector<1x16xf32>,
        %swap3A_487 = vector.shape_cast %swap3A_486 : vector<1x16xf32> to vector<16xf32>
        %swap3A_488 = vector.shape_cast %mul3A_483 : vector<16xf32> to vector<1x16xf32>
        tpu.vector_store %arg15[%swap3A_484, %swap3A_485], %swap3A_488 {strides = array<i32>} : memref<40x128xf32, #tpu.memory_space<vmem>>, vector<1x16xf32>,
        %get3A_489 = arith.index_cast %scan3A_392 : i32 to index
        %get3A_490 = arith.constant 112 : index
        %get3A_491 = tpu.vector_load %arg15[%get3A_489, %get3A_490] {strides = array<i32>} : memref<40x128xf32, #tpu.memory_space<vmem>>, vector<1x16xf32>,
        %get3A_492 = vector.shape_cast %get3A_491 : vector<1x16xf32> to vector<16xf32>
        %get3A_493 = arith.index_cast %scan3A_392 : i32 to index
        %get3A_494 = arith.constant 112 : index
        %get3A_495 = tpu.vector_load %arg18[%get3A_493, %get3A_494] {strides = array<i32>} : memref<40x128xf32, #tpu.memory_space<vmem>>, vector<1x16xf32>,
        %get3A_496 = vector.shape_cast %get3A_495 : vector<1x16xf32> to vector<16xf32>
        %mul3A_497 = arith.mulf %get3A_492, %get3A_496 : vector<16xf32>
        %swap3A_498 = arith.index_cast %scan3A_392 : i32 to index
        %swap3A_499 = arith.constant 112 : index
        %swap3A_500 = tpu.vector_load %arg15[%swap3A_498, %swap3A_499] {strides = array<i32>} : memref<40x128xf32, #tpu.memory_space<vmem>>, vector<1x16xf32>,
        %swap3A_501 = vector.shape_cast %swap3A_500 : vector<1x16xf32> to vector<16xf32>
        %swap3A_502 = vector.shape_cast %mul3A_497 : vector<16xf32> to vector<1x16xf32>
        tpu.vector_store %arg15[%swap3A_498, %swap3A_499], %swap3A_502 {strides = array<i32>} : memref<40x128xf32, #tpu.memory_space<vmem>>, vector<1x16xf32>,
      }
      %scan3A_259 = arith.constant 40 : i32
      %dma_wait3A_260 = arith.constant 1 : i32
      %dma_wait3A_261 = arith.constant 0 : i32
      %dma_wait3A_262 = arith.constant 0 : i32
      %dma_wait3A_263 = tpu.memref_slice %arg4[%add3A, %add3A_232, %dma_wait3A_261, %dma_wait3A_262] : memref<32x250x1x40xi32, #tpu.memory_space<hbm>> -> memref<1x1x1x40xi32, #tpu.memory_space<hbm>>
      %dma_wait3A_264 = tpu.memref_squeeze %dma_wait3A_263 : memref<1x1x1x40xi32, #tpu.memory_space<hbm>> -> memref<1x40xi32, #tpu.memory_space<hbm>>
      %dma_wait3A_265 = tpu.memref_slice %arg12[%dma_wait3A_260] : memref<3x!tpu.dma_semaphore, #tpu.memory_space<semaphore_mem>> -> memref<1x!tpu.dma_semaphore, #tpu.memory_space<semaphore_mem>>
      %dma_wait3A_266 = tpu.memref_squeeze %dma_wait3A_265 : memref<1x!tpu.dma_semaphore, #tpu.memory_space<semaphore_mem>> -> memref<!tpu.dma_semaphore, #tpu.memory_space<semaphore_mem>>
      %dma_wait3A_267 = arith.constant 0 : i32
      %dma_wait3A_268 = arith.constant 0 : i32
      %dma_wait3A_269 = tpu.memref_slice %arg4[%add3A, %add3A_232, %dma_wait3A_267, %dma_wait3A_268] : memref<32x250x1x40xi32, #tpu.memory_space<hbm>> -> memref<1x1x1x40xi32, #tpu.memory_space<hbm>>
      %dma_wait3A_270 = tpu.memref_squeeze %dma_wait3A_269 : memref<1x1x1x40xi32, #tpu.memory_space<hbm>> -> memref<1x40xi32, #tpu.memory_space<hbm>>
      tpu.wait_dma2 semaphore(%dma_wait3A_266 : memref<!tpu.dma_semaphore, #tpu.memory_space<semaphore_mem>>) src(%dma_wait3A_270 : memref<1x40xi32, #tpu.memory_space<hbm>>) dst(%arg21 : memref<1x40xi32, #tpu.memory_space<vmem>>)
      %dma_wait3A_271 = arith.constant 0 : i32
      %dma_wait3A_272 = arith.constant 0 : i32
      %dma_wait3A_273 = arith.constant 0 : i32
      %dma_wait3A_274 = tpu.memref_slice %arg20[%dma_wait3A_271, %dma_wait3A_273] : memref<1x40xi32, #tpu.memory_space<vmem>> -> memref<1x40xi32, #tpu.memory_space<vmem>>
      %dma_wait3A_275 = tpu.memref_squeeze %dma_wait3A_274 : memref<1x40xi32, #tpu.memory_space<vmem>> -> memref<40xi32, #tpu.memory_space<vmem>>
      %dma_wait3A_276 = arith.constant 0 : i32
      %dma_wait3A_277 = arith.constant 0 : i32
      %dma_wait3A_278 = tpu.memref_slice %arg9[%dma_wait3A_276, %dma_wait3A_277] : memref<10240x128xf32, #tpu.memory_space<vmem_shared>> -> memref<10240x128xf32, #tpu.memory_space<vmem_shared>>
      %dma_wait3A_279 = tpu.memref_slice %arg13[%dma_wait3A_272] : memref<3x!tpu.dma_semaphore, #tpu.memory_space<semaphore_mem>> -> memref<1x!tpu.dma_semaphore, #tpu.memory_space<semaphore_mem>>
      %dma_wait3A_280 = tpu.memref_squeeze %dma_wait3A_279 : memref<1x!tpu.dma_semaphore, #tpu.memory_space<semaphore_mem>> -> memref<!tpu.dma_semaphore, #tpu.memory_space<semaphore_mem>>
      tpu.wait_indirect_dma semaphore(%dma_wait3A_280 : memref<!tpu.dma_semaphore, #tpu.memory_space<semaphore_mem>>) src(%arg14 : memref<40x128xf32, #tpu.memory_space<vmem>>) dst(%dma_wait3A_278 : memref<10240x128xf32, #tpu.memory_space<vmem_shared>>)
      %dma_start3A_281 = arith.constant 0 : i32
      %dma_start3A_282 = arith.constant 1 : i32
      %dma_start3A_283 = arith.constant 0 : i32
      %dma_start3A_284 = tpu.memref_slice %arg21[%dma_start3A_281, %dma_start3A_283] : memref<1x40xi32, #tpu.memory_space<vmem>> -> memref<1x40xi32, #tpu.memory_space<vmem>>
      %dma_start3A_285 = tpu.memref_squeeze %dma_start3A_284 : memref<1x40xi32, #tpu.memory_space<vmem>> -> memref<40xi32, #tpu.memory_space<vmem>>
      %dma_start3A_286 = arith.constant 0 : i32
      %dma_start3A_287 = arith.constant 0 : i32
      %dma_start3A_288 = tpu.memref_slice %arg9[%dma_start3A_286, %dma_start3A_287] : memref<10240x128xf32, #tpu.memory_space<vmem_shared>> -> memref<10240x128xf32, #tpu.memory_space<vmem_shared>>
      %dma_start3A_289 = tpu.memref_slice %arg13[%dma_start3A_282] : memref<3x!tpu.dma_semaphore, #tpu.memory_space<semaphore_mem>> -> memref<1x!tpu.dma_semaphore, #tpu.memory_space<semaphore_mem>>
      %dma_start3A_290 = tpu.memref_squeeze %dma_start3A_289 : memref<1x!tpu.dma_semaphore, #tpu.memory_space<semaphore_mem>> -> memref<!tpu.dma_semaphore, #tpu.memory_space<semaphore_mem>>
      tpu.enqueue_indirect_dma source(%arg15 : memref<40x128xf32, #tpu.memory_space<vmem>>) target(%dma_start3A_288 : memref<10240x128xf32, #tpu.memory_space<vmem_shared>>) offsets(%dma_start3A_285 : memref<40xi32, #tpu.memory_space<vmem>>) semaphore(%dma_start3A_290 : memref<!tpu.dma_semaphore, #tpu.memory_space<semaphore_mem>>) {add = true}
      %add3A_291 = arith.constant 3 : i32
      %add3A_292 = arith.addi %add3A_232, %add3A_291 : i32
      %sub3A = arith.constant 1 : i32
      %sub3A_293 = arith.subi %add3A_292, %sub3A : i32
      %mul3A_294 = arith.constant 10000 : i32
      %mul3A_295 = arith.muli %add3A, %mul3A_294 : i32
      %mul3A_296 = arith.constant 40 : i32
      %mul3A_297 = arith.muli %sub3A_293, %mul3A_296 : i32
      %add3A_298 = arith.addi %mul3A_295, %mul3A_297 : i32
      %mul3A_299 = arith.constant 40 : i32
      %mul3A_300 = arith.muli %sub3A_293, %mul3A_299 : i32
      %dma_start3A_301 = arith.constant 0 : i32
      %dma_start3A_302 = tpu.memref_slice %arg8[%mul3A_300] : memref<10000xi32, #tpu.memory_space<vmem>> -> memref<40xi32, #tpu.memory_space<vmem>>
      %dma_start3A_303 = arith.constant 0 : i32
      %dma_start3A_304 = arith.constant 0 : i32
      %dma_start3A_305 = tpu.memref_slice %arg2[%dma_start3A_303, %dma_start3A_304] : memref<10240x128xf32, #tpu.memory_space<hbm>> -> memref<10240x128xf32, #tpu.memory_space<hbm>>
      %dma_start3A_306 = tpu.memref_slice %arg10[%dma_start3A_301] : memref<3x!tpu.dma_semaphore, #tpu.memory_space<semaphore_mem>> -> memref<1x!tpu.dma_semaphore, #tpu.memory_space<semaphore_mem>>
      %dma_start3A_307 = tpu.memref_squeeze %dma_start3A_306 : memref<1x!tpu.dma_semaphore, #tpu.memory_space<semaphore_mem>> -> memref<!tpu.dma_semaphore, #tpu.memory_space<semaphore_mem>>
      tpu.enqueue_indirect_dma source(%dma_start3A_305 : memref<10240x128xf32, #tpu.memory_space<hbm>>) target(%arg14 : memref<40x128xf32, #tpu.memory_space<vmem>>) offsets(%dma_start3A_302 : memref<40xi32, #tpu.memory_space<vmem>>) semaphore(%dma_start3A_307 : memref<!tpu.dma_semaphore, #tpu.memory_space<semaphore_mem>>)
      %dma_start3A_308 = arith.constant 0 : i32
      %dma_start3A_309 = arith.constant 0 : i32
      %dma_start3A_310 = tpu.memref_slice %arg3[%add3A_298, %dma_start3A_309] : memref<320000x128xf32, #tpu.memory_space<hbm>> -> memref<40x128xf32, #tpu.memory_space<hbm>>
      %dma_start3A_311 = tpu.memref_slice %arg11[%dma_start3A_308] : memref<3x!tpu.dma_semaphore, #tpu.memory_space<semaphore_mem>> -> memref<1x!tpu.dma_semaphore, #tpu.memory_space<semaphore_mem>>
      %dma_start3A_312 = tpu.memref_squeeze %dma_start3A_311 : memref<1x!tpu.dma_semaphore, #tpu.memory_space<semaphore_mem>> -> memref<!tpu.dma_semaphore, #tpu.memory_space<semaphore_mem>>
      %dma_start3A_313 = arith.constant 0 : i32
      %dma_start3A_314 = tpu.memref_slice %arg3[%add3A_298, %dma_start3A_313] : memref<320000x128xf32, #tpu.memory_space<hbm>> -> memref<40x128xf32, #tpu.memory_space<hbm>>
      tpu.enqueue_dma source(%dma_start3A_314 : memref<40x128xf32, #tpu.memory_space<hbm>>) target(%arg17 : memref<40x128xf32, #tpu.memory_space<vmem>>) target_semaphore(%dma_start3A_312 : memref<!tpu.dma_semaphore, #tpu.memory_space<semaphore_mem>>)
      %dma_start3A_315 = arith.constant 0 : i32
      %dma_start3A_316 = arith.constant 0 : i32
      %dma_start3A_317 = arith.constant 0 : i32
      %dma_start3A_318 = tpu.memref_slice %arg4[%add3A, %sub3A_293, %dma_start3A_316, %dma_start3A_317] : memref<32x250x1x40xi32, #tpu.memory_space<hbm>> -> memref<1x1x1x40xi32, #tpu.memory_space<hbm>>
      %dma_start3A_319 = tpu.memref_squeeze %dma_start3A_318 : memref<1x1x1x40xi32, #tpu.memory_space<hbm>> -> memref<1x40xi32, #tpu.memory_space<hbm>>
      %dma_start3A_320 = tpu.memref_slice %arg12[%dma_start3A_315] : memref<3x!tpu.dma_semaphore, #tpu.memory_space<semaphore_mem>> -> memref<1x!tpu.dma_semaphore, #tpu.memory_space<semaphore_mem>>
      %dma_start3A_321 = tpu.memref_squeeze %dma_start3A_320 : memref<1x!tpu.dma_semaphore, #tpu.memory_space<semaphore_mem>> -> memref<!tpu.dma_semaphore, #tpu.memory_space<semaphore_mem>>
      %dma_start3A_322 = arith.constant 0 : i32
      %dma_start3A_323 = arith.constant 0 : i32
      %dma_start3A_324 = tpu.memref_slice %arg4[%add3A, %sub3A_293, %dma_start3A_322, %dma_start3A_323] : memref<32x250x1x40xi32, #tpu.memory_space<hbm>> -> memref<1x1x1x40xi32, #tpu.memory_space<hbm>>
      %dma_start3A_325 = tpu.memref_squeeze %dma_start3A_324 : memref<1x1x1x40xi32, #tpu.memory_space<hbm>> -> memref<1x40xi32, #tpu.memory_space<hbm>>
      tpu.enqueue_dma source(%dma_start3A_325 : memref<1x40xi32, #tpu.memory_space<hbm>>) target(%arg20 : memref<1x40xi32, #tpu.memory_space<vmem>>) target_semaphore(%dma_start3A_321 : memref<!tpu.dma_semaphore, #tpu.memory_space<semaphore_mem>>)
      %mul3A_326 = arith.constant 3 : i32
      %mul3A_327 = arith.muli %scan3A_169, %mul3A_326 : i32
      %add3A_328 = arith.constant 2 : i32
      %add3A_329 = arith.addi %mul3A_327, %add3A_328 : i32
      %mul3A_330 = arith.constant 40 : i32
      %mul3A_331 = arith.muli %add3A_329, %mul3A_330 : i32
      %dma_wait3A_332 = arith.constant 2 : i32
      %dma_wait3A_333 = tpu.memref_slice %arg8[%mul3A_331] : memref<10000xi32, #tpu.memory_space<vmem>> -> memref<40xi32, #tpu.memory_space<vmem>>
      %dma_wait3A_334 = arith.constant 0 : i32
      %dma_wait3A_335 = arith.constant 0 : i32
      %dma_wait3A_336 = tpu.memref_slice %arg2[%dma_wait3A_334, %dma_wait3A_335] : memref<10240x128xf32, #tpu.memory_space<hbm>> -> memref<10240x128xf32, #tpu.memory_space<hbm>>
      %dma_wait3A_337 = tpu.memref_slice %arg10[%dma_wait3A_332] : memref<3x!tpu.dma_semaphore, #tpu.memory_space<semaphore_mem>> -> memref<1x!tpu.dma_semaphore, #tpu.memory_space<semaphore_mem>>
      %dma_wait3A_338 = tpu.memref_squeeze %dma_wait3A_337 : memref<1x!tpu.dma_semaphore, #tpu.memory_space<semaphore_mem>> -> memref<!tpu.dma_semaphore, #tpu.memory_space<semaphore_mem>>
      tpu.wait_indirect_dma semaphore(%dma_wait3A_338 : memref<!tpu.dma_semaphore, #tpu.memory_space<semaphore_mem>>) src(%dma_wait3A_336 : memref<10240x128xf32, #tpu.memory_space<hbm>>) dst(%arg16 : memref<40x128xf32, #tpu.memory_space<vmem>>)
      %mul3A_339 = arith.constant 10000 : i32
      %mul3A_340 = arith.muli %add3A, %mul3A_339 : i32
      %mul3A_341 = arith.constant 40 : i32
      %mul3A_342 = arith.muli %add3A_329, %mul3A_341 : i32
      %add3A_343 = arith.addi %mul3A_340, %mul3A_342 : i32
      %dma_wait3A_344 = arith.constant 2 : i32
      %dma_wait3A_345 = arith.constant 0 : i32
      %dma_wait3A_346 = tpu.memref_slice %arg3[%add3A_343, %dma_wait3A_345] : memref<320000x128xf32, #tpu.memory_space<hbm>> -> memref<40x128xf32, #tpu.memory_space<hbm>>
      %dma_wait3A_347 = tpu.memref_slice %arg11[%dma_wait3A_344] : memref<3x!tpu.dma_semaphore, #tpu.memory_space<semaphore_mem>> -> memref<1x!tpu.dma_semaphore, #tpu.memory_space<semaphore_mem>>
      %dma_wait3A_348 = tpu.memref_squeeze %dma_wait3A_347 : memref<1x!tpu.dma_semaphore, #tpu.memory_space<semaphore_mem>> -> memref<!tpu.dma_semaphore, #tpu.memory_space<semaphore_mem>>
      %dma_wait3A_349 = arith.constant 0 : i32
      %dma_wait3A_350 = tpu.memref_slice %arg3[%add3A_343, %dma_wait3A_349] : memref<320000x128xf32, #tpu.memory_space<hbm>> -> memref<40x128xf32, #tpu.memory_space<hbm>>
      tpu.wait_dma2 semaphore(%dma_wait3A_348 : memref<!tpu.dma_semaphore, #tpu.memory_space<semaphore_mem>>) src(%dma_wait3A_350 : memref<40x128xf32, #tpu.memory_space<hbm>>) dst(%arg19 : memref<40x128xf32, #tpu.memory_space<vmem>>)
      %scan3A_351 = arith.constant 0 : i32
      %scan3A_352 = arith.constant 0 : i32
      %scan3A_353 = arith.constant 40 : i32
      %scan3A_354 = arith.addi %scan3A_352, %scan3A_353 : i32
      %scan3A_355 = arith.constant 1 : i32
      scf.for %scan3A_392 = %scan3A_352 to %scan3A_354 step %scan3A_355  : i32 {
        %get3A = arith.index_cast %scan3A_392 : i32 to index
        %get3A_393 = arith.constant 0 : index
        %get3A_394 = tpu.vector_load %arg16[%get3A, %get3A_393] {strides = array<i32>} : memref<40x128xf32, #tpu.memory_space<vmem>>, vector<1x16xf32>,
        %get3A_395 = vector.shape_cast %get3A_394 : vector<1x16xf32> to vector<16xf32>
        %get3A_396 = arith.index_cast %scan3A_392 : i32 to index
        %get3A_397 = arith.constant 0 : index
        %get3A_398 = tpu.vector_load %arg19[%get3A_396, %get3A_397] {strides = array<i32>} : memref<40x128xf32, #tpu.memory_space<vmem>>, vector<1x16xf32>,
        %get3A_399 = vector.shape_cast %get3A_398 : vector<1x16xf32> to vector<16xf32>
        %mul3A_400 = arith.mulf %get3A_395, %get3A_399 : vector<16xf32>
        %swap3A = arith.index_cast %scan3A_392 : i32 to index
        %swap3A_401 = arith.constant 0 : index
        %swap3A_402 = tpu.vector_load %arg16[%swap3A, %swap3A_401] {strides = array<i32>} : memref<40x128xf32, #tpu.memory_space<vmem>>, vector<1x16xf32>,
        %swap3A_403 = vector.shape_cast %swap3A_402 : vector<1x16xf32> to vector<16xf32>
        %swap3A_404 = vector.shape_cast %mul3A_400 : vector<16xf32> to vector<1x16xf32>
        tpu.vector_store %arg16[%swap3A, %swap3A_401], %swap3A_404 {strides = array<i32>} : memref<40x128xf32, #tpu.memory_space<vmem>>, vector<1x16xf32>,
        %get3A_405 = arith.index_cast %scan3A_392 : i32 to index
        %get3A_406 = arith.constant 16 : index
        %get3A_407 = tpu.vector_load %arg16[%get3A_405, %get3A_406] {strides = array<i32>} : memref<40x128xf32, #tpu.memory_space<vmem>>, vector<1x16xf32>,
        %get3A_408 = vector.shape_cast %get3A_407 : vector<1x16xf32> to vector<16xf32>
        %get3A_409 = arith.index_cast %scan3A_392 : i32 to index
        %get3A_410 = arith.constant 16 : index
        %get3A_411 = tpu.vector_load %arg19[%get3A_409, %get3A_410] {strides = array<i32>} : memref<40x128xf32, #tpu.memory_space<vmem>>, vector<1x16xf32>,
        %get3A_412 = vector.shape_cast %get3A_411 : vector<1x16xf32> to vector<16xf32>
        %mul3A_413 = arith.mulf %get3A_408, %get3A_412 : vector<16xf32>
        %swap3A_414 = arith.index_cast %scan3A_392 : i32 to index
        %swap3A_415 = arith.constant 16 : index
        %swap3A_416 = tpu.vector_load %arg16[%swap3A_414, %swap3A_415] {strides = array<i32>} : memref<40x128xf32, #tpu.memory_space<vmem>>, vector<1x16xf32>,
        %swap3A_417 = vector.shape_cast %swap3A_416 : vector<1x16xf32> to vector<16xf32>
        %swap3A_418 = vector.shape_cast %mul3A_413 : vector<16xf32> to vector<1x16xf32>
        tpu.vector_store %arg16[%swap3A_414, %swap3A_415], %swap3A_418 {strides = array<i32>} : memref<40x128xf32, #tpu.memory_space<vmem>>, vector<1x16xf32>,
        %get3A_419 = arith.index_cast %scan3A_392 : i32 to index
        %get3A_420 = arith.constant 32 : index
        %get3A_421 = tpu.vector_load %arg16[%get3A_419, %get3A_420] {strides = array<i32>} : memref<40x128xf32, #tpu.memory_space<vmem>>, vector<1x16xf32>,
        %get3A_422 = vector.shape_cast %get3A_421 : vector<1x16xf32> to vector<16xf32>
        %get3A_423 = arith.index_cast %scan3A_392 : i32 to index
        %get3A_424 = arith.constant 32 : index
        %get3A_425 = tpu.vector_load %arg19[%get3A_423, %get3A_424] {strides = array<i32>} : memref<40x128xf32, #tpu.memory_space<vmem>>, vector<1x16xf32>,
        %get3A_426 = vector.shape_cast %get3A_425 : vector<1x16xf32> to vector<16xf32>
        %mul3A_427 = arith.mulf %get3A_422, %get3A_426 : vector<16xf32>
        %swap3A_428 = arith.index_cast %scan3A_392 : i32 to index
        %swap3A_429 = arith.constant 32 : index
        %swap3A_430 = tpu.vector_load %arg16[%swap3A_428, %swap3A_429] {strides = array<i32>} : memref<40x128xf32, #tpu.memory_space<vmem>>, vector<1x16xf32>,
        %swap3A_431 = vector.shape_cast %swap3A_430 : vector<1x16xf32> to vector<16xf32>
        %swap3A_432 = vector.shape_cast %mul3A_427 : vector<16xf32> to vector<1x16xf32>
        tpu.vector_store %arg16[%swap3A_428, %swap3A_429], %swap3A_432 {strides = array<i32>} : memref<40x128xf32, #tpu.memory_space<vmem>>, vector<1x16xf32>,
        %get3A_433 = arith.index_cast %scan3A_392 : i32 to index
        %get3A_434 = arith.constant 48 : index
        %get3A_435 = tpu.vector_load %arg16[%get3A_433, %get3A_434] {strides = array<i32>} : memref<40x128xf32, #tpu.memory_space<vmem>>, vector<1x16xf32>,
        %get3A_436 = vector.shape_cast %get3A_435 : vector<1x16xf32> to vector<16xf32>
        %get3A_437 = arith.index_cast %scan3A_392 : i32 to index
        %get3A_438 = arith.constant 48 : index
        %get3A_439 = tpu.vector_load %arg19[%get3A_437, %get3A_438] {strides = array<i32>} : memref<40x128xf32, #tpu.memory_space<vmem>>, vector<1x16xf32>,
        %get3A_440 = vector.shape_cast %get3A_439 : vector<1x16xf32> to vector<16xf32>
        %mul3A_441 = arith.mulf %get3A_436, %get3A_440 : vector<16xf32>
        %swap3A_442 = arith.index_cast %scan3A_392 : i32 to index
        %swap3A_443 = arith.constant 48 : index
        %swap3A_444 = tpu.vector_load %arg16[%swap3A_442, %swap3A_443] {strides = array<i32>} : memref<40x128xf32, #tpu.memory_space<vmem>>, vector<1x16xf32>,
        %swap3A_445 = vector.shape_cast %swap3A_444 : vector<1x16xf32> to vector<16xf32>
        %swap3A_446 = vector.shape_cast %mul3A_441 : vector<16xf32> to vector<1x16xf32>
        tpu.vector_store %arg16[%swap3A_442, %swap3A_443], %swap3A_446 {strides = array<i32>} : memref<40x128xf32, #tpu.memory_space<vmem>>, vector<1x16xf32>,
        %get3A_447 = arith.index_cast %scan3A_392 : i32 to index
        %get3A_448 = arith.constant 64 : index
        %get3A_449 = tpu.vector_load %arg16[%get3A_447, %get3A_448] {strides = array<i32>} : memref<40x128xf32, #tpu.memory_space<vmem>>, vector<1x16xf32>,
        %get3A_450 = vector.shape_cast %get3A_449 : vector<1x16xf32> to vector<16xf32>
        %get3A_451 = arith.index_cast %scan3A_392 : i32 to index
        %get3A_452 = arith.constant 64 : index
        %get3A_453 = tpu.vector_load %arg19[%get3A_451, %get3A_452] {strides = array<i32>} : memref<40x128xf32, #tpu.memory_space<vmem>>, vector<1x16xf32>,
        %get3A_454 = vector.shape_cast %get3A_453 : vector<1x16xf32> to vector<16xf32>
        %mul3A_455 = arith.mulf %get3A_450, %get3A_454 : vector<16xf32>
        %swap3A_456 = arith.index_cast %scan3A_392 : i32 to index
        %swap3A_457 = arith.constant 64 : index
        %swap3A_458 = tpu.vector_load %arg16[%swap3A_456, %swap3A_457] {strides = array<i32>} : memref<40x128xf32, #tpu.memory_space<vmem>>, vector<1x16xf32>,
        %swap3A_459 = vector.shape_cast %swap3A_458 : vector<1x16xf32> to vector<16xf32>
        %swap3A_460 = vector.shape_cast %mul3A_455 : vector<16xf32> to vector<1x16xf32>
        tpu.vector_store %arg16[%swap3A_456, %swap3A_457], %swap3A_460 {strides = array<i32>} : memref<40x128xf32, #tpu.memory_space<vmem>>, vector<1x16xf32>,
        %get3A_461 = arith.index_cast %scan3A_392 : i32 to index
        %get3A_462 = arith.constant 80 : index
        %get3A_463 = tpu.vector_load %arg16[%get3A_461, %get3A_462] {strides = array<i32>} : memref<40x128xf32, #tpu.memory_space<vmem>>, vector<1x16xf32>,
        %get3A_464 = vector.shape_cast %get3A_463 : vector<1x16xf32> to vector<16xf32>
        %get3A_465 = arith.index_cast %scan3A_392 : i32 to index
        %get3A_466 = arith.constant 80 : index
        %get3A_467 = tpu.vector_load %arg19[%get3A_465, %get3A_466] {strides = array<i32>} : memref<40x128xf32, #tpu.memory_space<vmem>>, vector<1x16xf32>,
        %get3A_468 = vector.shape_cast %get3A_467 : vector<1x16xf32> to vector<16xf32>
        %mul3A_469 = arith.mulf %get3A_464, %get3A_468 : vector<16xf32>
        %swap3A_470 = arith.index_cast %scan3A_392 : i32 to index
        %swap3A_471 = arith.constant 80 : index
        %swap3A_472 = tpu.vector_load %arg16[%swap3A_470, %swap3A_471] {strides = array<i32>} : memref<40x128xf32, #tpu.memory_space<vmem>>, vector<1x16xf32>,
        %swap3A_473 = vector.shape_cast %swap3A_472 : vector<1x16xf32> to vector<16xf32>
        %swap3A_474 = vector.shape_cast %mul3A_469 : vector<16xf32> to vector<1x16xf32>
        tpu.vector_store %arg16[%swap3A_470, %swap3A_471], %swap3A_474 {strides = array<i32>} : memref<40x128xf32, #tpu.memory_space<vmem>>, vector<1x16xf32>,
        %get3A_475 = arith.index_cast %scan3A_392 : i32 to index
        %get3A_476 = arith.constant 96 : index
        %get3A_477 = tpu.vector_load %arg16[%get3A_475, %get3A_476] {strides = array<i32>} : memref<40x128xf32, #tpu.memory_space<vmem>>, vector<1x16xf32>,
        %get3A_478 = vector.shape_cast %get3A_477 : vector<1x16xf32> to vector<16xf32>
        %get3A_479 = arith.index_cast %scan3A_392 : i32 to index
        %get3A_480 = arith.constant 96 : index
        %get3A_481 = tpu.vector_load %arg19[%get3A_479, %get3A_480] {strides = array<i32>} : memref<40x128xf32, #tpu.memory_space<vmem>>, vector<1x16xf32>,
        %get3A_482 = vector.shape_cast %get3A_481 : vector<1x16xf32> to vector<16xf32>
        %mul3A_483 = arith.mulf %get3A_478, %get3A_482 : vector<16xf32>
        %swap3A_484 = arith.index_cast %scan3A_392 : i32 to index
        %swap3A_485 = arith.constant 96 : index
        %swap3A_486 = tpu.vector_load %arg16[%swap3A_484, %swap3A_485] {strides = array<i32>} : memref<40x128xf32, #tpu.memory_space<vmem>>, vector<1x16xf32>,
        %swap3A_487 = vector.shape_cast %swap3A_486 : vector<1x16xf32> to vector<16xf32>
        %swap3A_488 = vector.shape_cast %mul3A_483 : vector<16xf32> to vector<1x16xf32>
        tpu.vector_store %arg16[%swap3A_484, %swap3A_485], %swap3A_488 {strides = array<i32>} : memref<40x128xf32, #tpu.memory_space<vmem>>, vector<1x16xf32>,
        %get3A_489 = arith.index_cast %scan3A_392 : i32 to index
        %get3A_490 = arith.constant 112 : index
        %get3A_491 = tpu.vector_load %arg16[%get3A_489, %get3A_490] {strides = array<i32>} : memref<40x128xf32, #tpu.memory_space<vmem>>, vector<1x16xf32>,
        %get3A_492 = vector.shape_cast %get3A_491 : vector<1x16xf32> to vector<16xf32>
        %get3A_493 = arith.index_cast %scan3A_392 : i32 to index
        %get3A_494 = arith.constant 112 : index
        %get3A_495 = tpu.vector_load %arg19[%get3A_493, %get3A_494] {strides = array<i32>} : memref<40x128xf32, #tpu.memory_space<vmem>>, vector<1x16xf32>,
        %get3A_496 = vector.shape_cast %get3A_495 : vector<1x16xf32> to vector<16xf32>
        %mul3A_497 = arith.mulf %get3A_492, %get3A_496 : vector<16xf32>
        %swap3A_498 = arith.index_cast %scan3A_392 : i32 to index
        %swap3A_499 = arith.constant 112 : index
        %swap3A_500 = tpu.vector_load %arg16[%swap3A_498, %swap3A_499] {strides = array<i32>} : memref<40x128xf32, #tpu.memory_space<vmem>>, vector<1x16xf32>,
        %swap3A_501 = vector.shape_cast %swap3A_500 : vector<1x16xf32> to vector<16xf32>
        %swap3A_502 = vector.shape_cast %mul3A_497 : vector<16xf32> to vector<1x16xf32>
        tpu.vector_store %arg16[%swap3A_498, %swap3A_499], %swap3A_502 {strides = array<i32>} : memref<40x128xf32, #tpu.memory_space<vmem>>, vector<1x16xf32>,
      }
      %scan3A_356 = arith.constant 40 : i32
      %dma_wait3A_357 = arith.constant 2 : i32
      %dma_wait3A_358 = arith.constant 0 : i32
      %dma_wait3A_359 = arith.constant 0 : i32
      %dma_wait3A_360 = tpu.memref_slice %arg4[%add3A, %add3A_329, %dma_wait3A_358, %dma_wait3A_359] : memref<32x250x1x40xi32, #tpu.memory_space<hbm>> -> memref<1x1x1x40xi32, #tpu.memory_space<hbm>>
      %dma_wait3A_361 = tpu.memref_squeeze %dma_wait3A_360 : memref<1x1x1x40xi32, #tpu.memory_space<hbm>> -> memref<1x40xi32, #tpu.memory_space<hbm>>
      %dma_wait3A_362 = tpu.memref_slice %arg12[%dma_wait3A_357] : memref<3x!tpu.dma_semaphore, #tpu.memory_space<semaphore_mem>> -> memref<1x!tpu.dma_semaphore, #tpu.memory_space<semaphore_mem>>
      %dma_wait3A_363 = tpu.memref_squeeze %dma_wait3A_362 : memref<1x!tpu.dma_semaphore, #tpu.memory_space<semaphore_mem>> -> memref<!tpu.dma_semaphore, #tpu.memory_space<semaphore_mem>>
      %dma_wait3A_364 = arith.constant 0 : i32
      %dma_wait3A_365 = arith.constant 0 : i32
      %dma_wait3A_366 = tpu.memref_slice %arg4[%add3A, %add3A_329, %dma_wait3A_364, %dma_wait3A_365] : memref<32x250x1x40xi32, #tpu.memory_space<hbm>> -> memref<1x1x1x40xi32, #tpu.memory_space<hbm>>
      %dma_wait3A_367 = tpu.memref_squeeze %dma_wait3A_366 : memref<1x1x1x40xi32, #tpu.memory_space<hbm>> -> memref<1x40xi32, #tpu.memory_space<hbm>>
      tpu.wait_dma2 semaphore(%dma_wait3A_363 : memref<!tpu.dma_semaphore, #tpu.memory_space<semaphore_mem>>) src(%dma_wait3A_367 : memref<1x40xi32, #tpu.memory_space<hbm>>) dst(%arg22 : memref<1x40xi32, #tpu.memory_space<vmem>>)
      %dma_wait3A_368 = arith.constant 0 : i32
      %dma_wait3A_369 = arith.constant 1 : i32
      %dma_wait3A_370 = arith.constant 0 : i32
      %dma_wait3A_371 = tpu.memref_slice %arg21[%dma_wait3A_368, %dma_wait3A_370] : memref<1x40xi32, #tpu.memory_space<vmem>> -> memref<1x40xi32, #tpu.memory_space<vmem>>
      %dma_wait3A_372 = tpu.memref_squeeze %dma_wait3A_371 : memref<1x40xi32, #tpu.memory_space<vmem>> -> memref<40xi32, #tpu.memory_space<vmem>>
      %dma_wait3A_373 = arith.constant 0 : i32
      %dma_wait3A_374 = arith.constant 0 : i32
      %dma_wait3A_375 = tpu.memref_slice %arg9[%dma_wait3A_373, %dma_wait3A_374] : memref<10240x128xf32, #tpu.memory_space<vmem_shared>> -> memref<10240x128xf32, #tpu.memory_space<vmem_shared>>
      %dma_wait3A_376 = tpu.memref_slice %arg13[%dma_wait3A_369] : memref<3x!tpu.dma_semaphore, #tpu.memory_space<semaphore_mem>> -> memref<1x!tpu.dma_semaphore, #tpu.memory_space<semaphore_mem>>
      %dma_wait3A_377 = tpu.memref_squeeze %dma_wait3A_376 : memref<1x!tpu.dma_semaphore, #tpu.memory_space<semaphore_mem>> -> memref<!tpu.dma_semaphore, #tpu.memory_space<semaphore_mem>>
      tpu.wait_indirect_dma semaphore(%dma_wait3A_377 : memref<!tpu.dma_semaphore, #tpu.memory_space<semaphore_mem>>) src(%arg15 : memref<40x128xf32, #tpu.memory_space<vmem>>) dst(%dma_wait3A_375 : memref<10240x128xf32, #tpu.memory_space<vmem_shared>>)
      %dma_start3A_378 = arith.constant 0 : i32
      %dma_start3A_379 = arith.constant 2 : i32
      %dma_start3A_380 = arith.constant 0 : i32
      %dma_start3A_381 = tpu.memref_slice %arg22[%dma_start3A_378, %dma_start3A_380] : memref<1x40xi32, #tpu.memory_space<vmem>> -> memref<1x40xi32, #tpu.memory_space<vmem>>
      %dma_start3A_382 = tpu.memref_squeeze %dma_start3A_381 : memref<1x40xi32, #tpu.memory_space<vmem>> -> memref<40xi32, #tpu.memory_space<vmem>>
      %dma_start3A_383 = arith.constant 0 : i32
      %dma_start3A_384 = arith.constant 0 : i32
      %dma_start3A_385 = tpu.memref_slice %arg9[%dma_start3A_383, %dma_start3A_384] : memref<10240x128xf32, #tpu.memory_space<vmem_shared>> -> memref<10240x128xf32, #tpu.memory_space<vmem_shared>>
      %dma_start3A_386 = tpu.memref_slice %arg13[%dma_start3A_379] : memref<3x!tpu.dma_semaphore, #tpu.memory_space<semaphore_mem>> -> memref<1x!tpu.dma_semaphore, #tpu.memory_space<semaphore_mem>>
      %dma_start3A_387 = tpu.memref_squeeze %dma_start3A_386 : memref<1x!tpu.dma_semaphore, #tpu.memory_space<semaphore_mem>> -> memref<!tpu.dma_semaphore, #tpu.memory_space<semaphore_mem>>
      tpu.enqueue_indirect_dma source(%arg16 : memref<40x128xf32, #tpu.memory_space<vmem>>) target(%dma_start3A_385 : memref<10240x128xf32, #tpu.memory_space<vmem_shared>>) offsets(%dma_start3A_382 : memref<40xi32, #tpu.memory_space<vmem>>) semaphore(%dma_start3A_387 : memref<!tpu.dma_semaphore, #tpu.memory_space<semaphore_mem>>) {add = true}
      %lt3A = arith.constant 82 : i32
      %lt3A_388 = arith.cmpi slt, %scan3A_169, %lt3A : i32
      %convert_element_type3A_389 = arith.extui %lt3A_388 : i1 to i32
      %cond3A_390 = arith.constant 0 : i32
      %cond3A_391 = arith.cmpi ne, %convert_element_type3A_389, %cond3A_390 : i32
      scf.if %cond3A_391 {
        %add3A_392 = arith.constant 3 : i32
        %add3A_393 = arith.addi %add3A_329, %add3A_392 : i32
        %sub3A_394 = arith.constant 1 : i32
        %sub3A_395 = arith.subi %add3A_393, %sub3A_394 : i32
        %mul3A_396 = arith.constant 10000 : i32
        %mul3A_397 = arith.muli %add3A, %mul3A_396 : i32
        %mul3A_398 = arith.constant 40 : i32
        %mul3A_399 = arith.muli %sub3A_395, %mul3A_398 : i32
        %add3A_400 = arith.addi %mul3A_397, %mul3A_399 : i32
        %mul3A_401 = arith.constant 40 : i32
        %mul3A_402 = arith.muli %sub3A_395, %mul3A_401 : i32
        %dma_start3A_403 = arith.constant 1 : i32
        %dma_start3A_404 = tpu.memref_slice %arg8[%mul3A_402] : memref<10000xi32, #tpu.memory_space<vmem>> -> memref<40xi32, #tpu.memory_space<vmem>>
        %dma_start3A_405 = arith.constant 0 : i32
        %dma_start3A_406 = arith.constant 0 : i32
        %dma_start3A_407 = tpu.memref_slice %arg2[%dma_start3A_405, %dma_start3A_406] : memref<10240x128xf32, #tpu.memory_space<hbm>> -> memref<10240x128xf32, #tpu.memory_space<hbm>>
        %dma_start3A_408 = tpu.memref_slice %arg10[%dma_start3A_403] : memref<3x!tpu.dma_semaphore, #tpu.memory_space<semaphore_mem>> -> memref<1x!tpu.dma_semaphore, #tpu.memory_space<semaphore_mem>>
        %dma_start3A_409 = tpu.memref_squeeze %dma_start3A_408 : memref<1x!tpu.dma_semaphore, #tpu.memory_space<semaphore_mem>> -> memref<!tpu.dma_semaphore, #tpu.memory_space<semaphore_mem>>
        tpu.enqueue_indirect_dma source(%dma_start3A_407 : memref<10240x128xf32, #tpu.memory_space<hbm>>) target(%arg15 : memref<40x128xf32, #tpu.memory_space<vmem>>) offsets(%dma_start3A_404 : memref<40xi32, #tpu.memory_space<vmem>>) semaphore(%dma_start3A_409 : memref<!tpu.dma_semaphore, #tpu.memory_space<semaphore_mem>>)
        %dma_start3A_410 = arith.constant 1 : i32
        %dma_start3A_411 = arith.constant 0 : i32
        %dma_start3A_412 = tpu.memref_slice %arg3[%add3A_400, %dma_start3A_411] : memref<320000x128xf32, #tpu.memory_space<hbm>> -> memref<40x128xf32, #tpu.memory_space<hbm>>
        %dma_start3A_413 = tpu.memref_slice %arg11[%dma_start3A_410] : memref<3x!tpu.dma_semaphore, #tpu.memory_space<semaphore_mem>> -> memref<1x!tpu.dma_semaphore, #tpu.memory_space<semaphore_mem>>
        %dma_start3A_414 = tpu.memref_squeeze %dma_start3A_413 : memref<1x!tpu.dma_semaphore, #tpu.memory_space<semaphore_mem>> -> memref<!tpu.dma_semaphore, #tpu.memory_space<semaphore_mem>>
        %dma_start3A_415 = arith.constant 0 : i32
        %dma_start3A_416 = tpu.memref_slice %arg3[%add3A_400, %dma_start3A_415] : memref<320000x128xf32, #tpu.memory_space<hbm>> -> memref<40x128xf32, #tpu.memory_space<hbm>>
        tpu.enqueue_dma source(%dma_start3A_416 : memref<40x128xf32, #tpu.memory_space<hbm>>) target(%arg18 : memref<40x128xf32, #tpu.memory_space<vmem>>) target_semaphore(%dma_start3A_414 : memref<!tpu.dma_semaphore, #tpu.memory_space<semaphore_mem>>)
        %dma_start3A_417 = arith.constant 1 : i32
        %dma_start3A_418 = arith.constant 0 : i32
        %dma_start3A_419 = arith.constant 0 : i32
        %dma_start3A_420 = tpu.memref_slice %arg4[%add3A, %sub3A_395, %dma_start3A_418, %dma_start3A_419] : memref<32x250x1x40xi32, #tpu.memory_space<hbm>> -> memref<1x1x1x40xi32, #tpu.memory_space<hbm>>
        %dma_start3A_421 = tpu.memref_squeeze %dma_start3A_420 : memref<1x1x1x40xi32, #tpu.memory_space<hbm>> -> memref<1x40xi32, #tpu.memory_space<hbm>>
        %dma_start3A_422 = tpu.memref_slice %arg12[%dma_start3A_417] : memref<3x!tpu.dma_semaphore, #tpu.memory_space<semaphore_mem>> -> memref<1x!tpu.dma_semaphore, #tpu.memory_space<semaphore_mem>>
        %dma_start3A_423 = tpu.memref_squeeze %dma_start3A_422 : memref<1x!tpu.dma_semaphore, #tpu.memory_space<semaphore_mem>> -> memref<!tpu.dma_semaphore, #tpu.memory_space<semaphore_mem>>
        %dma_start3A_424 = arith.constant 0 : i32
        %dma_start3A_425 = arith.constant 0 : i32
        %dma_start3A_426 = tpu.memref_slice %arg4[%add3A, %sub3A_395, %dma_start3A_424, %dma_start3A_425] : memref<32x250x1x40xi32, #tpu.memory_space<hbm>> -> memref<1x1x1x40xi32, #tpu.memory_space<hbm>>
        %dma_start3A_427 = tpu.memref_squeeze %dma_start3A_426 : memref<1x1x1x40xi32, #tpu.memory_space<hbm>> -> memref<1x40xi32, #tpu.memory_space<hbm>>
        tpu.enqueue_dma source(%dma_start3A_427 : memref<1x40xi32, #tpu.memory_space<hbm>>) target(%arg21 : memref<1x40xi32, #tpu.memory_space<vmem>>) target_semaphore(%dma_start3A_423 : memref<!tpu.dma_semaphore, #tpu.memory_space<semaphore_mem>>)
      } else {
      }
    }
    %scan3A_101 = arith.constant 83 : i32
    %dma_wait3A = arith.constant 0 : i32
    %dma_wait3A_102 = arith.constant 9960 : i32
    %dma_wait3A_103 = tpu.memref_slice %arg8[%dma_wait3A_102] : memref<10000xi32, #tpu.memory_space<vmem>> -> memref<40xi32, #tpu.memory_space<vmem>>
    %dma_wait3A_104 = arith.constant 0 : i32
    %dma_wait3A_105 = arith.constant 0 : i32
    %dma_wait3A_106 = tpu.memref_slice %arg2[%dma_wait3A_104, %dma_wait3A_105] : memref<10240x128xf32, #tpu.memory_space<hbm>> -> memref<10240x128xf32, #tpu.memory_space<hbm>>
    %dma_wait3A_107 = tpu.memref_slice %arg10[%dma_wait3A] : memref<3x!tpu.dma_semaphore, #tpu.memory_space<semaphore_mem>> -> memref<1x!tpu.dma_semaphore, #tpu.memory_space<semaphore_mem>>
    %dma_wait3A_108 = tpu.memref_squeeze %dma_wait3A_107 : memref<1x!tpu.dma_semaphore, #tpu.memory_space<semaphore_mem>> -> memref<!tpu.dma_semaphore, #tpu.memory_space<semaphore_mem>>
    tpu.wait_indirect_dma semaphore(%dma_wait3A_108 : memref<!tpu.dma_semaphore, #tpu.memory_space<semaphore_mem>>) src(%dma_wait3A_106 : memref<10240x128xf32, #tpu.memory_space<hbm>>) dst(%arg14 : memref<40x128xf32, #tpu.memory_space<vmem>>)
    %mul3A_109 = arith.constant 10000 : i32
    %mul3A_110 = arith.muli %add3A, %mul3A_109 : i32
    %add3A_111 = arith.constant 9960 : i32
    %add3A_112 = arith.addi %mul3A_110, %add3A_111 : i32
    %dma_wait3A_113 = arith.constant 0 : i32
    %dma_wait3A_114 = arith.constant 0 : i32
    %dma_wait3A_115 = tpu.memref_slice %arg3[%add3A_112, %dma_wait3A_114] : memref<320000x128xf32, #tpu.memory_space<hbm>> -> memref<40x128xf32, #tpu.memory_space<hbm>>
    %dma_wait3A_116 = tpu.memref_slice %arg11[%dma_wait3A_113] : memref<3x!tpu.dma_semaphore, #tpu.memory_space<semaphore_mem>> -> memref<1x!tpu.dma_semaphore, #tpu.memory_space<semaphore_mem>>
    %dma_wait3A_117 = tpu.memref_squeeze %dma_wait3A_116 : memref<1x!tpu.dma_semaphore, #tpu.memory_space<semaphore_mem>> -> memref<!tpu.dma_semaphore, #tpu.memory_space<semaphore_mem>>
    %dma_wait3A_118 = arith.constant 0 : i32
    %dma_wait3A_119 = tpu.memref_slice %arg3[%add3A_112, %dma_wait3A_118] : memref<320000x128xf32, #tpu.memory_space<hbm>> -> memref<40x128xf32, #tpu.memory_space<hbm>>
    tpu.wait_dma2 semaphore(%dma_wait3A_117 : memref<!tpu.dma_semaphore, #tpu.memory_space<semaphore_mem>>) src(%dma_wait3A_119 : memref<40x128xf32, #tpu.memory_space<hbm>>) dst(%arg17 : memref<40x128xf32, #tpu.memory_space<vmem>>)
    %scan3A_120 = arith.constant 0 : i32
    %scan3A_121 = arith.constant 0 : i32
    %scan3A_122 = arith.constant 40 : i32
    %scan3A_123 = arith.addi %scan3A_121, %scan3A_122 : i32
    %scan3A_124 = arith.constant 1 : i32
    scf.for %scan3A_169 = %scan3A_121 to %scan3A_123 step %scan3A_124  : i32 {
      %get3A = arith.index_cast %scan3A_169 : i32 to index
      %get3A_170 = arith.constant 0 : index
      %get3A_171 = tpu.vector_load %arg14[%get3A, %get3A_170] {strides = array<i32>} : memref<40x128xf32, #tpu.memory_space<vmem>>, vector<1x16xf32>,
      %get3A_172 = vector.shape_cast %get3A_171 : vector<1x16xf32> to vector<16xf32>
      %get3A_173 = arith.index_cast %scan3A_169 : i32 to index
      %get3A_174 = arith.constant 0 : index
      %get3A_175 = tpu.vector_load %arg17[%get3A_173, %get3A_174] {strides = array<i32>} : memref<40x128xf32, #tpu.memory_space<vmem>>, vector<1x16xf32>,
      %get3A_176 = vector.shape_cast %get3A_175 : vector<1x16xf32> to vector<16xf32>
      %mul3A_177 = arith.mulf %get3A_172, %get3A_176 : vector<16xf32>
      %swap3A = arith.index_cast %scan3A_169 : i32 to index
      %swap3A_178 = arith.constant 0 : index
      %swap3A_179 = tpu.vector_load %arg14[%swap3A, %swap3A_178] {strides = array<i32>} : memref<40x128xf32, #tpu.memory_space<vmem>>, vector<1x16xf32>,
      %swap3A_180 = vector.shape_cast %swap3A_179 : vector<1x16xf32> to vector<16xf32>
      %swap3A_181 = vector.shape_cast %mul3A_177 : vector<16xf32> to vector<1x16xf32>
      tpu.vector_store %arg14[%swap3A, %swap3A_178], %swap3A_181 {strides = array<i32>} : memref<40x128xf32, #tpu.memory_space<vmem>>, vector<1x16xf32>,
      %get3A_182 = arith.index_cast %scan3A_169 : i32 to index
      %get3A_183 = arith.constant 16 : index
      %get3A_184 = tpu.vector_load %arg14[%get3A_182, %get3A_183] {strides = array<i32>} : memref<40x128xf32, #tpu.memory_space<vmem>>, vector<1x16xf32>,
      %get3A_185 = vector.shape_cast %get3A_184 : vector<1x16xf32> to vector<16xf32>
      %get3A_186 = arith.index_cast %scan3A_169 : i32 to index
      %get3A_187 = arith.constant 16 : index
      %get3A_188 = tpu.vector_load %arg17[%get3A_186, %get3A_187] {strides = array<i32>} : memref<40x128xf32, #tpu.memory_space<vmem>>, vector<1x16xf32>,
      %get3A_189 = vector.shape_cast %get3A_188 : vector<1x16xf32> to vector<16xf32>
      %mul3A_190 = arith.mulf %get3A_185, %get3A_189 : vector<16xf32>
      %swap3A_191 = arith.index_cast %scan3A_169 : i32 to index
      %swap3A_192 = arith.constant 16 : index
      %swap3A_193 = tpu.vector_load %arg14[%swap3A_191, %swap3A_192] {strides = array<i32>} : memref<40x128xf32, #tpu.memory_space<vmem>>, vector<1x16xf32>,
      %swap3A_194 = vector.shape_cast %swap3A_193 : vector<1x16xf32> to vector<16xf32>
      %swap3A_195 = vector.shape_cast %mul3A_190 : vector<16xf32> to vector<1x16xf32>
      tpu.vector_store %arg14[%swap3A_191, %swap3A_192], %swap3A_195 {strides = array<i32>} : memref<40x128xf32, #tpu.memory_space<vmem>>, vector<1x16xf32>,
      %get3A_196 = arith.index_cast %scan3A_169 : i32 to index
      %get3A_197 = arith.constant 32 : index
      %get3A_198 = tpu.vector_load %arg14[%get3A_196, %get3A_197] {strides = array<i32>} : memref<40x128xf32, #tpu.memory_space<vmem>>, vector<1x16xf32>,
      %get3A_199 = vector.shape_cast %get3A_198 : vector<1x16xf32> to vector<16xf32>
      %get3A_200 = arith.index_cast %scan3A_169 : i32 to index
      %get3A_201 = arith.constant 32 : index
      %get3A_202 = tpu.vector_load %arg17[%get3A_200, %get3A_201] {strides = array<i32>} : memref<40x128xf32, #tpu.memory_space<vmem>>, vector<1x16xf32>,
      %get3A_203 = vector.shape_cast %get3A_202 : vector<1x16xf32> to vector<16xf32>
      %mul3A_204 = arith.mulf %get3A_199, %get3A_203 : vector<16xf32>
      %swap3A_205 = arith.index_cast %scan3A_169 : i32 to index
      %swap3A_206 = arith.constant 32 : index
      %swap3A_207 = tpu.vector_load %arg14[%swap3A_205, %swap3A_206] {strides = array<i32>} : memref<40x128xf32, #tpu.memory_space<vmem>>, vector<1x16xf32>,
      %swap3A_208 = vector.shape_cast %swap3A_207 : vector<1x16xf32> to vector<16xf32>
      %swap3A_209 = vector.shape_cast %mul3A_204 : vector<16xf32> to vector<1x16xf32>
      tpu.vector_store %arg14[%swap3A_205, %swap3A_206], %swap3A_209 {strides = array<i32>} : memref<40x128xf32, #tpu.memory_space<vmem>>, vector<1x16xf32>,
      %get3A_210 = arith.index_cast %scan3A_169 : i32 to index
      %get3A_211 = arith.constant 48 : index
      %get3A_212 = tpu.vector_load %arg14[%get3A_210, %get3A_211] {strides = array<i32>} : memref<40x128xf32, #tpu.memory_space<vmem>>, vector<1x16xf32>,
      %get3A_213 = vector.shape_cast %get3A_212 : vector<1x16xf32> to vector<16xf32>
      %get3A_214 = arith.index_cast %scan3A_169 : i32 to index
      %get3A_215 = arith.constant 48 : index
      %get3A_216 = tpu.vector_load %arg17[%get3A_214, %get3A_215] {strides = array<i32>} : memref<40x128xf32, #tpu.memory_space<vmem>>, vector<1x16xf32>,
      %get3A_217 = vector.shape_cast %get3A_216 : vector<1x16xf32> to vector<16xf32>
      %mul3A_218 = arith.mulf %get3A_213, %get3A_217 : vector<16xf32>
      %swap3A_219 = arith.index_cast %scan3A_169 : i32 to index
      %swap3A_220 = arith.constant 48 : index
      %swap3A_221 = tpu.vector_load %arg14[%swap3A_219, %swap3A_220] {strides = array<i32>} : memref<40x128xf32, #tpu.memory_space<vmem>>, vector<1x16xf32>,
      %swap3A_222 = vector.shape_cast %swap3A_221 : vector<1x16xf32> to vector<16xf32>
      %swap3A_223 = vector.shape_cast %mul3A_218 : vector<16xf32> to vector<1x16xf32>
      tpu.vector_store %arg14[%swap3A_219, %swap3A_220], %swap3A_223 {strides = array<i32>} : memref<40x128xf32, #tpu.memory_space<vmem>>, vector<1x16xf32>,
      %get3A_224 = arith.index_cast %scan3A_169 : i32 to index
      %get3A_225 = arith.constant 64 : index
      %get3A_226 = tpu.vector_load %arg14[%get3A_224, %get3A_225] {strides = array<i32>} : memref<40x128xf32, #tpu.memory_space<vmem>>, vector<1x16xf32>,
      %get3A_227 = vector.shape_cast %get3A_226 : vector<1x16xf32> to vector<16xf32>
      %get3A_228 = arith.index_cast %scan3A_169 : i32 to index
      %get3A_229 = arith.constant 64 : index
      %get3A_230 = tpu.vector_load %arg17[%get3A_228, %get3A_229] {strides = array<i32>} : memref<40x128xf32, #tpu.memory_space<vmem>>, vector<1x16xf32>,
      %get3A_231 = vector.shape_cast %get3A_230 : vector<1x16xf32> to vector<16xf32>
      %mul3A_232 = arith.mulf %get3A_227, %get3A_231 : vector<16xf32>
      %swap3A_233 = arith.index_cast %scan3A_169 : i32 to index
      %swap3A_234 = arith.constant 64 : index
      %swap3A_235 = tpu.vector_load %arg14[%swap3A_233, %swap3A_234] {strides = array<i32>} : memref<40x128xf32, #tpu.memory_space<vmem>>, vector<1x16xf32>,
      %swap3A_236 = vector.shape_cast %swap3A_235 : vector<1x16xf32> to vector<16xf32>
      %swap3A_237 = vector.shape_cast %mul3A_232 : vector<16xf32> to vector<1x16xf32>
      tpu.vector_store %arg14[%swap3A_233, %swap3A_234], %swap3A_237 {strides = array<i32>} : memref<40x128xf32, #tpu.memory_space<vmem>>, vector<1x16xf32>,
      %get3A_238 = arith.index_cast %scan3A_169 : i32 to index
      %get3A_239 = arith.constant 80 : index
      %get3A_240 = tpu.vector_load %arg14[%get3A_238, %get3A_239] {strides = array<i32>} : memref<40x128xf32, #tpu.memory_space<vmem>>, vector<1x16xf32>,
      %get3A_241 = vector.shape_cast %get3A_240 : vector<1x16xf32> to vector<16xf32>
      %get3A_242 = arith.index_cast %scan3A_169 : i32 to index
      %get3A_243 = arith.constant 80 : index
      %get3A_244 = tpu.vector_load %arg17[%get3A_242, %get3A_243] {strides = array<i32>} : memref<40x128xf32, #tpu.memory_space<vmem>>, vector<1x16xf32>,
      %get3A_245 = vector.shape_cast %get3A_244 : vector<1x16xf32> to vector<16xf32>
      %mul3A_246 = arith.mulf %get3A_241, %get3A_245 : vector<16xf32>
      %swap3A_247 = arith.index_cast %scan3A_169 : i32 to index
      %swap3A_248 = arith.constant 80 : index
      %swap3A_249 = tpu.vector_load %arg14[%swap3A_247, %swap3A_248] {strides = array<i32>} : memref<40x128xf32, #tpu.memory_space<vmem>>, vector<1x16xf32>,
      %swap3A_250 = vector.shape_cast %swap3A_249 : vector<1x16xf32> to vector<16xf32>
      %swap3A_251 = vector.shape_cast %mul3A_246 : vector<16xf32> to vector<1x16xf32>
      tpu.vector_store %arg14[%swap3A_247, %swap3A_248], %swap3A_251 {strides = array<i32>} : memref<40x128xf32, #tpu.memory_space<vmem>>, vector<1x16xf32>,
      %get3A_252 = arith.index_cast %scan3A_169 : i32 to index
      %get3A_253 = arith.constant 96 : index
      %get3A_254 = tpu.vector_load %arg14[%get3A_252, %get3A_253] {strides = array<i32>} : memref<40x128xf32, #tpu.memory_space<vmem>>, vector<1x16xf32>,
      %get3A_255 = vector.shape_cast %get3A_254 : vector<1x16xf32> to vector<16xf32>
      %get3A_256 = arith.index_cast %scan3A_169 : i32 to index
      %get3A_257 = arith.constant 96 : index
      %get3A_258 = tpu.vector_load %arg17[%get3A_256, %get3A_257] {strides = array<i32>} : memref<40x128xf32, #tpu.memory_space<vmem>>, vector<1x16xf32>,
      %get3A_259 = vector.shape_cast %get3A_258 : vector<1x16xf32> to vector<16xf32>
      %mul3A_260 = arith.mulf %get3A_255, %get3A_259 : vector<16xf32>
      %swap3A_261 = arith.index_cast %scan3A_169 : i32 to index
      %swap3A_262 = arith.constant 96 : index
      %swap3A_263 = tpu.vector_load %arg14[%swap3A_261, %swap3A_262] {strides = array<i32>} : memref<40x128xf32, #tpu.memory_space<vmem>>, vector<1x16xf32>,
      %swap3A_264 = vector.shape_cast %swap3A_263 : vector<1x16xf32> to vector<16xf32>
      %swap3A_265 = vector.shape_cast %mul3A_260 : vector<16xf32> to vector<1x16xf32>
      tpu.vector_store %arg14[%swap3A_261, %swap3A_262], %swap3A_265 {strides = array<i32>} : memref<40x128xf32, #tpu.memory_space<vmem>>, vector<1x16xf32>,
      %get3A_266 = arith.index_cast %scan3A_169 : i32 to index
      %get3A_267 = arith.constant 112 : index
      %get3A_268 = tpu.vector_load %arg14[%get3A_266, %get3A_267] {strides = array<i32>} : memref<40x128xf32, #tpu.memory_space<vmem>>, vector<1x16xf32>,
      %get3A_269 = vector.shape_cast %get3A_268 : vector<1x16xf32> to vector<16xf32>
      %get3A_270 = arith.index_cast %scan3A_169 : i32 to index
      %get3A_271 = arith.constant 112 : index
      %get3A_272 = tpu.vector_load %arg17[%get3A_270, %get3A_271] {strides = array<i32>} : memref<40x128xf32, #tpu.memory_space<vmem>>, vector<1x16xf32>,
      %get3A_273 = vector.shape_cast %get3A_272 : vector<1x16xf32> to vector<16xf32>
      %mul3A_274 = arith.mulf %get3A_269, %get3A_273 : vector<16xf32>
      %swap3A_275 = arith.index_cast %scan3A_169 : i32 to index
      %swap3A_276 = arith.constant 112 : index
      %swap3A_277 = tpu.vector_load %arg14[%swap3A_275, %swap3A_276] {strides = array<i32>} : memref<40x128xf32, #tpu.memory_space<vmem>>, vector<1x16xf32>,
      %swap3A_278 = vector.shape_cast %swap3A_277 : vector<1x16xf32> to vector<16xf32>
      %swap3A_279 = vector.shape_cast %mul3A_274 : vector<16xf32> to vector<1x16xf32>
      tpu.vector_store %arg14[%swap3A_275, %swap3A_276], %swap3A_279 {strides = array<i32>} : memref<40x128xf32, #tpu.memory_space<vmem>>, vector<1x16xf32>,
    }
    %scan3A_125 = arith.constant 40 : i32
    %dma_wait3A_126 = arith.constant 249 : i32
    %dma_wait3A_127 = arith.constant 0 : i32
    %dma_wait3A_128 = arith.constant 0 : i32
    %dma_wait3A_129 = arith.constant 0 : i32
    %dma_wait3A_130 = tpu.memref_slice %arg4[%add3A, %dma_wait3A_126, %dma_wait3A_128, %dma_wait3A_129] : memref<32x250x1x40xi32, #tpu.memory_space<hbm>> -> memref<1x1x1x40xi32, #tpu.memory_space<hbm>>
    %dma_wait3A_131 = tpu.memref_squeeze %dma_wait3A_130 : memref<1x1x1x40xi32, #tpu.memory_space<hbm>> -> memref<1x40xi32, #tpu.memory_space<hbm>>
    %dma_wait3A_132 = tpu.memref_slice %arg12[%dma_wait3A_127] : memref<3x!tpu.dma_semaphore, #tpu.memory_space<semaphore_mem>> -> memref<1x!tpu.dma_semaphore, #tpu.memory_space<semaphore_mem>>
    %dma_wait3A_133 = tpu.memref_squeeze %dma_wait3A_132 : memref<1x!tpu.dma_semaphore, #tpu.memory_space<semaphore_mem>> -> memref<!tpu.dma_semaphore, #tpu.memory_space<semaphore_mem>>
    %dma_wait3A_134 = arith.constant 0 : i32
    %dma_wait3A_135 = arith.constant 0 : i32
    %dma_wait3A_136 = tpu.memref_slice %arg4[%add3A, %dma_wait3A_126, %dma_wait3A_134, %dma_wait3A_135] : memref<32x250x1x40xi32, #tpu.memory_space<hbm>> -> memref<1x1x1x40xi32, #tpu.memory_space<hbm>>
    %dma_wait3A_137 = tpu.memref_squeeze %dma_wait3A_136 : memref<1x1x1x40xi32, #tpu.memory_space<hbm>> -> memref<1x40xi32, #tpu.memory_space<hbm>>
    tpu.wait_dma2 semaphore(%dma_wait3A_133 : memref<!tpu.dma_semaphore, #tpu.memory_space<semaphore_mem>>) src(%dma_wait3A_137 : memref<1x40xi32, #tpu.memory_space<hbm>>) dst(%arg20 : memref<1x40xi32, #tpu.memory_space<vmem>>)
    %dma_wait3A_138 = arith.constant 0 : i32
    %dma_wait3A_139 = arith.constant 2 : i32
    %dma_wait3A_140 = arith.constant 0 : i32
    %dma_wait3A_141 = tpu.memref_slice %arg22[%dma_wait3A_138, %dma_wait3A_140] : memref<1x40xi32, #tpu.memory_space<vmem>> -> memref<1x40xi32, #tpu.memory_space<vmem>>
    %dma_wait3A_142 = tpu.memref_squeeze %dma_wait3A_141 : memref<1x40xi32, #tpu.memory_space<vmem>> -> memref<40xi32, #tpu.memory_space<vmem>>
    %dma_wait3A_143 = arith.constant 0 : i32
    %dma_wait3A_144 = arith.constant 0 : i32
    %dma_wait3A_145 = tpu.memref_slice %arg9[%dma_wait3A_143, %dma_wait3A_144] : memref<10240x128xf32, #tpu.memory_space<vmem_shared>> -> memref<10240x128xf32, #tpu.memory_space<vmem_shared>>
    %dma_wait3A_146 = tpu.memref_slice %arg13[%dma_wait3A_139] : memref<3x!tpu.dma_semaphore, #tpu.memory_space<semaphore_mem>> -> memref<1x!tpu.dma_semaphore, #tpu.memory_space<semaphore_mem>>
    %dma_wait3A_147 = tpu.memref_squeeze %dma_wait3A_146 : memref<1x!tpu.dma_semaphore, #tpu.memory_space<semaphore_mem>> -> memref<!tpu.dma_semaphore, #tpu.memory_space<semaphore_mem>>
    tpu.wait_indirect_dma semaphore(%dma_wait3A_147 : memref<!tpu.dma_semaphore, #tpu.memory_space<semaphore_mem>>) src(%arg16 : memref<40x128xf32, #tpu.memory_space<vmem>>) dst(%dma_wait3A_145 : memref<10240x128xf32, #tpu.memory_space<vmem_shared>>)
    %dma_start3A_148 = arith.constant 0 : i32
    %dma_start3A_149 = arith.constant 0 : i32
    %dma_start3A_150 = arith.constant 0 : i32
    %dma_start3A_151 = tpu.memref_slice %arg20[%dma_start3A_148, %dma_start3A_150] : memref<1x40xi32, #tpu.memory_space<vmem>> -> memref<1x40xi32, #tpu.memory_space<vmem>>
    %dma_start3A_152 = tpu.memref_squeeze %dma_start3A_151 : memref<1x40xi32, #tpu.memory_space<vmem>> -> memref<40xi32, #tpu.memory_space<vmem>>
    %dma_start3A_153 = arith.constant 0 : i32
    %dma_start3A_154 = arith.constant 0 : i32
    %dma_start3A_155 = tpu.memref_slice %arg9[%dma_start3A_153, %dma_start3A_154] : memref<10240x128xf32, #tpu.memory_space<vmem_shared>> -> memref<10240x128xf32, #tpu.memory_space<vmem_shared>>
    %dma_start3A_156 = tpu.memref_slice %arg13[%dma_start3A_149] : memref<3x!tpu.dma_semaphore, #tpu.memory_space<semaphore_mem>> -> memref<1x!tpu.dma_semaphore, #tpu.memory_space<semaphore_mem>>
    %dma_start3A_157 = tpu.memref_squeeze %dma_start3A_156 : memref<1x!tpu.dma_semaphore, #tpu.memory_space<semaphore_mem>> -> memref<!tpu.dma_semaphore, #tpu.memory_space<semaphore_mem>>
    tpu.enqueue_indirect_dma source(%arg14 : memref<40x128xf32, #tpu.memory_space<vmem>>) target(%dma_start3A_155 : memref<10240x128xf32, #tpu.memory_space<vmem_shared>>) offsets(%dma_start3A_152 : memref<40xi32, #tpu.memory_space<vmem>>) semaphore(%dma_start3A_157 : memref<!tpu.dma_semaphore, #tpu.memory_space<semaphore_mem>>) {add = true}
    %dma_wait3A_158 = arith.constant 0 : i32
    %dma_wait3A_159 = arith.constant 0 : i32
    %dma_wait3A_160 = arith.constant 0 : i32
    %dma_wait3A_161 = tpu.memref_slice %arg20[%dma_wait3A_158, %dma_wait3A_160] : memref<1x40xi32, #tpu.memory_space<vmem>> -> memref<1x40xi32, #tpu.memory_space<vmem>>
    %dma_wait3A_162 = tpu.memref_squeeze %dma_wait3A_161 : memref<1x40xi32, #tpu.memory_space<vmem>> -> memref<40xi32, #tpu.memory_space<vmem>>
    %dma_wait3A_163 = arith.constant 0 : i32
    %dma_wait3A_164 = arith.constant 0 : i32
    %dma_wait3A_165 = tpu.memref_slice %arg9[%dma_wait3A_163, %dma_wait3A_164] : memref<10240x128xf32, #tpu.memory_space<vmem_shared>> -> memref<10240x128xf32, #tpu.memory_space<vmem_shared>>
    %dma_wait3A_166 = tpu.memref_slice %arg13[%dma_wait3A_159] : memref<3x!tpu.dma_semaphore, #tpu.memory_space<semaphore_mem>> -> memref<1x!tpu.dma_semaphore, #tpu.memory_space<semaphore_mem>>
    %dma_wait3A_167 = tpu.memref_squeeze %dma_wait3A_166 : memref<1x!tpu.dma_semaphore, #tpu.memory_space<semaphore_mem>> -> memref<!tpu.dma_semaphore, #tpu.memory_space<semaphore_mem>>
    tpu.wait_indirect_dma semaphore(%dma_wait3A_167 : memref<!tpu.dma_semaphore, #tpu.memory_space<semaphore_mem>>) src(%arg14 : memref<40x128xf32, #tpu.memory_space<vmem>>) dst(%dma_wait3A_165 : memref<10240x128xf32, #tpu.memory_space<vmem_shared>>)
    %barrier3A_168 = arith.constant 0 : index
    tpu.barrier barrier_id(%barrier3A_168)
    "tpu.region"() ({
      %run_scoped3A = tpu.sem_alloc : memref<!tpu.dma_semaphore, #tpu.memory_space<semaphore_mem>>
      %dma_start3A_169 = arith.constant 0 : i32
      %dma_start3A_170 = tpu.memref_slice %arg7[%arg0, %mul3A_2, %dma_start3A_169] : memref<2x10240x128xf32, #tpu.memory_space<hbm>> -> memref<1x640x128xf32, #tpu.memory_space<hbm>>
      %dma_start3A_171 = tpu.memref_squeeze %dma_start3A_170 : memref<1x640x128xf32, #tpu.memory_space<hbm>> -> memref<640x128xf32, #tpu.memory_space<hbm>>
      %dma_start3A_172 = arith.constant 0 : i32
      %dma_start3A_173 = tpu.memref_slice %arg9[%mul3A_2, %dma_start3A_172] : memref<10240x128xf32, #tpu.memory_space<vmem_shared>> -> memref<640x128xf32, #tpu.memory_space<vmem_shared>>
      tpu.enqueue_dma source(%dma_start3A_173 : memref<640x128xf32, #tpu.memory_space<vmem_shared>>) target(%dma_start3A_171 : memref<640x128xf32, #tpu.memory_space<hbm>>) target_semaphore(%run_scoped3A : memref<!tpu.dma_semaphore, #tpu.memory_space<semaphore_mem>>)
      %dma_wait3A_174 = arith.constant 0 : i32
      %dma_wait3A_175 = tpu.memref_slice %arg7[%arg0, %mul3A_2, %dma_wait3A_174] : memref<2x10240x128xf32, #tpu.memory_space<hbm>> -> memref<1x640x128xf32, #tpu.memory_space<hbm>>
      %dma_wait3A_176 = tpu.memref_squeeze %dma_wait3A_175 : memref<1x640x128xf32, #tpu.memory_space<hbm>> -> memref<640x128xf32, #tpu.memory_space<hbm>>
      %dma_wait3A_177 = arith.constant 0 : i32
      %dma_wait3A_178 = tpu.memref_slice %arg9[%mul3A_2, %dma_wait3A_177] : memref<10240x128xf32, #tpu.memory_space<vmem_shared>> -> memref<640x128xf32, #tpu.memory_space<vmem_shared>>
      tpu.wait_dma2 semaphore(%run_scoped3A : memref<!tpu.dma_semaphore, #tpu.memory_space<semaphore_mem>>) src(%dma_wait3A_178 : memref<640x128xf32, #tpu.memory_space<vmem_shared>>) dst(%dma_wait3A_176 : memref<640x128xf32, #tpu.memory_space<hbm>>)
      tpu.yield
    }) : () -> ()
    return
  }
}

module attributes {stable_mosaic.version = 14 : i64} {
  func.func @_tc_embed_body(%arg0: i32, %arg1: memref<1x1x1000xi32, #tpu.memory_space<vmem>>, %arg2: memref<100x128xf32, #tpu.memory_space<vmem>>, %arg3: memref<128x128xf32, #tpu.memory_space<vmem>>, %arg4: memref<1000x128xf32, #tpu.memory_space<vmem>>, %arg5: memref<1000x128xf32, #tpu.memory_space<vmem>>) attributes {dimension_semantics = [#tpu.dimension_semantics<arbitrary>], iteration_bounds = array<i64: 10>, scalar_prefetch = 0 : i64, scratch_operands = 0 : i64, tpu.core_type = #tpu.core_type<tc>, window_params = [{transform_indices = @transform_0, window_bounds = array<i64: 1, 1, 1000>}, {pipeline_mode = #tpu.pipeline_mode<synchronous>, transform_indices = @transform_1, window_bounds = array<i64: 100, 128>}, {pipeline_mode = #tpu.pipeline_mode<synchronous>, transform_indices = @transform_2, window_bounds = array<i64: 128, 128>}, {transform_indices = @transform_3, window_bounds = array<i64: 1000, 128>}, {transform_indices = @transform_4, window_bounds = array<i64: 1000, 128>}]} {
    %get3A = arith.constant 0 : index
    %get3A_0 = arith.constant 0 : index
    %get3A_1 = arith.constant 0 : index
    %get3A_2 = vector.load %arg1[%get3A, %get3A_0, %get3A_1] : memref<1x1x1000xi32, #tpu.memory_space<vmem>>, vector<1x1x1000xi32>
    %get3A_3 = vector.shape_cast %get3A_2 : vector<1x1x1000xi32> to vector<1000xi32>
    %broadcast_in_dim3A = vector.shape_cast %get3A_3 : vector<1000xi32> to vector<1000x1xi32>
    %iota3A = tpu.iota {dimensions = array<i32: 1>} : vector<1000x100xi32>
    %eq3A = vector.broadcast %broadcast_in_dim3A : vector<1000x1xi32> to vector<1000x100xi32>
    %eq3A_4 = arith.cmpi eq, %eq3A, %iota3A : vector<1000x100xi32>
    %convert_element_type3A = arith.extui %eq3A_4 : vector<1000x100xi1> to vector<1000x100xi32>
    %convert_element_type3A_5 = arith.sitofp %convert_element_type3A : vector<1000x100xi32> to vector<1000x100xf32>
    %get3A_6 = arith.constant 0 : index
    %get3A_7 = arith.constant 0 : index
    %get3A_8 = vector.load %arg2[%get3A_6, %get3A_7] : memref<100x128xf32, #tpu.memory_space<vmem>>, vector<100x128xf32>
    %dot_general3A = arith.constant dense<0.000000e+00> : vector<1000x128xf32>
    %dot_general3A_9 = tpu.matmul %convert_element_type3A_5, %get3A_8, %dot_general3A {dimension_numbers = #tpu.dot_dimension_numbers<[1], [0], [0], [1], [0, 0, 1, 1], [], []>, transpose_lhs_hint = false} : vector<1000x100xf32>, vector<100x128xf32>, vector<1000x128xf32> -> vector<1000x128xf32>
    %swap3A = arith.constant 0 : index
    %swap3A_10 = arith.constant 0 : index
    %swap3A_11 = vector.load %arg4[%swap3A, %swap3A_10] : memref<1000x128xf32, #tpu.memory_space<vmem>>, vector<1000x128xf32>
    tpu.vector_store %arg4[%swap3A, %swap3A_10], %dot_general3A_9 {strides = array<i32>} : memref<1000x128xf32, #tpu.memory_space<vmem>>, vector<1000x128xf32>,
    %get3A_12 = arith.constant 0 : index
    %get3A_13 = arith.constant 0 : index
    %get3A_14 = vector.load %arg3[%get3A_12, %get3A_13] : memref<128x128xf32, #tpu.memory_space<vmem>>, vector<128x128xf32>
    %dot_general3A_15 = arith.constant dense<0.000000e+00> : vector<1000x128xf32>
    %dot_general3A_16 = tpu.matmul %dot_general3A_9, %get3A_14, %dot_general3A_15 {dimension_numbers = #tpu.dot_dimension_numbers<[1], [0], [0], [1], [0, 0, 1, 1], [], []>, transpose_lhs_hint = false} : vector<1000x128xf32>, vector<128x128xf32>, vector<1000x128xf32> -> vector<1000x128xf32>
    %swap3A_17 = arith.constant 0 : index
    %swap3A_18 = arith.constant 0 : index
    %swap3A_19 = vector.load %arg5[%swap3A_17, %swap3A_18] : memref<1000x128xf32, #tpu.memory_space<vmem>>, vector<1000x128xf32>
    tpu.vector_store %arg5[%swap3A_17, %swap3A_18], %dot_general3A_16 {strides = array<i32>} : memref<1000x128xf32, #tpu.memory_space<vmem>>, vector<1000x128xf32>,
    return
  }
  func.func @transform_0(%arg0: i32) -> (i32, i32, i32) {
    %c0_i32 = arith.constant 0 : i32
    %c0_i32_0 = arith.constant 0 : i32
    %c0_i32_1 = arith.constant 0 : i32
    return %arg0, %c0_i32, %c0_i32_0 : i32, i32, i32
  }
  func.func @transform_1(%arg0: i32) -> (i32, i32) {
    %c0_i32 = arith.constant 0 : i32
    %c0_i32_0 = arith.constant 0 : i32
    %c0_i32_1 = arith.constant 0 : i32
    return %c0_i32, %c0_i32_0 : i32, i32
  }
  func.func @transform_2(%arg0: i32) -> (i32, i32) {
    %c0_i32 = arith.constant 0 : i32
    %c0_i32_0 = arith.constant 0 : i32
    %c0_i32_1 = arith.constant 0 : i32
    return %c0_i32, %c0_i32_0 : i32, i32
  }
  func.func @transform_3(%arg0: i32) -> (i32, i32) {
    %c0_i32 = arith.constant 0 : i32
    %c0_i32_0 = arith.constant 0 : i32
    return %arg0, %c0_i32 : i32, i32
  }
  func.func @transform_4(%arg0: i32) -> (i32, i32) {
    %c0_i32 = arith.constant 0 : i32
    %c0_i32_0 = arith.constant 0 : i32
    return %arg0, %c0_i32 : i32, i32
  }
}

module attributes {stable_mosaic.version = 14 : i64} {
  func.func @_tc_filter_body(%arg0: i32, %arg1: memref<1x1x2000xf32, #tpu.memory_space<vmem>>, %arg2: memref<1x2000x4xf32, #tpu.memory_space<vmem>>, %arg3: memref<4x128xf32, #tpu.memory_space<vmem>>, %arg4: memref<46x128xf32, #tpu.memory_space<vmem>>, %arg5: memref<1x128xf32, #tpu.memory_space<vmem>>, %arg6: memref<128x128xf32, #tpu.memory_space<vmem>>, %arg7: memref<1x128xf32, #tpu.memory_space<vmem>>, %arg8: memref<2000x128xf32, #tpu.memory_space<vmem>>) attributes {dimension_semantics = [#tpu.dimension_semantics<arbitrary>], iteration_bounds = array<i64: 160>, scalar_prefetch = 0 : i64, scratch_operands = 0 : i64, tpu.core_type = #tpu.core_type<tc>, window_params = [{transform_indices = @transform_0, window_bounds = array<i64: 1, 1, 2000>}, {transform_indices = @transform_1, window_bounds = array<i64: 1, 2000, 4>}, {pipeline_mode = #tpu.pipeline_mode<synchronous>, transform_indices = @transform_2, window_bounds = array<i64: 4, 128>}, {pipeline_mode = #tpu.pipeline_mode<synchronous>, transform_indices = @transform_3, window_bounds = array<i64: 46, 128>}, {pipeline_mode = #tpu.pipeline_mode<synchronous>, transform_indices = @transform_4, window_bounds = array<i64: 1, 128>}, {pipeline_mode = #tpu.pipeline_mode<synchronous>, transform_indices = @transform_5, window_bounds = array<i64: 128, 128>}, {pipeline_mode = #tpu.pipeline_mode<synchronous>, transform_indices = @transform_6, window_bounds = array<i64: 1, 128>}, {transform_indices = @transform_7, window_bounds = array<i64: 2000, 128>}]} {
    %get3A = arith.constant 0 : index
    %get3A_0 = arith.constant 0 : index
    %get3A_1 = arith.constant 0 : index
    %get3A_2 = vector.load %arg1[%get3A, %get3A_0, %get3A_1] : memref<1x1x2000xf32, #tpu.memory_space<vmem>>, vector<1x1x2000xf32>
    %get3A_3 = vector.shape_cast %get3A_2 : vector<1x1x2000xf32> to vector<2000xf32>
    %add3A = arith.constant 9.99999996E-13 : f32
    %add3A_4 = vector.broadcast %add3A : f32 to vector<2000xf32>
    %add3A_5 = arith.addf %get3A_3, %add3A_4 : vector<2000xf32>
    %sqrt3A = math.sqrt %add3A_5 : vector<2000xf32>
    %iota3A = tpu.iota {dimensions = array<i32: 1>} : vector<2000x46xi32>
    %convert_element_type3A = arith.sitofp %iota3A : vector<2000x46xi32> to vector<2000x46xf32>
    %mul3A = arith.constant 0.222222224 : f32
    %mul3A_6 = vector.broadcast %mul3A : f32 to vector<2000x46xf32>
    %mul3A_7 = arith.mulf %convert_element_type3A, %mul3A_6 : vector<2000x46xf32>
    %broadcast_in_dim3A = vector.shape_cast %sqrt3A : vector<2000xf32> to vector<2000x1xf32>
    %sub3A = vector.broadcast %broadcast_in_dim3A : vector<2000x1xf32> to vector<2000x46xf32>
    %sub3A_8 = arith.subf %sub3A, %mul3A_7 : vector<2000x46xf32>
    %mul3A_9 = arith.constant -1.012500e+01 : f32
    %mul3A_10 = vector.broadcast %mul3A_9 : f32 to vector<2000x46xf32>
    %mul3A_11 = arith.mulf %mul3A_10, %sub3A_8 : vector<2000x46xf32>
    %mul3A_12 = arith.mulf %mul3A_11, %sub3A_8 : vector<2000x46xf32>
    %exp3A = math.exp %mul3A_12 : vector<2000x46xf32>
    %mul3A_13 = arith.constant 0.314159274 : f32
    %mul3A_14 = vector.broadcast %mul3A_13 : f32 to vector<2000xf32>
    %mul3A_15 = arith.mulf %sqrt3A, %mul3A_14 : vector<2000xf32>
    %cos3A = math.cos %mul3A_15 : vector<2000xf32>
    %add3A_16 = arith.constant 1.000000e+00 : f32
    %add3A_17 = vector.broadcast %add3A_16 : f32 to vector<2000xf32>
    %add3A_18 = arith.addf %cos3A, %add3A_17 : vector<2000xf32>
    %mul3A_19 = arith.constant 5.000000e-01 : f32
    %mul3A_20 = vector.broadcast %mul3A_19 : f32 to vector<2000xf32>
    %mul3A_21 = arith.mulf %mul3A_20, %add3A_18 : vector<2000xf32>
    %get3A_22 = arith.constant 0 : index
    %get3A_23 = arith.constant 0 : index
    %get3A_24 = arith.constant 0 : index
    %get3A_25 = vector.load %arg2[%get3A_22, %get3A_23, %get3A_24] : memref<1x2000x4xf32, #tpu.memory_space<vmem>>, vector<1x2000x4xf32>
    %get3A_26 = vector.shape_cast %get3A_25 : vector<1x2000x4xf32> to vector<2000x4xf32>
    %get3A_27 = arith.constant 0 : index
    %get3A_28 = arith.constant 0 : index
    %get3A_29 = vector.load %arg3[%get3A_27, %get3A_28] : memref<4x128xf32, #tpu.memory_space<vmem>>, vector<4x128xf32>
    %dot_general3A = arith.constant dense<0.000000e+00> : vector<2000x128xf32>
    %dot_general3A_30 = tpu.matmul %get3A_26, %get3A_29, %dot_general3A {dimension_numbers = #tpu.dot_dimension_numbers<[1], [0], [0], [1], [0, 0, 1, 1], [], []>, transpose_lhs_hint = false} : vector<2000x4xf32>, vector<4x128xf32>, vector<2000x128xf32> -> vector<2000x128xf32>
    %get3A_31 = arith.constant 0 : index
    %get3A_32 = arith.constant 0 : index
    %get3A_33 = vector.load %arg4[%get3A_31, %get3A_32] : memref<46x128xf32, #tpu.memory_space<vmem>>, vector<46x128xf32>
    %dot_general3A_34 = arith.constant dense<0.000000e+00> : vector<2000x128xf32>
    %dot_general3A_35 = tpu.matmul %exp3A, %get3A_33, %dot_general3A_34 {dimension_numbers = #tpu.dot_dimension_numbers<[1], [0], [0], [1], [0, 0, 1, 1], [], []>, transpose_lhs_hint = false} : vector<2000x46xf32>, vector<46x128xf32>, vector<2000x128xf32> -> vector<2000x128xf32>
    %add3A_36 = arith.addf %dot_general3A_30, %dot_general3A_35 : vector<2000x128xf32>
    %get3A_37 = arith.constant 0 : index
    %get3A_38 = arith.constant 0 : index
    %get3A_39 = vector.load %arg5[%get3A_37, %get3A_38] : memref<1x128xf32, #tpu.memory_space<vmem>>, vector<1x128xf32>
    %add3A_40 = vector.broadcast %get3A_39 : vector<1x128xf32> to vector<2000x128xf32>
    %add3A_41 = arith.addf %add3A_36, %add3A_40 : vector<2000x128xf32>
    %custom_jvp_call3A = arith.constant 0.000000e+00 : f32
    %max3A = vector.broadcast %custom_jvp_call3A : f32 to vector<2000x128xf32>
    %max3A_42 = arith.maximumf %add3A_41, %max3A : vector<2000x128xf32>
    %sub3A_43 = vector.broadcast %custom_jvp_call3A : f32 to vector<2000x128xf32>
    %sub3A_44 = arith.subf %add3A_41, %sub3A_43 : vector<2000x128xf32>
    %ne3A = arith.cmpf one, %sub3A_44, %sub3A_44 : vector<2000x128xf32>
    %add3A_45 = vector.broadcast %custom_jvp_call3A : f32 to vector<2000x128xf32>
    %add3A_46 = arith.addf %add3A_41, %add3A_45 : vector<2000x128xf32>
    %abs3A = math.absf %sub3A_44 : vector<2000x128xf32>
    %neg3A = arith.constant 0.000000e+00 : f32
    %neg3A_47 = vector.broadcast %neg3A : f32 to vector<2000x128xf32>
    %neg3A_48 = arith.subf %neg3A_47, %abs3A : vector<2000x128xf32>
    %exp3A_49 = math.exp %neg3A_48 : vector<2000x128xf32>
    %log1p3A = math.log1p %exp3A_49 : vector<2000x128xf32>
    %add3A_50 = arith.addf %max3A_42, %log1p3A : vector<2000x128xf32>
    %select_n3A = arith.select %ne3A, %add3A_46, %add3A_50 : vector<2000x128xi1>, vector<2000x128xf32>
    %log3A = arith.constant 2.000000e+00 : f32
    %log3A_51 = math.log %log3A : f32
    %sub3A_52 = vector.broadcast %log3A_51 : f32 to vector<2000x128xf32>
    %sub3A_53 = arith.subf %select_n3A, %sub3A_52 : vector<2000x128xf32>
    %get3A_54 = arith.constant 0 : index
    %get3A_55 = arith.constant 0 : index
    %get3A_56 = vector.load %arg6[%get3A_54, %get3A_55] : memref<128x128xf32, #tpu.memory_space<vmem>>, vector<128x128xf32>
    %dot_general3A_57 = arith.constant dense<0.000000e+00> : vector<2000x128xf32>
    %dot_general3A_58 = tpu.matmul %sub3A_53, %get3A_56, %dot_general3A_57 {dimension_numbers = #tpu.dot_dimension_numbers<[1], [0], [0], [1], [0, 0, 1, 1], [], []>, transpose_lhs_hint = false} : vector<2000x128xf32>, vector<128x128xf32>, vector<2000x128xf32> -> vector<2000x128xf32>
    %get3A_59 = arith.constant 0 : index
    %get3A_60 = arith.constant 0 : index
    %get3A_61 = vector.load %arg7[%get3A_59, %get3A_60] : memref<1x128xf32, #tpu.memory_space<vmem>>, vector<1x128xf32>
    %add3A_62 = vector.broadcast %get3A_61 : vector<1x128xf32> to vector<2000x128xf32>
    %add3A_63 = arith.addf %dot_general3A_58, %add3A_62 : vector<2000x128xf32>
    %broadcast_in_dim3A_64 = vector.shape_cast %mul3A_21 : vector<2000xf32> to vector<2000x1xf32>
    %mul3A_65 = vector.broadcast %broadcast_in_dim3A_64 : vector<2000x1xf32> to vector<2000x128xf32>
    %mul3A_66 = arith.mulf %add3A_63, %mul3A_65 : vector<2000x128xf32>
    %swap3A = arith.constant 0 : index
    %swap3A_67 = arith.constant 0 : index
    %swap3A_68 = vector.load %arg8[%swap3A, %swap3A_67] : memref<2000x128xf32, #tpu.memory_space<vmem>>, vector<2000x128xf32>
    tpu.vector_store %arg8[%swap3A, %swap3A_67], %mul3A_66 {strides = array<i32>} : memref<2000x128xf32, #tpu.memory_space<vmem>>, vector<2000x128xf32>,
    return
  }
  func.func @transform_0(%arg0: i32) -> (i32, i32, i32) {
    %c0_i32 = arith.constant 0 : i32
    %c0_i32_0 = arith.constant 0 : i32
    %c0_i32_1 = arith.constant 0 : i32
    return %arg0, %c0_i32, %c0_i32_0 : i32, i32, i32
  }
  func.func @transform_1(%arg0: i32) -> (i32, i32, i32) {
    %c0_i32 = arith.constant 0 : i32
    %c0_i32_0 = arith.constant 0 : i32
    %c0_i32_1 = arith.constant 0 : i32
    return %arg0, %c0_i32, %c0_i32_0 : i32, i32, i32
  }
  func.func @transform_2(%arg0: i32) -> (i32, i32) {
    %c0_i32 = arith.constant 0 : i32
    %c0_i32_0 = arith.constant 0 : i32
    %c0_i32_1 = arith.constant 0 : i32
    return %c0_i32, %c0_i32_0 : i32, i32
  }
  func.func @transform_3(%arg0: i32) -> (i32, i32) {
    %c0_i32 = arith.constant 0 : i32
    %c0_i32_0 = arith.constant 0 : i32
    %c0_i32_1 = arith.constant 0 : i32
    return %c0_i32, %c0_i32_0 : i32, i32
  }
  func.func @transform_4(%arg0: i32) -> (i32, i32) {
    %c0_i32 = arith.constant 0 : i32
    %c0_i32_0 = arith.constant 0 : i32
    %c0_i32_1 = arith.constant 0 : i32
    return %c0_i32, %c0_i32_0 : i32, i32
  }
  func.func @transform_5(%arg0: i32) -> (i32, i32) {
    %c0_i32 = arith.constant 0 : i32
    %c0_i32_0 = arith.constant 0 : i32
    %c0_i32_1 = arith.constant 0 : i32
    return %c0_i32, %c0_i32_0 : i32, i32
  }
  func.func @transform_6(%arg0: i32) -> (i32, i32) {
    %c0_i32 = arith.constant 0 : i32
    %c0_i32_0 = arith.constant 0 : i32
    %c0_i32_1 = arith.constant 0 : i32
    return %c0_i32, %c0_i32_0 : i32, i32
  }
  func.func @transform_7(%arg0: i32) -> (i32, i32) {
    %c0_i32 = arith.constant 0 : i32
    %c0_i32_0 = arith.constant 0 : i32
    return %arg0, %c0_i32 : i32, i32
  }
}

module attributes {stable_mosaic.version = 14 : i64} {
  func.func @_tc_update_body(%arg0: i32, %arg1: memref<2x1000x128xf32, #tpu.memory_space<vmem>>, %arg2: memref<1000x128xf32, #tpu.memory_space<vmem>>, %arg3: memref<128x128xf32, #tpu.memory_space<vmem>>, %arg4: memref<1x128xf32, #tpu.memory_space<vmem>>, %arg5: memref<128x128xf32, #tpu.memory_space<vmem>>, %arg6: memref<1000x128xf32, #tpu.memory_space<vmem>>, %arg7: memref<1000x128xf32, #tpu.memory_space<vmem>>) attributes {dimension_semantics = [#tpu.dimension_semantics<arbitrary>], iteration_bounds = array<i64: 10>, scalar_prefetch = 0 : i64, scratch_operands = 0 : i64, tpu.core_type = #tpu.core_type<tc>, window_params = [{transform_indices = @transform_0, window_bounds = array<i64: 2, 1000, 128>}, {transform_indices = @transform_1, window_bounds = array<i64: 1000, 128>}, {pipeline_mode = #tpu.pipeline_mode<synchronous>, transform_indices = @transform_2, window_bounds = array<i64: 128, 128>}, {pipeline_mode = #tpu.pipeline_mode<synchronous>, transform_indices = @transform_3, window_bounds = array<i64: 1, 128>}, {pipeline_mode = #tpu.pipeline_mode<synchronous>, transform_indices = @transform_4, window_bounds = array<i64: 128, 128>}, {transform_indices = @transform_5, window_bounds = array<i64: 1000, 128>}, {transform_indices = @transform_6, window_bounds = array<i64: 1000, 128>}]} {
    %get3A = arith.constant 0 : index
    %get3A_0 = arith.constant 0 : index
    %get3A_1 = arith.constant 0 : index
    %get3A_2 = vector.load %arg1[%get3A, %get3A_0, %get3A_1] : memref<2x1000x128xf32, #tpu.memory_space<vmem>>, vector<1x1000x128xf32>
    %get3A_3 = vector.shape_cast %get3A_2 : vector<1x1000x128xf32> to vector<1000x128xf32>
    %get3A_4 = arith.constant 1 : index
    %get3A_5 = arith.constant 0 : index
    %get3A_6 = arith.constant 0 : index
    %get3A_7 = vector.load %arg1[%get3A_4, %get3A_5, %get3A_6] : memref<2x1000x128xf32, #tpu.memory_space<vmem>>, vector<1x1000x128xf32>
    %get3A_8 = vector.shape_cast %get3A_7 : vector<1x1000x128xf32> to vector<1000x128xf32>
    %add3A = arith.addf %get3A_3, %get3A_8 : vector<1000x128xf32>
    %get3A_9 = arith.constant 0 : index
    %get3A_10 = arith.constant 0 : index
    %get3A_11 = vector.load %arg2[%get3A_9, %get3A_10] : memref<1000x128xf32, #tpu.memory_space<vmem>>, vector<1000x128xf32>
    %custom_jvp_call3A = arith.constant 0.000000e+00 : f32
    %max3A = vector.broadcast %custom_jvp_call3A : f32 to vector<1000x128xf32>
    %max3A_12 = arith.maximumf %add3A, %max3A : vector<1000x128xf32>
    %sub3A = vector.broadcast %custom_jvp_call3A : f32 to vector<1000x128xf32>
    %sub3A_13 = arith.subf %add3A, %sub3A : vector<1000x128xf32>
    %ne3A = arith.cmpf one, %sub3A_13, %sub3A_13 : vector<1000x128xf32>
    %add3A_14 = vector.broadcast %custom_jvp_call3A : f32 to vector<1000x128xf32>
    %add3A_15 = arith.addf %add3A, %add3A_14 : vector<1000x128xf32>
    %abs3A = math.absf %sub3A_13 : vector<1000x128xf32>
    %neg3A = arith.constant 0.000000e+00 : f32
    %neg3A_16 = vector.broadcast %neg3A : f32 to vector<1000x128xf32>
    %neg3A_17 = arith.subf %neg3A_16, %abs3A : vector<1000x128xf32>
    %exp3A = math.exp %neg3A_17 : vector<1000x128xf32>
    %log1p3A = math.log1p %exp3A : vector<1000x128xf32>
    %add3A_18 = arith.addf %max3A_12, %log1p3A : vector<1000x128xf32>
    %select_n3A = arith.select %ne3A, %add3A_15, %add3A_18 : vector<1000x128xi1>, vector<1000x128xf32>
    %log3A = arith.constant 2.000000e+00 : f32
    %log3A_19 = math.log %log3A : f32
    %sub3A_20 = vector.broadcast %log3A_19 : f32 to vector<1000x128xf32>
    %sub3A_21 = arith.subf %select_n3A, %sub3A_20 : vector<1000x128xf32>
    %get3A_22 = arith.constant 0 : index
    %get3A_23 = arith.constant 0 : index
    %get3A_24 = vector.load %arg3[%get3A_22, %get3A_23] : memref<128x128xf32, #tpu.memory_space<vmem>>, vector<128x128xf32>
    %dot_general3A = arith.constant dense<0.000000e+00> : vector<1000x128xf32>
    %dot_general3A_25 = tpu.matmul %sub3A_21, %get3A_24, %dot_general3A {dimension_numbers = #tpu.dot_dimension_numbers<[1], [0], [0], [1], [0, 0, 1, 1], [], []>, transpose_lhs_hint = false} : vector<1000x128xf32>, vector<128x128xf32>, vector<1000x128xf32> -> vector<1000x128xf32>
    %add3A_26 = arith.addf %get3A_11, %dot_general3A_25 : vector<1000x128xf32>
    %get3A_27 = arith.constant 0 : index
    %get3A_28 = arith.constant 0 : index
    %get3A_29 = vector.load %arg4[%get3A_27, %get3A_28] : memref<1x128xf32, #tpu.memory_space<vmem>>, vector<1x128xf32>
    %add3A_30 = vector.broadcast %get3A_29 : vector<1x128xf32> to vector<1000x128xf32>
    %add3A_31 = arith.addf %add3A_26, %add3A_30 : vector<1000x128xf32>
    %swap3A = arith.constant 0 : index
    %swap3A_32 = arith.constant 0 : index
    %swap3A_33 = vector.load %arg6[%swap3A, %swap3A_32] : memref<1000x128xf32, #tpu.memory_space<vmem>>, vector<1000x128xf32>
    tpu.vector_store %arg6[%swap3A, %swap3A_32], %add3A_31 {strides = array<i32>} : memref<1000x128xf32, #tpu.memory_space<vmem>>, vector<1000x128xf32>,
    %get3A_34 = arith.constant 0 : index
    %get3A_35 = arith.constant 0 : index
    %get3A_36 = vector.load %arg5[%get3A_34, %get3A_35] : memref<128x128xf32, #tpu.memory_space<vmem>>, vector<128x128xf32>
    %dot_general3A_37 = arith.constant dense<0.000000e+00> : vector<1000x128xf32>
    %dot_general3A_38 = tpu.matmul %add3A_31, %get3A_36, %dot_general3A_37 {dimension_numbers = #tpu.dot_dimension_numbers<[1], [0], [0], [1], [0, 0, 1, 1], [], []>, transpose_lhs_hint = false} : vector<1000x128xf32>, vector<128x128xf32>, vector<1000x128xf32> -> vector<1000x128xf32>
    %swap3A_39 = arith.constant 0 : index
    %swap3A_40 = arith.constant 0 : index
    %swap3A_41 = vector.load %arg7[%swap3A_39, %swap3A_40] : memref<1000x128xf32, #tpu.memory_space<vmem>>, vector<1000x128xf32>
    tpu.vector_store %arg7[%swap3A_39, %swap3A_40], %dot_general3A_38 {strides = array<i32>} : memref<1000x128xf32, #tpu.memory_space<vmem>>, vector<1000x128xf32>,
    return
  }
  func.func @transform_0(%arg0: i32) -> (i32, i32, i32) {
    %c0_i32 = arith.constant 0 : i32
    %c0_i32_0 = arith.constant 0 : i32
    %c0_i32_1 = arith.constant 0 : i32
    return %c0_i32, %arg0, %c0_i32_0 : i32, i32, i32
  }
  func.func @transform_1(%arg0: i32) -> (i32, i32) {
    %c0_i32 = arith.constant 0 : i32
    %c0_i32_0 = arith.constant 0 : i32
    return %arg0, %c0_i32 : i32, i32
  }
  func.func @transform_2(%arg0: i32) -> (i32, i32) {
    %c0_i32 = arith.constant 0 : i32
    %c0_i32_0 = arith.constant 0 : i32
    %c0_i32_1 = arith.constant 0 : i32
    return %c0_i32, %c0_i32_0 : i32, i32
  }
  func.func @transform_3(%arg0: i32) -> (i32, i32) {
    %c0_i32 = arith.constant 0 : i32
    %c0_i32_0 = arith.constant 0 : i32
    %c0_i32_1 = arith.constant 0 : i32
    return %c0_i32, %c0_i32_0 : i32, i32
  }
  func.func @transform_4(%arg0: i32) -> (i32, i32) {
    %c0_i32 = arith.constant 0 : i32
    %c0_i32_0 = arith.constant 0 : i32
    %c0_i32_1 = arith.constant 0 : i32
    return %c0_i32, %c0_i32_0 : i32, i32
  }
  func.func @transform_5(%arg0: i32) -> (i32, i32) {
    %c0_i32 = arith.constant 0 : i32
    %c0_i32_0 = arith.constant 0 : i32
    return %arg0, %c0_i32 : i32, i32
  }
  func.func @transform_6(%arg0: i32) -> (i32, i32) {
    %c0_i32 = arith.constant 0 : i32
    %c0_i32_0 = arith.constant 0 : i32
    return %arg0, %c0_i32 : i32, i32
  }
}

module attributes {stable_mosaic.version = 14 : i64} {
  func.func @_tc_final_body(%arg0: i32, %arg1: memref<2x1000x128xf32, #tpu.memory_space<vmem>>, %arg2: memref<1000x128xf32, #tpu.memory_space<vmem>>, %arg3: memref<128x128xf32, #tpu.memory_space<vmem>>, %arg4: memref<1x128xf32, #tpu.memory_space<vmem>>, %arg5: memref<128x64xf32, #tpu.memory_space<vmem>>, %arg6: memref<1x64xf32, #tpu.memory_space<vmem>>, %arg7: memref<64x128xf32, #tpu.memory_space<vmem>>, %arg8: memref<1x1xf32, #tpu.memory_space<vmem>>, %arg9: memref<1x1x1000xi32, #tpu.memory_space<vmem>>, %arg10: memref<32x128xf32, #tpu.memory_space<vmem>>) attributes {dimension_semantics = [#tpu.dimension_semantics<arbitrary>], iteration_bounds = array<i64: 10>, scalar_prefetch = 0 : i64, scratch_operands = 0 : i64, tpu.core_type = #tpu.core_type<tc>, window_params = [{transform_indices = @transform_0, window_bounds = array<i64: 2, 1000, 128>}, {transform_indices = @transform_1, window_bounds = array<i64: 1000, 128>}, {pipeline_mode = #tpu.pipeline_mode<synchronous>, transform_indices = @transform_2, window_bounds = array<i64: 128, 128>}, {pipeline_mode = #tpu.pipeline_mode<synchronous>, transform_indices = @transform_3, window_bounds = array<i64: 1, 128>}, {pipeline_mode = #tpu.pipeline_mode<synchronous>, transform_indices = @transform_4, window_bounds = array<i64: 128, 64>}, {pipeline_mode = #tpu.pipeline_mode<synchronous>, transform_indices = @transform_5, window_bounds = array<i64: 1, 64>}, {pipeline_mode = #tpu.pipeline_mode<synchronous>, transform_indices = @transform_6, window_bounds = array<i64: 64, 128>}, {pipeline_mode = #tpu.pipeline_mode<synchronous>, transform_indices = @transform_7, window_bounds = array<i64: 1, 1>}, {transform_indices = @transform_8, window_bounds = array<i64: 1, 1, 1000>}, {pipeline_mode = #tpu.pipeline_mode<synchronous>, transform_indices = @transform_9, window_bounds = array<i64: 32, 128>}]} {
    %get3A = arith.constant 0 : index
    %get3A_0 = arith.constant 0 : index
    %get3A_1 = arith.constant 0 : index
    %get3A_2 = vector.load %arg1[%get3A, %get3A_0, %get3A_1] : memref<2x1000x128xf32, #tpu.memory_space<vmem>>, vector<1x1000x128xf32>
    %get3A_3 = vector.shape_cast %get3A_2 : vector<1x1000x128xf32> to vector<1000x128xf32>
    %get3A_4 = arith.constant 1 : index
    %get3A_5 = arith.constant 0 : index
    %get3A_6 = arith.constant 0 : index
    %get3A_7 = vector.load %arg1[%get3A_4, %get3A_5, %get3A_6] : memref<2x1000x128xf32, #tpu.memory_space<vmem>>, vector<1x1000x128xf32>
    %get3A_8 = vector.shape_cast %get3A_7 : vector<1x1000x128xf32> to vector<1000x128xf32>
    %add3A = arith.addf %get3A_3, %get3A_8 : vector<1000x128xf32>
    %get3A_9 = arith.constant 0 : index
    %get3A_10 = arith.constant 0 : index
    %get3A_11 = vector.load %arg2[%get3A_9, %get3A_10] : memref<1000x128xf32, #tpu.memory_space<vmem>>, vector<1000x128xf32>
    %custom_jvp_call3A = arith.constant 0.000000e+00 : f32
    %max3A = vector.broadcast %custom_jvp_call3A : f32 to vector<1000x128xf32>
    %max3A_12 = arith.maximumf %add3A, %max3A : vector<1000x128xf32>
    %sub3A = vector.broadcast %custom_jvp_call3A : f32 to vector<1000x128xf32>
    %sub3A_13 = arith.subf %add3A, %sub3A : vector<1000x128xf32>
    %ne3A = arith.cmpf one, %sub3A_13, %sub3A_13 : vector<1000x128xf32>
    %add3A_14 = vector.broadcast %custom_jvp_call3A : f32 to vector<1000x128xf32>
    %add3A_15 = arith.addf %add3A, %add3A_14 : vector<1000x128xf32>
    %abs3A = math.absf %sub3A_13 : vector<1000x128xf32>
    %neg3A = arith.constant 0.000000e+00 : f32
    %neg3A_16 = vector.broadcast %neg3A : f32 to vector<1000x128xf32>
    %neg3A_17 = arith.subf %neg3A_16, %abs3A : vector<1000x128xf32>
    %exp3A = math.exp %neg3A_17 : vector<1000x128xf32>
    %log1p3A = math.log1p %exp3A : vector<1000x128xf32>
    %add3A_18 = arith.addf %max3A_12, %log1p3A : vector<1000x128xf32>
    %select_n3A = arith.select %ne3A, %add3A_15, %add3A_18 : vector<1000x128xi1>, vector<1000x128xf32>
    %log3A = arith.constant 2.000000e+00 : f32
    %log3A_19 = math.log %log3A : f32
    %sub3A_20 = vector.broadcast %log3A_19 : f32 to vector<1000x128xf32>
    %sub3A_21 = arith.subf %select_n3A, %sub3A_20 : vector<1000x128xf32>
    %get3A_22 = arith.constant 0 : index
    %get3A_23 = arith.constant 0 : index
    %get3A_24 = vector.load %arg3[%get3A_22, %get3A_23] : memref<128x128xf32, #tpu.memory_space<vmem>>, vector<128x128xf32>
    %dot_general3A = arith.constant dense<0.000000e+00> : vector<1000x128xf32>
    %dot_general3A_25 = tpu.matmul %sub3A_21, %get3A_24, %dot_general3A {dimension_numbers = #tpu.dot_dimension_numbers<[1], [0], [0], [1], [0, 0, 1, 1], [], []>, transpose_lhs_hint = false} : vector<1000x128xf32>, vector<128x128xf32>, vector<1000x128xf32> -> vector<1000x128xf32>
    %add3A_26 = arith.addf %get3A_11, %dot_general3A_25 : vector<1000x128xf32>
    %get3A_27 = arith.constant 0 : index
    %get3A_28 = arith.constant 0 : index
    %get3A_29 = vector.load %arg4[%get3A_27, %get3A_28] : memref<1x128xf32, #tpu.memory_space<vmem>>, vector<1x128xf32>
    %add3A_30 = vector.broadcast %get3A_29 : vector<1x128xf32> to vector<1000x128xf32>
    %add3A_31 = arith.addf %add3A_26, %add3A_30 : vector<1000x128xf32>
    %get3A_32 = arith.constant 0 : index
    %get3A_33 = arith.constant 0 : index
    %get3A_34 = vector.load %arg5[%get3A_32, %get3A_33] : memref<128x64xf32, #tpu.memory_space<vmem>>, vector<128x64xf32>
    %dot_general3A_35 = arith.constant dense<0.000000e+00> : vector<1000x64xf32>
    %dot_general3A_36 = tpu.matmul %add3A_31, %get3A_34, %dot_general3A_35 {dimension_numbers = #tpu.dot_dimension_numbers<[1], [0], [0], [1], [0, 0, 1, 1], [], []>, transpose_lhs_hint = false} : vector<1000x128xf32>, vector<128x64xf32>, vector<1000x64xf32> -> vector<1000x64xf32>
    %get3A_37 = arith.constant 0 : index
    %get3A_38 = arith.constant 0 : index
    %get3A_39 = vector.load %arg6[%get3A_37, %get3A_38] : memref<1x64xf32, #tpu.memory_space<vmem>>, vector<1x64xf32>
    %add3A_40 = vector.broadcast %get3A_39 : vector<1x64xf32> to vector<1000x64xf32>
    %add3A_41 = arith.addf %dot_general3A_36, %add3A_40 : vector<1000x64xf32>
    %custom_jvp_call3A_42 = arith.constant 0.000000e+00 : f32
    %max3A_43 = vector.broadcast %custom_jvp_call3A_42 : f32 to vector<1000x64xf32>
    %max3A_44 = arith.maximumf %add3A_41, %max3A_43 : vector<1000x64xf32>
    %sub3A_45 = vector.broadcast %custom_jvp_call3A_42 : f32 to vector<1000x64xf32>
    %sub3A_46 = arith.subf %add3A_41, %sub3A_45 : vector<1000x64xf32>
    %ne3A_47 = arith.cmpf one, %sub3A_46, %sub3A_46 : vector<1000x64xf32>
    %add3A_48 = vector.broadcast %custom_jvp_call3A_42 : f32 to vector<1000x64xf32>
    %add3A_49 = arith.addf %add3A_41, %add3A_48 : vector<1000x64xf32>
    %abs3A_50 = math.absf %sub3A_46 : vector<1000x64xf32>
    %neg3A_51 = arith.constant 0.000000e+00 : f32
    %neg3A_52 = vector.broadcast %neg3A_51 : f32 to vector<1000x64xf32>
    %neg3A_53 = arith.subf %neg3A_52, %abs3A_50 : vector<1000x64xf32>
    %exp3A_54 = math.exp %neg3A_53 : vector<1000x64xf32>
    %log1p3A_55 = math.log1p %exp3A_54 : vector<1000x64xf32>
    %add3A_56 = arith.addf %max3A_44, %log1p3A_55 : vector<1000x64xf32>
    %select_n3A_57 = arith.select %ne3A_47, %add3A_49, %add3A_56 : vector<1000x64xi1>, vector<1000x64xf32>
    %log3A_58 = arith.constant 2.000000e+00 : f32
    %log3A_59 = math.log %log3A_58 : f32
    %sub3A_60 = vector.broadcast %log3A_59 : f32 to vector<1000x64xf32>
    %sub3A_61 = arith.subf %select_n3A_57, %sub3A_60 : vector<1000x64xf32>
    %get3A_62 = arith.constant 0 : index
    %get3A_63 = arith.constant 0 : index
    %get3A_64 = vector.load %arg7[%get3A_62, %get3A_63] : memref<64x128xf32, #tpu.memory_space<vmem>>, vector<64x128xf32>
    %dot_general3A_65 = arith.constant dense<0.000000e+00> : vector<1000x128xf32>
    %dot_general3A_66 = tpu.matmul %sub3A_61, %get3A_64, %dot_general3A_65 {dimension_numbers = #tpu.dot_dimension_numbers<[1], [0], [0], [1], [0, 0, 1, 1], [], []>, transpose_lhs_hint = false} : vector<1000x64xf32>, vector<64x128xf32>, vector<1000x128xf32> -> vector<1000x128xf32>
    %get3A_67 = arith.constant 0 : index
    %get3A_68 = arith.constant 0 : index
    %get3A_69 = vector.load %arg8[%get3A_67, %get3A_68] : memref<1x1xf32, #tpu.memory_space<vmem>>, vector<1x1xf32>
    %add3A_70 = vector.broadcast %get3A_69 : vector<1x1xf32> to vector<1000x128xf32>
    %add3A_71 = arith.addf %dot_general3A_66, %add3A_70 : vector<1000x128xf32>
    %get3A_72 = arith.constant 0 : index
    %get3A_73 = arith.constant 0 : index
    %get3A_74 = arith.constant 0 : index
    %get3A_75 = vector.load %arg9[%get3A_72, %get3A_73, %get3A_74] : memref<1x1x1000xi32, #tpu.memory_space<vmem>>, vector<1x1x1000xi32>
    %get3A_76 = vector.shape_cast %get3A_75 : vector<1x1x1000xi32> to vector<1000xi32>
    %broadcast_in_dim3A = vector.shape_cast %get3A_76 : vector<1000xi32> to vector<1000x1xi32>
    %iota3A = tpu.iota {dimensions = array<i32: 1>} : vector<1000x32xi32>
    %eq3A = vector.broadcast %broadcast_in_dim3A : vector<1000x1xi32> to vector<1000x32xi32>
    %eq3A_77 = arith.cmpi eq, %eq3A, %iota3A : vector<1000x32xi32>
    %convert_element_type3A = arith.extui %eq3A_77 : vector<1000x32xi1> to vector<1000x32xi32>
    %convert_element_type3A_78 = arith.sitofp %convert_element_type3A : vector<1000x32xi32> to vector<1000x32xf32>
    %dot_general3A_79 = arith.constant dense<0.000000e+00> : vector<32x128xf32>
    %dot_general3A_80 = tpu.matmul %convert_element_type3A_78, %add3A_71, %dot_general3A_79 {dimension_numbers = #tpu.dot_dimension_numbers<[0], [0], [1], [1], [0, 1, 1, 1], [], []>, transpose_lhs_hint = false} : vector<1000x32xf32>, vector<1000x128xf32>, vector<32x128xf32> -> vector<32x128xf32>
    %eq3A_81 = arith.constant 0 : i32
    %eq3A_82 = arith.cmpi eq, %arg0, %eq3A_81 : i32
    %convert_element_type3A_83 = arith.extui %eq3A_82 : i1 to i32
    %cond3A = arith.constant 0 : i32
    %cond3A_84 = arith.cmpi ne, %convert_element_type3A_83, %cond3A : i32
    scf.if %cond3A_84 {
      %broadcast_in_dim3A_91 = arith.constant 0.000000e+00 : f32
      %broadcast_in_dim3A_92 = vector.broadcast %broadcast_in_dim3A_91 : f32 to vector<32x128xf32>
      %swap3A_93 = arith.constant 0 : index
      %swap3A_94 = arith.constant 0 : index
      %swap3A_95 = vector.load %arg10[%swap3A_93, %swap3A_94] : memref<32x128xf32, #tpu.memory_space<vmem>>, vector<32x128xf32>
      tpu.vector_store %arg10[%swap3A_93, %swap3A_94], %broadcast_in_dim3A_92 {strides = array<i32>} : memref<32x128xf32, #tpu.memory_space<vmem>>, vector<32x128xf32>,
    } else {
    }
    %get3A_85 = arith.constant 0 : index
    %get3A_86 = arith.constant 0 : index
    %get3A_87 = vector.load %arg10[%get3A_85, %get3A_86] : memref<32x128xf32, #tpu.memory_space<vmem>>, vector<32x128xf32>
    %add3A_88 = arith.addf %get3A_87, %dot_general3A_80 : vector<32x128xf32>
    %swap3A = arith.constant 0 : index
    %swap3A_89 = arith.constant 0 : index
    %swap3A_90 = vector.load %arg10[%swap3A, %swap3A_89] : memref<32x128xf32, #tpu.memory_space<vmem>>, vector<32x128xf32>
    tpu.vector_store %arg10[%swap3A, %swap3A_89], %add3A_88 {strides = array<i32>} : memref<32x128xf32, #tpu.memory_space<vmem>>, vector<32x128xf32>,
    return
  }
  func.func @transform_0(%arg0: i32) -> (i32, i32, i32) {
    %c0_i32 = arith.constant 0 : i32
    %c0_i32_0 = arith.constant 0 : i32
    %c0_i32_1 = arith.constant 0 : i32
    return %c0_i32, %arg0, %c0_i32_0 : i32, i32, i32
  }
  func.func @transform_1(%arg0: i32) -> (i32, i32) {
    %c0_i32 = arith.constant 0 : i32
    %c0_i32_0 = arith.constant 0 : i32
    return %arg0, %c0_i32 : i32, i32
  }
  func.func @transform_2(%arg0: i32) -> (i32, i32) {
    %c0_i32 = arith.constant 0 : i32
    %c0_i32_0 = arith.constant 0 : i32
    %c0_i32_1 = arith.constant 0 : i32
    return %c0_i32, %c0_i32_0 : i32, i32
  }
  func.func @transform_3(%arg0: i32) -> (i32, i32) {
    %c0_i32 = arith.constant 0 : i32
    %c0_i32_0 = arith.constant 0 : i32
    %c0_i32_1 = arith.constant 0 : i32
    return %c0_i32, %c0_i32_0 : i32, i32
  }
  func.func @transform_4(%arg0: i32) -> (i32, i32) {
    %c0_i32 = arith.constant 0 : i32
    %c0_i32_0 = arith.constant 0 : i32
    %c0_i32_1 = arith.constant 0 : i32
    return %c0_i32, %c0_i32_0 : i32, i32
  }
  func.func @transform_5(%arg0: i32) -> (i32, i32) {
    %c0_i32 = arith.constant 0 : i32
    %c0_i32_0 = arith.constant 0 : i32
    %c0_i32_1 = arith.constant 0 : i32
    return %c0_i32, %c0_i32_0 : i32, i32
  }
  func.func @transform_6(%arg0: i32) -> (i32, i32) {
    %c0_i32 = arith.constant 0 : i32
    %c0_i32_0 = arith.constant 0 : i32
    %c0_i32_1 = arith.constant 0 : i32
    return %c0_i32, %c0_i32_0 : i32, i32
  }
  func.func @transform_7(%arg0: i32) -> (i32, i32) {
    %c0_i32 = arith.constant 0 : i32
    %c0_i32_0 = arith.constant 0 : i32
    %c0_i32_1 = arith.constant 0 : i32
    return %c0_i32, %c0_i32_0 : i32, i32
  }
  func.func @transform_8(%arg0: i32) -> (i32, i32, i32) {
    %c0_i32 = arith.constant 0 : i32
    %c0_i32_0 = arith.constant 0 : i32
    %c0_i32_1 = arith.constant 0 : i32
    return %arg0, %c0_i32, %c0_i32_0 : i32, i32, i32
  }
  func.func @transform_9(%arg0: i32) -> (i32, i32) {
    %c0_i32 = arith.constant 0 : i32
    %c0_i32_0 = arith.constant 0 : i32
    %c0_i32_1 = arith.constant 0 : i32
    return %c0_i32, %c0_i32_0 : i32, i32
  }
}

</mosaic_0001>

<sc_bundles>
// kernel: kernel.13.cloned.1.call-start
scs
__scs_entry_jumppad:
0x0: {  	(pc) =	sbr.rel $0x88, $3  }
0x1: {  	(tag) =	ssettag $0x0;
	lr =	simm.s32 $0x1  }
0x2: {  	[smem:$0x3F90] =	sst lr;
	_ =	strace $0xD0000000  }
0x3: {  	_ = 	snop  }
0x4: {  	_ = 	snop  }
0x5: {  	_ = 	snop  }
0x6: {  	_ = 	snop  }
0x7: {  	_ = 	snop  }
__scs_overlays_trampoline_lowered:
0x8: {  	[smem:$0x3F9F] =	sst s0  }
0x9: {  	[smem:$0x3FA0] =	sst s1  }
0xa: {  	[smem:$0x3FA1] =	sst s2  }
0xb: {  	[smem:$0x3FA2] =	sst s3  }
0xc: {  	[smem:$0x3FA3] =	sst s4  }
0xd: {  	[smem:$0x3FA4] =	sst s5  }
0xe: {  	[smem:$0x3FA5] =	sst s6  }
0xf: {  	[smem:$0x3FA6] =	sst s7  }
0x10: {  	[smem:$0x3FA7] =	sst s8  }
0x11: {  	[smem:$0x3FA8] =	sst s9;
	s0 =	simm.s32 @!p0 $0x0  }
0x12: {  	s1 =	sld [smem:$0x3F8E];
	s0 =	simm.s32 @p0 $0x1  }
0x13: {  	[smem:$0x3FA9] =	sst s0;
	s0 =	simm.s32 @!p1 $0x0  }
0x14: {  	s2 =	sld [smem:$0x3F8D];
	s0 =	simm.s32 @p1 $0x1  }
0x15: {  	[smem:$0x3FAA] =	sst s0;
	s0 =	simm.s32 @!p2 $0x0  }
0x16: {  	s3 =	sld [smem:$0x3FDB];
	s0 =	simm.s32 @p2 $0x1  }
0x17: {  	s4 =	simm.s32 $0x1BF5;
	[smem:$0x3FAC] =	sst s0  }
0x18: {  	s0 =	sld [smem:$0x3F8F];
	_ =	swait.ge [sflag:s4], $0x0  }
0x19: {  	s7 =	sld [smem:$0x3F90]  }
0x1a: {  	s8 =	sadd.s32 $0xFFFFE003, lr  }
0x1b: {  	s9 =	sadd.s32 $0xFFFFFEF7, lr;
	s5 =	simm.s32 $0xFFFFFFFF;
	p2 =	slt.u32 s8, $0xFFFFF086  }
0x1c: {  	p1 =	slt.u32 s9, $0xF7A;
	s5 =	simm.s32 @!p2 $0x0  }
0x1d: {  	s5 =	simm.s32 @p1 $0x1;
	p0 =	seq.s32 s7, s2  }
0x1e: {  	s7 =	smul.u32 @!p0 $0xF7A, s2;
	p2 =	seq.s32 @!p0 s5, $0x0  }
0x1f: {  	s9 =	smul.u32 $0xF7A, s1;
	s8 =	simm.s32 @!p0 $0x1BF5;
	p2 =	por !p2, p0  }
0x20: {  	[sflag:s8] =	ssyncset.s32 @!p0 $0xFFFFF086;
	s6 =	sadd.s32 @!p0 s3, s7;
	s7 =	simm.s32 @!p0 $0x108  }
0x21: {  	s3 =	sadd.s32 s3, s9;
	s6 =	sadd.s32 @!p0 $0x88, s6;
	s7 =	simm.s32 @p2 $0x1082  }
0x22: {  	[simem:s7], [sflag:s8] =	dma.local @!p0 [hbm:s6], $0xF7A  }
0x23: {  	s9 =	sor.u32 $0xD0000000, s2;
	s6 =	simm.s32 $0x108;
	_ =	swait.ge @!p0 [sflag:s8], $0x0  }
0x24: {  	s3 =	sadd.s32 $0x88, s3;
	s6 =	simm.s32 @!p1 $0x1082;
	[sflag:s4] =	ssyncset.s32 $0xFFFFF086  }
0x25: {  	[simem:s6], [sflag:s4] =	dma.local [hbm:s3], $0xF7A  }
0x26: {  	[smem:$0x3F90] =	sst s1;
	(tag) =	ssettag s2;
	_ =	strace s9  }
0x27: {  	s1 =	sld [smem:$0x3FA0]  }
0x28: {  	s2 =	sld [smem:$0x3FA1]  }
0x29: {  	s4 =	sld [smem:$0x3FA3]  }
0x2a: {  	p0 =	seq.s32 s5, $0x0;
	s5 =	sld [smem:$0x3FA4]  }
0x2b: {  	s6 =	sld [smem:$0x3FA5]  }
0x2c: {  	s7 =	sld [smem:$0x3FA6]  }
0x2d: {  	s3 =	simm.s32 $0x108;
	s8 =	sld [smem:$0x3FA7]  }
0x2e: {  	s3 =	simm.s32 @!p0 $0x1082;
	s9 =	sld [smem:$0x3FA8]  }
0x2f: {  	lr =	sadd.s32 s0, s3;
	s0 =	sld [smem:$0x3F9F]  }
0x30: {  	s3 =	sld [smem:$0x3FA2]  }
0x31: {  	[smem:$0x3FAB] =	sst s10  }
0x32: {  	s10 =	sld [smem:$0x3FA9];
	_ =	sdelay $0x3  }
0x33: {  	p0 =	seq.s32 s10, $0x1;
	s10 =	sld [smem:$0x3FAB];
	_ =	sdelay $0x3  }
0x34: {  	[smem:$0x3FAB] =	sst s10  }
0x35: {  	s10 =	sld [smem:$0x3FAA];
	_ =	sdelay $0x3  }
0x36: {  	p1 =	seq.s32 s10, $0x1;
	s10 =	sld [smem:$0x3FAB];
	_ =	sdelay $0x3  }
0x37: {  	[smem:$0x3FAB] =	sst s10  }
0x38: {  	s10 =	sld [smem:$0x3FAC]  }
0x39: {  	_ = 	snop;
	(pc) =	sbr.ind lr, $3  }
0x3a: {  	_ = 	snop  }
0x3b: {  	_ = 	snop  }
0x3c: {  	p2 =	seq.s32 s10, $0x1;
	s10 =	sld [smem:$0x3FAB]  }
0x3d: {  	_ =	shalt  }
0x3e: {  	_ =	shalt  }
0x3f: {  	_ =	shalt  }
0x40: {  	_ =	shalt  }
0x41: {  	_ =	shalt  }
0x42: {  	_ =	shalt  }
0x43: {  	_ =	shalt  }
0x44: {  	_ =	shalt  }
0x45: {  	_ =	shalt  }
0x46: {  	_ =	shalt  }
0x47: {  	_ =	shalt  }
0x48: {  	_ =	shalt  }
0x49: {  	_ =	shalt  }
0x4a: {  	_ =	shalt  }
0x4b: {  	_ =	shalt  }
0x4c: {  	_ =	shalt  }
0x4d: {  	_ =	shalt  }
0x4e: {  	_ =	shalt  }
0x4f: {  	_ =	shalt  }
0x50: {  	_ =	shalt  }
0x51: {  	_ =	shalt  }
0x52: {  	_ =	shalt  }
0x53: {  	_ =	shalt  }
0x54: {  	_ =	shalt  }
0x55: {  	_ =	shalt  }
0x56: {  	_ =	shalt  }
0x57: {  	_ =	shalt  }
0x58: {  	_ =	shalt  }
0x59: {  	_ =	shalt  }
0x5a: {  	_ =	shalt  }
0x5b: {  	_ =	shalt  }
0x5c: {  	_ =	shalt  }
0x5d: {  	_ =	shalt  }
0x5e: {  	_ =	shalt  }
0x5f: {  	_ =	shalt  }
0x60: {  	_ =	shalt  }
0x61: {  	_ =	shalt  }
0x62: {  	_ =	shalt  }
0x63: {  	_ =	shalt  }
0x64: {  	_ =	shalt  }
0x65: {  	_ =	shalt  }
0x66: {  	_ =	shalt  }
0x67: {  	_ =	shalt  }
0x68: {  	_ =	shalt  }
0x69: {  	_ =	shalt  }
0x6a: {  	_ =	shalt  }
0x6b: {  	_ =	shalt  }
0x6c: {  	_ =	shalt  }
0x6d: {  	_ =	shalt  }
0x6e: {  	_ =	shalt  }
0x6f: {  	_ =	shalt  }
0x70: {  	_ =	shalt  }
0x71: {  	_ =	shalt  }
0x72: {  	_ =	shalt  }
0x73: {  	_ =	shalt  }
0x74: {  	_ =	shalt  }
0x75: {  	_ =	shalt  }
0x76: {  	_ =	shalt  }
0x77: {  	_ =	shalt  }
0x78: {  	_ =	shalt  }
0x79: {  	_ =	shalt  }
0x7a: {  	_ =	shalt  }
0x7b: {  	_ =	shalt  }
0x7c: {  	_ =	shalt  }
0x7d: {  	_ =	shalt  }
0x7e: {  	_ =	shalt  }
0x7f: {  	_ =	shalt  }
0x80: {  	_ =	shalt  }
0x81: {  	_ =	shalt  }
0x82: {  	_ =	shalt  }
0x83: {  	_ =	shalt  }
0x84: {  	_ =	shalt  }
0x85: {  	_ =	shalt  }
0x86: {  	_ =	shalt  }
0x87: {  	_ =	shalt  }
.Lfunc_end0:
.L_simem_size_0:
called_computation_lowered:
.L_overlay_start_0:
0x88: {  	s2 =	sld [smem:$0x3FD9]  }
0x89: {  	s3 =	sld [smem:$0x3FFE];
	_ =	sdelay $0x1  }
0x8a: {  	s1 =	srdreg.scid  }
0x8b: {  	s0 =	sand.u32 $0x1, s1  }
0x8c: {  	s16 =	sshll.u32 s0, $0xA;
	s2 =	sadd.s32 s3, s2  }
0x8d: {  	s2 =	sadd.s32 s2, s16  }
0x8e: {  	[smem:$0x3FB7] =	sst s2  }
0x8f: {  	_ = 	snop  }
0x90: {  	(tm) =	ssettm $0x1  }
0x91: {  	s17 =	sld [smem:$0x3FFB];
	_ =	sdelay $0x3  }
0x92: {  	_ =	strace s17  }
0x93: {  	s2 =	sld [smem:$0x3FFC];
	_ =	sdelay $0x3  }
0x94: {  	_ =	strace s2  }
0x95: {  	s2 =	sld [smem:$0x3FFD];
	_ =	sdelay $0x3  }
0x96: {  	_ =	strace s2  }
0x97: {  	_ =	strace $0x8FFFFFFF  }
0x98: {  	s18 =	sld [smem:$0x3FDB];
	_ =	sdelay $0x1  }
0x99: {  	s19 =	simm.s32 $_scs_section_size  }
0x9a: {  	s4 =	simm.s32 $_size__tile_overlayer_lowered;
	s5 =	simm.s32 $_tile_overlayer_lowered  }
0x9b: {  	s22 =	simm.s32 $0x1BFF;
	s21 =	sshll.u32 s5, $0x1;
	s2 =	sadd.s32 s19, s18  }
0x9c: {  	s6 =	simm.s32 $0x0;
	s20 =	sshll.u32 s4, $0x1;
	s4 =	sadd.s32 s21, s2  }
0x9d: {  	[timem:s6], [sflag:s22] =	dma.local [hbm:s4], s20  }
0x9e: {  	_ =	swait.ge [sflag:s22], s20  }
0x9f: {  	s3 =	ssub.s32 $0x0, s20;
	[sflag:s22] =	ssyncset.done $0x0  }
0xa0: {  	[sflag:s22] =	ssyncadd.s32 s3;
	_ =	sdelay $0x1  }
0xa1: {  	s23 =	simm.s32 $0x1B8B  }
0xa2: {  	_ =	swait.ge [sflag:s23], $0x1  }
0xa3: {  	[sflag:s23] =	ssyncset.done $0x0  }
0xa4: {  	s25 =	simm.s32 $0x1B8E;
	s24 =	sld [smem:$0x3FFE];
	[sflag:s23] =	ssyncadd.s32 $0xFFFFFFFF  }
0xa5: {  	s26 =	simm.s32 $execute0_lowered;
	[smem:$0x3FD2] =	sst s25  }
0xa6: {  	s4 =	sshll.u32 s26, $0x1;
	_ =	strace $0x80000046;
	[dreg:$0x1] =	wrdreg $0xFFFFFFFF  }
0xa7: {  	s28 =	simm.s32 $_size_execute0_lowered;
	s2 =	sadd.s32 s2, s4;
	[dreg:$0x0] =	wrdreg $0x0  }
0xa8: {  	s4 =	sshll.u32 s28, $0x1;
	[dreg:$0x2] =	wrdreg s2  }
0xa9: {  	[dreg:$0x3] =	wrdreg s4  }
0xaa: {  	[dreg:$0x4] =	wrdreg $0xC0  }
0xab: {  	_ =	task [dreg:s6], $0x5FFFF  }
0xac: {  	[dreg:$0x1] =	wrdreg $0xFFFFFFFF  }
0xad: {  	[dreg:$0x0] =	wrdreg $0x60  }
0xae: {  	[dreg:$0x2] =	wrdreg s24  }
0xaf: {  	[dreg:$0x3] =	wrdreg $0x9  }
0xb0: {  	_ =	task.clear_ibuf [dreg:s6], $0x4FFFF;
	_ =	strace $0x90000046  }
0xb1: {  	s29 =	simm.s32 $0x9;
	_ =	strace $0x80000048  }
0xb2: {  	_ =	swait.ge [sflag:s29], $0x1  }
0xb3: {  	[sflag:s29] =	ssyncadd.s32 $0xFFFFFFFF  }
0xb4: {  	_ =	strace $0x90000048  }
0xb5: {  	_ =	sfence  }
0xb6: {  	s30 =	sld [smem:$0x0];
	_ =	sdelay $0x2  }
0xb7: {  	s31 =	sshll.u32 s1, $0xD;
	s1 =	sshrl.u32 s1, $0x2  }
0xb8: {  	s3 =	sand.u32 $0x4000, s31;
	s1 =	sadd.s32 s1, s30  }
0xb9: {  	s0 =	sor.u32 s3, s0;
	s1 =	sshll.u32 s1, $0x11  }
0xba: {  	s0 =	sor.u32 s1, s0  }
0xbb: {  	s0 =	sadd.s32 $0x8F2B, s0  }
0xbc: {  	[sflag:s0] =	ssyncadd.remote.s32 $0x1  }
0xbd: {  	_ =	sfence.sel $0xFFFF  }
0xbe: {  	[dreg:$0x0] =	wrdreg $0xFFFFFFFF;
	(pc) =	sbr.abs _section_cstart, $3  }
0xbf: {  	[dreg:$0x1] =	wrdreg $0xFFFFFFFF  }
0xc0: {  	_ =	task.clear_ibuf [dreg:s6], $0x2FFFF;
	_ =	strace $0x9FFFFFFF  }
0xc1: {  	(tm) =	ssettm $0x7FFFFFFF  }
tec
execute0_lowered:
.L_overlay_start_1:
0x0: {  	(tag) =	ssettag $0x1  }
0x1: {  	s6 =	rddreg [dreg:$0x0]  }
0x2: {  	s0 =	rddreg [dreg:$0x1]  }
0x3: {  	s3 =	srdreg.scid;
	s1 =	stileid.u32;
	s2 =	simm.s32 $0x0  }
0x4: {  	s11 =	simm.s32 $0x2780;
	s12 =	simm.s32 $0x4F00;
	s13 =	simm.s32 $0x7680  }
0x5: {  	s14 =	simm.s32 $0x9E00;
	s5 =	sand.u32 $0x1, s3;
	s30 =	sshll.u32 s1, $0x1  }
0x6: {  	s15 =	simm.s32 $0xC580;
	s16 =	simm.s32 $0x0;
	s3 =	sor.u32 s5, s30  }
0x7: {  	[smem:$0x7FF] =	sst s2;
	s4 =	sadd.s32 $0x1AE00, s6;
	s7 =	smul.u32 $0x4E2, s3  }
0x8: {  	_ =	strace $0x80000047;
	s8 =	ssub.s32 $0x2, s5;
	s5 =	sadd.s32 $0x1A800, s6  }
0x9: {  	s3 =	sadd.s32 $0x1B400, s6;
	s31 =	sshrl.u32 s8, $0x1;
	s9 =	sadd.s32 s7, s6  }
0xa: {  	s10 =	ssub.s32 s8, s31;
	s6 =	sadd.s32 $0x6C00, s9;
	s7 =	sadd.s32 $0x10A00, s9  }
0xb: {  	s8 =	sadd.s32 $0x1BA00, s9;
	s9 =	smax.u32 s10, $0x1;
	s10 =	simm.s32 $0x1  }
.LBB2_1:
0xc: {  	[tilespmem:s2], [sflag:$0x1] =	stream.linear.gather [hbm4b:s3+s2], $0x2780, $0x38;
	[tilespmem:$0xED00] =	vst v63  }
0xd: {  	_ =	swait.ge [sflag:s10], $0x2780  }
0xe: {  	[sflag:s10] =	ssyncset.done $0x0  }
0xf: {  	[sflag:s10] =	ssyncadd.s32 $0xFFFFD880  }
0x10: {  	[tilespmem:s11], [sflag:$0x1] =	stream.linear.gather [hbm4b:s4+s2], $0x2780, $0x38;
	[tilespmem:$0xED00] =	vst v63  }
0x11: {  	_ =	swait.ge [sflag:s10], $0x2780  }
0x12: {  	[sflag:s10] =	ssyncset.done $0x0  }
0x13: {  	[sflag:s10] =	ssyncadd.s32 $0xFFFFD880  }
0x14: {  	[tilespmem:s12], [sflag:$0x1] =	stream.linear.gather [hbm4b:s5+s2], $0x2780, $0x38;
	[tilespmem:$0xED00] =	vst v63  }
0x15: {  	_ =	swait.ge [sflag:s10], $0x2780  }
0x16: {  	[sflag:s10] =	ssyncset.done $0x0  }
0x17: {  	[sflag:s10] =	ssyncadd.s32 $0xFFFFD880  }
0x18: {  	[tilespmem:s13], [sflag:$0x1] =	stream.linear.gather [hbm4b:s6+s2], $0x2710, $0x38;
	[tilespmem:$0xED00] =	vst v63  }
0x19: {  	_ =	swait.ge [sflag:s10], $0x2710  }
0x1a: {  	[sflag:s10] =	ssyncset.done $0x0  }
0x1b: {  	[sflag:s10] =	ssyncadd.s32 $0xFFFFD8F0  }
0x1c: {  	[tilespmem:s14], [sflag:$0x1] =	stream.linear.gather [hbm4b:s7+s2], $0x2710, $0x38;
	[tilespmem:$0xED00] =	vst v63  }
0x1d: {  	_ =	swait.ge [sflag:s10], $0x2710  }
0x1e: {  	[sflag:s10] =	ssyncset.done $0x0  }
0x1f: {  	s17 =	simm.s32 $0x0;
	[sflag:s10] =	ssyncadd.s32 $0xFFFFD8F0  }
0x20: {  	v0 =	vld [tilespmem:s17+$0x9E00]  }
0x21: {  	v1 =	vld [tilespmem:s17+$0x7680];
	_ =	sdelay $0x6  }
0x22: {  	v2 =	vld.idx.msk [tilespmem:v0+s2+$0x0], $0xffff  }
0x23: {  	v3 =	vld.idx.msk [tilespmem:v1+s2+$0x0], $0xffff  }
0x24: {  	v4 =	vld.idx.msk [tilespmem:v1+s11+$0x0], $0xffff  }
0x25: {  	v5 =	vld.idx.msk [tilespmem:v0+s11+$0x0], $0xffff  }
0x26: {  	v6 =	vld.idx.msk [tilespmem:v1+s12+$0x0], $0xffff  }
0x27: {  	v7 =	vld.idx.msk [tilespmem:v0+s12+$0x0], $0xffff;
	_ =	sdelay $0x2  }
0x28: {  	s18 =	simm.s32 $0x10;
	v3 =	vsub.f32 v3, v2;
	v4 =	vsub.f32 v4, v5  }
0x29: {  	v0 =	vld [tilespmem:s18+$0x9E00]  }
0x2a: {  	v1 =	vld [tilespmem:s18+$0x7680];
	v2 =	vsub.f32 v6, v7;
	v3 =	vmul.f32 v3, v3;
	v4 =	vmul.f32 v4, v4  }
0x2b: {  	s19 =	simm.s32 $0x80  }
.LBB2_2:
0x2c: {  	p0 =	sne.s32 s19, $0x9C00;
	v3 =	vadd.f32 v4, v3;
	v2 =	vmul.f32 v2, v2;
	_ =	sdelay $0x1  }
0x2d: {  	v2 =	vadd.f32 v2, v3;
	_ =	sdelay $0x1  }
0x2e: {  	[tilespmem:s17+$0xC580] =	vst v2;
	s17 =	smov.u32 s18  }
0x2f: {  	v2 =	vld.idx.msk [tilespmem:v0+s2+$0x0], $0xffff  }
0x30: {  	v3 =	vld.idx.msk [tilespmem:v1+s2+$0x0], $0xffff  }
0x31: {  	v4 =	vld.idx.msk [tilespmem:v1+s11+$0x0], $0xffff  }
0x32: {  	v5 =	vld.idx.msk [tilespmem:v0+s11+$0x0], $0xffff  }
0x33: {  	v6 =	vld.idx.msk [tilespmem:v1+s12+$0x0], $0xffff  }
0x34: {  	v7 =	vld.idx.msk [tilespmem:v0+s12+$0x0], $0xffff;
	_ =	sdelay $0x2  }
.Ltmp0:
0x35: {  	(pc) =	sbr.rel @p0 .LBB2_2-.Ltmp0, $4  }
0x36: {  	s18 =	sshra.s32 s19, $0x2;
	v3 =	vsub.f32 v3, v2;
	v4 =	vsub.f32 v4, v5  }
0x37: {  	v0 =	vld [tilespmem:s18+$0x9E00]  }
0x38: {  	v3 =	vmul.f32 v3, v3;
	v2 =	vsub.f32 v6, v7;
	v4 =	vmul.f32 v4, v4;
	v1 =	vld [tilespmem:s18+$0x7680]  }
0x39: {  	s19 =	sadd.s32 $0x40, s19  }
0x3a: {  	_ = 	snop  }
0x3b: {  	v3 =	vadd.f32 v4, v3;
	v2 =	vmul.f32 v2, v2;
	_ =	sdelay $0x1  }
0x3c: {  	v2 =	vadd.f32 v2, v3;
	_ =	sdelay $0x1  }
0x3d: {  	[tilespmem:s17+$0xC580] =	vst v2  }
0x3e: {  	v2 =	vld.idx.msk [tilespmem:v0+s2+$0x0], $0xffff  }
0x3f: {  	v57 =	vld.idx.msk [tilespmem:v1+s2+$0x0], $0xffff  }
0x40: {  	v58 =	vld.idx.msk [tilespmem:v1+s11+$0x0], $0xffff  }
0x41: {  	v5 =	vld.idx.msk [tilespmem:v0+s11+$0x0], $0xffff  }
0x42: {  	v59 =	vld.idx.msk [tilespmem:v1+s12+$0x0], $0xffff  }
0x43: {  	v60 =	vld.idx.msk [tilespmem:v0+s12+$0x0], $0xffff;
	_ =	sdelay $0x2  }
0x44: {  	v2 =	vsub.f32 v57, v2;
	v61 =	vsub.f32 v58, v5;
	_ =	sdelay $0x1  }
0x45: {  	v0 =	vsub.f32 v59, v60;
	v62 =	vmul.f32 v2, v2;
	v63 =	vmul.f32 v61, v61;
	_ =	sdelay $0x1  }
0x46: {  	v0 =	vmul.f32 v0, v0;
	v1 =	vadd.f32 v63, v62;
	_ =	sdelay $0x1  }
0x47: {  	s16 =	sadd.s32 $0x1, s16;
	v0 =	vadd.f32 v0, v1  }
0x48: {  	p0 =	sne.s32 s16, s9  }
.Ltmp1:
0x49: {  	[tilespmem:s18+$0xC580] =	vst v0;
	(pc) =	sbr.rel @p0 .LBB2_1-.Ltmp1, $4  }
0x4a: {  	[hbm4b:s8+s2] =	stream.linear.scatter [tilespmem:s15], [sflag:$0x1], $0x2710, $0x38;
	[tilespmem:$0xED00] =	vst v63  }
0x4b: {  	_ =	swait.ge [sflag:s10], $0x2710  }
0x4c: {  	[sflag:s10] =	ssyncset.done $0x0  }
0x4d: {  	[sflag:s10] =	ssyncadd.s32 $0xFFFFD8F0  }
0x4e: {  	_ =	sfence.sel $0x180000  }
0x4f: {  	[bflag:$0x0] =	sbarrier.arrive $0xFFFF  }
0x50: {  	p0 =	sne.s32 s1, $0x0;
	_ =	strace $0x90000047  }
0x51: {  	s0 =	sadd.s32 @!p0 $0x100000, s0;
	[bflag:$0x2] =	sbarrier.arrive $0xFFFF  }
0x52: {  	[sflag:s0] =	ssyncadd.tile.s32 @!p0 $0x1;
	_ =	shalt  }
.Lfunc_end2:
_tile_overlayer_lowered:
.L_overlay_start_2:
0x53: {  	(tag) =	ssettag $0x2  }
0x54: {  	s0 =	rddreg [dreg:$0x0];
	s2 =	stileid.u32  }
0x55: {  	s1 =	rddreg [dreg:$0x1];
	p0 =	sne.s32 s2, $0x0  }
0x56: {  	s3 =	rddreg [dreg:$0x2];
	[bflag:$0x3] =	sbarrier.arrive $0xFFFF;
	s2 =	simm.s32 @!p0 $0x1C01  }
0x57: {  	[timem:s3], [sflag:s2] =	dma.local @!p0 [hbm:s0], s1  }
0x58: {  	s0 =	simm.s32 @!p0 $0x1  }
0x59: {  	_ =	swait.ge @!p0 [sflag:s0], s1  }
0x5a: {  	s1 =	ssub.s32 @!p0 $0x0, s1;
	[sflag:s0] =	ssyncset.done @!p0 $0x0  }
0x5b: {  	[sflag:s0] =	ssyncadd.s32 @!p0 s1  }
0x5c: {  	[bflag:$0x3] =	sbarrier.arrive $0xFFFF  }
0x5d: {  	_ =	shalt  }

// kernel: kernel.16.cloned.1.call-start
scs
__scs_entry_jumppad:
0x0: {  	(pc) =	sbr.rel $0x88, $3  }
0x1: {  	(tag) =	ssettag $0x0;
	lr =	simm.s32 $0x1  }
0x2: {  	[smem:$0x3F90] =	sst lr;
	_ =	strace $0xD0000000  }
0x3: {  	_ = 	snop  }
0x4: {  	_ = 	snop  }
0x5: {  	_ = 	snop  }
0x6: {  	_ = 	snop  }
0x7: {  	_ = 	snop  }
__scs_overlays_trampoline_lowered:
0x8: {  	[smem:$0x3F9F] =	sst s0  }
0x9: {  	[smem:$0x3FA0] =	sst s1  }
0xa: {  	[smem:$0x3FA1] =	sst s2  }
0xb: {  	[smem:$0x3FA2] =	sst s3  }
0xc: {  	[smem:$0x3FA3] =	sst s4  }
0xd: {  	[smem:$0x3FA4] =	sst s5  }
0xe: {  	[smem:$0x3FA5] =	sst s6  }
0xf: {  	[smem:$0x3FA6] =	sst s7  }
0x10: {  	[smem:$0x3FA7] =	sst s8  }
0x11: {  	[smem:$0x3FA8] =	sst s9;
	s0 =	simm.s32 @!p0 $0x0  }
0x12: {  	s1 =	sld [smem:$0x3F8E];
	s0 =	simm.s32 @p0 $0x1  }
0x13: {  	[smem:$0x3FA9] =	sst s0;
	s0 =	simm.s32 @!p1 $0x0  }
0x14: {  	s2 =	sld [smem:$0x3F8D];
	s0 =	simm.s32 @p1 $0x1  }
0x15: {  	[smem:$0x3FAA] =	sst s0;
	s0 =	simm.s32 @!p2 $0x0  }
0x16: {  	s3 =	sld [smem:$0x3FDB];
	s0 =	simm.s32 @p2 $0x1  }
0x17: {  	s4 =	simm.s32 $0x1BF5;
	[smem:$0x3FAC] =	sst s0  }
0x18: {  	s0 =	sld [smem:$0x3F8F];
	_ =	swait.ge [sflag:s4], $0x0  }
0x19: {  	s7 =	sld [smem:$0x3F90]  }
0x1a: {  	s8 =	sadd.s32 $0xFFFFE003, lr  }
0x1b: {  	s9 =	sadd.s32 $0xFFFFFEF7, lr;
	s5 =	simm.s32 $0xFFFFFFFF;
	p2 =	slt.u32 s8, $0xFFFFF086  }
0x1c: {  	p1 =	slt.u32 s9, $0xF7A;
	s5 =	simm.s32 @!p2 $0x0  }
0x1d: {  	s5 =	simm.s32 @p1 $0x1;
	p0 =	seq.s32 s7, s2  }
0x1e: {  	s7 =	smul.u32 @!p0 $0xF7A, s2;
	p2 =	seq.s32 @!p0 s5, $0x0  }
0x1f: {  	s9 =	smul.u32 $0xF7A, s1;
	s8 =	simm.s32 @!p0 $0x1BF5;
	p2 =	por !p2, p0  }
0x20: {  	[sflag:s8] =	ssyncset.s32 @!p0 $0xFFFFF086;
	s6 =	sadd.s32 @!p0 s3, s7;
	s7 =	simm.s32 @!p0 $0x108  }
0x21: {  	s3 =	sadd.s32 s3, s9;
	s6 =	sadd.s32 @!p0 $0x88, s6;
	s7 =	simm.s32 @p2 $0x1082  }
0x22: {  	[simem:s7], [sflag:s8] =	dma.local @!p0 [hbm:s6], $0xF7A  }
0x23: {  	s9 =	sor.u32 $0xD0000000, s2;
	s6 =	simm.s32 $0x108;
	_ =	swait.ge @!p0 [sflag:s8], $0x0  }
0x24: {  	s3 =	sadd.s32 $0x88, s3;
	s6 =	simm.s32 @!p1 $0x1082;
	[sflag:s4] =	ssyncset.s32 $0xFFFFF086  }
0x25: {  	[simem:s6], [sflag:s4] =	dma.local [hbm:s3], $0xF7A  }
0x26: {  	[smem:$0x3F90] =	sst s1;
	(tag) =	ssettag s2;
	_ =	strace s9  }
0x27: {  	s1 =	sld [smem:$0x3FA0]  }
0x28: {  	s2 =	sld [smem:$0x3FA1]  }
0x29: {  	s4 =	sld [smem:$0x3FA3]  }
0x2a: {  	p0 =	seq.s32 s5, $0x0;
	s5 =	sld [smem:$0x3FA4]  }
0x2b: {  	s6 =	sld [smem:$0x3FA5]  }
0x2c: {  	s7 =	sld [smem:$0x3FA6]  }
0x2d: {  	s3 =	simm.s32 $0x108;
	s8 =	sld [smem:$0x3FA7]  }
0x2e: {  	s3 =	simm.s32 @!p0 $0x1082;
	s9 =	sld [smem:$0x3FA8]  }
0x2f: {  	lr =	sadd.s32 s0, s3;
	s0 =	sld [smem:$0x3F9F]  }
0x30: {  	s3 =	sld [smem:$0x3FA2]  }
0x31: {  	[smem:$0x3FAB] =	sst s10  }
0x32: {  	s10 =	sld [smem:$0x3FA9];
	_ =	sdelay $0x3  }
0x33: {  	p0 =	seq.s32 s10, $0x1;
	s10 =	sld [smem:$0x3FAB];
	_ =	sdelay $0x3  }
0x34: {  	[smem:$0x3FAB] =	sst s10  }
0x35: {  	s10 =	sld [smem:$0x3FAA];
	_ =	sdelay $0x3  }
0x36: {  	p1 =	seq.s32 s10, $0x1;
	s10 =	sld [smem:$0x3FAB];
	_ =	sdelay $0x3  }
0x37: {  	[smem:$0x3FAB] =	sst s10  }
0x38: {  	s10 =	sld [smem:$0x3FAC]  }
0x39: {  	_ = 	snop;
	(pc) =	sbr.ind lr, $3  }
0x3a: {  	_ = 	snop  }
0x3b: {  	_ = 	snop  }
0x3c: {  	p2 =	seq.s32 s10, $0x1;
	s10 =	sld [smem:$0x3FAB]  }
0x3d: {  	_ =	shalt  }
0x3e: {  	_ =	shalt  }
0x3f: {  	_ =	shalt  }
0x40: {  	_ =	shalt  }
0x41: {  	_ =	shalt  }
0x42: {  	_ =	shalt  }
0x43: {  	_ =	shalt  }
0x44: {  	_ =	shalt  }
0x45: {  	_ =	shalt  }
0x46: {  	_ =	shalt  }
0x47: {  	_ =	shalt  }
0x48: {  	_ =	shalt  }
0x49: {  	_ =	shalt  }
0x4a: {  	_ =	shalt  }
0x4b: {  	_ =	shalt  }
0x4c: {  	_ =	shalt  }
0x4d: {  	_ =	shalt  }
0x4e: {  	_ =	shalt  }
0x4f: {  	_ =	shalt  }
0x50: {  	_ =	shalt  }
0x51: {  	_ =	shalt  }
0x52: {  	_ =	shalt  }
0x53: {  	_ =	shalt  }
0x54: {  	_ =	shalt  }
0x55: {  	_ =	shalt  }
0x56: {  	_ =	shalt  }
0x57: {  	_ =	shalt  }
0x58: {  	_ =	shalt  }
0x59: {  	_ =	shalt  }
0x5a: {  	_ =	shalt  }
0x5b: {  	_ =	shalt  }
0x5c: {  	_ =	shalt  }
0x5d: {  	_ =	shalt  }
0x5e: {  	_ =	shalt  }
0x5f: {  	_ =	shalt  }
0x60: {  	_ =	shalt  }
0x61: {  	_ =	shalt  }
0x62: {  	_ =	shalt  }
0x63: {  	_ =	shalt  }
0x64: {  	_ =	shalt  }
0x65: {  	_ =	shalt  }
0x66: {  	_ =	shalt  }
0x67: {  	_ =	shalt  }
0x68: {  	_ =	shalt  }
0x69: {  	_ =	shalt  }
0x6a: {  	_ =	shalt  }
0x6b: {  	_ =	shalt  }
0x6c: {  	_ =	shalt  }
0x6d: {  	_ =	shalt  }
0x6e: {  	_ =	shalt  }
0x6f: {  	_ =	shalt  }
0x70: {  	_ =	shalt  }
0x71: {  	_ =	shalt  }
0x72: {  	_ =	shalt  }
0x73: {  	_ =	shalt  }
0x74: {  	_ =	shalt  }
0x75: {  	_ =	shalt  }
0x76: {  	_ =	shalt  }
0x77: {  	_ =	shalt  }
0x78: {  	_ =	shalt  }
0x79: {  	_ =	shalt  }
0x7a: {  	_ =	shalt  }
0x7b: {  	_ =	shalt  }
0x7c: {  	_ =	shalt  }
0x7d: {  	_ =	shalt  }
0x7e: {  	_ =	shalt  }
0x7f: {  	_ =	shalt  }
0x80: {  	_ =	shalt  }
0x81: {  	_ =	shalt  }
0x82: {  	_ =	shalt  }
0x83: {  	_ =	shalt  }
0x84: {  	_ =	shalt  }
0x85: {  	_ =	shalt  }
0x86: {  	_ =	shalt  }
0x87: {  	_ =	shalt  }
.Lfunc_end0:
.L_simem_size_0:
called_computation.1_lowered:
.L_overlay_start_0:
0x88: {  	s2 =	sld [smem:$0x3FD9]  }
0x89: {  	s3 =	sld [smem:$0x3FFE];
	_ =	sdelay $0x1  }
0x8a: {  	s1 =	srdreg.scid  }
0x8b: {  	s0 =	sand.u32 $0x1, s1  }
0x8c: {  	s16 =	sshll.u32 s0, $0xA;
	s2 =	sadd.s32 s3, s2  }
0x8d: {  	s2 =	sadd.s32 s2, s16  }
0x8e: {  	[smem:$0x3FB7] =	sst s2  }
0x8f: {  	_ = 	snop  }
0x90: {  	(tm) =	ssettm $0x1  }
0x91: {  	s17 =	sld [smem:$0x3FFB];
	_ =	sdelay $0x3  }
0x92: {  	_ =	strace s17  }
0x93: {  	s2 =	sld [smem:$0x3FFC];
	_ =	sdelay $0x3  }
0x94: {  	_ =	strace s2  }
0x95: {  	s2 =	sld [smem:$0x3FFD];
	_ =	sdelay $0x3  }
0x96: {  	_ =	strace s2  }
0x97: {  	_ =	strace $0x8FFFFFFF  }
0x98: {  	s18 =	sld [smem:$0x3FDB];
	_ =	sdelay $0x1  }
0x99: {  	s19 =	simm.s32 $_scs_section_size  }
0x9a: {  	s4 =	simm.s32 $_size__tile_overlayer_lowered;
	s5 =	simm.s32 $_tile_overlayer_lowered  }
0x9b: {  	s22 =	simm.s32 $0x1BFF;
	s21 =	sshll.u32 s5, $0x1;
	s2 =	sadd.s32 s19, s18  }
0x9c: {  	s6 =	simm.s32 $0x0;
	s20 =	sshll.u32 s4, $0x1;
	s4 =	sadd.s32 s21, s2  }
0x9d: {  	[timem:s6], [sflag:s22] =	dma.local [hbm:s4], s20  }
0x9e: {  	_ =	swait.ge [sflag:s22], s20  }
0x9f: {  	s3 =	ssub.s32 $0x0, s20;
	[sflag:s22] =	ssyncset.done $0x0  }
0xa0: {  	[sflag:s22] =	ssyncadd.s32 s3;
	_ =	sdelay $0x1  }
0xa1: {  	s23 =	simm.s32 $0x1B8B  }
0xa2: {  	_ =	swait.ge [sflag:s23], $0x1  }
0xa3: {  	[sflag:s23] =	ssyncset.done $0x0  }
0xa4: {  	s25 =	simm.s32 $0x1B8E;
	s24 =	sld [smem:$0x3FFE];
	[sflag:s23] =	ssyncadd.s32 $0xFFFFFFFF  }
0xa5: {  	s26 =	simm.s32 $execute0_lowered;
	[smem:$0x3FD2] =	sst s25  }
0xa6: {  	s4 =	sshll.u32 s26, $0x1;
	_ =	strace $0x80000049;
	[dreg:$0x1] =	wrdreg $0xFFFFFFFF  }
0xa7: {  	s28 =	simm.s32 $_size_execute0_lowered;
	s2 =	sadd.s32 s2, s4;
	[dreg:$0x0] =	wrdreg $0x0  }
0xa8: {  	s4 =	sshll.u32 s28, $0x1;
	[dreg:$0x2] =	wrdreg s2  }
0xa9: {  	[dreg:$0x3] =	wrdreg s4  }
0xaa: {  	[dreg:$0x4] =	wrdreg $0xC0  }
0xab: {  	_ =	task [dreg:s6], $0x5FFFF  }
0xac: {  	[dreg:$0x1] =	wrdreg $0xFFFFFFFF  }
0xad: {  	[dreg:$0x0] =	wrdreg $0x60  }
0xae: {  	[dreg:$0x2] =	wrdreg s24  }
0xaf: {  	[dreg:$0x3] =	wrdreg $0x27800  }
0xb0: {  	[dreg:$0x4] =	wrdreg $0x9  }
0xb1: {  	_ =	task.clear_ibuf [dreg:s6], $0x5FFFF;
	_ =	strace $0x90000049  }
0xb2: {  	s29 =	simm.s32 $0x9;
	_ =	strace $0x8000004B  }
0xb3: {  	_ =	swait.ge [sflag:s29], $0x1  }
0xb4: {  	[sflag:s29] =	ssyncadd.s32 $0xFFFFFFFF  }
0xb5: {  	_ =	strace $0x9000004B  }
0xb6: {  	_ =	sfence  }
0xb7: {  	s30 =	sld [smem:$0x0];
	_ =	sdelay $0x2  }
0xb8: {  	s31 =	sshll.u32 s1, $0xD;
	s1 =	sshrl.u32 s1, $0x2  }
0xb9: {  	s3 =	sand.u32 $0x4000, s31;
	s1 =	sadd.s32 s1, s30  }
0xba: {  	s0 =	sor.u32 s3, s0;
	s1 =	sshll.u32 s1, $0x11  }
0xbb: {  	s0 =	sor.u32 s1, s0  }
0xbc: {  	s0 =	sadd.s32 $0x8F2B, s0  }
0xbd: {  	[sflag:s0] =	ssyncadd.remote.s32 $0x1  }
0xbe: {  	_ =	sfence.sel $0xFFFF  }
0xbf: {  	[dreg:$0x0] =	wrdreg $0xFFFFFFFF;
	(pc) =	sbr.abs _section_cstart, $3  }
0xc0: {  	[dreg:$0x1] =	wrdreg $0xFFFFFFFF  }
0xc1: {  	_ =	task.clear_ibuf [dreg:s6], $0x2FFFF;
	_ =	strace $0x9FFFFFFF  }
0xc2: {  	(tm) =	ssettm $0x7FFFFFFF  }
0xc3: {  	_ =	shalt  }
tec
execute0_lowered:
.L_overlay_start_1:
0x0: {  	(tag) =	ssettag $0x1  }
0x1: {  	s0 =	rddreg [dreg:$0x0]  }
0x2: {  	s2 =	rddreg [dreg:$0x1];
	s1 =	srdreg.scid  }
0x3: {  	s14 =	stileid.u32;
	s3 =	simm.s32 $0x0;
	s29 =	simm.s32 $0x1E000  }
0x4: {  	s31 =	simm.s32 $0x18F80;
	s30 =	simm.s32 $0x1;
	s1 =	sand.u32 $0x1, s1  }
0x5: {  	s4 =	sshll.u32 s14, $0x1;
	[smem:$0x7FF] =	sst s3;
	s5 =	sadd.s32 $0x529400, s0  }
0x6: {  	s8 =	smul.u32 $0x14000, s14;
	s6 =	sadd.s32 $0x57A800, s0;
	s7 =	sadd.s32 $0x25800, s0  }
0x7: {  	s13 =	smul.u32 $0x50000, s14;
	s16 =	sshll.u32 s14, $0x6;
	s14 =	simm.s32 $0x8  }
0x8: {  	s9 =	sor.u32 s1, s4;
	_ =	strace $0x8000004A;
	s11 =	smul.u32 $0x140000, s1  }
0x9: {  	s1 =	ssub.s32 $0x2, s1;
	s20 =	sor.u32 $0x1C0D, s16;
	s16 =	simm.s32 $0x3  }
0xa: {  	s4 =	smul.u32 $0x2710, s9;
	s12 =	sshrl.u32 s8, $0x3;
	s28 =	sshrl.u32 s1, $0x1  }
0xb: {  	s15 =	sshrl.u32 s13, $0x2;
	s17 =	smul.u32 $0x138800, s9;
	s13 =	simm.s32 $0x5  }
0xc: {  	[dreg:$0x4] =	wrdreg s20;
	s12 =	sadd.s32 s12, s0;
	s8 =	sadd.s32 s8, s11  }
0xd: {  	s1 =	ssub.s32 s1, s28;
	s11 =	sadd.s32 s15, s2;
	s15 =	simm.s32 $0xA  }
0xe: {  	s28 =	simm.s32 $0x0;
	s10 =	sshrl.u32 s4, $0x3;
	s8 =	sshrl.u32 s8, $0x3  }
0xf: {  	s12 =	sadd.s32 $0xA5C800, s12;
	s19 =	sshrl.u32 s17, $0x3;
	s26 =	smax.u32 s1, $0x1  }
0x10: {  	s1 =	simm.s32 $0x1E080;
	s17 =	simm.s32 $0x6;
	[dreg:$0xf] =	wrdreg s28  }
0x11: {  	s10 =	sadd.s32 s10, s0;
	s0 =	sadd.s32 s8, s0;
	s8 =	smul.u32 $0x7D00, s9  }
0x12: {  	[dreg:$0x3] =	wrdreg s12;
	s9 =	smul.u32 $0x27100, s9;
	s21 =	sadd.s32 s6, s19  }
0x13: {  	[dreg:$0xd] =	wrdreg s26;
	s26 =	simm.s32 $0x17B80;
	s10 =	sadd.s32 $0x10A00, s10  }
0x14: {  	s19 =	simm.s32 $0xB;
	s22 =	sadd.s32 $0x280, s21;
	[dreg:$0x5] =	wrdreg s10  }
0x15: {  	s24 =	sadd.s32 $0x500, s21;
	s0 =	sadd.s32 $0xA84800, s0;
	[dreg:$0x8] =	wrdreg s22  }
0x16: {  	s21 =	simm.s32 $0xD;
	s18 =	sshrl.u32 s8, $0x3;
	[dreg:$0xa] =	wrdreg s24  }
0x17: {  	s9 =	sadd.s32 s6, s9;
	[dreg:$0xc] =	wrdreg s0;
	s22 =	simm.s32 $0x28  }
0x18: {  	s0 =	simm.s32 $0x4;
	s12 =	sadd.s32 s7, s18;
	[dreg:$0x7] =	wrdreg s9  }
0x19: {  	s9 =	simm.s32 $0x7;
	s23 =	sadd.s32 $0x10, s12;
	[dreg:$0x6] =	wrdreg s12  }
0x1a: {  	s18 =	simm.s32 $0x9;
	s25 =	sadd.s32 $0x20, s12;
	[dreg:$0x9] =	wrdreg s23  }
0x1b: {  	s12 =	sshrl.u32 s11, $0x3;
	s11 =	simm.s32 $0x2;
	[dreg:$0xb] =	wrdreg s25  }
0x1c: {  	s23 =	simm.s32 $0x16780;
	s25 =	simm.s32 $0x1DF80;
	[dreg:$0xe] =	wrdreg s12  }
.LBB2_1:
0x1d: {  	s10 =	rddreg [dreg:$0x3]  }
0x1e: {  	[spmem:s12], [sflag:s20] =	dma.local [hbm:s10], $0x2800  }
0x1f: {  	_ =	swait.ge [sflag:s21], $0x2800  }
0x20: {  	[sflag:s21] =	ssyncset.done $0x0  }
0x21: {  	s28 =	rddreg [dreg:$0x5];
	[sflag:s21] =	ssyncadd.s32 $0xFFFFD800  }
0x22: {  	[tilespmem:s3], [sflag:$0xD] =	stream.linear.gather [hbm4b:s28+s3], $0x2710, $0x38;
	[tilespmem:$0x1E100] =	vst v63  }
0x23: {  	_ =	swait.ge [sflag:s21], $0x2710  }
0x24: {  	[sflag:s21] =	ssyncset.done $0x0  }
0x25: {  	[sflag:s21] =	ssyncadd.s32 $0xFFFFD8F0  }
0x26: {  	[bflag:$0x0] =	sbarrier.arrive $0xFFFF  }
0x27: {  	[tilespmem:s23], [sflag:$0x1] =	stream.indirect.gather [hbm4b:s5+s22], $0x80, s3, s22, $0xb8;
	[tilespmem:$0x1E100] =	vst v63  }
0x28: {  	s20 =	simm.s32 $0x1A380;
	s12 =	rddreg [dreg:$0x7]  }
0x29: {  	[tilespmem:s20], [sflag:$0x4] =	stream.linear.gather [hbm4b:s12+s3], $0x1400, $0x38;
	[tilespmem:$0x1E100] =	vst v63  }
0x2a: {  	s21 =	rddreg [dreg:$0x6]  }
0x2b: {  	[tilespmem:s25], [sflag:$0x7] =	stream.linear.gather [hbm4b:s21+s3], $0x80, $0x38;
	[tilespmem:$0x1E100] =	vst v63  }
0x2c: {  	_ = 	snop  }
0x2d: {  	[tilespmem:s26], [sflag:$0x2] =	stream.indirect.gather [hbm4b:s5+s22], $0x80, s22, s22, $0xb8;
	[tilespmem:$0x1E100] =	vst v63  }
0x2e: {  	s28 =	simm.s32 $0x1B780;
	s24 =	rddreg [dreg:$0x8]  }
0x2f: {  	[tilespmem:s28], [sflag:$0x5] =	stream.linear.gather [hbm4b:s24+s3], $0x1400, $0x38;
	[tilespmem:$0x1E100] =	vst v63  }
0x30: {  	s12 =	rddreg [dreg:$0x9]  }
0x31: {  	[tilespmem:s29], [sflag:$0x8] =	stream.linear.gather [hbm4b:s12+s3], $0x80, $0x38;
	[tilespmem:$0x1E100] =	vst v63  }
0x32: {  	s20 =	simm.s32 $0x50  }
0x33: {  	[tilespmem:s31], [sflag:$0x3] =	stream.indirect.gather [hbm4b:s5+s22], $0x80, s20, s22, $0xb8;
	[tilespmem:$0x1E100] =	vst v63  }
0x34: {  	s21 =	rddreg [dreg:$0xa];
	s24 =	simm.s32 $0x1CB80  }
0x35: {  	[tilespmem:s24], [sflag:$0x6] =	stream.linear.gather [hbm4b:s21+s3], $0x1400, $0x38;
	[tilespmem:$0x1E100] =	vst v63  }
0x36: {  	s10 =	simm.s32 $0x0;
	s28 =	rddreg [dreg:$0xb]  }
0x37: {  	[tilespmem:s1], [sflag:$0x9] =	stream.linear.gather [hbm4b:s28+s3], $0x80, $0x38;
	[tilespmem:$0x1E100] =	vst v63  }
.LBB2_2:
0x38: {  	_ =	swait.ge [sflag:s30], $0x1400  }
0x39: {  	[sflag:s30] =	ssyncset.done $0x0  }
0x3a: {  	[sflag:s30] =	ssyncadd.s32 $0xFFFFEC00  }
0x3b: {  	_ =	swait.ge [sflag:s0], $0x1400  }
0x3c: {  	[sflag:s0] =	ssyncset.done $0x0  }
0x3d: {  	s20 =	simm.s32 $0x0;
	[sflag:s0] =	ssyncadd.s32 $0xFFFFEC00  }
0x3e: {  	v7 =	vld [tilespmem:s20+$0x1A380]  }
0x3f: {  	v11 =	vld [tilespmem:s20+$0x1A390]  }
0x40: {  	v5 =	vld [tilespmem:s20+$0x1A3A0]  }
0x41: {  	v4 =	vld [tilespmem:s20+$0x1A3B0]  }
0x42: {  	v3 =	vld [tilespmem:s20+$0x1A3C0]  }
0x43: {  	v2 =	vld [tilespmem:s20+$0x1A3D0]  }
0x44: {  	v1 =	vld [tilespmem:s20+$0x1A3E0]  }
0x45: {  	v0 =	vld [tilespmem:s20+$0x1A3F0]  }
0x46: {  	v12 =	vld [tilespmem:s20+$0x16780]  }
0x47: {  	v13 =	vld [tilespmem:s20+$0x16790]  }
0x48: {  	v10 =	vld [tilespmem:s20+$0x167A0]  }
0x49: {  	v9 =	vld [tilespmem:s20+$0x167B0]  }
0x4a: {  	v8 =	vld [tilespmem:s20+$0x167C0]  }
0x4b: {  	v6 =	vld [tilespmem:s20+$0x167D0];
	v12 =	vmul.f32 v7, v12  }
0x4c: {  	s21 =	simm.s32 $0x200;
	v11 =	vmul.f32 v11, v13;
	v7 =	vld [tilespmem:s20+$0x167E0]  }
.LBB2_3:
0x4d: {  	s12 =	sshra.s32 s21, $0x2;
	p0 =	sne.s32 s21, $0x4E00;
	[tilespmem:s20+$0x16780] =	vst v12;
	v5 =	vmul.f32 v5, v10;
	v10 =	vld [tilespmem:s20+$0x167F0]  }
0x4e: {  	v12 =	vld [tilespmem:s12+$0x1A380];
	[tilespmem:s20+$0x16790] =	vst v11;
	v4 =	vmul.f32 v4, v9  }
0x4f: {  	v11 =	vld [tilespmem:s12+$0x1A390];
	[tilespmem:s20+$0x167A0] =	vst v5;
	v3 =	vmul.f32 v3, v8  }
0x50: {  	v5 =	vld [tilespmem:s12+$0x1A3A0];
	[tilespmem:s20+$0x167B0] =	vst v4;
	v2 =	vmul.f32 v2, v6  }
0x51: {  	v4 =	vld [tilespmem:s12+$0x1A3B0];
	[tilespmem:s20+$0x167C0] =	vst v3;
	v1 =	vmul.f32 v1, v7  }
0x52: {  	v3 =	vld [tilespmem:s12+$0x1A3C0];
	[tilespmem:s20+$0x167D0] =	vst v2;
	v0 =	vmul.f32 v0, v10  }
0x53: {  	v2 =	vld [tilespmem:s12+$0x1A3D0];
	[tilespmem:s20+$0x167E0] =	vst v1  }
0x54: {  	v1 =	vld [tilespmem:s12+$0x1A3E0];
	[tilespmem:s20+$0x167F0] =	vst v0;
	s20 =	smov.u32 s12  }
0x55: {  	v0 =	vld [tilespmem:s20+$0x1A3F0]  }
0x56: {  	v6 =	vld [tilespmem:s20+$0x16780]  }
0x57: {  	v7 =	vld [tilespmem:s20+$0x16790]  }
.Ltmp0:
0x58: {  	v10 =	vld [tilespmem:s20+$0x167A0];
	(pc) =	sbr.rel @p0 .LBB2_3-.Ltmp0, $4  }
0x59: {  	v9 =	vld [tilespmem:s20+$0x167B0]  }
0x5a: {  	v8 =	vld [tilespmem:s20+$0x167C0]  }
0x5b: {  	v12 =	vmul.f32 v12, v6;
	v6 =	vld [tilespmem:s20+$0x167D0]  }
0x5c: {  	s21 =	sadd.s32 $0x200, s21;
	v11 =	vmul.f32 v11, v7;
	v7 =	vld [tilespmem:s20+$0x167E0]  }
0x5d: {  	[tilespmem:s20+$0x16780] =	vst v12;
	v5 =	vmul.f32 v5, v10;
	v10 =	vld [tilespmem:s20+$0x167F0]  }
0x5e: {  	[tilespmem:s20+$0x16790] =	vst v11;
	v4 =	vmul.f32 v4, v9  }
0x5f: {  	[tilespmem:s20+$0x167A0] =	vst v5;
	v3 =	vmul.f32 v3, v8  }
0x60: {  	[tilespmem:s20+$0x167B0] =	vst v4;
	v2 =	vmul.f32 v2, v6  }
0x61: {  	[tilespmem:s20+$0x167C0] =	vst v3;
	v1 =	vmul.f32 v1, v7  }
0x62: {  	[tilespmem:s20+$0x167D0] =	vst v2;
	v0 =	vmul.f32 v0, v10  }
0x63: {  	[tilespmem:s20+$0x167E0] =	vst v1  }
0x64: {  	[tilespmem:s20+$0x167F0] =	vst v0  }
0x65: {  	p0 =	seq.s32 s10, $0x0;
	_ =	swait.ge [sflag:s9], $0x80  }
0x66: {  	s12 =	simm.s32 @p0 $0x28;
	[sflag:s9] =	ssyncset.done $0x0  }
0x67: {  	s21 =	simm.s32 @p0 $0x16780;
	s20 =	simm.s32 @p0 $0x1DF80;
	[sflag:s9] =	ssyncadd.s32 $0xFFFFFF80  }
0x68: {  	[spmem:s2] =	stream.indirect.scatter.add.f32 @p0 [tilespmem:s21], [sflag:$0xA], $0x80, s20, s12, $0xb8;
	[tilespmem:$0x1E100] =	vst v63  }
0x69: {  	s12 =	simm.s32 @!p0 $0xC  }
0x6a: {  	_ =	swait.ge @!p0 [sflag:s12], $0x1400  }
0x6b: {  	s28 =	simm.s32 @!p0 $0x16780;
	s20 =	smul.u32 $0x3, s10;
	[sflag:s12] =	ssyncset.done @!p0 $0x0  }
0x6c: {  	s21 =	simm.s32 @!p0 $0x1DF80;
	[sflag:s12] =	ssyncadd.s32 @!p0 $0xFFFFEC00;
	s12 =	simm.s32 @!p0 $0x28  }
0x6d: {  	[spmem:s2] =	stream.indirect.scatter.add.f32 @!p0 [tilespmem:s28], [sflag:$0xA], $0x80, s21, s12, $0xb8;
	[tilespmem:$0x1E100] =	vst v63  }
0x6e: {  	s21 =	sadd.s32 @!p0 $0x2, s20  }
0x6f: {  	s28 =	smul.u32 @!p0 $0x28, s21  }
0x70: {  	s24 =	simm.s32 @!p0 $0x18F80  }
0x71: {  	[tilespmem:s24], [sflag:$0x3] =	stream.indirect.gather @!p0 [hbm4b:s5+s12], $0x80, s28, s12, $0xb8;
	[tilespmem:$0x1E100] =	vst v63  }
0x72: {  	s12 =	sadd.s32 @!p0 s4, s28  }
0x73: {  	s12 =	sshll.u32 @!p0 s12, $0x4  }
0x74: {  	s24 =	simm.s32 @!p0 $0x0;
	s28 =	simm.s32 @!p0 $0x1CB80;
	s12 =	sadd.s32 @!p0 s6, s12  }
0x75: {  	[tilespmem:s28], [sflag:$0x6] =	stream.linear.gather @!p0 [hbm4b:s12+s24], $0x1400, $0x38;
	[tilespmem:$0x1E100] =	vst v63  }
0x76: {  	s12 =	sshll.u32 @!p0 s21, $0x7  }
0x77: {  	s12 =	sadd.s32 @!p0 s8, s12  }
0x78: {  	s12 =	sshrl.u32 @!p0 s12, $0x3  }
0x79: {  	s21 =	simm.s32 @!p0 $0x1E080;
	s12 =	sadd.s32 @!p0 s7, s12  }
0x7a: {  	[tilespmem:s21], [sflag:$0x9] =	stream.linear.gather @!p0 [hbm4b:s12+s24], $0x80, $0x38;
	[tilespmem:$0x1E100] =	vst v63  }
0x7b: {  	_ =	swait.ge [sflag:s11], $0x1400  }
0x7c: {  	[sflag:s11] =	ssyncset.done $0x0  }
0x7d: {  	[sflag:s11] =	ssyncadd.s32 $0xFFFFEC00  }
0x7e: {  	_ =	swait.ge [sflag:s13], $0x1400  }
0x7f: {  	[sflag:s13] =	ssyncset.done $0x0  }
0x80: {  	s21 =	simm.s32 $0x0;
	[sflag:s13] =	ssyncadd.s32 $0xFFFFEC00  }
0x81: {  	v7 =	vld [tilespmem:s21+$0x1B780]  }
0x82: {  	v11 =	vld [tilespmem:s21+$0x1B790]  }
0x83: {  	v5 =	vld [tilespmem:s21+$0x1B7A0]  }
0x84: {  	v4 =	vld [tilespmem:s21+$0x1B7B0]  }
0x85: {  	v3 =	vld [tilespmem:s21+$0x1B7C0]  }
0x86: {  	v2 =	vld [tilespmem:s21+$0x1B7D0]  }
0x87: {  	v1 =	vld [tilespmem:s21+$0x1B7E0]  }
0x88: {  	v0 =	vld [tilespmem:s21+$0x1B7F0]  }
0x89: {  	v12 =	vld [tilespmem:s21+$0x17B80]  }
0x8a: {  	v13 =	vld [tilespmem:s21+$0x17B90]  }
0x8b: {  	v10 =	vld [tilespmem:s21+$0x17BA0]  }
0x8c: {  	v9 =	vld [tilespmem:s21+$0x17BB0]  }
0x8d: {  	v8 =	vld [tilespmem:s21+$0x17BC0]  }
0x8e: {  	v6 =	vld [tilespmem:s21+$0x17BD0];
	v12 =	vmul.f32 v7, v12  }
0x8f: {  	s12 =	simm.s32 $0x200;
	v11 =	vmul.f32 v11, v13;
	v7 =	vld [tilespmem:s21+$0x17BE0]  }
.LBB2_5:
0x90: {  	s24 =	sshra.s32 s12, $0x2;
	p0 =	sne.s32 s12, $0x4E00;
	[tilespmem:s21+$0x17B80] =	vst v12;
	v5 =	vmul.f32 v5, v10;
	v10 =	vld [tilespmem:s21+$0x17BF0]  }
0x91: {  	v12 =	vld [tilespmem:s24+$0x1B780];
	[tilespmem:s21+$0x17B90] =	vst v11;
	v4 =	vmul.f32 v4, v9  }
0x92: {  	v11 =	vld [tilespmem:s24+$0x1B790];
	[tilespmem:s21+$0x17BA0] =	vst v5;
	v3 =	vmul.f32 v3, v8  }
0x93: {  	v5 =	vld [tilespmem:s24+$0x1B7A0];
	[tilespmem:s21+$0x17BB0] =	vst v4;
	v2 =	vmul.f32 v2, v6  }
0x94: {  	v4 =	vld [tilespmem:s24+$0x1B7B0];
	[tilespmem:s21+$0x17BC0] =	vst v3;
	v1 =	vmul.f32 v1, v7  }
0x95: {  	v3 =	vld [tilespmem:s24+$0x1B7C0];
	[tilespmem:s21+$0x17BD0] =	vst v2;
	v0 =	vmul.f32 v0, v10  }
0x96: {  	v2 =	vld [tilespmem:s24+$0x1B7D0];
	[tilespmem:s21+$0x17BE0] =	vst v1  }
0x97: {  	v1 =	vld [tilespmem:s24+$0x1B7E0];
	[tilespmem:s21+$0x17BF0] =	vst v0;
	s21 =	smov.u32 s24  }
0x98: {  	v0 =	vld [tilespmem:s21+$0x1B7F0]  }
0x99: {  	v6 =	vld [tilespmem:s21+$0x17B80]  }
0x9a: {  	v7 =	vld [tilespmem:s21+$0x17B90]  }
.Ltmp1:
0x9b: {  	v10 =	vld [tilespmem:s21+$0x17BA0];
	(pc) =	sbr.rel @p0 .LBB2_5-.Ltmp1, $4  }
0x9c: {  	v9 =	vld [tilespmem:s21+$0x17BB0]  }
0x9d: {  	v8 =	vld [tilespmem:s21+$0x17BC0]  }
0x9e: {  	v12 =	vmul.f32 v12, v6;
	v6 =	vld [tilespmem:s21+$0x17BD0]  }
0x9f: {  	s12 =	sadd.s32 $0x200, s12;
	v11 =	vmul.f32 v11, v7;
	v7 =	vld [tilespmem:s21+$0x17BE0]  }
0xa0: {  	[tilespmem:s21+$0x17B80] =	vst v12;
	v5 =	vmul.f32 v5, v10;
	v10 =	vld [tilespmem:s21+$0x17BF0]  }
0xa1: {  	[tilespmem:s21+$0x17B90] =	vst v11;
	v4 =	vmul.f32 v4, v9  }
0xa2: {  	[tilespmem:s21+$0x17BA0] =	vst v5;
	v3 =	vmul.f32 v3, v8  }
0xa3: {  	[tilespmem:s21+$0x17BB0] =	vst v4;
	v2 =	vmul.f32 v2, v6  }
0xa4: {  	[tilespmem:s21+$0x17BC0] =	vst v3;
	v1 =	vmul.f32 v1, v7  }
0xa5: {  	[tilespmem:s21+$0x17BD0] =	vst v2;
	v0 =	vmul.f32 v0, v10  }
0xa6: {  	[tilespmem:s21+$0x17BE0] =	vst v1  }
0xa7: {  	[tilespmem:s21+$0x17BF0] =	vst v0  }
0xa8: {  	_ =	swait.ge [sflag:s14], $0x80  }
0xa9: {  	[sflag:s14] =	ssyncset.done $0x0  }
0xaa: {  	s12 =	sadd.s32 $0x3, s20;
	[sflag:s14] =	ssyncadd.s32 $0xFFFFFF80  }
0xab: {  	s28 =	smul.u32 $0x28, s12;
	_ =	swait.ge [sflag:s15], $0x1400  }
0xac: {  	[sflag:s15] =	ssyncset.done $0x0  }
0xad: {  	s12 =	sshll.u32 s12, $0x7;
	s21 =	sadd.s32 s4, s28;
	[sflag:s15] =	ssyncadd.s32 $0xFFFFEC00  }
0xae: {  	[spmem:s2] =	stream.indirect.scatter.add.f32 [tilespmem:s26], [sflag:$0xB], $0x80, s29, s22, $0xb8;
	[tilespmem:$0x1E100] =	vst v63  }
0xaf: {  	s24 =	simm.s32 $0x0;
	s12 =	sadd.s32 s8, s12;
	s21 =	sshll.u32 s21, $0x4  }
0xb0: {  	[tilespmem:s23], [sflag:$0x1] =	stream.indirect.gather [hbm4b:s5+s22], $0x80, s28, s22, $0xb8;
	[tilespmem:$0x1E100] =	vst v63  }
0xb1: {  	s12 =	sshrl.u32 s12, $0x3;
	s21 =	sadd.s32 s6, s21;
	s28 =	simm.s32 $0x1A380  }
0xb2: {  	[tilespmem:s28], [sflag:$0x4] =	stream.linear.gather [hbm4b:s21+s24], $0x1400, $0x38;
	[tilespmem:$0x1E100] =	vst v63  }
0xb3: {  	s12 =	sadd.s32 s7, s12  }
0xb4: {  	[tilespmem:s25], [sflag:$0x7] =	stream.linear.gather [hbm4b:s12+s24], $0x80, $0x38;
	[tilespmem:$0x1E100] =	vst v63  }
0xb5: {  	_ =	swait.ge [sflag:s16], $0x1400  }
0xb6: {  	[sflag:s16] =	ssyncset.done $0x0  }
0xb7: {  	[sflag:s16] =	ssyncadd.s32 $0xFFFFEC00  }
0xb8: {  	_ =	swait.ge [sflag:s17], $0x1400  }
0xb9: {  	[sflag:s17] =	ssyncset.done $0x0  }
0xba: {  	s21 =	simm.s32 $0x0;
	[sflag:s17] =	ssyncadd.s32 $0xFFFFEC00  }
0xbb: {  	v7 =	vld [tilespmem:s21+$0x1CB80]  }
0xbc: {  	v11 =	vld [tilespmem:s21+$0x1CB90]  }
0xbd: {  	v5 =	vld [tilespmem:s21+$0x1CBA0]  }
0xbe: {  	v4 =	vld [tilespmem:s21+$0x1CBB0]  }
0xbf: {  	v3 =	vld [tilespmem:s21+$0x1CBC0]  }
0xc0: {  	v2 =	vld [tilespmem:s21+$0x1CBD0]  }
0xc1: {  	v1 =	vld [tilespmem:s21+$0x1CBE0]  }
0xc2: {  	v0 =	vld [tilespmem:s21+$0x1CBF0]  }
0xc3: {  	v12 =	vld [tilespmem:s21+$0x18F80]  }
0xc4: {  	v13 =	vld [tilespmem:s21+$0x18F90]  }
0xc5: {  	v10 =	vld [tilespmem:s21+$0x18FA0]  }
0xc6: {  	v9 =	vld [tilespmem:s21+$0x18FB0]  }
0xc7: {  	v8 =	vld [tilespmem:s21+$0x18FC0]  }
0xc8: {  	v6 =	vld [tilespmem:s21+$0x18FD0];
	v12 =	vmul.f32 v7, v12  }
0xc9: {  	s12 =	simm.s32 $0x200;
	v11 =	vmul.f32 v11, v13;
	v7 =	vld [tilespmem:s21+$0x18FE0]  }
.LBB2_7:
0xca: {  	s24 =	sshra.s32 s12, $0x2;
	p0 =	sne.s32 s12, $0x4E00;
	[tilespmem:s21+$0x18F80] =	vst v12;
	v5 =	vmul.f32 v5, v10;
	v10 =	vld [tilespmem:s21+$0x18FF0]  }
0xcb: {  	v12 =	vld [tilespmem:s24+$0x1CB80];
	[tilespmem:s21+$0x18F90] =	vst v11;
	v4 =	vmul.f32 v4, v9  }
0xcc: {  	v11 =	vld [tilespmem:s24+$0x1CB90];
	[tilespmem:s21+$0x18FA0] =	vst v5;
	v3 =	vmul.f32 v3, v8  }
0xcd: {  	v5 =	vld [tilespmem:s24+$0x1CBA0];
	[tilespmem:s21+$0x18FB0] =	vst v4;
	v2 =	vmul.f32 v2, v6  }
0xce: {  	v4 =	vld [tilespmem:s24+$0x1CBB0];
	[tilespmem:s21+$0x18FC0] =	vst v3;
	v1 =	vmul.f32 v1, v7  }
0xcf: {  	v3 =	vld [tilespmem:s24+$0x1CBC0];
	[tilespmem:s21+$0x18FD0] =	vst v2;
	v0 =	vmul.f32 v0, v10  }
0xd0: {  	v2 =	vld [tilespmem:s24+$0x1CBD0];
	[tilespmem:s21+$0x18FE0] =	vst v1  }
0xd1: {  	v1 =	vld [tilespmem:s24+$0x1CBE0];
	[tilespmem:s21+$0x18FF0] =	vst v0;
	s21 =	smov.u32 s24  }
0xd2: {  	v0 =	vld [tilespmem:s21+$0x1CBF0]  }
0xd3: {  	v6 =	vld [tilespmem:s21+$0x18F80]  }
0xd4: {  	v7 =	vld [tilespmem:s21+$0x18F90]  }
.Ltmp2:
0xd5: {  	v10 =	vld [tilespmem:s21+$0x18FA0];
	(pc) =	sbr.rel @p0 .LBB2_7-.Ltmp2, $4  }
0xd6: {  	v9 =	vld [tilespmem:s21+$0x18FB0]  }
0xd7: {  	v8 =	vld [tilespmem:s21+$0x18FC0]  }
0xd8: {  	v12 =	vmul.f32 v12, v6;
	v6 =	vld [tilespmem:s21+$0x18FD0]  }
0xd9: {  	s12 =	sadd.s32 $0x200, s12;
	v11 =	vmul.f32 v11, v7;
	v7 =	vld [tilespmem:s21+$0x18FE0]  }
0xda: {  	[tilespmem:s21+$0x18F80] =	vst v12;
	v5 =	vmul.f32 v5, v10;
	v63 =	vld [tilespmem:s21+$0x18FF0]  }
0xdb: {  	[tilespmem:s21+$0x18F90] =	vst v11;
	v4 =	vmul.f32 v4, v9  }
0xdc: {  	[tilespmem:s21+$0x18FA0] =	vst v5;
	v3 =	vmul.f32 v3, v8  }
0xdd: {  	[tilespmem:s21+$0x18FB0] =	vst v4;
	v2 =	vmul.f32 v2, v6  }
0xde: {  	[tilespmem:s21+$0x18FC0] =	vst v3;
	v1 =	vmul.f32 v1, v7  }
0xdf: {  	[tilespmem:s21+$0x18FD0] =	vst v2;
	v0 =	vmul.f32 v0, v63  }
0xe0: {  	[tilespmem:s21+$0x18FE0] =	vst v1  }
0xe1: {  	[tilespmem:s21+$0x18FF0] =	vst v0  }
0xe2: {  	_ =	swait.ge [sflag:s18], $0x80  }
0xe3: {  	p0 =	seq.s32 s10, $0x52;
	[sflag:s18] =	ssyncset.done $0x0  }
.Ltmp3:
0xe4: {  	[sflag:s18] =	ssyncadd.s32 $0xFFFFFF80;
	(pc) =	sbr.rel @p0 .LBB2_10-.Ltmp3, $4  }
0xe5: {  	_ =	swait.ge [sflag:s19], $0x1400  }
0xe6: {  	[sflag:s19] =	ssyncset.done $0x0  }
0xe7: {  	[sflag:s19] =	ssyncadd.s32 $0xFFFFEC00  }
0xe8: {  	[spmem:s2] =	stream.indirect.scatter.add.f32 [tilespmem:s31], [sflag:$0xC], $0x80, s1, s22, $0xb8;
	[tilespmem:$0x1E100] =	vst v63  }
0xe9: {  	s12 =	sadd.s32 $0x4, s20  }
0xea: {  	s20 =	smul.u32 $0x28, s12;
	_ =	sdelay $0x1  }
0xeb: {  	[tilespmem:s26], [sflag:$0x2] =	stream.indirect.gather [hbm4b:s5+s22], $0x80, s20, s22, $0xb8;
	[tilespmem:$0x1E100] =	vst v63  }
0xec: {  	s12 =	sshll.u32 s12, $0x7;
	s20 =	sadd.s32 s4, s20  }
.Ltmp4:
0xed: {  	s12 =	sadd.s32 s8, s12;
	s20 =	sshll.u32 s20, $0x4;
	(pc) =	sbr.rel .LBB2_2-.Ltmp4, $4  }
0xee: {  	s21 =	simm.s32 $0x1B780;
	s12 =	sshrl.u32 s12, $0x3;
	s20 =	sadd.s32 s6, s20  }
0xef: {  	[tilespmem:s21], [sflag:$0x5] =	stream.linear.gather [hbm4b:s20+s3], $0x1400, $0x38;
	[tilespmem:$0x1E100] =	vst v63  }
0xf0: {  	s10 =	sadd.s32 $0x1, s10;
	s12 =	sadd.s32 s7, s12  }
0xf1: {  	[tilespmem:s29], [sflag:$0x8] =	stream.linear.gather [hbm4b:s12+s3], $0x80, $0x38;
	[tilespmem:$0x1E100] =	vst v63  }
.LBB2_10:
0xf2: {  	_ =	swait.ge [sflag:s30], $0x1400  }
0xf3: {  	[sflag:s30] =	ssyncset.done $0x0  }
0xf4: {  	[sflag:s30] =	ssyncadd.s32 $0xFFFFEC00  }
0xf5: {  	_ =	swait.ge [sflag:s0], $0x1400  }
0xf6: {  	[sflag:s0] =	ssyncset.done $0x0  }
0xf7: {  	s10 =	simm.s32 $0x0;
	[sflag:s0] =	ssyncadd.s32 $0xFFFFEC00  }
0xf8: {  	v7 =	vld [tilespmem:s10+$0x1A380]  }
0xf9: {  	v11 =	vld [tilespmem:s10+$0x1A390]  }
0xfa: {  	v5 =	vld [tilespmem:s10+$0x1A3A0]  }
0xfb: {  	v4 =	vld [tilespmem:s10+$0x1A3B0]  }
0xfc: {  	v3 =	vld [tilespmem:s10+$0x1A3C0]  }
0xfd: {  	v2 =	vld [tilespmem:s10+$0x1A3D0]  }
0xfe: {  	v1 =	vld [tilespmem:s10+$0x1A3E0]  }
0xff: {  	v0 =	vld [tilespmem:s10+$0x1A3F0]  }
0x100: {  	v12 =	vld [tilespmem:s10+$0x16780]  }
0x101: {  	v13 =	vld [tilespmem:s10+$0x16790]  }
0x102: {  	v10 =	vld [tilespmem:s10+$0x167A0]  }
0x103: {  	v9 =	vld [tilespmem:s10+$0x167B0]  }
0x104: {  	v8 =	vld [tilespmem:s10+$0x167C0]  }
0x105: {  	v6 =	vld [tilespmem:s10+$0x167D0];
	v12 =	vmul.f32 v7, v12  }
0x106: {  	s12 =	simm.s32 $0x200;
	v11 =	vmul.f32 v11, v13;
	v7 =	vld [tilespmem:s10+$0x167E0]  }
.LBB2_11:
0x107: {  	s20 =	sshra.s32 s12, $0x2;
	p0 =	sne.s32 s12, $0x4E00;
	[tilespmem:s10+$0x16780] =	vst v12;
	v5 =	vmul.f32 v5, v10;
	v10 =	vld [tilespmem:s10+$0x167F0]  }
0x108: {  	v12 =	vld [tilespmem:s20+$0x1A380];
	[tilespmem:s10+$0x16790] =	vst v11;
	v4 =	vmul.f32 v4, v9  }
0x109: {  	v11 =	vld [tilespmem:s20+$0x1A390];
	[tilespmem:s10+$0x167A0] =	vst v5;
	v3 =	vmul.f32 v3, v8  }
0x10a: {  	v5 =	vld [tilespmem:s20+$0x1A3A0];
	[tilespmem:s10+$0x167B0] =	vst v4;
	v2 =	vmul.f32 v2, v6  }
0x10b: {  	v4 =	vld [tilespmem:s20+$0x1A3B0];
	[tilespmem:s10+$0x167C0] =	vst v3;
	v1 =	vmul.f32 v1, v7  }
0x10c: {  	v3 =	vld [tilespmem:s20+$0x1A3C0];
	[tilespmem:s10+$0x167D0] =	vst v2;
	v0 =	vmul.f32 v0, v10  }
0x10d: {  	v2 =	vld [tilespmem:s20+$0x1A3D0];
	[tilespmem:s10+$0x167E0] =	vst v1  }
0x10e: {  	v1 =	vld [tilespmem:s20+$0x1A3E0];
	[tilespmem:s10+$0x167F0] =	vst v0;
	s10 =	smov.u32 s20  }
0x10f: {  	v0 =	vld [tilespmem:s10+$0x1A3F0]  }
0x110: {  	v6 =	vld [tilespmem:s10+$0x16780]  }
0x111: {  	v7 =	vld [tilespmem:s10+$0x16790]  }
.Ltmp5:
0x112: {  	v10 =	vld [tilespmem:s10+$0x167A0];
	(pc) =	sbr.rel @p0 .LBB2_11-.Ltmp5, $4  }
0x113: {  	v9 =	vld [tilespmem:s10+$0x167B0]  }
0x114: {  	v8 =	vld [tilespmem:s10+$0x167C0]  }
0x115: {  	v12 =	vmul.f32 v12, v6;
	v6 =	vld [tilespmem:s10+$0x167D0]  }
0x116: {  	s12 =	sadd.s32 $0x200, s12;
	v11 =	vmul.f32 v11, v7;
	v7 =	vld [tilespmem:s10+$0x167E0]  }
0x117: {  	[tilespmem:s10+$0x16780] =	vst v12;
	v5 =	vmul.f32 v5, v10;
	v63 =	vld [tilespmem:s10+$0x167F0]  }
0x118: {  	[tilespmem:s10+$0x16790] =	vst v11;
	v4 =	vmul.f32 v4, v9  }
0x119: {  	[tilespmem:s10+$0x167A0] =	vst v5;
	v3 =	vmul.f32 v3, v8  }
0x11a: {  	[tilespmem:s10+$0x167B0] =	vst v4;
	v2 =	vmul.f32 v2, v6  }
0x11b: {  	[tilespmem:s10+$0x167C0] =	vst v3;
	v1 =	vmul.f32 v1, v7  }
0x11c: {  	[tilespmem:s10+$0x167D0] =	vst v2;
	v0 =	vmul.f32 v0, v63  }
0x11d: {  	[tilespmem:s10+$0x167E0] =	vst v1  }
0x11e: {  	[tilespmem:s10+$0x167F0] =	vst v0  }
0x11f: {  	_ =	swait.ge [sflag:s9], $0x80  }
0x120: {  	[sflag:s9] =	ssyncset.done $0x0  }
0x121: {  	s21 =	simm.s32 $0xC;
	[sflag:s9] =	ssyncadd.s32 $0xFFFFFF80  }
0x122: {  	_ =	swait.ge [sflag:s21], $0x1400  }
0x123: {  	[sflag:s21] =	ssyncset.done $0x0  }
0x124: {  	[sflag:s21] =	ssyncadd.s32 $0xFFFFEC00  }
0x125: {  	[spmem:s2] =	stream.indirect.scatter.add.f32 [tilespmem:s23], [sflag:$0xA], $0x80, s25, s22, $0xb8;
	[tilespmem:$0x1E100] =	vst v63  }
0x126: {  	_ =	swait.ge [sflag:s15], $0x1400  }
0x127: {  	[sflag:s15] =	ssyncset.done $0x0  }
0x128: {  	[sflag:s15] =	ssyncadd.s32 $0xFFFFEC00  }
0x129: {  	[bflag:$0x0] =	sbarrier.arrive $0xFFFF  }
0x12a: {  	s20 =	rddreg [dreg:$0x4]  }
0x12b: {  	s24 =	rddreg [dreg:$0xc]  }
0x12c: {  	s21 =	simm.s32 $0xD;
	s12 =	rddreg [dreg:$0xe]  }
0x12d: {  	[hbm:s24], [sflag:s20] =	dma.local [spmem:s12], $0x2800  }
0x12e: {  	_ =	swait.ge [sflag:s21], $0x2800  }
0x12f: {  	s24 =	rddreg [dreg:$0xf]  }
0x130: {  	s28 =	rddreg [dreg:$0xd];
	s24 =	sadd.s32 $0x1, s24  }
0x131: {  	p0 =	sne.s32 s24, s28  }
.Ltmp6:
0x132: {  	_ = 	snop;
	(pc) =	sbr.rel @p0 .LBB2_1-.Ltmp6, $3  }
0x133: {  	_ =	sdelay $0x1  }
0x134: {  	[sflag:s21] =	ssyncset.done $0x0  }
0x135: {  	[sflag:s21] =	ssyncadd.s32 $0xFFFFD800;
	[dreg:$0xf] =	wrdreg s24  }
0x136: {  	_ =	sfence.sel $0x180000  }
0x137: {  	[bflag:$0x0] =	sbarrier.arrive $0xFFFF  }
0x138: {  	_ =	strace $0x9000004A  }
0x139: {  	s0 =	stileid.u32;
	[bflag:$0x2] =	sbarrier.arrive $0xFFFF  }
0x13a: {  	p0 =	sne.s32 s0, $0x0;
	s0 =	rddreg [dreg:$0x2]  }
0x13b: {  	s0 =	sadd.s32 @!p0 $0x100000, s0  }
0x13c: {  	[sflag:s0] =	ssyncadd.tile.s32 @!p0 $0x1;
	_ =	shalt  }
.Lfunc_end2:
_tile_overlayer_lowered:
.L_overlay_start_2:
0x13d: {  	(tag) =	ssettag $0x2  }
0x13e: {  	s0 =	rddreg [dreg:$0x0];
	s2 =	stileid.u32  }
0x13f: {  	s1 =	rddreg [dreg:$0x1];
	p0 =	sne.s32 s2, $0x0  }
0x140: {  	s3 =	rddreg [dreg:$0x2];
	[bflag:$0x3] =	sbarrier.arrive $0xFFFF;
	s2 =	simm.s32 @!p0 $0x1C0D  }
0x141: {  	[timem:s3], [sflag:s2] =	dma.local @!p0 [hbm:s0], s1  }
0x142: {  	s0 =	simm.s32 @!p0 $0xD  }
0x143: {  	_ =	swait.ge @!p0 [sflag:s0], s1  }
0x144: {  	s1 =	ssub.s32 @!p0 $0x0, s1;
	[sflag:s0] =	ssyncset.done @!p0 $0x0  }
0x145: {  	[sflag:s0] =	ssyncadd.s32 @!p0 s1  }
0x146: {  	[bflag:$0x3] =	sbarrier.arrive $0xFFFF  }
0x147: {  	_ =	shalt  }

// kernel: kernel.19.cloned.1.call-start
scs
__scs_entry_jumppad:
0x0: {  	(pc) =	sbr.rel $0x88, $3  }
0x1: {  	(tag) =	ssettag $0x0;
	lr =	simm.s32 $0x1  }
0x2: {  	[smem:$0x3F90] =	sst lr;
	_ =	strace $0xD0000000  }
0x3: {  	_ = 	snop  }
0x4: {  	_ = 	snop  }
0x5: {  	_ = 	snop  }
0x6: {  	_ = 	snop  }
0x7: {  	_ = 	snop  }
__scs_overlays_trampoline_lowered:
0x8: {  	[smem:$0x3F9F] =	sst s0  }
0x9: {  	[smem:$0x3FA0] =	sst s1  }
0xa: {  	[smem:$0x3FA1] =	sst s2  }
0xb: {  	[smem:$0x3FA2] =	sst s3  }
0xc: {  	[smem:$0x3FA3] =	sst s4  }
0xd: {  	[smem:$0x3FA4] =	sst s5  }
0xe: {  	[smem:$0x3FA5] =	sst s6  }
0xf: {  	[smem:$0x3FA6] =	sst s7  }
0x10: {  	[smem:$0x3FA7] =	sst s8  }
0x11: {  	[smem:$0x3FA8] =	sst s9;
	s0 =	simm.s32 @!p0 $0x0  }
0x12: {  	s1 =	sld [smem:$0x3F8E];
	s0 =	simm.s32 @p0 $0x1  }
0x13: {  	[smem:$0x3FA9] =	sst s0;
	s0 =	simm.s32 @!p1 $0x0  }
0x14: {  	s2 =	sld [smem:$0x3F8D];
	s0 =	simm.s32 @p1 $0x1  }
0x15: {  	[smem:$0x3FAA] =	sst s0;
	s0 =	simm.s32 @!p2 $0x0  }
0x16: {  	s3 =	sld [smem:$0x3FDB];
	s0 =	simm.s32 @p2 $0x1  }
0x17: {  	s4 =	simm.s32 $0x1BF5;
	[smem:$0x3FAC] =	sst s0  }
0x18: {  	s0 =	sld [smem:$0x3F8F];
	_ =	swait.ge [sflag:s4], $0x0  }
0x19: {  	s7 =	sld [smem:$0x3F90]  }
0x1a: {  	s8 =	sadd.s32 $0xFFFFE003, lr  }
0x1b: {  	s9 =	sadd.s32 $0xFFFFFEF7, lr;
	s5 =	simm.s32 $0xFFFFFFFF;
	p2 =	slt.u32 s8, $0xFFFFF086  }
0x1c: {  	p1 =	slt.u32 s9, $0xF7A;
	s5 =	simm.s32 @!p2 $0x0  }
0x1d: {  	s5 =	simm.s32 @p1 $0x1;
	p0 =	seq.s32 s7, s2  }
0x1e: {  	s7 =	smul.u32 @!p0 $0xF7A, s2;
	p2 =	seq.s32 @!p0 s5, $0x0  }
0x1f: {  	s9 =	smul.u32 $0xF7A, s1;
	s8 =	simm.s32 @!p0 $0x1BF5;
	p2 =	por !p2, p0  }
0x20: {  	[sflag:s8] =	ssyncset.s32 @!p0 $0xFFFFF086;
	s6 =	sadd.s32 @!p0 s3, s7;
	s7 =	simm.s32 @!p0 $0x108  }
0x21: {  	s3 =	sadd.s32 s3, s9;
	s6 =	sadd.s32 @!p0 $0x88, s6;
	s7 =	simm.s32 @p2 $0x1082  }
0x22: {  	[simem:s7], [sflag:s8] =	dma.local @!p0 [hbm:s6], $0xF7A  }
0x23: {  	s9 =	sor.u32 $0xD0000000, s2;
	s6 =	simm.s32 $0x108;
	_ =	swait.ge @!p0 [sflag:s8], $0x0  }
0x24: {  	s3 =	sadd.s32 $0x88, s3;
	s6 =	simm.s32 @!p1 $0x1082;
	[sflag:s4] =	ssyncset.s32 $0xFFFFF086  }
0x25: {  	[simem:s6], [sflag:s4] =	dma.local [hbm:s3], $0xF7A  }
0x26: {  	[smem:$0x3F90] =	sst s1;
	(tag) =	ssettag s2;
	_ =	strace s9  }
0x27: {  	s1 =	sld [smem:$0x3FA0]  }
0x28: {  	s2 =	sld [smem:$0x3FA1]  }
0x29: {  	s4 =	sld [smem:$0x3FA3]  }
0x2a: {  	p0 =	seq.s32 s5, $0x0;
	s5 =	sld [smem:$0x3FA4]  }
0x2b: {  	s6 =	sld [smem:$0x3FA5]  }
0x2c: {  	s7 =	sld [smem:$0x3FA6]  }
0x2d: {  	s3 =	simm.s32 $0x108;
	s8 =	sld [smem:$0x3FA7]  }
0x2e: {  	s3 =	simm.s32 @!p0 $0x1082;
	s9 =	sld [smem:$0x3FA8]  }
0x2f: {  	lr =	sadd.s32 s0, s3;
	s0 =	sld [smem:$0x3F9F]  }
0x30: {  	s3 =	sld [smem:$0x3FA2]  }
0x31: {  	[smem:$0x3FAB] =	sst s10  }
0x32: {  	s10 =	sld [smem:$0x3FA9];
	_ =	sdelay $0x3  }
0x33: {  	p0 =	seq.s32 s10, $0x1;
	s10 =	sld [smem:$0x3FAB];
	_ =	sdelay $0x3  }
0x34: {  	[smem:$0x3FAB] =	sst s10  }
0x35: {  	s10 =	sld [smem:$0x3FAA];
	_ =	sdelay $0x3  }
0x36: {  	p1 =	seq.s32 s10, $0x1;
	s10 =	sld [smem:$0x3FAB];
	_ =	sdelay $0x3  }
0x37: {  	[smem:$0x3FAB] =	sst s10  }
0x38: {  	s10 =	sld [smem:$0x3FAC]  }
0x39: {  	_ = 	snop;
	(pc) =	sbr.ind lr, $3  }
0x3a: {  	_ = 	snop  }
0x3b: {  	_ = 	snop  }
0x3c: {  	p2 =	seq.s32 s10, $0x1;
	s10 =	sld [smem:$0x3FAB]  }
0x3d: {  	_ =	shalt  }
0x3e: {  	_ =	shalt  }
0x3f: {  	_ =	shalt  }
0x40: {  	_ =	shalt  }
0x41: {  	_ =	shalt  }
0x42: {  	_ =	shalt  }
0x43: {  	_ =	shalt  }
0x44: {  	_ =	shalt  }
0x45: {  	_ =	shalt  }
0x46: {  	_ =	shalt  }
0x47: {  	_ =	shalt  }
0x48: {  	_ =	shalt  }
0x49: {  	_ =	shalt  }
0x4a: {  	_ =	shalt  }
0x4b: {  	_ =	shalt  }
0x4c: {  	_ =	shalt  }
0x4d: {  	_ =	shalt  }
0x4e: {  	_ =	shalt  }
0x4f: {  	_ =	shalt  }
0x50: {  	_ =	shalt  }
0x51: {  	_ =	shalt  }
0x52: {  	_ =	shalt  }
0x53: {  	_ =	shalt  }
0x54: {  	_ =	shalt  }
0x55: {  	_ =	shalt  }
0x56: {  	_ =	shalt  }
0x57: {  	_ =	shalt  }
0x58: {  	_ =	shalt  }
0x59: {  	_ =	shalt  }
0x5a: {  	_ =	shalt  }
0x5b: {  	_ =	shalt  }
0x5c: {  	_ =	shalt  }
0x5d: {  	_ =	shalt  }
0x5e: {  	_ =	shalt  }
0x5f: {  	_ =	shalt  }
0x60: {  	_ =	shalt  }
0x61: {  	_ =	shalt  }
0x62: {  	_ =	shalt  }
0x63: {  	_ =	shalt  }
0x64: {  	_ =	shalt  }
0x65: {  	_ =	shalt  }
0x66: {  	_ =	shalt  }
0x67: {  	_ =	shalt  }
0x68: {  	_ =	shalt  }
0x69: {  	_ =	shalt  }
0x6a: {  	_ =	shalt  }
0x6b: {  	_ =	shalt  }
0x6c: {  	_ =	shalt  }
0x6d: {  	_ =	shalt  }
0x6e: {  	_ =	shalt  }
0x6f: {  	_ =	shalt  }
0x70: {  	_ =	shalt  }
0x71: {  	_ =	shalt  }
0x72: {  	_ =	shalt  }
0x73: {  	_ =	shalt  }
0x74: {  	_ =	shalt  }
0x75: {  	_ =	shalt  }
0x76: {  	_ =	shalt  }
0x77: {  	_ =	shalt  }
0x78: {  	_ =	shalt  }
0x79: {  	_ =	shalt  }
0x7a: {  	_ =	shalt  }
0x7b: {  	_ =	shalt  }
0x7c: {  	_ =	shalt  }
0x7d: {  	_ =	shalt  }
0x7e: {  	_ =	shalt  }
0x7f: {  	_ =	shalt  }
0x80: {  	_ =	shalt  }
0x81: {  	_ =	shalt  }
0x82: {  	_ =	shalt  }
0x83: {  	_ =	shalt  }
0x84: {  	_ =	shalt  }
0x85: {  	_ =	shalt  }
0x86: {  	_ =	shalt  }
0x87: {  	_ =	shalt  }
.Lfunc_end0:
.L_simem_size_0:
called_computation.2_lowered:
.L_overlay_start_0:
0x88: {  	s2 =	sld [smem:$0x3FD9]  }
0x89: {  	s3 =	sld [smem:$0x3FFE];
	_ =	sdelay $0x1  }
0x8a: {  	s1 =	srdreg.scid  }
0x8b: {  	s0 =	sand.u32 $0x1, s1  }
0x8c: {  	s16 =	sshll.u32 s0, $0xA;
	s2 =	sadd.s32 s3, s2  }
0x8d: {  	s2 =	sadd.s32 s2, s16  }
0x8e: {  	[smem:$0x3FB7] =	sst s2  }
0x8f: {  	_ = 	snop  }
0x90: {  	(tm) =	ssettm $0x1  }
0x91: {  	s17 =	sld [smem:$0x3FFB];
	_ =	sdelay $0x3  }
0x92: {  	_ =	strace s17  }
0x93: {  	s2 =	sld [smem:$0x3FFC];
	_ =	sdelay $0x3  }
0x94: {  	_ =	strace s2  }
0x95: {  	s2 =	sld [smem:$0x3FFD];
	_ =	sdelay $0x3  }
0x96: {  	_ =	strace s2  }
0x97: {  	_ =	strace $0x8FFFFFFF  }
0x98: {  	s18 =	sld [smem:$0x3FDB];
	_ =	sdelay $0x1  }
0x99: {  	s19 =	simm.s32 $_scs_section_size  }
0x9a: {  	s4 =	simm.s32 $_size__tile_overlayer_lowered;
	s5 =	simm.s32 $_tile_overlayer_lowered  }
0x9b: {  	s22 =	simm.s32 $0x1BFF;
	s21 =	sshll.u32 s5, $0x1;
	s2 =	sadd.s32 s19, s18  }
0x9c: {  	s6 =	simm.s32 $0x0;
	s20 =	sshll.u32 s4, $0x1;
	s4 =	sadd.s32 s21, s2  }
0x9d: {  	[timem:s6], [sflag:s22] =	dma.local [hbm:s4], s20  }
0x9e: {  	_ =	swait.ge [sflag:s22], s20  }
0x9f: {  	s3 =	ssub.s32 $0x0, s20;
	[sflag:s22] =	ssyncset.done $0x0  }
0xa0: {  	[sflag:s22] =	ssyncadd.s32 s3;
	_ =	sdelay $0x1  }
0xa1: {  	s23 =	simm.s32 $0x1B8B  }
0xa2: {  	_ =	swait.ge [sflag:s23], $0x1  }
0xa3: {  	[sflag:s23] =	ssyncset.done $0x0  }
0xa4: {  	s25 =	simm.s32 $0x1B8E;
	s24 =	sld [smem:$0x3FFE];
	[sflag:s23] =	ssyncadd.s32 $0xFFFFFFFF  }
0xa5: {  	s26 =	simm.s32 $execute0_lowered;
	[smem:$0x3FD2] =	sst s25  }
0xa6: {  	s4 =	sshll.u32 s26, $0x1;
	_ =	strace $0x8000004C;
	[dreg:$0x1] =	wrdreg $0xFFFFFFFF  }
0xa7: {  	s28 =	simm.s32 $_size_execute0_lowered;
	s2 =	sadd.s32 s2, s4;
	[dreg:$0x0] =	wrdreg $0x0  }
0xa8: {  	s4 =	sshll.u32 s28, $0x1;
	[dreg:$0x2] =	wrdreg s2  }
0xa9: {  	[dreg:$0x3] =	wrdreg s4  }
0xaa: {  	[dreg:$0x4] =	wrdreg $0xC0  }
0xab: {  	_ =	task [dreg:s6], $0x5FFFF  }
0xac: {  	[dreg:$0x1] =	wrdreg $0xFFFFFFFF  }
0xad: {  	[dreg:$0x0] =	wrdreg $0x60  }
0xae: {  	[dreg:$0x2] =	wrdreg s24  }
0xaf: {  	[dreg:$0x3] =	wrdreg $0x27800  }
0xb0: {  	[dreg:$0x4] =	wrdreg $0x9  }
0xb1: {  	_ =	task.clear_ibuf [dreg:s6], $0x5FFFF;
	_ =	strace $0x9000004C  }
0xb2: {  	s29 =	simm.s32 $0x9;
	_ =	strace $0x8000004E  }
0xb3: {  	_ =	swait.ge [sflag:s29], $0x1  }
0xb4: {  	[sflag:s29] =	ssyncadd.s32 $0xFFFFFFFF  }
0xb5: {  	_ =	strace $0x9000004E  }
0xb6: {  	_ =	sfence  }
0xb7: {  	s30 =	sld [smem:$0x0];
	_ =	sdelay $0x2  }
0xb8: {  	s31 =	sshll.u32 s1, $0xD;
	s1 =	sshrl.u32 s1, $0x2  }
0xb9: {  	s3 =	sand.u32 $0x4000, s31;
	s1 =	sadd.s32 s1, s30  }
0xba: {  	s0 =	sor.u32 s3, s0;
	s1 =	sshll.u32 s1, $0x11  }
0xbb: {  	s0 =	sor.u32 s1, s0  }
0xbc: {  	s0 =	sadd.s32 $0x8F2B, s0  }
0xbd: {  	[sflag:s0] =	ssyncadd.remote.s32 $0x1  }
0xbe: {  	_ =	sfence.sel $0xFFFF  }
0xbf: {  	[dreg:$0x0] =	wrdreg $0xFFFFFFFF;
	(pc) =	sbr.abs _section_cstart, $3  }
0xc0: {  	[dreg:$0x1] =	wrdreg $0xFFFFFFFF  }
0xc1: {  	_ =	task.clear_ibuf [dreg:s6], $0x2FFFF;
	_ =	strace $0x9FFFFFFF  }
0xc2: {  	(tm) =	ssettm $0x7FFFFFFF  }
0xc3: {  	_ =	shalt  }
tec
execute0_lowered:
.L_overlay_start_1:
0x0: {  	(tag) =	ssettag $0x1  }
0x1: {  	s0 =	rddreg [dreg:$0x0]  }
0x2: {  	s2 =	rddreg [dreg:$0x1];
	s1 =	srdreg.scid  }
0x3: {  	s14 =	stileid.u32;
	s3 =	simm.s32 $0x0;
	s29 =	simm.s32 $0x1E000  }
0x4: {  	s31 =	simm.s32 $0x18F80;
	s30 =	simm.s32 $0x1;
	s1 =	sand.u32 $0x1, s1  }
0x5: {  	s4 =	sshll.u32 s14, $0x1;
	[smem:$0x7FF] =	sst s3;
	s5 =	sadd.s32 $0x529400, s0  }
0x6: {  	s8 =	smul.u32 $0x14000, s14;
	s6 =	sadd.s32 $0xAD4800, s0;
	s7 =	sadd.s32 $0x25800, s0  }
0x7: {  	s13 =	smul.u32 $0x50000, s14;
	s16 =	sshll.u32 s14, $0x6;
	s14 =	simm.s32 $0x8  }
0x8: {  	s9 =	sor.u32 s1, s4;
	_ =	strace $0x8000004D;
	s11 =	smul.u32 $0x140000, s1  }
0x9: {  	s1 =	ssub.s32 $0x2, s1;
	s20 =	sor.u32 $0x1C0D, s16;
	s16 =	simm.s32 $0x3  }
0xa: {  	s4 =	smul.u32 $0x2710, s9;
	s12 =	sshrl.u32 s8, $0x3;
	s28 =	sshrl.u32 s1, $0x1  }
0xb: {  	s15 =	sshrl.u32 s13, $0x2;
	s17 =	smul.u32 $0x138800, s9;
	s13 =	simm.s32 $0x5  }
0xc: {  	[dreg:$0x4] =	wrdreg s20;
	s12 =	sadd.s32 s12, s0;
	s8 =	sadd.s32 s8, s11  }
0xd: {  	s1 =	ssub.s32 s1, s28;
	s11 =	sadd.s32 s15, s2;
	s15 =	simm.s32 $0xA  }
0xe: {  	s28 =	simm.s32 $0x0;
	s10 =	sshrl.u32 s4, $0x3;
	s8 =	sshrl.u32 s8, $0x3  }
0xf: {  	s12 =	sadd.s32 $0xA5C800, s12;
	s19 =	sshrl.u32 s17, $0x3;
	s26 =	smax.u32 s1, $0x1  }
0x10: {  	s1 =	simm.s32 $0x1E080;
	s17 =	simm.s32 $0x6;
	[dreg:$0xf] =	wrdreg s28  }
0x11: {  	s10 =	sadd.s32 s10, s0;
	s0 =	sadd.s32 s8, s0;
	s8 =	smul.u32 $0x7D00, s9  }
0x12: {  	[dreg:$0x3] =	wrdreg s12;
	s9 =	smul.u32 $0x27100, s9;
	s21 =	sadd.s32 s6, s19  }
0x13: {  	[dreg:$0xd] =	wrdreg s26;
	s26 =	simm.s32 $0x17B80;
	s10 =	sadd.s32 $0x10A00, s10  }
0x14: {  	s19 =	simm.s32 $0xB;
	s22 =	sadd.s32 $0x280, s21;
	[dreg:$0x5] =	wrdreg s10  }
0x15: {  	s24 =	sadd.s32 $0x500, s21;
	s0 =	sadd.s32 $0xA84800, s0;
	[dreg:$0x8] =	wrdreg s22  }
0x16: {  	s21 =	simm.s32 $0xD;
	s18 =	sshrl.u32 s8, $0x3;
	[dreg:$0xa] =	wrdreg s24  }
0x17: {  	s9 =	sadd.s32 s6, s9;
	[dreg:$0xc] =	wrdreg s0;
	s22 =	simm.s32 $0x28  }
0x18: {  	s0 =	simm.s32 $0x4;
	s12 =	sadd.s32 s7, s18;
	[dreg:$0x7] =	wrdreg s9  }
0x19: {  	s9 =	simm.s32 $0x7;
	s23 =	sadd.s32 $0x10, s12;
	[dreg:$0x6] =	wrdreg s12  }
0x1a: {  	s18 =	simm.s32 $0x9;
	s25 =	sadd.s32 $0x20, s12;
	[dreg:$0x9] =	wrdreg s23  }
0x1b: {  	s12 =	sshrl.u32 s11, $0x3;
	s11 =	simm.s32 $0x2;
	[dreg:$0xb] =	wrdreg s25  }
0x1c: {  	s23 =	simm.s32 $0x16780;
	s25 =	simm.s32 $0x1DF80;
	[dreg:$0xe] =	wrdreg s12  }
.LBB2_1:
0x1d: {  	s10 =	rddreg [dreg:$0x3]  }
0x1e: {  	[spmem:s12], [sflag:s20] =	dma.local [hbm:s10], $0x2800  }
0x1f: {  	_ =	swait.ge [sflag:s21], $0x2800  }
0x20: {  	[sflag:s21] =	ssyncset.done $0x0  }
0x21: {  	s28 =	rddreg [dreg:$0x5];
	[sflag:s21] =	ssyncadd.s32 $0xFFFFD800  }
0x22: {  	[tilespmem:s3], [sflag:$0xD] =	stream.linear.gather [hbm4b:s28+s3], $0x2710, $0x38;
	[tilespmem:$0x1E100] =	vst v63  }
0x23: {  	_ =	swait.ge [sflag:s21], $0x2710  }
0x24: {  	[sflag:s21] =	ssyncset.done $0x0  }
0x25: {  	[sflag:s21] =	ssyncadd.s32 $0xFFFFD8F0  }
0x26: {  	[bflag:$0x0] =	sbarrier.arrive $0xFFFF  }
0x27: {  	[tilespmem:s23], [sflag:$0x1] =	stream.indirect.gather [hbm4b:s5+s22], $0x80, s3, s22, $0xb8;
	[tilespmem:$0x1E100] =	vst v63  }
0x28: {  	s20 =	simm.s32 $0x1A380;
	s12 =	rddreg [dreg:$0x7]  }
0x29: {  	[tilespmem:s20], [sflag:$0x4] =	stream.linear.gather [hbm4b:s12+s3], $0x1400, $0x38;
	[tilespmem:$0x1E100] =	vst v63  }
0x2a: {  	s21 =	rddreg [dreg:$0x6]  }
0x2b: {  	[tilespmem:s25], [sflag:$0x7] =	stream.linear.gather [hbm4b:s21+s3], $0x80, $0x38;
	[tilespmem:$0x1E100] =	vst v63  }
0x2c: {  	_ = 	snop  }
0x2d: {  	[tilespmem:s26], [sflag:$0x2] =	stream.indirect.gather [hbm4b:s5+s22], $0x80, s22, s22, $0xb8;
	[tilespmem:$0x1E100] =	vst v63  }
0x2e: {  	s28 =	simm.s32 $0x1B780;
	s24 =	rddreg [dreg:$0x8]  }
0x2f: {  	[tilespmem:s28], [sflag:$0x5] =	stream.linear.gather [hbm4b:s24+s3], $0x1400, $0x38;
	[tilespmem:$0x1E100] =	vst v63  }
0x30: {  	s12 =	rddreg [dreg:$0x9]  }
0x31: {  	[tilespmem:s29], [sflag:$0x8] =	stream.linear.gather [hbm4b:s12+s3], $0x80, $0x38;
	[tilespmem:$0x1E100] =	vst v63  }
0x32: {  	s20 =	simm.s32 $0x50  }
0x33: {  	[tilespmem:s31], [sflag:$0x3] =	stream.indirect.gather [hbm4b:s5+s22], $0x80, s20, s22, $0xb8;
	[tilespmem:$0x1E100] =	vst v63  }
0x34: {  	s21 =	rddreg [dreg:$0xa];
	s24 =	simm.s32 $0x1CB80  }
0x35: {  	[tilespmem:s24], [sflag:$0x6] =	stream.linear.gather [hbm4b:s21+s3], $0x1400, $0x38;
	[tilespmem:$0x1E100] =	vst v63  }
0x36: {  	s10 =	simm.s32 $0x0;
	s28 =	rddreg [dreg:$0xb]  }
0x37: {  	[tilespmem:s1], [sflag:$0x9] =	stream.linear.gather [hbm4b:s28+s3], $0x80, $0x38;
	[tilespmem:$0x1E100] =	vst v63  }
.LBB2_2:
0x38: {  	_ =	swait.ge [sflag:s30], $0x1400  }
0x39: {  	[sflag:s30] =	ssyncset.done $0x0  }
0x3a: {  	[sflag:s30] =	ssyncadd.s32 $0xFFFFEC00  }
0x3b: {  	_ =	swait.ge [sflag:s0], $0x1400  }
0x3c: {  	[sflag:s0] =	ssyncset.done $0x0  }
0x3d: {  	s20 =	simm.s32 $0x0;
	[sflag:s0] =	ssyncadd.s32 $0xFFFFEC00  }
0x3e: {  	v7 =	vld [tilespmem:s20+$0x1A380]  }
0x3f: {  	v11 =	vld [tilespmem:s20+$0x1A390]  }
0x40: {  	v5 =	vld [tilespmem:s20+$0x1A3A0]  }
0x41: {  	v4 =	vld [tilespmem:s20+$0x1A3B0]  }
0x42: {  	v3 =	vld [tilespmem:s20+$0x1A3C0]  }
0x43: {  	v2 =	vld [tilespmem:s20+$0x1A3D0]  }
0x44: {  	v1 =	vld [tilespmem:s20+$0x1A3E0]  }
0x45: {  	v0 =	vld [tilespmem:s20+$0x1A3F0]  }
0x46: {  	v12 =	vld [tilespmem:s20+$0x16780]  }
0x47: {  	v13 =	vld [tilespmem:s20+$0x16790]  }
0x48: {  	v10 =	vld [tilespmem:s20+$0x167A0]  }
0x49: {  	v9 =	vld [tilespmem:s20+$0x167B0]  }
0x4a: {  	v8 =	vld [tilespmem:s20+$0x167C0]  }
0x4b: {  	v6 =	vld [tilespmem:s20+$0x167D0];
	v12 =	vmul.f32 v7, v12  }
0x4c: {  	s21 =	simm.s32 $0x200;
	v11 =	vmul.f32 v11, v13;
	v7 =	vld [tilespmem:s20+$0x167E0]  }
.LBB2_3:
0x4d: {  	s12 =	sshra.s32 s21, $0x2;
	p0 =	sne.s32 s21, $0x4E00;
	[tilespmem:s20+$0x16780] =	vst v12;
	v5 =	vmul.f32 v5, v10;
	v10 =	vld [tilespmem:s20+$0x167F0]  }
0x4e: {  	v12 =	vld [tilespmem:s12+$0x1A380];
	[tilespmem:s20+$0x16790] =	vst v11;
	v4 =	vmul.f32 v4, v9  }
0x4f: {  	v11 =	vld [tilespmem:s12+$0x1A390];
	[tilespmem:s20+$0x167A0] =	vst v5;
	v3 =	vmul.f32 v3, v8  }
0x50: {  	v5 =	vld [tilespmem:s12+$0x1A3A0];
	[tilespmem:s20+$0x167B0] =	vst v4;
	v2 =	vmul.f32 v2, v6  }
0x51: {  	v4 =	vld [tilespmem:s12+$0x1A3B0];
	[tilespmem:s20+$0x167C0] =	vst v3;
	v1 =	vmul.f32 v1, v7  }
0x52: {  	v3 =	vld [tilespmem:s12+$0x1A3C0];
	[tilespmem:s20+$0x167D0] =	vst v2;
	v0 =	vmul.f32 v0, v10  }
0x53: {  	v2 =	vld [tilespmem:s12+$0x1A3D0];
	[tilespmem:s20+$0x167E0] =	vst v1  }
0x54: {  	v1 =	vld [tilespmem:s12+$0x1A3E0];
	[tilespmem:s20+$0x167F0] =	vst v0;
	s20 =	smov.u32 s12  }
0x55: {  	v0 =	vld [tilespmem:s20+$0x1A3F0]  }
0x56: {  	v6 =	vld [tilespmem:s20+$0x16780]  }
0x57: {  	v7 =	vld [tilespmem:s20+$0x16790]  }
.Ltmp0:
0x58: {  	v10 =	vld [tilespmem:s20+$0x167A0];
	(pc) =	sbr.rel @p0 .LBB2_3-.Ltmp0, $4  }
0x59: {  	v9 =	vld [tilespmem:s20+$0x167B0]  }
0x5a: {  	v8 =	vld [tilespmem:s20+$0x167C0]  }
0x5b: {  	v12 =	vmul.f32 v12, v6;
	v6 =	vld [tilespmem:s20+$0x167D0]  }
0x5c: {  	s21 =	sadd.s32 $0x200, s21;
	v11 =	vmul.f32 v11, v7;
	v7 =	vld [tilespmem:s20+$0x167E0]  }
0x5d: {  	[tilespmem:s20+$0x16780] =	vst v12;
	v5 =	vmul.f32 v5, v10;
	v10 =	vld [tilespmem:s20+$0x167F0]  }
0x5e: {  	[tilespmem:s20+$0x16790] =	vst v11;
	v4 =	vmul.f32 v4, v9  }
0x5f: {  	[tilespmem:s20+$0x167A0] =	vst v5;
	v3 =	vmul.f32 v3, v8  }
0x60: {  	[tilespmem:s20+$0x167B0] =	vst v4;
	v2 =	vmul.f32 v2, v6  }
0x61: {  	[tilespmem:s20+$0x167C0] =	vst v3;
	v1 =	vmul.f32 v1, v7  }
0x62: {  	[tilespmem:s20+$0x167D0] =	vst v2;
	v0 =	vmul.f32 v0, v10  }
0x63: {  	[tilespmem:s20+$0x167E0] =	vst v1  }
0x64: {  	[tilespmem:s20+$0x167F0] =	vst v0  }
0x65: {  	p0 =	seq.s32 s10, $0x0;
	_ =	swait.ge [sflag:s9], $0x80  }
0x66: {  	s12 =	simm.s32 @p0 $0x28;
	[sflag:s9] =	ssyncset.done $0x0  }
0x67: {  	s21 =	simm.s32 @p0 $0x16780;
	s20 =	simm.s32 @p0 $0x1DF80;
	[sflag:s9] =	ssyncadd.s32 $0xFFFFFF80  }
0x68: {  	[spmem:s2] =	stream.indirect.scatter.add.f32 @p0 [tilespmem:s21], [sflag:$0xA], $0x80, s20, s12, $0xb8;
	[tilespmem:$0x1E100] =	vst v63  }
0x69: {  	s12 =	simm.s32 @!p0 $0xC  }
0x6a: {  	_ =	swait.ge @!p0 [sflag:s12], $0x1400  }
0x6b: {  	s28 =	simm.s32 @!p0 $0x16780;
	s20 =	smul.u32 $0x3, s10;
	[sflag:s12] =	ssyncset.done @!p0 $0x0  }
0x6c: {  	s21 =	simm.s32 @!p0 $0x1DF80;
	[sflag:s12] =	ssyncadd.s32 @!p0 $0xFFFFEC00;
	s12 =	simm.s32 @!p0 $0x28  }
0x6d: {  	[spmem:s2] =	stream.indirect.scatter.add.f32 @!p0 [tilespmem:s28], [sflag:$0xA], $0x80, s21, s12, $0xb8;
	[tilespmem:$0x1E100] =	vst v63  }
0x6e: {  	s21 =	sadd.s32 @!p0 $0x2, s20  }
0x6f: {  	s28 =	smul.u32 @!p0 $0x28, s21  }
0x70: {  	s24 =	simm.s32 @!p0 $0x18F80  }
0x71: {  	[tilespmem:s24], [sflag:$0x3] =	stream.indirect.gather @!p0 [hbm4b:s5+s12], $0x80, s28, s12, $0xb8;
	[tilespmem:$0x1E100] =	vst v63  }
0x72: {  	s12 =	sadd.s32 @!p0 s4, s28  }
0x73: {  	s12 =	sshll.u32 @!p0 s12, $0x4  }
0x74: {  	s24 =	simm.s32 @!p0 $0x0;
	s28 =	simm.s32 @!p0 $0x1CB80;
	s12 =	sadd.s32 @!p0 s6, s12  }
0x75: {  	[tilespmem:s28], [sflag:$0x6] =	stream.linear.gather @!p0 [hbm4b:s12+s24], $0x1400, $0x38;
	[tilespmem:$0x1E100] =	vst v63  }
0x76: {  	s12 =	sshll.u32 @!p0 s21, $0x7  }
0x77: {  	s12 =	sadd.s32 @!p0 s8, s12  }
0x78: {  	s12 =	sshrl.u32 @!p0 s12, $0x3  }
0x79: {  	s21 =	simm.s32 @!p0 $0x1E080;
	s12 =	sadd.s32 @!p0 s7, s12  }
0x7a: {  	[tilespmem:s21], [sflag:$0x9] =	stream.linear.gather @!p0 [hbm4b:s12+s24], $0x80, $0x38;
	[tilespmem:$0x1E100] =	vst v63  }
0x7b: {  	_ =	swait.ge [sflag:s11], $0x1400  }
0x7c: {  	[sflag:s11] =	ssyncset.done $0x0  }
0x7d: {  	[sflag:s11] =	ssyncadd.s32 $0xFFFFEC00  }
0x7e: {  	_ =	swait.ge [sflag:s13], $0x1400  }
0x7f: {  	[sflag:s13] =	ssyncset.done $0x0  }
0x80: {  	s21 =	simm.s32 $0x0;
	[sflag:s13] =	ssyncadd.s32 $0xFFFFEC00  }
0x81: {  	v7 =	vld [tilespmem:s21+$0x1B780]  }
0x82: {  	v11 =	vld [tilespmem:s21+$0x1B790]  }
0x83: {  	v5 =	vld [tilespmem:s21+$0x1B7A0]  }
0x84: {  	v4 =	vld [tilespmem:s21+$0x1B7B0]  }
0x85: {  	v3 =	vld [tilespmem:s21+$0x1B7C0]  }
0x86: {  	v2 =	vld [tilespmem:s21+$0x1B7D0]  }
0x87: {  	v1 =	vld [tilespmem:s21+$0x1B7E0]  }
0x88: {  	v0 =	vld [tilespmem:s21+$0x1B7F0]  }
0x89: {  	v12 =	vld [tilespmem:s21+$0x17B80]  }
0x8a: {  	v13 =	vld [tilespmem:s21+$0x17B90]  }
0x8b: {  	v10 =	vld [tilespmem:s21+$0x17BA0]  }
0x8c: {  	v9 =	vld [tilespmem:s21+$0x17BB0]  }
0x8d: {  	v8 =	vld [tilespmem:s21+$0x17BC0]  }
0x8e: {  	v6 =	vld [tilespmem:s21+$0x17BD0];
	v12 =	vmul.f32 v7, v12  }
0x8f: {  	s12 =	simm.s32 $0x200;
	v11 =	vmul.f32 v11, v13;
	v7 =	vld [tilespmem:s21+$0x17BE0]  }
.LBB2_5:
0x90: {  	s24 =	sshra.s32 s12, $0x2;
	p0 =	sne.s32 s12, $0x4E00;
	[tilespmem:s21+$0x17B80] =	vst v12;
	v5 =	vmul.f32 v5, v10;
	v10 =	vld [tilespmem:s21+$0x17BF0]  }
0x91: {  	v12 =	vld [tilespmem:s24+$0x1B780];
	[tilespmem:s21+$0x17B90] =	vst v11;
	v4 =	vmul.f32 v4, v9  }
0x92: {  	v11 =	vld [tilespmem:s24+$0x1B790];
	[tilespmem:s21+$0x17BA0] =	vst v5;
	v3 =	vmul.f32 v3, v8  }
0x93: {  	v5 =	vld [tilespmem:s24+$0x1B7A0];
	[tilespmem:s21+$0x17BB0] =	vst v4;
	v2 =	vmul.f32 v2, v6  }
0x94: {  	v4 =	vld [tilespmem:s24+$0x1B7B0];
	[tilespmem:s21+$0x17BC0] =	vst v3;
	v1 =	vmul.f32 v1, v7  }
0x95: {  	v3 =	vld [tilespmem:s24+$0x1B7C0];
	[tilespmem:s21+$0x17BD0] =	vst v2;
	v0 =	vmul.f32 v0, v10  }
0x96: {  	v2 =	vld [tilespmem:s24+$0x1B7D0];
	[tilespmem:s21+$0x17BE0] =	vst v1  }
0x97: {  	v1 =	vld [tilespmem:s24+$0x1B7E0];
	[tilespmem:s21+$0x17BF0] =	vst v0;
	s21 =	smov.u32 s24  }
0x98: {  	v0 =	vld [tilespmem:s21+$0x1B7F0]  }
0x99: {  	v6 =	vld [tilespmem:s21+$0x17B80]  }
0x9a: {  	v7 =	vld [tilespmem:s21+$0x17B90]  }
.Ltmp1:
0x9b: {  	v10 =	vld [tilespmem:s21+$0x17BA0];
	(pc) =	sbr.rel @p0 .LBB2_5-.Ltmp1, $4  }
0x9c: {  	v9 =	vld [tilespmem:s21+$0x17BB0]  }
0x9d: {  	v8 =	vld [tilespmem:s21+$0x17BC0]  }
0x9e: {  	v12 =	vmul.f32 v12, v6;
	v6 =	vld [tilespmem:s21+$0x17BD0]  }
0x9f: {  	s12 =	sadd.s32 $0x200, s12;
	v11 =	vmul.f32 v11, v7;
	v7 =	vld [tilespmem:s21+$0x17BE0]  }
0xa0: {  	[tilespmem:s21+$0x17B80] =	vst v12;
	v5 =	vmul.f32 v5, v10;
	v10 =	vld [tilespmem:s21+$0x17BF0]  }
0xa1: {  	[tilespmem:s21+$0x17B90] =	vst v11;
	v4 =	vmul.f32 v4, v9  }
0xa2: {  	[tilespmem:s21+$0x17BA0] =	vst v5;
	v3 =	vmul.f32 v3, v8  }
0xa3: {  	[tilespmem:s21+$0x17BB0] =	vst v4;
	v2 =	vmul.f32 v2, v6  }
0xa4: {  	[tilespmem:s21+$0x17BC0] =	vst v3;
	v1 =	vmul.f32 v1, v7  }
0xa5: {  	[tilespmem:s21+$0x17BD0] =	vst v2;
	v0 =	vmul.f32 v0, v10  }
0xa6: {  	[tilespmem:s21+$0x17BE0] =	vst v1  }
0xa7: {  	[tilespmem:s21+$0x17BF0] =	vst v0  }
0xa8: {  	_ =	swait.ge [sflag:s14], $0x80  }
0xa9: {  	[sflag:s14] =	ssyncset.done $0x0  }
0xaa: {  	s12 =	sadd.s32 $0x3, s20;
	[sflag:s14] =	ssyncadd.s32 $0xFFFFFF80  }
0xab: {  	s28 =	smul.u32 $0x28, s12;
	_ =	swait.ge [sflag:s15], $0x1400  }
0xac: {  	[sflag:s15] =	ssyncset.done $0x0  }
0xad: {  	s12 =	sshll.u32 s12, $0x7;
	s21 =	sadd.s32 s4, s28;
	[sflag:s15] =	ssyncadd.s32 $0xFFFFEC00  }
0xae: {  	[spmem:s2] =	stream.indirect.scatter.add.f32 [tilespmem:s26], [sflag:$0xB], $0x80, s29, s22, $0xb8;
	[tilespmem:$0x1E100] =	vst v63  }
0xaf: {  	s24 =	simm.s32 $0x0;
	s12 =	sadd.s32 s8, s12;
	s21 =	sshll.u32 s21, $0x4  }
0xb0: {  	[tilespmem:s23], [sflag:$0x1] =	stream.indirect.gather [hbm4b:s5+s22], $0x80, s28, s22, $0xb8;
	[tilespmem:$0x1E100] =	vst v63  }
0xb1: {  	s12 =	sshrl.u32 s12, $0x3;
	s21 =	sadd.s32 s6, s21;
	s28 =	simm.s32 $0x1A380  }
0xb2: {  	[tilespmem:s28], [sflag:$0x4] =	stream.linear.gather [hbm4b:s21+s24], $0x1400, $0x38;
	[tilespmem:$0x1E100] =	vst v63  }
0xb3: {  	s12 =	sadd.s32 s7, s12  }
0xb4: {  	[tilespmem:s25], [sflag:$0x7] =	stream.linear.gather [hbm4b:s12+s24], $0x80, $0x38;
	[tilespmem:$0x1E100] =	vst v63  }
0xb5: {  	_ =	swait.ge [sflag:s16], $0x1400  }
0xb6: {  	[sflag:s16] =	ssyncset.done $0x0  }
0xb7: {  	[sflag:s16] =	ssyncadd.s32 $0xFFFFEC00  }
0xb8: {  	_ =	swait.ge [sflag:s17], $0x1400  }
0xb9: {  	[sflag:s17] =	ssyncset.done $0x0  }
0xba: {  	s21 =	simm.s32 $0x0;
	[sflag:s17] =	ssyncadd.s32 $0xFFFFEC00  }
0xbb: {  	v7 =	vld [tilespmem:s21+$0x1CB80]  }
0xbc: {  	v11 =	vld [tilespmem:s21+$0x1CB90]  }
0xbd: {  	v5 =	vld [tilespmem:s21+$0x1CBA0]  }
0xbe: {  	v4 =	vld [tilespmem:s21+$0x1CBB0]  }
0xbf: {  	v3 =	vld [tilespmem:s21+$0x1CBC0]  }
0xc0: {  	v2 =	vld [tilespmem:s21+$0x1CBD0]  }
0xc1: {  	v1 =	vld [tilespmem:s21+$0x1CBE0]  }
0xc2: {  	v0 =	vld [tilespmem:s21+$0x1CBF0]  }
0xc3: {  	v12 =	vld [tilespmem:s21+$0x18F80]  }
0xc4: {  	v13 =	vld [tilespmem:s21+$0x18F90]  }
0xc5: {  	v10 =	vld [tilespmem:s21+$0x18FA0]  }
0xc6: {  	v9 =	vld [tilespmem:s21+$0x18FB0]  }
0xc7: {  	v8 =	vld [tilespmem:s21+$0x18FC0]  }
0xc8: {  	v6 =	vld [tilespmem:s21+$0x18FD0];
	v12 =	vmul.f32 v7, v12  }
0xc9: {  	s12 =	simm.s32 $0x200;
	v11 =	vmul.f32 v11, v13;
	v7 =	vld [tilespmem:s21+$0x18FE0]  }
.LBB2_7:
0xca: {  	s24 =	sshra.s32 s12, $0x2;
	p0 =	sne.s32 s12, $0x4E00;
	[tilespmem:s21+$0x18F80] =	vst v12;
	v5 =	vmul.f32 v5, v10;
	v10 =	vld [tilespmem:s21+$0x18FF0]  }
0xcb: {  	v12 =	vld [tilespmem:s24+$0x1CB80];
	[tilespmem:s21+$0x18F90] =	vst v11;
	v4 =	vmul.f32 v4, v9  }
0xcc: {  	v11 =	vld [tilespmem:s24+$0x1CB90];
	[tilespmem:s21+$0x18FA0] =	vst v5;
	v3 =	vmul.f32 v3, v8  }
0xcd: {  	v5 =	vld [tilespmem:s24+$0x1CBA0];
	[tilespmem:s21+$0x18FB0] =	vst v4;
	v2 =	vmul.f32 v2, v6  }
0xce: {  	v4 =	vld [tilespmem:s24+$0x1CBB0];
	[tilespmem:s21+$0x18FC0] =	vst v3;
	v1 =	vmul.f32 v1, v7  }
0xcf: {  	v3 =	vld [tilespmem:s24+$0x1CBC0];
	[tilespmem:s21+$0x18FD0] =	vst v2;
	v0 =	vmul.f32 v0, v10  }
0xd0: {  	v2 =	vld [tilespmem:s24+$0x1CBD0];
	[tilespmem:s21+$0x18FE0] =	vst v1  }
0xd1: {  	v1 =	vld [tilespmem:s24+$0x1CBE0];
	[tilespmem:s21+$0x18FF0] =	vst v0;
	s21 =	smov.u32 s24  }
0xd2: {  	v0 =	vld [tilespmem:s21+$0x1CBF0]  }
0xd3: {  	v6 =	vld [tilespmem:s21+$0x18F80]  }
0xd4: {  	v7 =	vld [tilespmem:s21+$0x18F90]  }
.Ltmp2:
0xd5: {  	v10 =	vld [tilespmem:s21+$0x18FA0];
	(pc) =	sbr.rel @p0 .LBB2_7-.Ltmp2, $4  }
0xd6: {  	v9 =	vld [tilespmem:s21+$0x18FB0]  }
0xd7: {  	v8 =	vld [tilespmem:s21+$0x18FC0]  }
0xd8: {  	v12 =	vmul.f32 v12, v6;
	v6 =	vld [tilespmem:s21+$0x18FD0]  }
0xd9: {  	s12 =	sadd.s32 $0x200, s12;
	v11 =	vmul.f32 v11, v7;
	v7 =	vld [tilespmem:s21+$0x18FE0]  }
0xda: {  	[tilespmem:s21+$0x18F80] =	vst v12;
	v5 =	vmul.f32 v5, v10;
	v63 =	vld [tilespmem:s21+$0x18FF0]  }
0xdb: {  	[tilespmem:s21+$0x18F90] =	vst v11;
	v4 =	vmul.f32 v4, v9  }
0xdc: {  	[tilespmem:s21+$0x18FA0] =	vst v5;
	v3 =	vmul.f32 v3, v8  }
0xdd: {  	[tilespmem:s21+$0x18FB0] =	vst v4;
	v2 =	vmul.f32 v2, v6  }
0xde: {  	[tilespmem:s21+$0x18FC0] =	vst v3;
	v1 =	vmul.f32 v1, v7  }
0xdf: {  	[tilespmem:s21+$0x18FD0] =	vst v2;
	v0 =	vmul.f32 v0, v63  }
0xe0: {  	[tilespmem:s21+$0x18FE0] =	vst v1  }
0xe1: {  	[tilespmem:s21+$0x18FF0] =	vst v0  }
0xe2: {  	_ =	swait.ge [sflag:s18], $0x80  }
0xe3: {  	p0 =	seq.s32 s10, $0x52;
	[sflag:s18] =	ssyncset.done $0x0  }
.Ltmp3:
0xe4: {  	[sflag:s18] =	ssyncadd.s32 $0xFFFFFF80;
	(pc) =	sbr.rel @p0 .LBB2_10-.Ltmp3, $4  }
0xe5: {  	_ =	swait.ge [sflag:s19], $0x1400  }
0xe6: {  	[sflag:s19] =	ssyncset.done $0x0  }
0xe7: {  	[sflag:s19] =	ssyncadd.s32 $0xFFFFEC00  }
0xe8: {  	[spmem:s2] =	stream.indirect.scatter.add.f32 [tilespmem:s31], [sflag:$0xC], $0x80, s1, s22, $0xb8;
	[tilespmem:$0x1E100] =	vst v63  }
0xe9: {  	s12 =	sadd.s32 $0x4, s20  }
0xea: {  	s20 =	smul.u32 $0x28, s12;
	_ =	sdelay $0x1  }
0xeb: {  	[tilespmem:s26], [sflag:$0x2] =	stream.indirect.gather [hbm4b:s5+s22], $0x80, s20, s22, $0xb8;
	[tilespmem:$0x1E100] =	vst v63  }
0xec: {  	s12 =	sshll.u32 s12, $0x7;
	s20 =	sadd.s32 s4, s20  }
.Ltmp4:
0xed: {  	s12 =	sadd.s32 s8, s12;
	s20 =	sshll.u32 s20, $0x4;
	(pc) =	sbr.rel .LBB2_2-.Ltmp4, $4  }
0xee: {  	s21 =	simm.s32 $0x1B780;
	s12 =	sshrl.u32 s12, $0x3;
	s20 =	sadd.s32 s6, s20  }
0xef: {  	[tilespmem:s21], [sflag:$0x5] =	stream.linear.gather [hbm4b:s20+s3], $0x1400, $0x38;
	[tilespmem:$0x1E100] =	vst v63  }
0xf0: {  	s10 =	sadd.s32 $0x1, s10;
	s12 =	sadd.s32 s7, s12  }
0xf1: {  	[tilespmem:s29], [sflag:$0x8] =	stream.linear.gather [hbm4b:s12+s3], $0x80, $0x38;
	[tilespmem:$0x1E100] =	vst v63  }
.LBB2_10:
0xf2: {  	_ =	swait.ge [sflag:s30], $0x1400  }
0xf3: {  	[sflag:s30] =	ssyncset.done $0x0  }
0xf4: {  	[sflag:s30] =	ssyncadd.s32 $0xFFFFEC00  }
0xf5: {  	_ =	swait.ge [sflag:s0], $0x1400  }
0xf6: {  	[sflag:s0] =	ssyncset.done $0x0  }
0xf7: {  	s10 =	simm.s32 $0x0;
	[sflag:s0] =	ssyncadd.s32 $0xFFFFEC00  }
0xf8: {  	v7 =	vld [tilespmem:s10+$0x1A380]  }
0xf9: {  	v11 =	vld [tilespmem:s10+$0x1A390]  }
0xfa: {  	v5 =	vld [tilespmem:s10+$0x1A3A0]  }
0xfb: {  	v4 =	vld [tilespmem:s10+$0x1A3B0]  }
0xfc: {  	v3 =	vld [tilespmem:s10+$0x1A3C0]  }
0xfd: {  	v2 =	vld [tilespmem:s10+$0x1A3D0]  }
0xfe: {  	v1 =	vld [tilespmem:s10+$0x1A3E0]  }
0xff: {  	v0 =	vld [tilespmem:s10+$0x1A3F0]  }
0x100: {  	v12 =	vld [tilespmem:s10+$0x16780]  }
0x101: {  	v13 =	vld [tilespmem:s10+$0x16790]  }
0x102: {  	v10 =	vld [tilespmem:s10+$0x167A0]  }
0x103: {  	v9 =	vld [tilespmem:s10+$0x167B0]  }
0x104: {  	v8 =	vld [tilespmem:s10+$0x167C0]  }
0x105: {  	v6 =	vld [tilespmem:s10+$0x167D0];
	v12 =	vmul.f32 v7, v12  }
0x106: {  	s12 =	simm.s32 $0x200;
	v11 =	vmul.f32 v11, v13;
	v7 =	vld [tilespmem:s10+$0x167E0]  }
.LBB2_11:
0x107: {  	s20 =	sshra.s32 s12, $0x2;
	p0 =	sne.s32 s12, $0x4E00;
	[tilespmem:s10+$0x16780] =	vst v12;
	v5 =	vmul.f32 v5, v10;
	v10 =	vld [tilespmem:s10+$0x167F0]  }
0x108: {  	v12 =	vld [tilespmem:s20+$0x1A380];
	[tilespmem:s10+$0x16790] =	vst v11;
	v4 =	vmul.f32 v4, v9  }
0x109: {  	v11 =	vld [tilespmem:s20+$0x1A390];
	[tilespmem:s10+$0x167A0] =	vst v5;
	v3 =	vmul.f32 v3, v8  }
0x10a: {  	v5 =	vld [tilespmem:s20+$0x1A3A0];
	[tilespmem:s10+$0x167B0] =	vst v4;
	v2 =	vmul.f32 v2, v6  }
0x10b: {  	v4 =	vld [tilespmem:s20+$0x1A3B0];
	[tilespmem:s10+$0x167C0] =	vst v3;
	v1 =	vmul.f32 v1, v7  }
0x10c: {  	v3 =	vld [tilespmem:s20+$0x1A3C0];
	[tilespmem:s10+$0x167D0] =	vst v2;
	v0 =	vmul.f32 v0, v10  }
0x10d: {  	v2 =	vld [tilespmem:s20+$0x1A3D0];
	[tilespmem:s10+$0x167E0] =	vst v1  }
0x10e: {  	v1 =	vld [tilespmem:s20+$0x1A3E0];
	[tilespmem:s10+$0x167F0] =	vst v0;
	s10 =	smov.u32 s20  }
0x10f: {  	v0 =	vld [tilespmem:s10+$0x1A3F0]  }
0x110: {  	v6 =	vld [tilespmem:s10+$0x16780]  }
0x111: {  	v7 =	vld [tilespmem:s10+$0x16790]  }
.Ltmp5:
0x112: {  	v10 =	vld [tilespmem:s10+$0x167A0];
	(pc) =	sbr.rel @p0 .LBB2_11-.Ltmp5, $4  }
0x113: {  	v9 =	vld [tilespmem:s10+$0x167B0]  }
0x114: {  	v8 =	vld [tilespmem:s10+$0x167C0]  }
0x115: {  	v12 =	vmul.f32 v12, v6;
	v6 =	vld [tilespmem:s10+$0x167D0]  }
0x116: {  	s12 =	sadd.s32 $0x200, s12;
	v11 =	vmul.f32 v11, v7;
	v7 =	vld [tilespmem:s10+$0x167E0]  }
0x117: {  	[tilespmem:s10+$0x16780] =	vst v12;
	v5 =	vmul.f32 v5, v10;
	v63 =	vld [tilespmem:s10+$0x167F0]  }
0x118: {  	[tilespmem:s10+$0x16790] =	vst v11;
	v4 =	vmul.f32 v4, v9  }
0x119: {  	[tilespmem:s10+$0x167A0] =	vst v5;
	v3 =	vmul.f32 v3, v8  }
0x11a: {  	[tilespmem:s10+$0x167B0] =	vst v4;
	v2 =	vmul.f32 v2, v6  }
0x11b: {  	[tilespmem:s10+$0x167C0] =	vst v3;
	v1 =	vmul.f32 v1, v7  }
0x11c: {  	[tilespmem:s10+$0x167D0] =	vst v2;
	v0 =	vmul.f32 v0, v63  }
0x11d: {  	[tilespmem:s10+$0x167E0] =	vst v1  }
0x11e: {  	[tilespmem:s10+$0x167F0] =	vst v0  }
0x11f: {  	_ =	swait.ge [sflag:s9], $0x80  }
0x120: {  	[sflag:s9] =	ssyncset.done $0x0  }
0x121: {  	s21 =	simm.s32 $0xC;
	[sflag:s9] =	ssyncadd.s32 $0xFFFFFF80  }
0x122: {  	_ =	swait.ge [sflag:s21], $0x1400  }
0x123: {  	[sflag:s21] =	ssyncset.done $0x0  }
0x124: {  	[sflag:s21] =	ssyncadd.s32 $0xFFFFEC00  }
0x125: {  	[spmem:s2] =	stream.indirect.scatter.add.f32 [tilespmem:s23], [sflag:$0xA], $0x80, s25, s22, $0xb8;
	[tilespmem:$0x1E100] =	vst v63  }
0x126: {  	_ =	swait.ge [sflag:s15], $0x1400  }
0x127: {  	[sflag:s15] =	ssyncset.done $0x0  }
0x128: {  	[sflag:s15] =	ssyncadd.s32 $0xFFFFEC00  }
0x129: {  	[bflag:$0x0] =	sbarrier.arrive $0xFFFF  }
0x12a: {  	s20 =	rddreg [dreg:$0x4]  }
0x12b: {  	s24 =	rddreg [dreg:$0xc]  }
0x12c: {  	s21 =	simm.s32 $0xD;
	s12 =	rddreg [dreg:$0xe]  }
0x12d: {  	[hbm:s24], [sflag:s20] =	dma.local [spmem:s12], $0x2800  }
0x12e: {  	_ =	swait.ge [sflag:s21], $0x2800  }
0x12f: {  	s24 =	rddreg [dreg:$0xf]  }
0x130: {  	s28 =	rddreg [dreg:$0xd];
	s24 =	sadd.s32 $0x1, s24  }
0x131: {  	p0 =	sne.s32 s24, s28  }
.Ltmp6:
0x132: {  	_ = 	snop;
	(pc) =	sbr.rel @p0 .LBB2_1-.Ltmp6, $3  }
0x133: {  	_ =	sdelay $0x1  }
0x134: {  	[sflag:s21] =	ssyncset.done $0x0  }
0x135: {  	[sflag:s21] =	ssyncadd.s32 $0xFFFFD800;
	[dreg:$0xf] =	wrdreg s24  }
0x136: {  	_ =	sfence.sel $0x180000  }
0x137: {  	[bflag:$0x0] =	sbarrier.arrive $0xFFFF  }
0x138: {  	_ =	strace $0x9000004D  }
0x139: {  	s0 =	stileid.u32;
	[bflag:$0x2] =	sbarrier.arrive $0xFFFF  }
0x13a: {  	p0 =	sne.s32 s0, $0x0;
	s0 =	rddreg [dreg:$0x2]  }
0x13b: {  	s0 =	sadd.s32 @!p0 $0x100000, s0  }
0x13c: {  	[sflag:s0] =	ssyncadd.tile.s32 @!p0 $0x1;
	_ =	shalt  }
.Lfunc_end2:
_tile_overlayer_lowered:
.L_overlay_start_2:
0x13d: {  	(tag) =	ssettag $0x2  }
0x13e: {  	s0 =	rddreg [dreg:$0x0];
	s2 =	stileid.u32  }
0x13f: {  	s1 =	rddreg [dreg:$0x1];
	p0 =	sne.s32 s2, $0x0  }
0x140: {  	s3 =	rddreg [dreg:$0x2];
	[bflag:$0x3] =	sbarrier.arrive $0xFFFF;
	s2 =	simm.s32 @!p0 $0x1C0D  }
0x141: {  	[timem:s3], [sflag:s2] =	dma.local @!p0 [hbm:s0], s1  }
0x142: {  	s0 =	simm.s32 @!p0 $0xD  }
0x143: {  	_ =	swait.ge @!p0 [sflag:s0], s1  }
0x144: {  	s1 =	ssub.s32 @!p0 $0x0, s1;
	[sflag:s0] =	ssyncset.done @!p0 $0x0  }
0x145: {  	[sflag:s0] =	ssyncadd.s32 @!p0 s1  }
0x146: {  	[bflag:$0x3] =	sbarrier.arrive $0xFFFF  }
0x147: {  	_ =	shalt  }

// kernel: kernel.22.cloned.1.call-start
scs
__scs_entry_jumppad:
0x0: {  	(pc) =	sbr.rel $0x88, $3  }
0x1: {  	(tag) =	ssettag $0x0;
	lr =	simm.s32 $0x1  }
0x2: {  	[smem:$0x3F90] =	sst lr;
	_ =	strace $0xD0000000  }
0x3: {  	_ = 	snop  }
0x4: {  	_ = 	snop  }
0x5: {  	_ = 	snop  }
0x6: {  	_ = 	snop  }
0x7: {  	_ = 	snop  }
__scs_overlays_trampoline_lowered:
0x8: {  	[smem:$0x3F9F] =	sst s0  }
0x9: {  	[smem:$0x3FA0] =	sst s1  }
0xa: {  	[smem:$0x3FA1] =	sst s2  }
0xb: {  	[smem:$0x3FA2] =	sst s3  }
0xc: {  	[smem:$0x3FA3] =	sst s4  }
0xd: {  	[smem:$0x3FA4] =	sst s5  }
0xe: {  	[smem:$0x3FA5] =	sst s6  }
0xf: {  	[smem:$0x3FA6] =	sst s7  }
0x10: {  	[smem:$0x3FA7] =	sst s8  }
0x11: {  	[smem:$0x3FA8] =	sst s9;
	s0 =	simm.s32 @!p0 $0x0  }
0x12: {  	s1 =	sld [smem:$0x3F8E];
	s0 =	simm.s32 @p0 $0x1  }
0x13: {  	[smem:$0x3FA9] =	sst s0;
	s0 =	simm.s32 @!p1 $0x0  }
0x14: {  	s2 =	sld [smem:$0x3F8D];
	s0 =	simm.s32 @p1 $0x1  }
0x15: {  	[smem:$0x3FAA] =	sst s0;
	s0 =	simm.s32 @!p2 $0x0  }
0x16: {  	s3 =	sld [smem:$0x3FDB];
	s0 =	simm.s32 @p2 $0x1  }
0x17: {  	s4 =	simm.s32 $0x1BF5;
	[smem:$0x3FAC] =	sst s0  }
0x18: {  	s0 =	sld [smem:$0x3F8F];
	_ =	swait.ge [sflag:s4], $0x0  }
0x19: {  	s7 =	sld [smem:$0x3F90]  }
0x1a: {  	s8 =	sadd.s32 $0xFFFFE003, lr  }
0x1b: {  	s9 =	sadd.s32 $0xFFFFFEF7, lr;
	s5 =	simm.s32 $0xFFFFFFFF;
	p2 =	slt.u32 s8, $0xFFFFF086  }
0x1c: {  	p1 =	slt.u32 s9, $0xF7A;
	s5 =	simm.s32 @!p2 $0x0  }
0x1d: {  	s5 =	simm.s32 @p1 $0x1;
	p0 =	seq.s32 s7, s2  }
0x1e: {  	s7 =	smul.u32 @!p0 $0xF7A, s2;
	p2 =	seq.s32 @!p0 s5, $0x0  }
0x1f: {  	s9 =	smul.u32 $0xF7A, s1;
	s8 =	simm.s32 @!p0 $0x1BF5;
	p2 =	por !p2, p0  }
0x20: {  	[sflag:s8] =	ssyncset.s32 @!p0 $0xFFFFF086;
	s6 =	sadd.s32 @!p0 s3, s7;
	s7 =	simm.s32 @!p0 $0x108  }
0x21: {  	s3 =	sadd.s32 s3, s9;
	s6 =	sadd.s32 @!p0 $0x88, s6;
	s7 =	simm.s32 @p2 $0x1082  }
0x22: {  	[simem:s7], [sflag:s8] =	dma.local @!p0 [hbm:s6], $0xF7A  }
0x23: {  	s9 =	sor.u32 $0xD0000000, s2;
	s6 =	simm.s32 $0x108;
	_ =	swait.ge @!p0 [sflag:s8], $0x0  }
0x24: {  	s3 =	sadd.s32 $0x88, s3;
	s6 =	simm.s32 @!p1 $0x1082;
	[sflag:s4] =	ssyncset.s32 $0xFFFFF086  }
0x25: {  	[simem:s6], [sflag:s4] =	dma.local [hbm:s3], $0xF7A  }
0x26: {  	[smem:$0x3F90] =	sst s1;
	(tag) =	ssettag s2;
	_ =	strace s9  }
0x27: {  	s1 =	sld [smem:$0x3FA0]  }
0x28: {  	s2 =	sld [smem:$0x3FA1]  }
0x29: {  	s4 =	sld [smem:$0x3FA3]  }
0x2a: {  	p0 =	seq.s32 s5, $0x0;
	s5 =	sld [smem:$0x3FA4]  }
0x2b: {  	s6 =	sld [smem:$0x3FA5]  }
0x2c: {  	s7 =	sld [smem:$0x3FA6]  }
0x2d: {  	s3 =	simm.s32 $0x108;
	s8 =	sld [smem:$0x3FA7]  }
0x2e: {  	s3 =	simm.s32 @!p0 $0x1082;
	s9 =	sld [smem:$0x3FA8]  }
0x2f: {  	lr =	sadd.s32 s0, s3;
	s0 =	sld [smem:$0x3F9F]  }
0x30: {  	s3 =	sld [smem:$0x3FA2]  }
0x31: {  	[smem:$0x3FAB] =	sst s10  }
0x32: {  	s10 =	sld [smem:$0x3FA9];
	_ =	sdelay $0x3  }
0x33: {  	p0 =	seq.s32 s10, $0x1;
	s10 =	sld [smem:$0x3FAB];
	_ =	sdelay $0x3  }
0x34: {  	[smem:$0x3FAB] =	sst s10  }
0x35: {  	s10 =	sld [smem:$0x3FAA];
	_ =	sdelay $0x3  }
0x36: {  	p1 =	seq.s32 s10, $0x1;
	s10 =	sld [smem:$0x3FAB];
	_ =	sdelay $0x3  }
0x37: {  	[smem:$0x3FAB] =	sst s10  }
0x38: {  	s10 =	sld [smem:$0x3FAC]  }
0x39: {  	_ = 	snop;
	(pc) =	sbr.ind lr, $3  }
0x3a: {  	_ = 	snop  }
0x3b: {  	_ = 	snop  }
0x3c: {  	p2 =	seq.s32 s10, $0x1;
	s10 =	sld [smem:$0x3FAB]  }
0x3d: {  	_ =	shalt  }
0x3e: {  	_ =	shalt  }
0x3f: {  	_ =	shalt  }
0x40: {  	_ =	shalt  }
0x41: {  	_ =	shalt  }
0x42: {  	_ =	shalt  }
0x43: {  	_ =	shalt  }
0x44: {  	_ =	shalt  }
0x45: {  	_ =	shalt  }
0x46: {  	_ =	shalt  }
0x47: {  	_ =	shalt  }
0x48: {  	_ =	shalt  }
0x49: {  	_ =	shalt  }
0x4a: {  	_ =	shalt  }
0x4b: {  	_ =	shalt  }
0x4c: {  	_ =	shalt  }
0x4d: {  	_ =	shalt  }
0x4e: {  	_ =	shalt  }
0x4f: {  	_ =	shalt  }
0x50: {  	_ =	shalt  }
0x51: {  	_ =	shalt  }
0x52: {  	_ =	shalt  }
0x53: {  	_ =	shalt  }
0x54: {  	_ =	shalt  }
0x55: {  	_ =	shalt  }
0x56: {  	_ =	shalt  }
0x57: {  	_ =	shalt  }
0x58: {  	_ =	shalt  }
0x59: {  	_ =	shalt  }
0x5a: {  	_ =	shalt  }
0x5b: {  	_ =	shalt  }
0x5c: {  	_ =	shalt  }
0x5d: {  	_ =	shalt  }
0x5e: {  	_ =	shalt  }
0x5f: {  	_ =	shalt  }
0x60: {  	_ =	shalt  }
0x61: {  	_ =	shalt  }
0x62: {  	_ =	shalt  }
0x63: {  	_ =	shalt  }
0x64: {  	_ =	shalt  }
0x65: {  	_ =	shalt  }
0x66: {  	_ =	shalt  }
0x67: {  	_ =	shalt  }
0x68: {  	_ =	shalt  }
0x69: {  	_ =	shalt  }
0x6a: {  	_ =	shalt  }
0x6b: {  	_ =	shalt  }
0x6c: {  	_ =	shalt  }
0x6d: {  	_ =	shalt  }
0x6e: {  	_ =	shalt  }
0x6f: {  	_ =	shalt  }
0x70: {  	_ =	shalt  }
0x71: {  	_ =	shalt  }
0x72: {  	_ =	shalt  }
0x73: {  	_ =	shalt  }
0x74: {  	_ =	shalt  }
0x75: {  	_ =	shalt  }
0x76: {  	_ =	shalt  }
0x77: {  	_ =	shalt  }
0x78: {  	_ =	shalt  }
0x79: {  	_ =	shalt  }
0x7a: {  	_ =	shalt  }
0x7b: {  	_ =	shalt  }
0x7c: {  	_ =	shalt  }
0x7d: {  	_ =	shalt  }
0x7e: {  	_ =	shalt  }
0x7f: {  	_ =	shalt  }
0x80: {  	_ =	shalt  }
0x81: {  	_ =	shalt  }
0x82: {  	_ =	shalt  }
0x83: {  	_ =	shalt  }
0x84: {  	_ =	shalt  }
0x85: {  	_ =	shalt  }
0x86: {  	_ =	shalt  }
0x87: {  	_ =	shalt  }
.Lfunc_end0:
.L_simem_size_0:
called_computation.3_lowered:
.L_overlay_start_0:
0x88: {  	s2 =	sld [smem:$0x3FD9]  }
0x89: {  	s3 =	sld [smem:$0x3FFE];
	_ =	sdelay $0x1  }
0x8a: {  	s1 =	srdreg.scid  }
0x8b: {  	s0 =	sand.u32 $0x1, s1  }
0x8c: {  	s16 =	sshll.u32 s0, $0xA;
	s2 =	sadd.s32 s3, s2  }
0x8d: {  	s2 =	sadd.s32 s2, s16  }
0x8e: {  	[smem:$0x3FB7] =	sst s2  }
0x8f: {  	_ = 	snop  }
0x90: {  	(tm) =	ssettm $0x1  }
0x91: {  	s17 =	sld [smem:$0x3FFB];
	_ =	sdelay $0x3  }
0x92: {  	_ =	strace s17  }
0x93: {  	s2 =	sld [smem:$0x3FFC];
	_ =	sdelay $0x3  }
0x94: {  	_ =	strace s2  }
0x95: {  	s2 =	sld [smem:$0x3FFD];
	_ =	sdelay $0x3  }
0x96: {  	_ =	strace s2  }
0x97: {  	_ =	strace $0x8FFFFFFF  }
0x98: {  	s18 =	sld [smem:$0x3FDB];
	_ =	sdelay $0x1  }
0x99: {  	s19 =	simm.s32 $_scs_section_size  }
0x9a: {  	s4 =	simm.s32 $_size__tile_overlayer_lowered;
	s5 =	simm.s32 $_tile_overlayer_lowered  }
0x9b: {  	s22 =	simm.s32 $0x1BFF;
	s21 =	sshll.u32 s5, $0x1;
	s2 =	sadd.s32 s19, s18  }
0x9c: {  	s6 =	simm.s32 $0x0;
	s20 =	sshll.u32 s4, $0x1;
	s4 =	sadd.s32 s21, s2  }
0x9d: {  	[timem:s6], [sflag:s22] =	dma.local [hbm:s4], s20  }
0x9e: {  	_ =	swait.ge [sflag:s22], s20  }
0x9f: {  	s3 =	ssub.s32 $0x0, s20;
	[sflag:s22] =	ssyncset.done $0x0  }
0xa0: {  	[sflag:s22] =	ssyncadd.s32 s3;
	_ =	sdelay $0x1  }
0xa1: {  	s23 =	simm.s32 $0x1B8B  }
0xa2: {  	_ =	swait.ge [sflag:s23], $0x1  }
0xa3: {  	[sflag:s23] =	ssyncset.done $0x0  }
0xa4: {  	s25 =	simm.s32 $0x1B8E;
	s24 =	sld [smem:$0x3FFE];
	[sflag:s23] =	ssyncadd.s32 $0xFFFFFFFF  }
0xa5: {  	s26 =	simm.s32 $execute0_lowered;
	[smem:$0x3FD2] =	sst s25  }
0xa6: {  	s4 =	sshll.u32 s26, $0x1;
	_ =	strace $0x8000004F;
	[dreg:$0x1] =	wrdreg $0xFFFFFFFF  }
0xa7: {  	s28 =	simm.s32 $_size_execute0_lowered;
	s2 =	sadd.s32 s2, s4;
	[dreg:$0x0] =	wrdreg $0x0  }
0xa8: {  	s4 =	sshll.u32 s28, $0x1;
	[dreg:$0x2] =	wrdreg s2  }
0xa9: {  	[dreg:$0x3] =	wrdreg s4  }
0xaa: {  	[dreg:$0x4] =	wrdreg $0xC0  }
0xab: {  	_ =	task [dreg:s6], $0x5FFFF  }
0xac: {  	[dreg:$0x1] =	wrdreg $0xFFFFFFFF  }
0xad: {  	[dreg:$0x0] =	wrdreg $0x60  }
0xae: {  	[dreg:$0x2] =	wrdreg s24  }
0xaf: {  	[dreg:$0x3] =	wrdreg $0x27800  }
0xb0: {  	[dreg:$0x4] =	wrdreg $0x9  }
0xb1: {  	_ =	task.clear_ibuf [dreg:s6], $0x5FFFF;
	_ =	strace $0x9000004F  }
0xb2: {  	s29 =	simm.s32 $0x9;
	_ =	strace $0x80000051  }
0xb3: {  	_ =	swait.ge [sflag:s29], $0x1  }
0xb4: {  	[sflag:s29] =	ssyncadd.s32 $0xFFFFFFFF  }
0xb5: {  	_ =	strace $0x90000051  }
0xb6: {  	_ =	sfence  }
0xb7: {  	s30 =	sld [smem:$0x0];
	_ =	sdelay $0x2  }
0xb8: {  	s31 =	sshll.u32 s1, $0xD;
	s1 =	sshrl.u32 s1, $0x2  }
0xb9: {  	s3 =	sand.u32 $0x4000, s31;
	s1 =	sadd.s32 s1, s30  }
0xba: {  	s0 =	sor.u32 s3, s0;
	s1 =	sshll.u32 s1, $0x11  }
0xbb: {  	s0 =	sor.u32 s1, s0  }
0xbc: {  	s0 =	sadd.s32 $0x8F2B, s0  }
0xbd: {  	[sflag:s0] =	ssyncadd.remote.s32 $0x1  }
0xbe: {  	_ =	sfence.sel $0xFFFF  }
0xbf: {  	[dreg:$0x0] =	wrdreg $0xFFFFFFFF;
	(pc) =	sbr.abs _section_cstart, $3  }
0xc0: {  	[dreg:$0x1] =	wrdreg $0xFFFFFFFF  }
0xc1: {  	_ =	task.clear_ibuf [dreg:s6], $0x2FFFF;
	_ =	strace $0x9FFFFFFF  }
0xc2: {  	(tm) =	ssettm $0x7FFFFFFF  }
0xc3: {  	_ =	shalt  }
tec
execute0_lowered:
.L_overlay_start_1:
0x0: {  	(tag) =	ssettag $0x1  }
0x1: {  	s0 =	rddreg [dreg:$0x0]  }
0x2: {  	s2 =	rddreg [dreg:$0x1];
	s1 =	srdreg.scid  }
0x3: {  	s14 =	stileid.u32;
	s3 =	simm.s32 $0x0;
	s29 =	simm.s32 $0x1E000  }
0x4: {  	s31 =	simm.s32 $0x18F80;
	s30 =	simm.s32 $0x1;
	s1 =	sand.u32 $0x1, s1  }
0x5: {  	s4 =	sshll.u32 s14, $0x1;
	[smem:$0x7FF] =	sst s3;
	s5 =	sadd.s32 $0x529400, s0  }
0x6: {  	s8 =	smul.u32 $0x14000, s14;
	s6 =	sadd.s32 $0x578600, s0;
	s7 =	sadd.s32 $0x25800, s0  }
0x7: {  	s13 =	smul.u32 $0x50000, s14;
	s16 =	sshll.u32 s14, $0x6;
	s14 =	simm.s32 $0x8  }
0x8: {  	s9 =	sor.u32 s1, s4;
	_ =	strace $0x80000050;
	s11 =	smul.u32 $0x140000, s1  }
0x9: {  	s1 =	ssub.s32 $0x2, s1;
	s20 =	sor.u32 $0x1C0D, s16;
	s16 =	simm.s32 $0x3  }
0xa: {  	s4 =	smul.u32 $0x2710, s9;
	s12 =	sshrl.u32 s8, $0x3;
	s28 =	sshrl.u32 s1, $0x1  }
0xb: {  	s15 =	sshrl.u32 s13, $0x2;
	s17 =	smul.u32 $0x138800, s9;
	s13 =	simm.s32 $0x5  }
0xc: {  	[dreg:$0x4] =	wrdreg s20;
	s12 =	sadd.s32 s12, s0;
	s8 =	sadd.s32 s8, s11  }
0xd: {  	s1 =	ssub.s32 s1, s28;
	s11 =	sadd.s32 s15, s2;
	s15 =	simm.s32 $0xA  }
0xe: {  	s28 =	simm.s32 $0x0;
	s10 =	sshrl.u32 s4, $0x3;
	s8 =	sshrl.u32 s8, $0x3  }
0xf: {  	s12 =	sadd.s32 $0xA5C800, s12;
	s19 =	sshrl.u32 s17, $0x3;
	s26 =	smax.u32 s1, $0x1  }
0x10: {  	s1 =	simm.s32 $0x1E080;
	s17 =	simm.s32 $0x6;
	[dreg:$0xf] =	wrdreg s28  }
0x11: {  	s10 =	sadd.s32 s10, s0;
	s0 =	sadd.s32 s8, s0;
	s8 =	smul.u32 $0x7D00, s9  }
0x12: {  	[dreg:$0x3] =	wrdreg s12;
	s9 =	smul.u32 $0x27100, s9;
	s21 =	sadd.s32 s6, s19  }
0x13: {  	[dreg:$0xd] =	wrdreg s26;
	s26 =	simm.s32 $0x17B80;
	s10 =	sadd.s32 $0x10A00, s10  }
0x14: {  	s19 =	simm.s32 $0xB;
	s22 =	sadd.s32 $0x280, s21;
	[dreg:$0x5] =	wrdreg s10  }
0x15: {  	s24 =	sadd.s32 $0x500, s21;
	s0 =	sadd.s32 $0x44C00, s0;
	[dreg:$0x8] =	wrdreg s22  }
0x16: {  	s21 =	simm.s32 $0xD;
	s18 =	sshrl.u32 s8, $0x3;
	[dreg:$0xa] =	wrdreg s24  }
0x17: {  	s9 =	sadd.s32 s6, s9;
	[dreg:$0xc] =	wrdreg s0;
	s22 =	simm.s32 $0x28  }
0x18: {  	s0 =	simm.s32 $0x4;
	s12 =	sadd.s32 s7, s18;
	[dreg:$0x7] =	wrdreg s9  }
0x19: {  	s9 =	simm.s32 $0x7;
	s23 =	sadd.s32 $0x10, s12;
	[dreg:$0x6] =	wrdreg s12  }
0x1a: {  	s18 =	simm.s32 $0x9;
	s25 =	sadd.s32 $0x20, s12;
	[dreg:$0x9] =	wrdreg s23  }
0x1b: {  	s12 =	sshrl.u32 s11, $0x3;
	s11 =	simm.s32 $0x2;
	[dreg:$0xb] =	wrdreg s25  }
0x1c: {  	s23 =	simm.s32 $0x16780;
	s25 =	simm.s32 $0x1DF80;
	[dreg:$0xe] =	wrdreg s12  }
.LBB2_1:
0x1d: {  	s10 =	rddreg [dreg:$0x3]  }
0x1e: {  	[spmem:s12], [sflag:s20] =	dma.local [hbm:s10], $0x2800  }
0x1f: {  	_ =	swait.ge [sflag:s21], $0x2800  }
0x20: {  	[sflag:s21] =	ssyncset.done $0x0  }
0x21: {  	s28 =	rddreg [dreg:$0x5];
	[sflag:s21] =	ssyncadd.s32 $0xFFFFD800  }
0x22: {  	[tilespmem:s3], [sflag:$0xD] =	stream.linear.gather [hbm4b:s28+s3], $0x2710, $0x38;
	[tilespmem:$0x1E100] =	vst v63  }
0x23: {  	_ =	swait.ge [sflag:s21], $0x2710  }
0x24: {  	[sflag:s21] =	ssyncset.done $0x0  }
0x25: {  	[sflag:s21] =	ssyncadd.s32 $0xFFFFD8F0  }
0x26: {  	[bflag:$0x0] =	sbarrier.arrive $0xFFFF  }
0x27: {  	[tilespmem:s23], [sflag:$0x1] =	stream.indirect.gather [hbm4b:s5+s22], $0x80, s3, s22, $0xb8;
	[tilespmem:$0x1E100] =	vst v63  }
0x28: {  	s20 =	simm.s32 $0x1A380;
	s12 =	rddreg [dreg:$0x7]  }
0x29: {  	[tilespmem:s20], [sflag:$0x4] =	stream.linear.gather [hbm4b:s12+s3], $0x1400, $0x38;
	[tilespmem:$0x1E100] =	vst v63  }
0x2a: {  	s21 =	rddreg [dreg:$0x6]  }
0x2b: {  	[tilespmem:s25], [sflag:$0x7] =	stream.linear.gather [hbm4b:s21+s3], $0x80, $0x38;
	[tilespmem:$0x1E100] =	vst v63  }
0x2c: {  	_ = 	snop  }
0x2d: {  	[tilespmem:s26], [sflag:$0x2] =	stream.indirect.gather [hbm4b:s5+s22], $0x80, s22, s22, $0xb8;
	[tilespmem:$0x1E100] =	vst v63  }
0x2e: {  	s28 =	simm.s32 $0x1B780;
	s24 =	rddreg [dreg:$0x8]  }
0x2f: {  	[tilespmem:s28], [sflag:$0x5] =	stream.linear.gather [hbm4b:s24+s3], $0x1400, $0x38;
	[tilespmem:$0x1E100] =	vst v63  }
0x30: {  	s12 =	rddreg [dreg:$0x9]  }
0x31: {  	[tilespmem:s29], [sflag:$0x8] =	stream.linear.gather [hbm4b:s12+s3], $0x80, $0x38;
	[tilespmem:$0x1E100] =	vst v63  }
0x32: {  	s20 =	simm.s32 $0x50  }
0x33: {  	[tilespmem:s31], [sflag:$0x3] =	stream.indirect.gather [hbm4b:s5+s22], $0x80, s20, s22, $0xb8;
	[tilespmem:$0x1E100] =	vst v63  }
0x34: {  	s21 =	rddreg [dreg:$0xa];
	s24 =	simm.s32 $0x1CB80  }
0x35: {  	[tilespmem:s24], [sflag:$0x6] =	stream.linear.gather [hbm4b:s21+s3], $0x1400, $0x38;
	[tilespmem:$0x1E100] =	vst v63  }
0x36: {  	s10 =	simm.s32 $0x0;
	s28 =	rddreg [dreg:$0xb]  }
0x37: {  	[tilespmem:s1], [sflag:$0x9] =	stream.linear.gather [hbm4b:s28+s3], $0x80, $0x38;
	[tilespmem:$0x1E100] =	vst v63  }
.LBB2_2:
0x38: {  	_ =	swait.ge [sflag:s30], $0x1400  }
0x39: {  	[sflag:s30] =	ssyncset.done $0x0  }
0x3a: {  	[sflag:s30] =	ssyncadd.s32 $0xFFFFEC00  }
0x3b: {  	_ =	swait.ge [sflag:s0], $0x1400  }
0x3c: {  	[sflag:s0] =	ssyncset.done $0x0  }
0x3d: {  	s20 =	simm.s32 $0x0;
	[sflag:s0] =	ssyncadd.s32 $0xFFFFEC00  }
0x3e: {  	v7 =	vld [tilespmem:s20+$0x1A380]  }
0x3f: {  	v11 =	vld [tilespmem:s20+$0x1A390]  }
0x40: {  	v5 =	vld [tilespmem:s20+$0x1A3A0]  }
0x41: {  	v4 =	vld [tilespmem:s20+$0x1A3B0]  }
0x42: {  	v3 =	vld [tilespmem:s20+$0x1A3C0]  }
0x43: {  	v2 =	vld [tilespmem:s20+$0x1A3D0]  }
0x44: {  	v1 =	vld [tilespmem:s20+$0x1A3E0]  }
0x45: {  	v0 =	vld [tilespmem:s20+$0x1A3F0]  }
0x46: {  	v12 =	vld [tilespmem:s20+$0x16780]  }
0x47: {  	v13 =	vld [tilespmem:s20+$0x16790]  }
0x48: {  	v10 =	vld [tilespmem:s20+$0x167A0]  }
0x49: {  	v9 =	vld [tilespmem:s20+$0x167B0]  }
0x4a: {  	v8 =	vld [tilespmem:s20+$0x167C0]  }
0x4b: {  	v6 =	vld [tilespmem:s20+$0x167D0];
	v12 =	vmul.f32 v7, v12  }
0x4c: {  	s21 =	simm.s32 $0x200;
	v11 =	vmul.f32 v11, v13;
	v7 =	vld [tilespmem:s20+$0x167E0]  }
.LBB2_3:
0x4d: {  	s12 =	sshra.s32 s21, $0x2;
	p0 =	sne.s32 s21, $0x4E00;
	[tilespmem:s20+$0x16780] =	vst v12;
	v5 =	vmul.f32 v5, v10;
	v10 =	vld [tilespmem:s20+$0x167F0]  }
0x4e: {  	v12 =	vld [tilespmem:s12+$0x1A380];
	[tilespmem:s20+$0x16790] =	vst v11;
	v4 =	vmul.f32 v4, v9  }
0x4f: {  	v11 =	vld [tilespmem:s12+$0x1A390];
	[tilespmem:s20+$0x167A0] =	vst v5;
	v3 =	vmul.f32 v3, v8  }
0x50: {  	v5 =	vld [tilespmem:s12+$0x1A3A0];
	[tilespmem:s20+$0x167B0] =	vst v4;
	v2 =	vmul.f32 v2, v6  }
0x51: {  	v4 =	vld [tilespmem:s12+$0x1A3B0];
	[tilespmem:s20+$0x167C0] =	vst v3;
	v1 =	vmul.f32 v1, v7  }
0x52: {  	v3 =	vld [tilespmem:s12+$0x1A3C0];
	[tilespmem:s20+$0x167D0] =	vst v2;
	v0 =	vmul.f32 v0, v10  }
0x53: {  	v2 =	vld [tilespmem:s12+$0x1A3D0];
	[tilespmem:s20+$0x167E0] =	vst v1  }
0x54: {  	v1 =	vld [tilespmem:s12+$0x1A3E0];
	[tilespmem:s20+$0x167F0] =	vst v0;
	s20 =	smov.u32 s12  }
0x55: {  	v0 =	vld [tilespmem:s20+$0x1A3F0]  }
0x56: {  	v6 =	vld [tilespmem:s20+$0x16780]  }
0x57: {  	v7 =	vld [tilespmem:s20+$0x16790]  }
.Ltmp0:
0x58: {  	v10 =	vld [tilespmem:s20+$0x167A0];
	(pc) =	sbr.rel @p0 .LBB2_3-.Ltmp0, $4  }
0x59: {  	v9 =	vld [tilespmem:s20+$0x167B0]  }
0x5a: {  	v8 =	vld [tilespmem:s20+$0x167C0]  }
0x5b: {  	v12 =	vmul.f32 v12, v6;
	v6 =	vld [tilespmem:s20+$0x167D0]  }
0x5c: {  	s21 =	sadd.s32 $0x200, s21;
	v11 =	vmul.f32 v11, v7;
	v7 =	vld [tilespmem:s20+$0x167E0]  }
0x5d: {  	[tilespmem:s20+$0x16780] =	vst v12;
	v5 =	vmul.f32 v5, v10;
	v10 =	vld [tilespmem:s20+$0x167F0]  }
0x5e: {  	[tilespmem:s20+$0x16790] =	vst v11;
	v4 =	vmul.f32 v4, v9  }
0x5f: {  	[tilespmem:s20+$0x167A0] =	vst v5;
	v3 =	vmul.f32 v3, v8  }
0x60: {  	[tilespmem:s20+$0x167B0] =	vst v4;
	v2 =	vmul.f32 v2, v6  }
0x61: {  	[tilespmem:s20+$0x167C0] =	vst v3;
	v1 =	vmul.f32 v1, v7  }
0x62: {  	[tilespmem:s20+$0x167D0] =	vst v2;
	v0 =	vmul.f32 v0, v10  }
0x63: {  	[tilespmem:s20+$0x167E0] =	vst v1  }
0x64: {  	[tilespmem:s20+$0x167F0] =	vst v0  }
0x65: {  	p0 =	seq.s32 s10, $0x0;
	_ =	swait.ge [sflag:s9], $0x80  }
0x66: {  	s12 =	simm.s32 @p0 $0x28;
	[sflag:s9] =	ssyncset.done $0x0  }
0x67: {  	s21 =	simm.s32 @p0 $0x16780;
	s20 =	simm.s32 @p0 $0x1DF80;
	[sflag:s9] =	ssyncadd.s32 $0xFFFFFF80  }
0x68: {  	[spmem:s2] =	stream.indirect.scatter.add.f32 @p0 [tilespmem:s21], [sflag:$0xA], $0x80, s20, s12, $0xb8;
	[tilespmem:$0x1E100] =	vst v63  }
0x69: {  	s12 =	simm.s32 @!p0 $0xC  }
0x6a: {  	_ =	swait.ge @!p0 [sflag:s12], $0x1400  }
0x6b: {  	s28 =	simm.s32 @!p0 $0x16780;
	s20 =	smul.u32 $0x3, s10;
	[sflag:s12] =	ssyncset.done @!p0 $0x0  }
0x6c: {  	s21 =	simm.s32 @!p0 $0x1DF80;
	[sflag:s12] =	ssyncadd.s32 @!p0 $0xFFFFEC00;
	s12 =	simm.s32 @!p0 $0x28  }
0x6d: {  	[spmem:s2] =	stream.indirect.scatter.add.f32 @!p0 [tilespmem:s28], [sflag:$0xA], $0x80, s21, s12, $0xb8;
	[tilespmem:$0x1E100] =	vst v63  }
0x6e: {  	s21 =	sadd.s32 @!p0 $0x2, s20  }
0x6f: {  	s28 =	smul.u32 @!p0 $0x28, s21  }
0x70: {  	s24 =	simm.s32 @!p0 $0x18F80  }
0x71: {  	[tilespmem:s24], [sflag:$0x3] =	stream.indirect.gather @!p0 [hbm4b:s5+s12], $0x80, s28, s12, $0xb8;
	[tilespmem:$0x1E100] =	vst v63  }
0x72: {  	s12 =	sadd.s32 @!p0 s4, s28  }
0x73: {  	s12 =	sshll.u32 @!p0 s12, $0x4  }
0x74: {  	s24 =	simm.s32 @!p0 $0x0;
	s28 =	simm.s32 @!p0 $0x1CB80;
	s12 =	sadd.s32 @!p0 s6, s12  }
0x75: {  	[tilespmem:s28], [sflag:$0x6] =	stream.linear.gather @!p0 [hbm4b:s12+s24], $0x1400, $0x38;
	[tilespmem:$0x1E100] =	vst v63  }
0x76: {  	s12 =	sshll.u32 @!p0 s21, $0x7  }
0x77: {  	s12 =	sadd.s32 @!p0 s8, s12  }
0x78: {  	s12 =	sshrl.u32 @!p0 s12, $0x3  }
0x79: {  	s21 =	simm.s32 @!p0 $0x1E080;
	s12 =	sadd.s32 @!p0 s7, s12  }
0x7a: {  	[tilespmem:s21], [sflag:$0x9] =	stream.linear.gather @!p0 [hbm4b:s12+s24], $0x80, $0x38;
	[tilespmem:$0x1E100] =	vst v63  }
0x7b: {  	_ =	swait.ge [sflag:s11], $0x1400  }
0x7c: {  	[sflag:s11] =	ssyncset.done $0x0  }
0x7d: {  	[sflag:s11] =	ssyncadd.s32 $0xFFFFEC00  }
0x7e: {  	_ =	swait.ge [sflag:s13], $0x1400  }
0x7f: {  	[sflag:s13] =	ssyncset.done $0x0  }
0x80: {  	s21 =	simm.s32 $0x0;
	[sflag:s13] =	ssyncadd.s32 $0xFFFFEC00  }
0x81: {  	v7 =	vld [tilespmem:s21+$0x1B780]  }
0x82: {  	v11 =	vld [tilespmem:s21+$0x1B790]  }
0x83: {  	v5 =	vld [tilespmem:s21+$0x1B7A0]  }
0x84: {  	v4 =	vld [tilespmem:s21+$0x1B7B0]  }
0x85: {  	v3 =	vld [tilespmem:s21+$0x1B7C0]  }
0x86: {  	v2 =	vld [tilespmem:s21+$0x1B7D0]  }
0x87: {  	v1 =	vld [tilespmem:s21+$0x1B7E0]  }
0x88: {  	v0 =	vld [tilespmem:s21+$0x1B7F0]  }
0x89: {  	v12 =	vld [tilespmem:s21+$0x17B80]  }
0x8a: {  	v13 =	vld [tilespmem:s21+$0x17B90]  }
0x8b: {  	v10 =	vld [tilespmem:s21+$0x17BA0]  }
0x8c: {  	v9 =	vld [tilespmem:s21+$0x17BB0]  }
0x8d: {  	v8 =	vld [tilespmem:s21+$0x17BC0]  }
0x8e: {  	v6 =	vld [tilespmem:s21+$0x17BD0];
	v12 =	vmul.f32 v7, v12  }
0x8f: {  	s12 =	simm.s32 $0x200;
	v11 =	vmul.f32 v11, v13;
	v7 =	vld [tilespmem:s21+$0x17BE0]  }
.LBB2_5:
0x90: {  	s24 =	sshra.s32 s12, $0x2;
	p0 =	sne.s32 s12, $0x4E00;
	[tilespmem:s21+$0x17B80] =	vst v12;
	v5 =	vmul.f32 v5, v10;
	v10 =	vld [tilespmem:s21+$0x17BF0]  }
0x91: {  	v12 =	vld [tilespmem:s24+$0x1B780];
	[tilespmem:s21+$0x17B90] =	vst v11;
	v4 =	vmul.f32 v4, v9  }
0x92: {  	v11 =	vld [tilespmem:s24+$0x1B790];
	[tilespmem:s21+$0x17BA0] =	vst v5;
	v3 =	vmul.f32 v3, v8  }
0x93: {  	v5 =	vld [tilespmem:s24+$0x1B7A0];
	[tilespmem:s21+$0x17BB0] =	vst v4;
	v2 =	vmul.f32 v2, v6  }
0x94: {  	v4 =	vld [tilespmem:s24+$0x1B7B0];
	[tilespmem:s21+$0x17BC0] =	vst v3;
	v1 =	vmul.f32 v1, v7  }
0x95: {  	v3 =	vld [tilespmem:s24+$0x1B7C0];
	[tilespmem:s21+$0x17BD0] =	vst v2;
	v0 =	vmul.f32 v0, v10  }
0x96: {  	v2 =	vld [tilespmem:s24+$0x1B7D0];
	[tilespmem:s21+$0x17BE0] =	vst v1  }
0x97: {  	v1 =	vld [tilespmem:s24+$0x1B7E0];
	[tilespmem:s21+$0x17BF0] =	vst v0;
	s21 =	smov.u32 s24  }
0x98: {  	v0 =	vld [tilespmem:s21+$0x1B7F0]  }
0x99: {  	v6 =	vld [tilespmem:s21+$0x17B80]  }
0x9a: {  	v7 =	vld [tilespmem:s21+$0x17B90]  }
.Ltmp1:
0x9b: {  	v10 =	vld [tilespmem:s21+$0x17BA0];
	(pc) =	sbr.rel @p0 .LBB2_5-.Ltmp1, $4  }
0x9c: {  	v9 =	vld [tilespmem:s21+$0x17BB0]  }
0x9d: {  	v8 =	vld [tilespmem:s21+$0x17BC0]  }
0x9e: {  	v12 =	vmul.f32 v12, v6;
	v6 =	vld [tilespmem:s21+$0x17BD0]  }
0x9f: {  	s12 =	sadd.s32 $0x200, s12;
	v11 =	vmul.f32 v11, v7;
	v7 =	vld [tilespmem:s21+$0x17BE0]  }
0xa0: {  	[tilespmem:s21+$0x17B80] =	vst v12;
	v5 =	vmul.f32 v5, v10;
	v10 =	vld [tilespmem:s21+$0x17BF0]  }
0xa1: {  	[tilespmem:s21+$0x17B90] =	vst v11;
	v4 =	vmul.f32 v4, v9  }
0xa2: {  	[tilespmem:s21+$0x17BA0] =	vst v5;
	v3 =	vmul.f32 v3, v8  }
0xa3: {  	[tilespmem:s21+$0x17BB0] =	vst v4;
	v2 =	vmul.f32 v2, v6  }
0xa4: {  	[tilespmem:s21+$0x17BC0] =	vst v3;
	v1 =	vmul.f32 v1, v7  }
0xa5: {  	[tilespmem:s21+$0x17BD0] =	vst v2;
	v0 =	vmul.f32 v0, v10  }
0xa6: {  	[tilespmem:s21+$0x17BE0] =	vst v1  }
0xa7: {  	[tilespmem:s21+$0x17BF0] =	vst v0  }
0xa8: {  	_ =	swait.ge [sflag:s14], $0x80  }
0xa9: {  	[sflag:s14] =	ssyncset.done $0x0  }
0xaa: {  	s12 =	sadd.s32 $0x3, s20;
	[sflag:s14] =	ssyncadd.s32 $0xFFFFFF80  }
0xab: {  	s28 =	smul.u32 $0x28, s12;
	_ =	swait.ge [sflag:s15], $0x1400  }
0xac: {  	[sflag:s15] =	ssyncset.done $0x0  }
0xad: {  	s12 =	sshll.u32 s12, $0x7;
	s21 =	sadd.s32 s4, s28;
	[sflag:s15] =	ssyncadd.s32 $0xFFFFEC00  }
0xae: {  	[spmem:s2] =	stream.indirect.scatter.add.f32 [tilespmem:s26], [sflag:$0xB], $0x80, s29, s22, $0xb8;
	[tilespmem:$0x1E100] =	vst v63  }
0xaf: {  	s24 =	simm.s32 $0x0;
	s12 =	sadd.s32 s8, s12;
	s21 =	sshll.u32 s21, $0x4  }
0xb0: {  	[tilespmem:s23], [sflag:$0x1] =	stream.indirect.gather [hbm4b:s5+s22], $0x80, s28, s22, $0xb8;
	[tilespmem:$0x1E100] =	vst v63  }
0xb1: {  	s12 =	sshrl.u32 s12, $0x3;
	s21 =	sadd.s32 s6, s21;
	s28 =	simm.s32 $0x1A380  }
0xb2: {  	[tilespmem:s28], [sflag:$0x4] =	stream.linear.gather [hbm4b:s21+s24], $0x1400, $0x38;
	[tilespmem:$0x1E100] =	vst v63  }
0xb3: {  	s12 =	sadd.s32 s7, s12  }
0xb4: {  	[tilespmem:s25], [sflag:$0x7] =	stream.linear.gather [hbm4b:s12+s24], $0x80, $0x38;
	[tilespmem:$0x1E100] =	vst v63  }
0xb5: {  	_ =	swait.ge [sflag:s16], $0x1400  }
0xb6: {  	[sflag:s16] =	ssyncset.done $0x0  }
0xb7: {  	[sflag:s16] =	ssyncadd.s32 $0xFFFFEC00  }
0xb8: {  	_ =	swait.ge [sflag:s17], $0x1400  }
0xb9: {  	[sflag:s17] =	ssyncset.done $0x0  }
0xba: {  	s21 =	simm.s32 $0x0;
	[sflag:s17] =	ssyncadd.s32 $0xFFFFEC00  }
0xbb: {  	v7 =	vld [tilespmem:s21+$0x1CB80]  }
0xbc: {  	v11 =	vld [tilespmem:s21+$0x1CB90]  }
0xbd: {  	v5 =	vld [tilespmem:s21+$0x1CBA0]  }
0xbe: {  	v4 =	vld [tilespmem:s21+$0x1CBB0]  }
0xbf: {  	v3 =	vld [tilespmem:s21+$0x1CBC0]  }
0xc0: {  	v2 =	vld [tilespmem:s21+$0x1CBD0]  }
0xc1: {  	v1 =	vld [tilespmem:s21+$0x1CBE0]  }
0xc2: {  	v0 =	vld [tilespmem:s21+$0x1CBF0]  }
0xc3: {  	v12 =	vld [tilespmem:s21+$0x18F80]  }
0xc4: {  	v13 =	vld [tilespmem:s21+$0x18F90]  }
0xc5: {  	v10 =	vld [tilespmem:s21+$0x18FA0]  }
0xc6: {  	v9 =	vld [tilespmem:s21+$0x18FB0]  }
0xc7: {  	v8 =	vld [tilespmem:s21+$0x18FC0]  }
0xc8: {  	v6 =	vld [tilespmem:s21+$0x18FD0];
	v12 =	vmul.f32 v7, v12  }
0xc9: {  	s12 =	simm.s32 $0x200;
	v11 =	vmul.f32 v11, v13;
	v7 =	vld [tilespmem:s21+$0x18FE0]  }
.LBB2_7:
0xca: {  	s24 =	sshra.s32 s12, $0x2;
	p0 =	sne.s32 s12, $0x4E00;
	[tilespmem:s21+$0x18F80] =	vst v12;
	v5 =	vmul.f32 v5, v10;
	v10 =	vld [tilespmem:s21+$0x18FF0]  }
0xcb: {  	v12 =	vld [tilespmem:s24+$0x1CB80];
	[tilespmem:s21+$0x18F90] =	vst v11;
	v4 =	vmul.f32 v4, v9  }
0xcc: {  	v11 =	vld [tilespmem:s24+$0x1CB90];
	[tilespmem:s21+$0x18FA0] =	vst v5;
	v3 =	vmul.f32 v3, v8  }
0xcd: {  	v5 =	vld [tilespmem:s24+$0x1CBA0];
	[tilespmem:s21+$0x18FB0] =	vst v4;
	v2 =	vmul.f32 v2, v6  }
0xce: {  	v4 =	vld [tilespmem:s24+$0x1CBB0];
	[tilespmem:s21+$0x18FC0] =	vst v3;
	v1 =	vmul.f32 v1, v7  }
0xcf: {  	v3 =	vld [tilespmem:s24+$0x1CBC0];
	[tilespmem:s21+$0x18FD0] =	vst v2;
	v0 =	vmul.f32 v0, v10  }
0xd0: {  	v2 =	vld [tilespmem:s24+$0x1CBD0];
	[tilespmem:s21+$0x18FE0] =	vst v1  }
0xd1: {  	v1 =	vld [tilespmem:s24+$0x1CBE0];
	[tilespmem:s21+$0x18FF0] =	vst v0;
	s21 =	smov.u32 s24  }
0xd2: {  	v0 =	vld [tilespmem:s21+$0x1CBF0]  }
0xd3: {  	v6 =	vld [tilespmem:s21+$0x18F80]  }
0xd4: {  	v7 =	vld [tilespmem:s21+$0x18F90]  }
.Ltmp2:
0xd5: {  	v10 =	vld [tilespmem:s21+$0x18FA0];
	(pc) =	sbr.rel @p0 .LBB2_7-.Ltmp2, $4  }
0xd6: {  	v9 =	vld [tilespmem:s21+$0x18FB0]  }
0xd7: {  	v8 =	vld [tilespmem:s21+$0x18FC0]  }
0xd8: {  	v12 =	vmul.f32 v12, v6;
	v6 =	vld [tilespmem:s21+$0x18FD0]  }
0xd9: {  	s12 =	sadd.s32 $0x200, s12;
	v11 =	vmul.f32 v11, v7;
	v7 =	vld [tilespmem:s21+$0x18FE0]  }
0xda: {  	[tilespmem:s21+$0x18F80] =	vst v12;
	v5 =	vmul.f32 v5, v10;
	v63 =	vld [tilespmem:s21+$0x18FF0]  }
0xdb: {  	[tilespmem:s21+$0x18F90] =	vst v11;
	v4 =	vmul.f32 v4, v9  }
0xdc: {  	[tilespmem:s21+$0x18FA0] =	vst v5;
	v3 =	vmul.f32 v3, v8  }
0xdd: {  	[tilespmem:s21+$0x18FB0] =	vst v4;
	v2 =	vmul.f32 v2, v6  }
0xde: {  	[tilespmem:s21+$0x18FC0] =	vst v3;
	v1 =	vmul.f32 v1, v7  }
0xdf: {  	[tilespmem:s21+$0x18FD0] =	vst v2;
	v0 =	vmul.f32 v0, v63  }
0xe0: {  	[tilespmem:s21+$0x18FE0] =	vst v1  }
0xe1: {  	[tilespmem:s21+$0x18FF0] =	vst v0  }
0xe2: {  	_ =	swait.ge [sflag:s18], $0x80  }
0xe3: {  	p0 =	seq.s32 s10, $0x52;
	[sflag:s18] =	ssyncset.done $0x0  }
.Ltmp3:
0xe4: {  	[sflag:s18] =	ssyncadd.s32 $0xFFFFFF80;
	(pc) =	sbr.rel @p0 .LBB2_10-.Ltmp3, $4  }
0xe5: {  	_ =	swait.ge [sflag:s19], $0x1400  }
0xe6: {  	[sflag:s19] =	ssyncset.done $0x0  }
0xe7: {  	[sflag:s19] =	ssyncadd.s32 $0xFFFFEC00  }
0xe8: {  	[spmem:s2] =	stream.indirect.scatter.add.f32 [tilespmem:s31], [sflag:$0xC], $0x80, s1, s22, $0xb8;
	[tilespmem:$0x1E100] =	vst v63  }
0xe9: {  	s12 =	sadd.s32 $0x4, s20  }
0xea: {  	s20 =	smul.u32 $0x28, s12;
	_ =	sdelay $0x1  }
0xeb: {  	[tilespmem:s26], [sflag:$0x2] =	stream.indirect.gather [hbm4b:s5+s22], $0x80, s20, s22, $0xb8;
	[tilespmem:$0x1E100] =	vst v63  }
0xec: {  	s12 =	sshll.u32 s12, $0x7;
	s20 =	sadd.s32 s4, s20  }
.Ltmp4:
0xed: {  	s12 =	sadd.s32 s8, s12;
	s20 =	sshll.u32 s20, $0x4;
	(pc) =	sbr.rel .LBB2_2-.Ltmp4, $4  }
0xee: {  	s21 =	simm.s32 $0x1B780;
	s12 =	sshrl.u32 s12, $0x3;
	s20 =	sadd.s32 s6, s20  }
0xef: {  	[tilespmem:s21], [sflag:$0x5] =	stream.linear.gather [hbm4b:s20+s3], $0x1400, $0x38;
	[tilespmem:$0x1E100] =	vst v63  }
0xf0: {  	s10 =	sadd.s32 $0x1, s10;
	s12 =	sadd.s32 s7, s12  }
0xf1: {  	[tilespmem:s29], [sflag:$0x8] =	stream.linear.gather [hbm4b:s12+s3], $0x80, $0x38;
	[tilespmem:$0x1E100] =	vst v63  }
.LBB2_10:
0xf2: {  	_ =	swait.ge [sflag:s30], $0x1400  }
0xf3: {  	[sflag:s30] =	ssyncset.done $0x0  }
0xf4: {  	[sflag:s30] =	ssyncadd.s32 $0xFFFFEC00  }
0xf5: {  	_ =	swait.ge [sflag:s0], $0x1400  }
0xf6: {  	[sflag:s0] =	ssyncset.done $0x0  }
0xf7: {  	s10 =	simm.s32 $0x0;
	[sflag:s0] =	ssyncadd.s32 $0xFFFFEC00  }
0xf8: {  	v7 =	vld [tilespmem:s10+$0x1A380]  }
0xf9: {  	v11 =	vld [tilespmem:s10+$0x1A390]  }
0xfa: {  	v5 =	vld [tilespmem:s10+$0x1A3A0]  }
0xfb: {  	v4 =	vld [tilespmem:s10+$0x1A3B0]  }
0xfc: {  	v3 =	vld [tilespmem:s10+$0x1A3C0]  }
0xfd: {  	v2 =	vld [tilespmem:s10+$0x1A3D0]  }
0xfe: {  	v1 =	vld [tilespmem:s10+$0x1A3E0]  }
0xff: {  	v0 =	vld [tilespmem:s10+$0x1A3F0]  }
0x100: {  	v12 =	vld [tilespmem:s10+$0x16780]  }
0x101: {  	v13 =	vld [tilespmem:s10+$0x16790]  }
0x102: {  	v10 =	vld [tilespmem:s10+$0x167A0]  }
0x103: {  	v9 =	vld [tilespmem:s10+$0x167B0]  }
0x104: {  	v8 =	vld [tilespmem:s10+$0x167C0]  }
0x105: {  	v6 =	vld [tilespmem:s10+$0x167D0];
	v12 =	vmul.f32 v7, v12  }
0x106: {  	s12 =	simm.s32 $0x200;
	v11 =	vmul.f32 v11, v13;
	v7 =	vld [tilespmem:s10+$0x167E0]  }
.LBB2_11:
0x107: {  	s20 =	sshra.s32 s12, $0x2;
	p0 =	sne.s32 s12, $0x4E00;
	[tilespmem:s10+$0x16780] =	vst v12;
	v5 =	vmul.f32 v5, v10;
	v10 =	vld [tilespmem:s10+$0x167F0]  }
0x108: {  	v12 =	vld [tilespmem:s20+$0x1A380];
	[tilespmem:s10+$0x16790] =	vst v11;
	v4 =	vmul.f32 v4, v9  }
0x109: {  	v11 =	vld [tilespmem:s20+$0x1A390];
	[tilespmem:s10+$0x167A0] =	vst v5;
	v3 =	vmul.f32 v3, v8  }
0x10a: {  	v5 =	vld [tilespmem:s20+$0x1A3A0];
	[tilespmem:s10+$0x167B0] =	vst v4;
	v2 =	vmul.f32 v2, v6  }
0x10b: {  	v4 =	vld [tilespmem:s20+$0x1A3B0];
	[tilespmem:s10+$0x167C0] =	vst v3;
	v1 =	vmul.f32 v1, v7  }
0x10c: {  	v3 =	vld [tilespmem:s20+$0x1A3C0];
	[tilespmem:s10+$0x167D0] =	vst v2;
	v0 =	vmul.f32 v0, v10  }
0x10d: {  	v2 =	vld [tilespmem:s20+$0x1A3D0];
	[tilespmem:s10+$0x167E0] =	vst v1  }
0x10e: {  	v1 =	vld [tilespmem:s20+$0x1A3E0];
	[tilespmem:s10+$0x167F0] =	vst v0;
	s10 =	smov.u32 s20  }
0x10f: {  	v0 =	vld [tilespmem:s10+$0x1A3F0]  }
0x110: {  	v6 =	vld [tilespmem:s10+$0x16780]  }
0x111: {  	v7 =	vld [tilespmem:s10+$0x16790]  }
.Ltmp5:
0x112: {  	v10 =	vld [tilespmem:s10+$0x167A0];
	(pc) =	sbr.rel @p0 .LBB2_11-.Ltmp5, $4  }
0x113: {  	v9 =	vld [tilespmem:s10+$0x167B0]  }
0x114: {  	v8 =	vld [tilespmem:s10+$0x167C0]  }
0x115: {  	v12 =	vmul.f32 v12, v6;
	v6 =	vld [tilespmem:s10+$0x167D0]  }
0x116: {  	s12 =	sadd.s32 $0x200, s12;
	v11 =	vmul.f32 v11, v7;
	v7 =	vld [tilespmem:s10+$0x167E0]  }
0x117: {  	[tilespmem:s10+$0x16780] =	vst v12;
	v5 =	vmul.f32 v5, v10;
	v63 =	vld [tilespmem:s10+$0x167F0]  }
0x118: {  	[tilespmem:s10+$0x16790] =	vst v11;
	v4 =	vmul.f32 v4, v9  }
0x119: {  	[tilespmem:s10+$0x167A0] =	vst v5;
	v3 =	vmul.f32 v3, v8  }
0x11a: {  	[tilespmem:s10+$0x167B0] =	vst v4;
	v2 =	vmul.f32 v2, v6  }
0x11b: {  	[tilespmem:s10+$0x167C0] =	vst v3;
	v1 =	vmul.f32 v1, v7  }
0x11c: {  	[tilespmem:s10+$0x167D0] =	vst v2;
	v0 =	vmul.f32 v0, v63  }
0x11d: {  	[tilespmem:s10+$0x167E0] =	vst v1  }
0x11e: {  	[tilespmem:s10+$0x167F0] =	vst v0  }
0x11f: {  	_ =	swait.ge [sflag:s9], $0x80  }
0x120: {  	[sflag:s9] =	ssyncset.done $0x0  }
0x121: {  	s21 =	simm.s32 $0xC;
	[sflag:s9] =	ssyncadd.s32 $0xFFFFFF80  }
0x122: {  	_ =	swait.ge [sflag:s21], $0x1400  }
0x123: {  	[sflag:s21] =	ssyncset.done $0x0  }
0x124: {  	[sflag:s21] =	ssyncadd.s32 $0xFFFFEC00  }
0x125: {  	[spmem:s2] =	stream.indirect.scatter.add.f32 [tilespmem:s23], [sflag:$0xA], $0x80, s25, s22, $0xb8;
	[tilespmem:$0x1E100] =	vst v63  }
0x126: {  	_ =	swait.ge [sflag:s15], $0x1400  }
0x127: {  	[sflag:s15] =	ssyncset.done $0x0  }
0x128: {  	[sflag:s15] =	ssyncadd.s32 $0xFFFFEC00  }
0x129: {  	[bflag:$0x0] =	sbarrier.arrive $0xFFFF  }
0x12a: {  	s20 =	rddreg [dreg:$0x4]  }
0x12b: {  	s24 =	rddreg [dreg:$0xc]  }
0x12c: {  	s21 =	simm.s32 $0xD;
	s12 =	rddreg [dreg:$0xe]  }
0x12d: {  	[hbm:s24], [sflag:s20] =	dma.local [spmem:s12], $0x2800  }
0x12e: {  	_ =	swait.ge [sflag:s21], $0x2800  }
0x12f: {  	s24 =	rddreg [dreg:$0xf]  }
0x130: {  	s28 =	rddreg [dreg:$0xd];
	s24 =	sadd.s32 $0x1, s24  }
0x131: {  	p0 =	sne.s32 s24, s28  }
.Ltmp6:
0x132: {  	_ = 	snop;
	(pc) =	sbr.rel @p0 .LBB2_1-.Ltmp6, $3  }
0x133: {  	_ =	sdelay $0x1  }
0x134: {  	[sflag:s21] =	ssyncset.done $0x0  }
0x135: {  	[sflag:s21] =	ssyncadd.s32 $0xFFFFD800;
	[dreg:$0xf] =	wrdreg s24  }
0x136: {  	_ =	sfence.sel $0x180000  }
0x137: {  	[bflag:$0x0] =	sbarrier.arrive $0xFFFF  }
0x138: {  	_ =	strace $0x90000050  }
0x139: {  	s0 =	stileid.u32;
	[bflag:$0x2] =	sbarrier.arrive $0xFFFF  }
0x13a: {  	p0 =	sne.s32 s0, $0x0;
	s0 =	rddreg [dreg:$0x2]  }
0x13b: {  	s0 =	sadd.s32 @!p0 $0x100000, s0  }
0x13c: {  	[sflag:s0] =	ssyncadd.tile.s32 @!p0 $0x1;
	_ =	shalt  }
.Lfunc_end2:
_tile_overlayer_lowered:
.L_overlay_start_2:
0x13d: {  	(tag) =	ssettag $0x2  }
0x13e: {  	s0 =	rddreg [dreg:$0x0];
	s2 =	stileid.u32  }
0x13f: {  	s1 =	rddreg [dreg:$0x1];
	p0 =	sne.s32 s2, $0x0  }
0x140: {  	s3 =	rddreg [dreg:$0x2];
	[bflag:$0x3] =	sbarrier.arrive $0xFFFF;
	s2 =	simm.s32 @!p0 $0x1C0D  }
0x141: {  	[timem:s3], [sflag:s2] =	dma.local @!p0 [hbm:s0], s1  }
0x142: {  	s0 =	simm.s32 @!p0 $0xD  }
0x143: {  	_ =	swait.ge @!p0 [sflag:s0], s1  }
0x144: {  	s1 =	ssub.s32 @!p0 $0x0, s1;
	[sflag:s0] =	ssyncset.done @!p0 $0x0  }
0x145: {  	[sflag:s0] =	ssyncadd.s32 @!p0 s1  }
0x146: {  	[bflag:$0x3] =	sbarrier.arrive $0xFFFF  }
0x147: {  	_ =	shalt  }

</sc_bundles>
